<compile_context>
chip_gen: v7x
topology: tpu7x:2x2x1
jax: 0.10.2.dev20260603
libtpu: 0.0.44.dev20260713+nightly
codegen_flags: <defaults>
</compile_context>

<pallas_src>
import functools

import jax
import jax.numpy as jnp
from jax import lax
from jax.experimental import pallas as pl
from jax.experimental.pallas import tpu as pltpu
from jax.experimental.pallas import tpu_sc as plsc

N = 10000
D = 128
H_CONV = 128
H = 256
OUT = 128
E = 320000
B = 4096

NC = 2
NS = 16
TILES = NC * NS
L = 16
CHUNK = 128
GCH = 80
NBUF = 4
CPT = 80
GCPT = 128
IB = 8
EPT = CPT * CHUNK
EPAD = TILES * EPT
NPAD = 10240
ROWS_PT = NPAD // NS


def _fill_f32(ref, nrows, ncols, val):
    def row(i, carry):
        for k in range(ncols // L):
            ref[i, pl.ds(k * L, L)] = jnp.full((L,), val, jnp.float32)
        return carry
    lax.fori_loop(0, nrows, row, 0)


def _zero_acc_slice(zsrc_v, acc_sh, r0):
    for t in range(ROWS_PT // CHUNK):
        pltpu.sync_copy(zsrc_v, acc_sh.at[pl.ds(r0 + t * CHUNK, CHUNK)])


def _writeback_acc_slice(acc_sh, bounce_v, out_hbm, c, r0):
    for t in range(ROWS_PT // CHUNK):
        rr = r0 + t * CHUNK
        pltpu.sync_copy(acc_sh.at[pl.ds(rr, CHUNK)], bounce_v)
        pltpu.sync_copy(bounce_v, out_hbm.at[c, pl.ds(rr, CHUNK)])


def _edge_body(h_hbm, src_hbm, dst_hbm, s_out,
               src_v, dst_v, b0, b1, b2, b3, acc_sh, s0, s1, s2, s3):
    c = lax.axis_index("c")
    s = lax.axis_index("s")
    wid = c * NS + s
    r0 = s * ROWS_PT
    bufs = (b0, b1, b2, b3)
    sems = (s0, s1, s2, s3)

    _fill_f32(bufs[0], GCH, D, 0.0)
    for t in range(ROWS_PT // GCH):
        pltpu.sync_copy(bufs[0], acc_sh.at[pl.ds(r0 + t * GCH, GCH)])
    plsc.subcore_barrier()

    def step_batch(b, carry):
        pltpu.sync_copy(src_hbm.at[wid, pl.ds(b * IB, IB)], src_v)
        pltpu.sync_copy(dst_hbm.at[wid, pl.ds(b * IB, IB)], dst_v)
        cps = [None] * IB
        for a in range(NBUF - 1):
            cps[a] = pltpu.async_copy(h_hbm.at[dst_v.at[a]], bufs[a], sems[a])
        for jj in range(IB):
            cps[jj].wait()
            nxt = jj + NBUF - 1
            if nxt < IB:
                cps[nxt] = pltpu.async_copy(
                    h_hbm.at[dst_v.at[nxt]], bufs[nxt % NBUF], sems[nxt % NBUF])
            pltpu.sync_copy(bufs[jj % NBUF], acc_sh.at[src_v.at[jj]], add=True)
        return carry
    lax.fori_loop(0, GCPT // IB, step_batch, 0)

    plsc.subcore_barrier()
    for t in range(ROWS_PT // GCH):
        rr = r0 + t * GCH
        pltpu.sync_copy(acc_sh.at[pl.ds(rr, GCH)], bufs[0])
        pltpu.sync_copy(bufs[0], s_out.at[c, pl.ds(rr, GCH)])


_edge_kernel = pl.kernel(
    _edge_body,
    mesh=plsc.VectorSubcoreMesh(core_axis_name="c", subcore_axis_name="s"),
    out_type=[jax.ShapeDtypeStruct((NC, NPAD, D), jnp.float32)],
    scratch_types=[
        pltpu.VMEM((IB, GCH), jnp.int32),
        pltpu.VMEM((IB, GCH), jnp.int32),
        pltpu.VMEM((GCH, D), jnp.float32),
        pltpu.VMEM((GCH, D), jnp.float32),
        pltpu.VMEM((GCH, D), jnp.float32),
        pltpu.VMEM((GCH, D), jnp.float32),
        pltpu.VMEM_SHARED((NPAD, D), jnp.float32),
        pltpu.SemaphoreType.DMA,
        pltpu.SemaphoreType.DMA,
        pltpu.SemaphoreType.DMA,
        pltpu.SemaphoreType.DMA,
    ],
)


def _deg_body(src_hbm, d_out, src_v, ones_v, acc_sh, sem):
    c = lax.axis_index("c")
    s = lax.axis_index("s")
    wid = c * NS + s
    r0 = s * ROWS_PT

    _fill_f32(ones_v, CHUNK, D, 0.0)
    _zero_acc_slice(ones_v, acc_sh, r0)
    plsc.subcore_barrier()
    _fill_f32(ones_v, CHUNK, D, 1.0)

    def step_batch(b, carry):
        pltpu.sync_copy(src_hbm.at[wid, pl.ds(b * IB, IB)], src_v)
        for jj in range(IB):
            pltpu.sync_copy(ones_v, acc_sh.at[src_v.at[jj]], add=True)
        return carry
    lax.fori_loop(0, CPT // IB, step_batch, 0)

    plsc.subcore_barrier()
    _writeback_acc_slice(acc_sh, ones_v, d_out, c, r0)


_deg_kernel = pl.kernel(
    _deg_body,
    mesh=plsc.VectorSubcoreMesh(core_axis_name="c", subcore_axis_name="s"),
    out_type=[jax.ShapeDtypeStruct((NC, NPAD, D), jnp.float32)],
    scratch_types=[
        pltpu.VMEM((IB, CHUNK), jnp.int32),
        pltpu.VMEM((CHUNK, D), jnp.float32),
        pltpu.VMEM_SHARED((NPAD, D), jnp.float32),
        pltpu.SemaphoreType.DMA,
    ],
)



def _gather_body(h_hbm, ids_hbm, out_hbm, idx_v, rows_v, sem):
    c = lax.axis_index("c")
    s = lax.axis_index("s")
    wid = c * NS + s
    pltpu.sync_copy(ids_hbm.at[wid], idx_v)
    pltpu.async_copy(h_hbm.at[idx_v], rows_v, sem).wait()
    pltpu.sync_copy(rows_v, out_hbm.at[pl.ds(wid * CHUNK, CHUNK)])


_gather_kernel = pl.kernel(
    _gather_body,
    mesh=plsc.VectorSubcoreMesh(core_axis_name="c", subcore_axis_name="s"),
    out_type=[jax.ShapeDtypeStruct((B, D), jnp.float32)],
    scratch_types=[
        pltpu.VMEM((CHUNK,), jnp.int32),
        pltpu.VMEM((CHUNK, D), jnp.float32),
        pltpu.SemaphoreType.DMA,
    ],
)


def _elu(x):
    return jnp.where(x > 0, x, jnp.exp(x) - 1.0)


_RB = 1024


def _block_body(s_ref, d_ref, h_ref, w1_ref, b1_ref, w2_ref, b2_ref, out_ref):
    h = h_ref[...]
    ssum = s_ref[0] + s_ref[1]
    deg = 1.0 + d_ref[0, :, :1] + d_ref[1, :, :1]
    agg = (ssum + h) / deg
    z = jnp.dot(agg, w1_ref[...], preferred_element_type=jnp.float32) + b1_ref[...]
    z = _elu(z)
    z = jnp.dot(z, w2_ref[...], preferred_element_type=jnp.float32) + b2_ref[...] + h
    nrm = jnp.sqrt(jnp.sum(z * z, axis=1, keepdims=True))
    out_ref[...] = z / (nrm + 1e-12)


def _block_call(S, DG, h, w1, b1, w2, b2):
    return pl.pallas_call(
        _block_body,
        grid=(NPAD // _RB,),
        in_specs=[
            pl.BlockSpec((NC, _RB, D), lambda i: (0, i, 0)),
            pl.BlockSpec((NC, _RB, D), lambda i: (0, i, 0)),
            pl.BlockSpec((_RB, D), lambda i: (i, 0)),
            pl.BlockSpec((D, H_CONV), lambda i: (0, 0)),
            pl.BlockSpec((1, H_CONV), lambda i: (0, 0)),
            pl.BlockSpec((H_CONV, D), lambda i: (0, 0)),
            pl.BlockSpec((1, D), lambda i: (0, 0)),
        ],
        out_specs=pl.BlockSpec((_RB, D), lambda i: (i, 0)),
        out_shape=jax.ShapeDtypeStruct((NPAD, D), jnp.float32),
    )(S, DG, h, w1, b1, w2, b2)


_HB = 1024


def _head_body(hid_ref, w1_ref, b1_ref, w2_ref, b2_ref, out_ref):
    z = jnp.dot(hid_ref[...], w1_ref[...], preferred_element_type=jnp.float32) + b1_ref[...]
    z = _elu(z)
    out_ref[...] = jnp.dot(z, w2_ref[...], preferred_element_type=jnp.float32) + b2_ref[...]


def _head_call(hid, w1, b1, w2, b2):
    return pl.pallas_call(
        _head_body,
        grid=(B // _HB,),
        in_specs=[
            pl.BlockSpec((_HB, D), lambda i: (i, 0)),
            pl.BlockSpec((D, H), lambda i: (0, 0)),
            pl.BlockSpec((1, H), lambda i: (0, 0)),
            pl.BlockSpec((H, OUT), lambda i: (0, 0)),
            pl.BlockSpec((1, OUT), lambda i: (0, 0)),
        ],
        out_specs=pl.BlockSpec((_HB, OUT), lambda i: (i, 0)),
        out_shape=jax.ShapeDtypeStruct((B, OUT), jnp.float32),
    )(hid, w1, b1, w2, b2)


def kernel(vertices, edge_index, vertex_ids, bw1, bb1, bw2, bb2, nw1, nb1, nw2, nb2):
    src = edge_index[0].astype(jnp.int32)
    dst = edge_index[1].astype(jnp.int32)
    pad = EPAD - E
    src_flat = jnp.concatenate([src, jnp.full((pad,), N, jnp.int32)])
    dst_flat = jnp.concatenate([dst, jnp.zeros((pad,), jnp.int32)])
    src_p = src_flat.reshape(TILES, CPT, CHUNK)
    src_g = src_flat.reshape(TILES, GCPT, GCH)
    dst_g = dst_flat.reshape(TILES, GCPT, GCH)
    ids = vertex_ids.astype(jnp.int32).reshape(TILES, CHUNK)

    h = jnp.pad(vertices, ((0, NPAD - N), (0, 0)))
    (DG,) = _deg_kernel(src_p)
    for i in range(3):
        (S,) = _edge_kernel(h, src_g, dst_g)
        h = _block_call(S, DG, h, bw1[i], bb1[i].reshape(1, H_CONV),
                        bw2[i], bb2[i].reshape(1, D))
    (hid,) = _gather_kernel(h, ids)
    return _head_call(hid, nw1, nb1.reshape(1, H), nw2, nb2.reshape(1, OUT))

# --- scband reference (transcript-rebuilt; emitter-appended) ---
"""Pipeline reference for scband-gcnwalker-agent-45071386804474 (READ-ONLY COPY).

The authoritative reference and input builder live on the scoring server;
editing this copy changes nothing except your own understanding.
"""

import jax, jax.numpy as jnp
import numpy as np

N = 10000
E = 320000
D = 128        # vertex_size
H_CONV = 128   # conv_hid_size
H = 256        # hidden_size
OUT = 128      # output_size
BLOCKS = 3
B = 4096       # batch of vertex_ids


def setup_inputs(seed: int = 0) -> dict:
    key = jax.random.key(seed)
    ks = jax.random.split(key, 12)
    vertices = jax.random.normal(ks[0], (N, D), dtype=jnp.float32)
    edge_index = jax.random.randint(ks[1], (2, E), 0, N)
    vertex_ids = jax.random.randint(ks[2], (B,), 0, N)
    s = 0.05
    # GraphConvolutionBlock params (stacked over blocks)
    bw1 = jax.random.normal(ks[3], (BLOCKS, D, H_CONV), dtype=jnp.float32) * s
    bb1 = jnp.zeros((BLOCKS, H_CONV), dtype=jnp.float32)
    bw2 = jax.random.normal(ks[4], (BLOCKS, H_CONV, D), dtype=jnp.float32) * s
    bb2 = jnp.zeros((BLOCKS, D), dtype=jnp.float32)
    # SimpleWalkerAgent.network params
    nw1 = jax.random.normal(ks[5], (D, H), dtype=jnp.float32) * s
    nb1 = jnp.zeros((H,), dtype=jnp.float32)
    nw2 = jax.random.normal(ks[6], (H, OUT), dtype=jnp.float32) * s
    nb2 = jnp.zeros((OUT,), dtype=jnp.float32)
    return {"vertices": vertices, "edge_index": edge_index, "vertex_ids": vertex_ids,
            "bw1": bw1, "bb1": bb1, "bw2": bw2, "bb2": bb2,
            "nw1": nw1, "nb1": nb1, "nw2": nw2, "nb2": nb2}


def reference(vertices, edge_index, vertex_ids, bw1, bb1, bw2, bb2, nw1, nb1, nw2, nb2):
    # prepare_state: build row-normalized adjacency with self-loops.
    # adj[from, to] = 1/(deg(from)+1) for each neighbor 'to' and the self-loop.
    src = edge_index[0]
    dst = edge_index[1]
    loop = jnp.arange(N, dtype=src.dtype)
    src_sl = jnp.concatenate([src, loop])
    dst_sl = jnp.concatenate([dst, loop])
    deg = jax.ops.segment_sum(jnp.ones_like(src_sl, dtype=jnp.float32), src_sl, num_segments=N)
    vals = 1.0 / jnp.maximum(deg[src_sl], 1.0)
    h = vertices
    for i in range(BLOCKS):
        # sparse adj @ h  (mean over neighbors + self)
        agg = jax.ops.segment_sum(h[dst_sl] * vals[:, None], src_sl, num_segments=N)
        z = jax.nn.elu(agg @ bw1[i] + bb1[i])
        z = z @ bw2[i] + bb2[i]
        z = z + h  # residual_conv=True (out_size == vertex_size)
        # normalize_out=True: L2-normalize output features
        z = z / (jnp.linalg.norm(z, axis=-1, keepdims=True) + 1e-12)
        h = z
    # get_vertex_vectors: gather hidden states, apply MLP head
    hid = jnp.take(h, vertex_ids, axis=0)
    out = jax.nn.elu(hid @ nw1 + nb1) @ nw2 + nb2
    return out

if __name__ == "__main__":
    import jax
    _d = setup_inputs()
    print(jax.jit(kernel)(*tuple(_d.values())))

</pallas_src>

<mosaic_0001>
#map = affine_map<(d0, d1) -> (0, 0)>
#map1 = affine_map<(d0, d1) -> (0, 0, 0)>
module attributes {stable_mosaic.version = 14 : i64} {
  func.func @_edge_body(%arg0: i32, %arg1: i32, %arg2: memref<10240x128xf32, #tpu.memory_space<hbm>>, %arg3: memref<32x128x80xi32, #tpu.memory_space<hbm>>, %arg4: memref<32x128x80xi32, #tpu.memory_space<hbm>>, %arg5: memref<2x10240x128xf32, #tpu.memory_space<hbm>>, %arg6: memref<8x80xi32, #tpu.memory_space<vmem>>, %arg7: memref<8x80xi32, #tpu.memory_space<vmem>>, %arg8: memref<80x128xf32, #tpu.memory_space<vmem>>, %arg9: memref<80x128xf32, #tpu.memory_space<vmem>>, %arg10: memref<80x128xf32, #tpu.memory_space<vmem>>, %arg11: memref<80x128xf32, #tpu.memory_space<vmem>>, %arg12: memref<10240x128xf32, #tpu.memory_space<vmem_shared>>, %arg13: memref<!tpu.dma_semaphore, #tpu.memory_space<semaphore_mem>>, %arg14: memref<!tpu.dma_semaphore, #tpu.memory_space<semaphore_mem>>, %arg15: memref<!tpu.dma_semaphore, #tpu.memory_space<semaphore_mem>>, %arg16: memref<!tpu.dma_semaphore, #tpu.memory_space<semaphore_mem>>) attributes {dimension_semantics = [#tpu.dimension_semantics<core_parallel>, #tpu.dimension_semantics<subcore_parallel>], iteration_bounds = array<i64: 2, 16>, scalar_prefetch = 0 : i64, scratch_operands = 11 : i64, tpu.core_type = #tpu.core_type<sc_vector_subcore>, window_params = [{transform_indices = #map}, {transform_indices = #map1}, {transform_indices = #map1}, {transform_indices = #map1}]} {
    %mul3A = arith.constant 16 : i32
    %mul3A_0 = arith.muli %arg0, %mul3A : i32
    %add3A = arith.addi %mul3A_0, %arg1 : i32
    %mul3A_1 = arith.constant 640 : i32
    %mul3A_2 = arith.muli %arg1, %mul3A_1 : i32
    %scan3A = arith.constant 0 : i32
    %scan3A_3 = arith.constant 0 : i32
    %scan3A_4 = arith.constant 80 : i32
    %scan3A_5 = arith.addi %scan3A_3, %scan3A_4 : i32
    %scan3A_6 = arith.constant 1 : i32
    scf.for %scan3A_47 = %scan3A_3 to %scan3A_5 step %scan3A_6  : i32 {
      %broadcast_in_dim3A = arith.constant 0.000000e+00 : f32
      %broadcast_in_dim3A_48 = vector.broadcast %broadcast_in_dim3A : f32 to vector<16xf32>
      %swap3A = arith.index_cast %scan3A_47 : i32 to index
      %swap3A_49 = arith.constant 0 : index
      %swap3A_50 = tpu.vector_load %arg8[%swap3A, %swap3A_49] {strides = array<i32>} : memref<80x128xf32, #tpu.memory_space<vmem>>, vector<1x16xf32>,
      %swap3A_51 = vector.shape_cast %swap3A_50 : vector<1x16xf32> to vector<16xf32>
      %swap3A_52 = vector.shape_cast %broadcast_in_dim3A_48 : vector<16xf32> to vector<1x16xf32>
      tpu.vector_store %arg8[%swap3A, %swap3A_49], %swap3A_52 {strides = array<i32>} : memref<80x128xf32, #tpu.memory_space<vmem>>, vector<1x16xf32>,
      %broadcast_in_dim3A_53 = arith.constant 0.000000e+00 : f32
      %broadcast_in_dim3A_54 = vector.broadcast %broadcast_in_dim3A_53 : f32 to vector<16xf32>
      %swap3A_55 = arith.index_cast %scan3A_47 : i32 to index
      %swap3A_56 = arith.constant 16 : index
      %swap3A_57 = tpu.vector_load %arg8[%swap3A_55, %swap3A_56] {strides = array<i32>} : memref<80x128xf32, #tpu.memory_space<vmem>>, vector<1x16xf32>,
      %swap3A_58 = vector.shape_cast %swap3A_57 : vector<1x16xf32> to vector<16xf32>
      %swap3A_59 = vector.shape_cast %broadcast_in_dim3A_54 : vector<16xf32> to vector<1x16xf32>
      tpu.vector_store %arg8[%swap3A_55, %swap3A_56], %swap3A_59 {strides = array<i32>} : memref<80x128xf32, #tpu.memory_space<vmem>>, vector<1x16xf32>,
      %broadcast_in_dim3A_60 = arith.constant 0.000000e+00 : f32
      %broadcast_in_dim3A_61 = vector.broadcast %broadcast_in_dim3A_60 : f32 to vector<16xf32>
      %swap3A_62 = arith.index_cast %scan3A_47 : i32 to index
      %swap3A_63 = arith.constant 32 : index
      %swap3A_64 = tpu.vector_load %arg8[%swap3A_62, %swap3A_63] {strides = array<i32>} : memref<80x128xf32, #tpu.memory_space<vmem>>, vector<1x16xf32>,
      %swap3A_65 = vector.shape_cast %swap3A_64 : vector<1x16xf32> to vector<16xf32>
      %swap3A_66 = vector.shape_cast %broadcast_in_dim3A_61 : vector<16xf32> to vector<1x16xf32>
      tpu.vector_store %arg8[%swap3A_62, %swap3A_63], %swap3A_66 {strides = array<i32>} : memref<80x128xf32, #tpu.memory_space<vmem>>, vector<1x16xf32>,
      %broadcast_in_dim3A_67 = arith.constant 0.000000e+00 : f32
      %broadcast_in_dim3A_68 = vector.broadcast %broadcast_in_dim3A_67 : f32 to vector<16xf32>
      %swap3A_69 = arith.index_cast %scan3A_47 : i32 to index
      %swap3A_70 = arith.constant 48 : index
      %swap3A_71 = tpu.vector_load %arg8[%swap3A_69, %swap3A_70] {strides = array<i32>} : memref<80x128xf32, #tpu.memory_space<vmem>>, vector<1x16xf32>,
      %swap3A_72 = vector.shape_cast %swap3A_71 : vector<1x16xf32> to vector<16xf32>
      %swap3A_73 = vector.shape_cast %broadcast_in_dim3A_68 : vector<16xf32> to vector<1x16xf32>
      tpu.vector_store %arg8[%swap3A_69, %swap3A_70], %swap3A_73 {strides = array<i32>} : memref<80x128xf32, #tpu.memory_space<vmem>>, vector<1x16xf32>,
      %broadcast_in_dim3A_74 = arith.constant 0.000000e+00 : f32
      %broadcast_in_dim3A_75 = vector.broadcast %broadcast_in_dim3A_74 : f32 to vector<16xf32>
      %swap3A_76 = arith.index_cast %scan3A_47 : i32 to index
      %swap3A_77 = arith.constant 64 : index
      %swap3A_78 = tpu.vector_load %arg8[%swap3A_76, %swap3A_77] {strides = array<i32>} : memref<80x128xf32, #tpu.memory_space<vmem>>, vector<1x16xf32>,
      %swap3A_79 = vector.shape_cast %swap3A_78 : vector<1x16xf32> to vector<16xf32>
      %swap3A_80 = vector.shape_cast %broadcast_in_dim3A_75 : vector<16xf32> to vector<1x16xf32>
      tpu.vector_store %arg8[%swap3A_76, %swap3A_77], %swap3A_80 {strides = array<i32>} : memref<80x128xf32, #tpu.memory_space<vmem>>, vector<1x16xf32>,
      %broadcast_in_dim3A_81 = arith.constant 0.000000e+00 : f32
      %broadcast_in_dim3A_82 = vector.broadcast %broadcast_in_dim3A_81 : f32 to vector<16xf32>
      %swap3A_83 = arith.index_cast %scan3A_47 : i32 to index
      %swap3A_84 = arith.constant 80 : index
      %swap3A_85 = tpu.vector_load %arg8[%swap3A_83, %swap3A_84] {strides = array<i32>} : memref<80x128xf32, #tpu.memory_space<vmem>>, vector<1x16xf32>,
      %swap3A_86 = vector.shape_cast %swap3A_85 : vector<1x16xf32> to vector<16xf32>
      %swap3A_87 = vector.shape_cast %broadcast_in_dim3A_82 : vector<16xf32> to vector<1x16xf32>
      tpu.vector_store %arg8[%swap3A_83, %swap3A_84], %swap3A_87 {strides = array<i32>} : memref<80x128xf32, #tpu.memory_space<vmem>>, vector<1x16xf32>,
      %broadcast_in_dim3A_88 = arith.constant 0.000000e+00 : f32
      %broadcast_in_dim3A_89 = vector.broadcast %broadcast_in_dim3A_88 : f32 to vector<16xf32>
      %swap3A_90 = arith.index_cast %scan3A_47 : i32 to index
      %swap3A_91 = arith.constant 96 : index
      %swap3A_92 = tpu.vector_load %arg8[%swap3A_90, %swap3A_91] {strides = array<i32>} : memref<80x128xf32, #tpu.memory_space<vmem>>, vector<1x16xf32>,
      %swap3A_93 = vector.shape_cast %swap3A_92 : vector<1x16xf32> to vector<16xf32>
      %swap3A_94 = vector.shape_cast %broadcast_in_dim3A_89 : vector<16xf32> to vector<1x16xf32>
      tpu.vector_store %arg8[%swap3A_90, %swap3A_91], %swap3A_94 {strides = array<i32>} : memref<80x128xf32, #tpu.memory_space<vmem>>, vector<1x16xf32>,
      %broadcast_in_dim3A_95 = arith.constant 0.000000e+00 : f32
      %broadcast_in_dim3A_96 = vector.broadcast %broadcast_in_dim3A_95 : f32 to vector<16xf32>
      %swap3A_97 = arith.index_cast %scan3A_47 : i32 to index
      %swap3A_98 = arith.constant 112 : index
      %swap3A_99 = tpu.vector_load %arg8[%swap3A_97, %swap3A_98] {strides = array<i32>} : memref<80x128xf32, #tpu.memory_space<vmem>>, vector<1x16xf32>,
      %swap3A_100 = vector.shape_cast %swap3A_99 : vector<1x16xf32> to vector<16xf32>
      %swap3A_101 = vector.shape_cast %broadcast_in_dim3A_96 : vector<16xf32> to vector<1x16xf32>
      tpu.vector_store %arg8[%swap3A_97, %swap3A_98], %swap3A_101 {strides = array<i32>} : memref<80x128xf32, #tpu.memory_space<vmem>>, vector<1x16xf32>,
    }
    %scan3A_7 = arith.constant 80 : i32
    %add3A_8 = arith.constant 0 : i32
    %add3A_9 = arith.addi %mul3A_2, %add3A_8 : i32
    "tpu.region"() ({
      %run_scoped3A = tpu.sem_alloc : memref<!tpu.dma_semaphore, #tpu.memory_space<semaphore_mem>>
      %dma_start3A = arith.constant 0 : i32
      %dma_start3A_47 = tpu.memref_slice %arg12[%add3A_9, %dma_start3A] : memref<10240x128xf32, #tpu.memory_space<vmem_shared>> -> memref<80x128xf32, #tpu.memory_space<vmem_shared>>
      %dma_start3A_48 = arith.constant 0 : i32
      %dma_start3A_49 = tpu.memref_slice %arg12[%add3A_9, %dma_start3A_48] : memref<10240x128xf32, #tpu.memory_space<vmem_shared>> -> memref<80x128xf32, #tpu.memory_space<vmem_shared>>
      tpu.enqueue_dma source(%arg8 : memref<80x128xf32, #tpu.memory_space<vmem>>) target(%dma_start3A_49 : memref<80x128xf32, #tpu.memory_space<vmem_shared>>) target_semaphore(%run_scoped3A : memref<!tpu.dma_semaphore, #tpu.memory_space<semaphore_mem>>)
      %dma_wait3A = arith.constant 0 : i32
      %dma_wait3A_50 = tpu.memref_slice %arg12[%add3A_9, %dma_wait3A] : memref<10240x128xf32, #tpu.memory_space<vmem_shared>> -> memref<80x128xf32, #tpu.memory_space<vmem_shared>>
      %dma_wait3A_51 = arith.constant 0 : i32
      %dma_wait3A_52 = tpu.memref_slice %arg12[%add3A_9, %dma_wait3A_51] : memref<10240x128xf32, #tpu.memory_space<vmem_shared>> -> memref<80x128xf32, #tpu.memory_space<vmem_shared>>
      tpu.wait_dma2 semaphore(%run_scoped3A : memref<!tpu.dma_semaphore, #tpu.memory_space<semaphore_mem>>) src(%arg8 : memref<80x128xf32, #tpu.memory_space<vmem>>) dst(%dma_wait3A_52 : memref<80x128xf32, #tpu.memory_space<vmem_shared>>)
      tpu.yield
    }) : () -> ()
    %add3A_10 = arith.constant 80 : i32
    %add3A_11 = arith.addi %mul3A_2, %add3A_10 : i32
    "tpu.region"() ({
      %run_scoped3A = tpu.sem_alloc : memref<!tpu.dma_semaphore, #tpu.memory_space<semaphore_mem>>
      %dma_start3A = arith.constant 0 : i32
      %dma_start3A_47 = tpu.memref_slice %arg12[%add3A_11, %dma_start3A] : memref<10240x128xf32, #tpu.memory_space<vmem_shared>> -> memref<80x128xf32, #tpu.memory_space<vmem_shared>>
      %dma_start3A_48 = arith.constant 0 : i32
      %dma_start3A_49 = tpu.memref_slice %arg12[%add3A_11, %dma_start3A_48] : memref<10240x128xf32, #tpu.memory_space<vmem_shared>> -> memref<80x128xf32, #tpu.memory_space<vmem_shared>>
      tpu.enqueue_dma source(%arg8 : memref<80x128xf32, #tpu.memory_space<vmem>>) target(%dma_start3A_49 : memref<80x128xf32, #tpu.memory_space<vmem_shared>>) target_semaphore(%run_scoped3A : memref<!tpu.dma_semaphore, #tpu.memory_space<semaphore_mem>>)
      %dma_wait3A = arith.constant 0 : i32
      %dma_wait3A_50 = tpu.memref_slice %arg12[%add3A_11, %dma_wait3A] : memref<10240x128xf32, #tpu.memory_space<vmem_shared>> -> memref<80x128xf32, #tpu.memory_space<vmem_shared>>
      %dma_wait3A_51 = arith.constant 0 : i32
      %dma_wait3A_52 = tpu.memref_slice %arg12[%add3A_11, %dma_wait3A_51] : memref<10240x128xf32, #tpu.memory_space<vmem_shared>> -> memref<80x128xf32, #tpu.memory_space<vmem_shared>>
      tpu.wait_dma2 semaphore(%run_scoped3A : memref<!tpu.dma_semaphore, #tpu.memory_space<semaphore_mem>>) src(%arg8 : memref<80x128xf32, #tpu.memory_space<vmem>>) dst(%dma_wait3A_52 : memref<80x128xf32, #tpu.memory_space<vmem_shared>>)
      tpu.yield
    }) : () -> ()
    %add3A_12 = arith.constant 160 : i32
    %add3A_13 = arith.addi %mul3A_2, %add3A_12 : i32
    "tpu.region"() ({
      %run_scoped3A = tpu.sem_alloc : memref<!tpu.dma_semaphore, #tpu.memory_space<semaphore_mem>>
      %dma_start3A = arith.constant 0 : i32
      %dma_start3A_47 = tpu.memref_slice %arg12[%add3A_13, %dma_start3A] : memref<10240x128xf32, #tpu.memory_space<vmem_shared>> -> memref<80x128xf32, #tpu.memory_space<vmem_shared>>
      %dma_start3A_48 = arith.constant 0 : i32
      %dma_start3A_49 = tpu.memref_slice %arg12[%add3A_13, %dma_start3A_48] : memref<10240x128xf32, #tpu.memory_space<vmem_shared>> -> memref<80x128xf32, #tpu.memory_space<vmem_shared>>
      tpu.enqueue_dma source(%arg8 : memref<80x128xf32, #tpu.memory_space<vmem>>) target(%dma_start3A_49 : memref<80x128xf32, #tpu.memory_space<vmem_shared>>) target_semaphore(%run_scoped3A : memref<!tpu.dma_semaphore, #tpu.memory_space<semaphore_mem>>)
      %dma_wait3A = arith.constant 0 : i32
      %dma_wait3A_50 = tpu.memref_slice %arg12[%add3A_13, %dma_wait3A] : memref<10240x128xf32, #tpu.memory_space<vmem_shared>> -> memref<80x128xf32, #tpu.memory_space<vmem_shared>>
      %dma_wait3A_51 = arith.constant 0 : i32
      %dma_wait3A_52 = tpu.memref_slice %arg12[%add3A_13, %dma_wait3A_51] : memref<10240x128xf32, #tpu.memory_space<vmem_shared>> -> memref<80x128xf32, #tpu.memory_space<vmem_shared>>
      tpu.wait_dma2 semaphore(%run_scoped3A : memref<!tpu.dma_semaphore, #tpu.memory_space<semaphore_mem>>) src(%arg8 : memref<80x128xf32, #tpu.memory_space<vmem>>) dst(%dma_wait3A_52 : memref<80x128xf32, #tpu.memory_space<vmem_shared>>)
      tpu.yield
    }) : () -> ()
    %add3A_14 = arith.constant 240 : i32
    %add3A_15 = arith.addi %mul3A_2, %add3A_14 : i32
    "tpu.region"() ({
      %run_scoped3A = tpu.sem_alloc : memref<!tpu.dma_semaphore, #tpu.memory_space<semaphore_mem>>
      %dma_start3A = arith.constant 0 : i32
      %dma_start3A_47 = tpu.memref_slice %arg12[%add3A_15, %dma_start3A] : memref<10240x128xf32, #tpu.memory_space<vmem_shared>> -> memref<80x128xf32, #tpu.memory_space<vmem_shared>>
      %dma_start3A_48 = arith.constant 0 : i32
      %dma_start3A_49 = tpu.memref_slice %arg12[%add3A_15, %dma_start3A_48] : memref<10240x128xf32, #tpu.memory_space<vmem_shared>> -> memref<80x128xf32, #tpu.memory_space<vmem_shared>>
      tpu.enqueue_dma source(%arg8 : memref<80x128xf32, #tpu.memory_space<vmem>>) target(%dma_start3A_49 : memref<80x128xf32, #tpu.memory_space<vmem_shared>>) target_semaphore(%run_scoped3A : memref<!tpu.dma_semaphore, #tpu.memory_space<semaphore_mem>>)
      %dma_wait3A = arith.constant 0 : i32
      %dma_wait3A_50 = tpu.memref_slice %arg12[%add3A_15, %dma_wait3A] : memref<10240x128xf32, #tpu.memory_space<vmem_shared>> -> memref<80x128xf32, #tpu.memory_space<vmem_shared>>
      %dma_wait3A_51 = arith.constant 0 : i32
      %dma_wait3A_52 = tpu.memref_slice %arg12[%add3A_15, %dma_wait3A_51] : memref<10240x128xf32, #tpu.memory_space<vmem_shared>> -> memref<80x128xf32, #tpu.memory_space<vmem_shared>>
      tpu.wait_dma2 semaphore(%run_scoped3A : memref<!tpu.dma_semaphore, #tpu.memory_space<semaphore_mem>>) src(%arg8 : memref<80x128xf32, #tpu.memory_space<vmem>>) dst(%dma_wait3A_52 : memref<80x128xf32, #tpu.memory_space<vmem_shared>>)
      tpu.yield
    }) : () -> ()
    %add3A_16 = arith.constant 320 : i32
    %add3A_17 = arith.addi %mul3A_2, %add3A_16 : i32
    "tpu.region"() ({
      %run_scoped3A = tpu.sem_alloc : memref<!tpu.dma_semaphore, #tpu.memory_space<semaphore_mem>>
      %dma_start3A = arith.constant 0 : i32
      %dma_start3A_47 = tpu.memref_slice %arg12[%add3A_17, %dma_start3A] : memref<10240x128xf32, #tpu.memory_space<vmem_shared>> -> memref<80x128xf32, #tpu.memory_space<vmem_shared>>
      %dma_start3A_48 = arith.constant 0 : i32
      %dma_start3A_49 = tpu.memref_slice %arg12[%add3A_17, %dma_start3A_48] : memref<10240x128xf32, #tpu.memory_space<vmem_shared>> -> memref<80x128xf32, #tpu.memory_space<vmem_shared>>
      tpu.enqueue_dma source(%arg8 : memref<80x128xf32, #tpu.memory_space<vmem>>) target(%dma_start3A_49 : memref<80x128xf32, #tpu.memory_space<vmem_shared>>) target_semaphore(%run_scoped3A : memref<!tpu.dma_semaphore, #tpu.memory_space<semaphore_mem>>)
      %dma_wait3A = arith.constant 0 : i32
      %dma_wait3A_50 = tpu.memref_slice %arg12[%add3A_17, %dma_wait3A] : memref<10240x128xf32, #tpu.memory_space<vmem_shared>> -> memref<80x128xf32, #tpu.memory_space<vmem_shared>>
      %dma_wait3A_51 = arith.constant 0 : i32
      %dma_wait3A_52 = tpu.memref_slice %arg12[%add3A_17, %dma_wait3A_51] : memref<10240x128xf32, #tpu.memory_space<vmem_shared>> -> memref<80x128xf32, #tpu.memory_space<vmem_shared>>
      tpu.wait_dma2 semaphore(%run_scoped3A : memref<!tpu.dma_semaphore, #tpu.memory_space<semaphore_mem>>) src(%arg8 : memref<80x128xf32, #tpu.memory_space<vmem>>) dst(%dma_wait3A_52 : memref<80x128xf32, #tpu.memory_space<vmem_shared>>)
      tpu.yield
    }) : () -> ()
    %add3A_18 = arith.constant 400 : i32
    %add3A_19 = arith.addi %mul3A_2, %add3A_18 : i32
    "tpu.region"() ({
      %run_scoped3A = tpu.sem_alloc : memref<!tpu.dma_semaphore, #tpu.memory_space<semaphore_mem>>
      %dma_start3A = arith.constant 0 : i32
      %dma_start3A_47 = tpu.memref_slice %arg12[%add3A_19, %dma_start3A] : memref<10240x128xf32, #tpu.memory_space<vmem_shared>> -> memref<80x128xf32, #tpu.memory_space<vmem_shared>>
      %dma_start3A_48 = arith.constant 0 : i32
      %dma_start3A_49 = tpu.memref_slice %arg12[%add3A_19, %dma_start3A_48] : memref<10240x128xf32, #tpu.memory_space<vmem_shared>> -> memref<80x128xf32, #tpu.memory_space<vmem_shared>>
      tpu.enqueue_dma source(%arg8 : memref<80x128xf32, #tpu.memory_space<vmem>>) target(%dma_start3A_49 : memref<80x128xf32, #tpu.memory_space<vmem_shared>>) target_semaphore(%run_scoped3A : memref<!tpu.dma_semaphore, #tpu.memory_space<semaphore_mem>>)
      %dma_wait3A = arith.constant 0 : i32
      %dma_wait3A_50 = tpu.memref_slice %arg12[%add3A_19, %dma_wait3A] : memref<10240x128xf32, #tpu.memory_space<vmem_shared>> -> memref<80x128xf32, #tpu.memory_space<vmem_shared>>
      %dma_wait3A_51 = arith.constant 0 : i32
      %dma_wait3A_52 = tpu.memref_slice %arg12[%add3A_19, %dma_wait3A_51] : memref<10240x128xf32, #tpu.memory_space<vmem_shared>> -> memref<80x128xf32, #tpu.memory_space<vmem_shared>>
      tpu.wait_dma2 semaphore(%run_scoped3A : memref<!tpu.dma_semaphore, #tpu.memory_space<semaphore_mem>>) src(%arg8 : memref<80x128xf32, #tpu.memory_space<vmem>>) dst(%dma_wait3A_52 : memref<80x128xf32, #tpu.memory_space<vmem_shared>>)
      tpu.yield
    }) : () -> ()
    %add3A_20 = arith.constant 480 : i32
    %add3A_21 = arith.addi %mul3A_2, %add3A_20 : i32
    "tpu.region"() ({
      %run_scoped3A = tpu.sem_alloc : memref<!tpu.dma_semaphore, #tpu.memory_space<semaphore_mem>>
      %dma_start3A = arith.constant 0 : i32
      %dma_start3A_47 = tpu.memref_slice %arg12[%add3A_21, %dma_start3A] : memref<10240x128xf32, #tpu.memory_space<vmem_shared>> -> memref<80x128xf32, #tpu.memory_space<vmem_shared>>
      %dma_start3A_48 = arith.constant 0 : i32
      %dma_start3A_49 = tpu.memref_slice %arg12[%add3A_21, %dma_start3A_48] : memref<10240x128xf32, #tpu.memory_space<vmem_shared>> -> memref<80x128xf32, #tpu.memory_space<vmem_shared>>
      tpu.enqueue_dma source(%arg8 : memref<80x128xf32, #tpu.memory_space<vmem>>) target(%dma_start3A_49 : memref<80x128xf32, #tpu.memory_space<vmem_shared>>) target_semaphore(%run_scoped3A : memref<!tpu.dma_semaphore, #tpu.memory_space<semaphore_mem>>)
      %dma_wait3A = arith.constant 0 : i32
      %dma_wait3A_50 = tpu.memref_slice %arg12[%add3A_21, %dma_wait3A] : memref<10240x128xf32, #tpu.memory_space<vmem_shared>> -> memref<80x128xf32, #tpu.memory_space<vmem_shared>>
      %dma_wait3A_51 = arith.constant 0 : i32
      %dma_wait3A_52 = tpu.memref_slice %arg12[%add3A_21, %dma_wait3A_51] : memref<10240x128xf32, #tpu.memory_space<vmem_shared>> -> memref<80x128xf32, #tpu.memory_space<vmem_shared>>
      tpu.wait_dma2 semaphore(%run_scoped3A : memref<!tpu.dma_semaphore, #tpu.memory_space<semaphore_mem>>) src(%arg8 : memref<80x128xf32, #tpu.memory_space<vmem>>) dst(%dma_wait3A_52 : memref<80x128xf32, #tpu.memory_space<vmem_shared>>)
      tpu.yield
    }) : () -> ()
    %add3A_22 = arith.constant 560 : i32
    %add3A_23 = arith.addi %mul3A_2, %add3A_22 : i32
    "tpu.region"() ({
      %run_scoped3A = tpu.sem_alloc : memref<!tpu.dma_semaphore, #tpu.memory_space<semaphore_mem>>
      %dma_start3A = arith.constant 0 : i32
      %dma_start3A_47 = tpu.memref_slice %arg12[%add3A_23, %dma_start3A] : memref<10240x128xf32, #tpu.memory_space<vmem_shared>> -> memref<80x128xf32, #tpu.memory_space<vmem_shared>>
      %dma_start3A_48 = arith.constant 0 : i32
      %dma_start3A_49 = tpu.memref_slice %arg12[%add3A_23, %dma_start3A_48] : memref<10240x128xf32, #tpu.memory_space<vmem_shared>> -> memref<80x128xf32, #tpu.memory_space<vmem_shared>>
      tpu.enqueue_dma source(%arg8 : memref<80x128xf32, #tpu.memory_space<vmem>>) target(%dma_start3A_49 : memref<80x128xf32, #tpu.memory_space<vmem_shared>>) target_semaphore(%run_scoped3A : memref<!tpu.dma_semaphore, #tpu.memory_space<semaphore_mem>>)
      %dma_wait3A = arith.constant 0 : i32
      %dma_wait3A_50 = tpu.memref_slice %arg12[%add3A_23, %dma_wait3A] : memref<10240x128xf32, #tpu.memory_space<vmem_shared>> -> memref<80x128xf32, #tpu.memory_space<vmem_shared>>
      %dma_wait3A_51 = arith.constant 0 : i32
      %dma_wait3A_52 = tpu.memref_slice %arg12[%add3A_23, %dma_wait3A_51] : memref<10240x128xf32, #tpu.memory_space<vmem_shared>> -> memref<80x128xf32, #tpu.memory_space<vmem_shared>>
      tpu.wait_dma2 semaphore(%run_scoped3A : memref<!tpu.dma_semaphore, #tpu.memory_space<semaphore_mem>>) src(%arg8 : memref<80x128xf32, #tpu.memory_space<vmem>>) dst(%dma_wait3A_52 : memref<80x128xf32, #tpu.memory_space<vmem_shared>>)
      tpu.yield
    }) : () -> ()
    %barrier3A = arith.constant 0 : index
    tpu.barrier barrier_id(%barrier3A)
    %scan3A_24 = arith.constant 0 : i32
    %scan3A_25 = arith.constant 0 : i32
    %scan3A_26 = arith.constant 16 : i32
    %scan3A_27 = arith.addi %scan3A_25, %scan3A_26 : i32
    %scan3A_28 = arith.constant 1 : i32
    scf.for %scan3A_47 = %scan3A_25 to %scan3A_27 step %scan3A_28  : i32 {
      %mul3A_48 = arith.constant 8 : i32
      %mul3A_49 = arith.muli %scan3A_47, %mul3A_48 : i32
      "tpu.region"() ({
        %run_scoped3A_169 = tpu.sem_alloc : memref<!tpu.dma_semaphore, #tpu.memory_space<semaphore_mem>>
        %dma_start3A_170 = arith.constant 0 : i32
        %dma_start3A_171 = tpu.memref_slice %arg3[%add3A, %mul3A_49, %dma_start3A_170] : memref<32x128x80xi32, #tpu.memory_space<hbm>> -> memref<1x8x80xi32, #tpu.memory_space<hbm>>
        %dma_start3A_172 = tpu.memref_squeeze %dma_start3A_171 : memref<1x8x80xi32, #tpu.memory_space<hbm>> -> memref<8x80xi32, #tpu.memory_space<hbm>>
        %dma_start3A_173 = arith.constant 0 : i32
        %dma_start3A_174 = tpu.memref_slice %arg3[%add3A, %mul3A_49, %dma_start3A_173] : memref<32x128x80xi32, #tpu.memory_space<hbm>> -> memref<1x8x80xi32, #tpu.memory_space<hbm>>
        %dma_start3A_175 = tpu.memref_squeeze %dma_start3A_174 : memref<1x8x80xi32, #tpu.memory_space<hbm>> -> memref<8x80xi32, #tpu.memory_space<hbm>>
        tpu.enqueue_dma source(%dma_start3A_175 : memref<8x80xi32, #tpu.memory_space<hbm>>) target(%arg6 : memref<8x80xi32, #tpu.memory_space<vmem>>) target_semaphore(%run_scoped3A_169 : memref<!tpu.dma_semaphore, #tpu.memory_space<semaphore_mem>>)
        %dma_wait3A_176 = arith.constant 0 : i32
        %dma_wait3A_177 = tpu.memref_slice %arg3[%add3A, %mul3A_49, %dma_wait3A_176] : memref<32x128x80xi32, #tpu.memory_space<hbm>> -> memref<1x8x80xi32, #tpu.memory_space<hbm>>
        %dma_wait3A_178 = tpu.memref_squeeze %dma_wait3A_177 : memref<1x8x80xi32, #tpu.memory_space<hbm>> -> memref<8x80xi32, #tpu.memory_space<hbm>>
        %dma_wait3A_179 = arith.constant 0 : i32
        %dma_wait3A_180 = tpu.memref_slice %arg3[%add3A, %mul3A_49, %dma_wait3A_179] : memref<32x128x80xi32, #tpu.memory_space<hbm>> -> memref<1x8x80xi32, #tpu.memory_space<hbm>>
        %dma_wait3A_181 = tpu.memref_squeeze %dma_wait3A_180 : memref<1x8x80xi32, #tpu.memory_space<hbm>> -> memref<8x80xi32, #tpu.memory_space<hbm>>
        tpu.wait_dma2 semaphore(%run_scoped3A_169 : memref<!tpu.dma_semaphore, #tpu.memory_space<semaphore_mem>>) src(%dma_wait3A_181 : memref<8x80xi32, #tpu.memory_space<hbm>>) dst(%arg6 : memref<8x80xi32, #tpu.memory_space<vmem>>)
        tpu.yield
      }) : () -> ()
      %mul3A_50 = arith.constant 8 : i32
      %mul3A_51 = arith.muli %scan3A_47, %mul3A_50 : i32
      "tpu.region"() ({
        %run_scoped3A_169 = tpu.sem_alloc : memref<!tpu.dma_semaphore, #tpu.memory_space<semaphore_mem>>
        %dma_start3A_170 = arith.constant 0 : i32
        %dma_start3A_171 = tpu.memref_slice %arg4[%add3A, %mul3A_51, %dma_start3A_170] : memref<32x128x80xi32, #tpu.memory_space<hbm>> -> memref<1x8x80xi32, #tpu.memory_space<hbm>>
        %dma_start3A_172 = tpu.memref_squeeze %dma_start3A_171 : memref<1x8x80xi32, #tpu.memory_space<hbm>> -> memref<8x80xi32, #tpu.memory_space<hbm>>
        %dma_start3A_173 = arith.constant 0 : i32
        %dma_start3A_174 = tpu.memref_slice %arg4[%add3A, %mul3A_51, %dma_start3A_173] : memref<32x128x80xi32, #tpu.memory_space<hbm>> -> memref<1x8x80xi32, #tpu.memory_space<hbm>>
        %dma_start3A_175 = tpu.memref_squeeze %dma_start3A_174 : memref<1x8x80xi32, #tpu.memory_space<hbm>> -> memref<8x80xi32, #tpu.memory_space<hbm>>
        tpu.enqueue_dma source(%dma_start3A_175 : memref<8x80xi32, #tpu.memory_space<hbm>>) target(%arg7 : memref<8x80xi32, #tpu.memory_space<vmem>>) target_semaphore(%run_scoped3A_169 : memref<!tpu.dma_semaphore, #tpu.memory_space<semaphore_mem>>)
        %dma_wait3A_176 = arith.constant 0 : i32
        %dma_wait3A_177 = tpu.memref_slice %arg4[%add3A, %mul3A_51, %dma_wait3A_176] : memref<32x128x80xi32, #tpu.memory_space<hbm>> -> memref<1x8x80xi32, #tpu.memory_space<hbm>>
        %dma_wait3A_178 = tpu.memref_squeeze %dma_wait3A_177 : memref<1x8x80xi32, #tpu.memory_space<hbm>> -> memref<8x80xi32, #tpu.memory_space<hbm>>
        %dma_wait3A_179 = arith.constant 0 : i32
        %dma_wait3A_180 = tpu.memref_slice %arg4[%add3A, %mul3A_51, %dma_wait3A_179] : memref<32x128x80xi32, #tpu.memory_space<hbm>> -> memref<1x8x80xi32, #tpu.memory_space<hbm>>
        %dma_wait3A_181 = tpu.memref_squeeze %dma_wait3A_180 : memref<1x8x80xi32, #tpu.memory_space<hbm>> -> memref<8x80xi32, #tpu.memory_space<hbm>>
        tpu.wait_dma2 semaphore(%run_scoped3A_169 : memref<!tpu.dma_semaphore, #tpu.memory_space<semaphore_mem>>) src(%dma_wait3A_181 : memref<8x80xi32, #tpu.memory_space<hbm>>) dst(%arg7 : memref<8x80xi32, #tpu.memory_space<vmem>>)
        tpu.yield
      }) : () -> ()
      %dma_start3A = arith.constant 0 : i32
      %dma_start3A_52 = arith.constant 0 : i32
      %dma_start3A_53 = tpu.memref_slice %arg7[%dma_start3A, %dma_start3A_52] : memref<8x80xi32, #tpu.memory_space<vmem>> -> memref<1x80xi32, #tpu.memory_space<vmem>>
      %dma_start3A_54 = tpu.memref_squeeze %dma_start3A_53 : memref<1x80xi32, #tpu.memory_space<vmem>> -> memref<80xi32, #tpu.memory_space<vmem>>
      %dma_start3A_55 = arith.constant 0 : i32
      %dma_start3A_56 = arith.constant 0 : i32
      %dma_start3A_57 = tpu.memref_slice %arg2[%dma_start3A_55, %dma_start3A_56] : memref<10240x128xf32, #tpu.memory_space<hbm>> -> memref<10240x128xf32, #tpu.memory_space<hbm>>
      tpu.enqueue_indirect_dma source(%dma_start3A_57 : memref<10240x128xf32, #tpu.memory_space<hbm>>) target(%arg8 : memref<80x128xf32, #tpu.memory_space<vmem>>) offsets(%dma_start3A_54 : memref<80xi32, #tpu.memory_space<vmem>>) semaphore(%arg13 : memref<!tpu.dma_semaphore, #tpu.memory_space<semaphore_mem>>)
      %dma_start3A_58 = arith.constant 1 : i32
      %dma_start3A_59 = arith.constant 0 : i32
      %dma_start3A_60 = tpu.memref_slice %arg7[%dma_start3A_58, %dma_start3A_59] : memref<8x80xi32, #tpu.memory_space<vmem>> -> memref<1x80xi32, #tpu.memory_space<vmem>>
      %dma_start3A_61 = tpu.memref_squeeze %dma_start3A_60 : memref<1x80xi32, #tpu.memory_space<vmem>> -> memref<80xi32, #tpu.memory_space<vmem>>
      %dma_start3A_62 = arith.constant 0 : i32
      %dma_start3A_63 = arith.constant 0 : i32
      %dma_start3A_64 = tpu.memref_slice %arg2[%dma_start3A_62, %dma_start3A_63] : memref<10240x128xf32, #tpu.memory_space<hbm>> -> memref<10240x128xf32, #tpu.memory_space<hbm>>
      tpu.enqueue_indirect_dma source(%dma_start3A_64 : memref<10240x128xf32, #tpu.memory_space<hbm>>) target(%arg9 : memref<80x128xf32, #tpu.memory_space<vmem>>) offsets(%dma_start3A_61 : memref<80xi32, #tpu.memory_space<vmem>>) semaphore(%arg14 : memref<!tpu.dma_semaphore, #tpu.memory_space<semaphore_mem>>)
      %dma_start3A_65 = arith.constant 2 : i32
      %dma_start3A_66 = arith.constant 0 : i32
      %dma_start3A_67 = tpu.memref_slice %arg7[%dma_start3A_65, %dma_start3A_66] : memref<8x80xi32, #tpu.memory_space<vmem>> -> memref<1x80xi32, #tpu.memory_space<vmem>>
      %dma_start3A_68 = tpu.memref_squeeze %dma_start3A_67 : memref<1x80xi32, #tpu.memory_space<vmem>> -> memref<80xi32, #tpu.memory_space<vmem>>
      %dma_start3A_69 = arith.constant 0 : i32
      %dma_start3A_70 = arith.constant 0 : i32
      %dma_start3A_71 = tpu.memref_slice %arg2[%dma_start3A_69, %dma_start3A_70] : memref<10240x128xf32, #tpu.memory_space<hbm>> -> memref<10240x128xf32, #tpu.memory_space<hbm>>
      tpu.enqueue_indirect_dma source(%dma_start3A_71 : memref<10240x128xf32, #tpu.memory_space<hbm>>) target(%arg10 : memref<80x128xf32, #tpu.memory_space<vmem>>) offsets(%dma_start3A_68 : memref<80xi32, #tpu.memory_space<vmem>>) semaphore(%arg15 : memref<!tpu.dma_semaphore, #tpu.memory_space<semaphore_mem>>)
      %dma_wait3A = arith.constant 0 : i32
      %dma_wait3A_72 = arith.constant 0 : i32
      %dma_wait3A_73 = tpu.memref_slice %arg7[%dma_wait3A, %dma_wait3A_72] : memref<8x80xi32, #tpu.memory_space<vmem>> -> memref<1x80xi32, #tpu.memory_space<vmem>>
      %dma_wait3A_74 = tpu.memref_squeeze %dma_wait3A_73 : memref<1x80xi32, #tpu.memory_space<vmem>> -> memref<80xi32, #tpu.memory_space<vmem>>
      %dma_wait3A_75 = arith.constant 0 : i32
      %dma_wait3A_76 = arith.constant 0 : i32
      %dma_wait3A_77 = tpu.memref_slice %arg2[%dma_wait3A_75, %dma_wait3A_76] : memref<10240x128xf32, #tpu.memory_space<hbm>> -> memref<10240x128xf32, #tpu.memory_space<hbm>>
      tpu.wait_indirect_dma semaphore(%arg13 : memref<!tpu.dma_semaphore, #tpu.memory_space<semaphore_mem>>) src(%dma_wait3A_77 : memref<10240x128xf32, #tpu.memory_space<hbm>>) dst(%arg8 : memref<80x128xf32, #tpu.memory_space<vmem>>)
      %dma_start3A_78 = arith.constant 3 : i32
      %dma_start3A_79 = arith.constant 0 : i32
      %dma_start3A_80 = tpu.memref_slice %arg7[%dma_start3A_78, %dma_start3A_79] : memref<8x80xi32, #tpu.memory_space<vmem>> -> memref<1x80xi32, #tpu.memory_space<vmem>>
      %dma_start3A_81 = tpu.memref_squeeze %dma_start3A_80 : memref<1x80xi32, #tpu.memory_space<vmem>> -> memref<80xi32, #tpu.memory_space<vmem>>
      %dma_start3A_82 = arith.constant 0 : i32
      %dma_start3A_83 = arith.constant 0 : i32
      %dma_start3A_84 = tpu.memref_slice %arg2[%dma_start3A_82, %dma_start3A_83] : memref<10240x128xf32, #tpu.memory_space<hbm>> -> memref<10240x128xf32, #tpu.memory_space<hbm>>
      tpu.enqueue_indirect_dma source(%dma_start3A_84 : memref<10240x128xf32, #tpu.memory_space<hbm>>) target(%arg11 : memref<80x128xf32, #tpu.memory_space<vmem>>) offsets(%dma_start3A_81 : memref<80xi32, #tpu.memory_space<vmem>>) semaphore(%arg16 : memref<!tpu.dma_semaphore, #tpu.memory_space<semaphore_mem>>)
      %run_scoped3A = arith.constant 0 : i32
      "tpu.region"() ({
        %run_scoped3A_169 = tpu.sem_alloc : memref<!tpu.dma_semaphore, #tpu.memory_space<semaphore_mem>>
        %dma_start3A_170 = arith.constant 0 : i32
        %dma_start3A_171 = tpu.memref_slice %arg6[%run_scoped3A, %dma_start3A_170] : memref<8x80xi32, #tpu.memory_space<vmem>> -> memref<1x80xi32, #tpu.memory_space<vmem>>
        %dma_start3A_172 = tpu.memref_squeeze %dma_start3A_171 : memref<1x80xi32, #tpu.memory_space<vmem>> -> memref<80xi32, #tpu.memory_space<vmem>>
        %dma_start3A_173 = arith.constant 0 : i32
        %dma_start3A_174 = arith.constant 0 : i32
        %dma_start3A_175 = tpu.memref_slice %arg12[%dma_start3A_173, %dma_start3A_174] : memref<10240x128xf32, #tpu.memory_space<vmem_shared>> -> memref<10240x128xf32, #tpu.memory_space<vmem_shared>>
        tpu.enqueue_indirect_dma source(%arg8 : memref<80x128xf32, #tpu.memory_space<vmem>>) target(%dma_start3A_175 : memref<10240x128xf32, #tpu.memory_space<vmem_shared>>) offsets(%dma_start3A_172 : memref<80xi32, #tpu.memory_space<vmem>>) semaphore(%run_scoped3A_169 : memref<!tpu.dma_semaphore, #tpu.memory_space<semaphore_mem>>) {add = true}
        %dma_wait3A_176 = arith.constant 0 : i32
        %dma_wait3A_177 = tpu.memref_slice %arg6[%run_scoped3A, %dma_wait3A_176] : memref<8x80xi32, #tpu.memory_space<vmem>> -> memref<1x80xi32, #tpu.memory_space<vmem>>
        %dma_wait3A_178 = tpu.memref_squeeze %dma_wait3A_177 : memref<1x80xi32, #tpu.memory_space<vmem>> -> memref<80xi32, #tpu.memory_space<vmem>>
        %dma_wait3A_179 = arith.constant 0 : i32
        %dma_wait3A_180 = arith.constant 0 : i32
        %dma_wait3A_181 = tpu.memref_slice %arg12[%dma_wait3A_179, %dma_wait3A_180] : memref<10240x128xf32, #tpu.memory_space<vmem_shared>> -> memref<10240x128xf32, #tpu.memory_space<vmem_shared>>
        tpu.wait_indirect_dma semaphore(%run_scoped3A_169 : memref<!tpu.dma_semaphore, #tpu.memory_space<semaphore_mem>>) src(%arg8 : memref<80x128xf32, #tpu.memory_space<vmem>>) dst(%dma_wait3A_181 : memref<10240x128xf32, #tpu.memory_space<vmem_shared>>)
        tpu.yield
      }) : () -> ()
      %dma_wait3A_85 = arith.constant 1 : i32
      %dma_wait3A_86 = arith.constant 0 : i32
      %dma_wait3A_87 = tpu.memref_slice %arg7[%dma_wait3A_85, %dma_wait3A_86] : memref<8x80xi32, #tpu.memory_space<vmem>> -> memref<1x80xi32, #tpu.memory_space<vmem>>
      %dma_wait3A_88 = tpu.memref_squeeze %dma_wait3A_87 : memref<1x80xi32, #tpu.memory_space<vmem>> -> memref<80xi32, #tpu.memory_space<vmem>>
      %dma_wait3A_89 = arith.constant 0 : i32
      %dma_wait3A_90 = arith.constant 0 : i32
      %dma_wait3A_91 = tpu.memref_slice %arg2[%dma_wait3A_89, %dma_wait3A_90] : memref<10240x128xf32, #tpu.memory_space<hbm>> -> memref<10240x128xf32, #tpu.memory_space<hbm>>
      tpu.wait_indirect_dma semaphore(%arg14 : memref<!tpu.dma_semaphore, #tpu.memory_space<semaphore_mem>>) src(%dma_wait3A_91 : memref<10240x128xf32, #tpu.memory_space<hbm>>) dst(%arg9 : memref<80x128xf32, #tpu.memory_space<vmem>>)
      %dma_start3A_92 = arith.constant 4 : i32
      %dma_start3A_93 = arith.constant 0 : i32
      %dma_start3A_94 = tpu.memref_slice %arg7[%dma_start3A_92, %dma_start3A_93] : memref<8x80xi32, #tpu.memory_space<vmem>> -> memref<1x80xi32, #tpu.memory_space<vmem>>
      %dma_start3A_95 = tpu.memref_squeeze %dma_start3A_94 : memref<1x80xi32, #tpu.memory_space<vmem>> -> memref<80xi32, #tpu.memory_space<vmem>>
      %dma_start3A_96 = arith.constant 0 : i32
      %dma_start3A_97 = arith.constant 0 : i32
      %dma_start3A_98 = tpu.memref_slice %arg2[%dma_start3A_96, %dma_start3A_97] : memref<10240x128xf32, #tpu.memory_space<hbm>> -> memref<10240x128xf32, #tpu.memory_space<hbm>>
      tpu.enqueue_indirect_dma source(%dma_start3A_98 : memref<10240x128xf32, #tpu.memory_space<hbm>>) target(%arg8 : memref<80x128xf32, #tpu.memory_space<vmem>>) offsets(%dma_start3A_95 : memref<80xi32, #tpu.memory_space<vmem>>) semaphore(%arg13 : memref<!tpu.dma_semaphore, #tpu.memory_space<semaphore_mem>>)
      %run_scoped3A_99 = arith.constant 1 : i32
      "tpu.region"() ({
        %run_scoped3A_169 = tpu.sem_alloc : memref<!tpu.dma_semaphore, #tpu.memory_space<semaphore_mem>>
        %dma_start3A_170 = arith.constant 0 : i32
        %dma_start3A_171 = tpu.memref_slice %arg6[%run_scoped3A_99, %dma_start3A_170] : memref<8x80xi32, #tpu.memory_space<vmem>> -> memref<1x80xi32, #tpu.memory_space<vmem>>
        %dma_start3A_172 = tpu.memref_squeeze %dma_start3A_171 : memref<1x80xi32, #tpu.memory_space<vmem>> -> memref<80xi32, #tpu.memory_space<vmem>>
        %dma_start3A_173 = arith.constant 0 : i32
        %dma_start3A_174 = arith.constant 0 : i32
        %dma_start3A_175 = tpu.memref_slice %arg12[%dma_start3A_173, %dma_start3A_174] : memref<10240x128xf32, #tpu.memory_space<vmem_shared>> -> memref<10240x128xf32, #tpu.memory_space<vmem_shared>>
        tpu.enqueue_indirect_dma source(%arg9 : memref<80x128xf32, #tpu.memory_space<vmem>>) target(%dma_start3A_175 : memref<10240x128xf32, #tpu.memory_space<vmem_shared>>) offsets(%dma_start3A_172 : memref<80xi32, #tpu.memory_space<vmem>>) semaphore(%run_scoped3A_169 : memref<!tpu.dma_semaphore, #tpu.memory_space<semaphore_mem>>) {add = true}
        %dma_wait3A_176 = arith.constant 0 : i32
        %dma_wait3A_177 = tpu.memref_slice %arg6[%run_scoped3A_99, %dma_wait3A_176] : memref<8x80xi32, #tpu.memory_space<vmem>> -> memref<1x80xi32, #tpu.memory_space<vmem>>
        %dma_wait3A_178 = tpu.memref_squeeze %dma_wait3A_177 : memref<1x80xi32, #tpu.memory_space<vmem>> -> memref<80xi32, #tpu.memory_space<vmem>>
        %dma_wait3A_179 = arith.constant 0 : i32
        %dma_wait3A_180 = arith.constant 0 : i32
        %dma_wait3A_181 = tpu.memref_slice %arg12[%dma_wait3A_179, %dma_wait3A_180] : memref<10240x128xf32, #tpu.memory_space<vmem_shared>> -> memref<10240x128xf32, #tpu.memory_space<vmem_shared>>
        tpu.wait_indirect_dma semaphore(%run_scoped3A_169 : memref<!tpu.dma_semaphore, #tpu.memory_space<semaphore_mem>>) src(%arg9 : memref<80x128xf32, #tpu.memory_space<vmem>>) dst(%dma_wait3A_181 : memref<10240x128xf32, #tpu.memory_space<vmem_shared>>)
        tpu.yield
      }) : () -> ()
      %dma_wait3A_100 = arith.constant 2 : i32
      %dma_wait3A_101 = arith.constant 0 : i32
      %dma_wait3A_102 = tpu.memref_slice %arg7[%dma_wait3A_100, %dma_wait3A_101] : memref<8x80xi32, #tpu.memory_space<vmem>> -> memref<1x80xi32, #tpu.memory_space<vmem>>
      %dma_wait3A_103 = tpu.memref_squeeze %dma_wait3A_102 : memref<1x80xi32, #tpu.memory_space<vmem>> -> memref<80xi32, #tpu.memory_space<vmem>>
      %dma_wait3A_104 = arith.constant 0 : i32
      %dma_wait3A_105 = arith.constant 0 : i32
      %dma_wait3A_106 = tpu.memref_slice %arg2[%dma_wait3A_104, %dma_wait3A_105] : memref<10240x128xf32, #tpu.memory_space<hbm>> -> memref<10240x128xf32, #tpu.memory_space<hbm>>
      tpu.wait_indirect_dma semaphore(%arg15 : memref<!tpu.dma_semaphore, #tpu.memory_space<semaphore_mem>>) src(%dma_wait3A_106 : memref<10240x128xf32, #tpu.memory_space<hbm>>) dst(%arg10 : memref<80x128xf32, #tpu.memory_space<vmem>>)
      %dma_start3A_107 = arith.constant 5 : i32
      %dma_start3A_108 = arith.constant 0 : i32
      %dma_start3A_109 = tpu.memref_slice %arg7[%dma_start3A_107, %dma_start3A_108] : memref<8x80xi32, #tpu.memory_space<vmem>> -> memref<1x80xi32, #tpu.memory_space<vmem>>
      %dma_start3A_110 = tpu.memref_squeeze %dma_start3A_109 : memref<1x80xi32, #tpu.memory_space<vmem>> -> memref<80xi32, #tpu.memory_space<vmem>>
      %dma_start3A_111 = arith.constant 0 : i32
      %dma_start3A_112 = arith.constant 0 : i32
      %dma_start3A_113 = tpu.memref_slice %arg2[%dma_start3A_111, %dma_start3A_112] : memref<10240x128xf32, #tpu.memory_space<hbm>> -> memref<10240x128xf32, #tpu.memory_space<hbm>>
      tpu.enqueue_indirect_dma source(%dma_start3A_113 : memref<10240x128xf32, #tpu.memory_space<hbm>>) target(%arg9 : memref<80x128xf32, #tpu.memory_space<vmem>>) offsets(%dma_start3A_110 : memref<80xi32, #tpu.memory_space<vmem>>) semaphore(%arg14 : memref<!tpu.dma_semaphore, #tpu.memory_space<semaphore_mem>>)
      %run_scoped3A_114 = arith.constant 2 : i32
      "tpu.region"() ({
        %run_scoped3A_169 = tpu.sem_alloc : memref<!tpu.dma_semaphore, #tpu.memory_space<semaphore_mem>>
        %dma_start3A_170 = arith.constant 0 : i32
        %dma_start3A_171 = tpu.memref_slice %arg6[%run_scoped3A_114, %dma_start3A_170] : memref<8x80xi32, #tpu.memory_space<vmem>> -> memref<1x80xi32, #tpu.memory_space<vmem>>
        %dma_start3A_172 = tpu.memref_squeeze %dma_start3A_171 : memref<1x80xi32, #tpu.memory_space<vmem>> -> memref<80xi32, #tpu.memory_space<vmem>>
        %dma_start3A_173 = arith.constant 0 : i32
        %dma_start3A_174 = arith.constant 0 : i32
        %dma_start3A_175 = tpu.memref_slice %arg12[%dma_start3A_173, %dma_start3A_174] : memref<10240x128xf32, #tpu.memory_space<vmem_shared>> -> memref<10240x128xf32, #tpu.memory_space<vmem_shared>>
        tpu.enqueue_indirect_dma source(%arg10 : memref<80x128xf32, #tpu.memory_space<vmem>>) target(%dma_start3A_175 : memref<10240x128xf32, #tpu.memory_space<vmem_shared>>) offsets(%dma_start3A_172 : memref<80xi32, #tpu.memory_space<vmem>>) semaphore(%run_scoped3A_169 : memref<!tpu.dma_semaphore, #tpu.memory_space<semaphore_mem>>) {add = true}
        %dma_wait3A_176 = arith.constant 0 : i32
        %dma_wait3A_177 = tpu.memref_slice %arg6[%run_scoped3A_114, %dma_wait3A_176] : memref<8x80xi32, #tpu.memory_space<vmem>> -> memref<1x80xi32, #tpu.memory_space<vmem>>
        %dma_wait3A_178 = tpu.memref_squeeze %dma_wait3A_177 : memref<1x80xi32, #tpu.memory_space<vmem>> -> memref<80xi32, #tpu.memory_space<vmem>>
        %dma_wait3A_179 = arith.constant 0 : i32
        %dma_wait3A_180 = arith.constant 0 : i32
        %dma_wait3A_181 = tpu.memref_slice %arg12[%dma_wait3A_179, %dma_wait3A_180] : memref<10240x128xf32, #tpu.memory_space<vmem_shared>> -> memref<10240x128xf32, #tpu.memory_space<vmem_shared>>
        tpu.wait_indirect_dma semaphore(%run_scoped3A_169 : memref<!tpu.dma_semaphore, #tpu.memory_space<semaphore_mem>>) src(%arg10 : memref<80x128xf32, #tpu.memory_space<vmem>>) dst(%dma_wait3A_181 : memref<10240x128xf32, #tpu.memory_space<vmem_shared>>)
        tpu.yield
      }) : () -> ()
      %dma_wait3A_115 = arith.constant 3 : i32
      %dma_wait3A_116 = arith.constant 0 : i32
      %dma_wait3A_117 = tpu.memref_slice %arg7[%dma_wait3A_115, %dma_wait3A_116] : memref<8x80xi32, #tpu.memory_space<vmem>> -> memref<1x80xi32, #tpu.memory_space<vmem>>
      %dma_wait3A_118 = tpu.memref_squeeze %dma_wait3A_117 : memref<1x80xi32, #tpu.memory_space<vmem>> -> memref<80xi32, #tpu.memory_space<vmem>>
      %dma_wait3A_119 = arith.constant 0 : i32
      %dma_wait3A_120 = arith.constant 0 : i32
      %dma_wait3A_121 = tpu.memref_slice %arg2[%dma_wait3A_119, %dma_wait3A_120] : memref<10240x128xf32, #tpu.memory_space<hbm>> -> memref<10240x128xf32, #tpu.memory_space<hbm>>
      tpu.wait_indirect_dma semaphore(%arg16 : memref<!tpu.dma_semaphore, #tpu.memory_space<semaphore_mem>>) src(%dma_wait3A_121 : memref<10240x128xf32, #tpu.memory_space<hbm>>) dst(%arg11 : memref<80x128xf32, #tpu.memory_space<vmem>>)
      %dma_start3A_122 = arith.constant 6 : i32
      %dma_start3A_123 = arith.constant 0 : i32
      %dma_start3A_124 = tpu.memref_slice %arg7[%dma_start3A_122, %dma_start3A_123] : memref<8x80xi32, #tpu.memory_space<vmem>> -> memref<1x80xi32, #tpu.memory_space<vmem>>
      %dma_start3A_125 = tpu.memref_squeeze %dma_start3A_124 : memref<1x80xi32, #tpu.memory_space<vmem>> -> memref<80xi32, #tpu.memory_space<vmem>>
      %dma_start3A_126 = arith.constant 0 : i32
      %dma_start3A_127 = arith.constant 0 : i32
      %dma_start3A_128 = tpu.memref_slice %arg2[%dma_start3A_126, %dma_start3A_127] : memref<10240x128xf32, #tpu.memory_space<hbm>> -> memref<10240x128xf32, #tpu.memory_space<hbm>>
      tpu.enqueue_indirect_dma source(%dma_start3A_128 : memref<10240x128xf32, #tpu.memory_space<hbm>>) target(%arg10 : memref<80x128xf32, #tpu.memory_space<vmem>>) offsets(%dma_start3A_125 : memref<80xi32, #tpu.memory_space<vmem>>) semaphore(%arg15 : memref<!tpu.dma_semaphore, #tpu.memory_space<semaphore_mem>>)
      %run_scoped3A_129 = arith.constant 3 : i32
      "tpu.region"() ({
        %run_scoped3A_169 = tpu.sem_alloc : memref<!tpu.dma_semaphore, #tpu.memory_space<semaphore_mem>>
        %dma_start3A_170 = arith.constant 0 : i32
        %dma_start3A_171 = tpu.memref_slice %arg6[%run_scoped3A_129, %dma_start3A_170] : memref<8x80xi32, #tpu.memory_space<vmem>> -> memref<1x80xi32, #tpu.memory_space<vmem>>
        %dma_start3A_172 = tpu.memref_squeeze %dma_start3A_171 : memref<1x80xi32, #tpu.memory_space<vmem>> -> memref<80xi32, #tpu.memory_space<vmem>>
        %dma_start3A_173 = arith.constant 0 : i32
        %dma_start3A_174 = arith.constant 0 : i32
        %dma_start3A_175 = tpu.memref_slice %arg12[%dma_start3A_173, %dma_start3A_174] : memref<10240x128xf32, #tpu.memory_space<vmem_shared>> -> memref<10240x128xf32, #tpu.memory_space<vmem_shared>>
        tpu.enqueue_indirect_dma source(%arg11 : memref<80x128xf32, #tpu.memory_space<vmem>>) target(%dma_start3A_175 : memref<10240x128xf32, #tpu.memory_space<vmem_shared>>) offsets(%dma_start3A_172 : memref<80xi32, #tpu.memory_space<vmem>>) semaphore(%run_scoped3A_169 : memref<!tpu.dma_semaphore, #tpu.memory_space<semaphore_mem>>) {add = true}
        %dma_wait3A_176 = arith.constant 0 : i32
        %dma_wait3A_177 = tpu.memref_slice %arg6[%run_scoped3A_129, %dma_wait3A_176] : memref<8x80xi32, #tpu.memory_space<vmem>> -> memref<1x80xi32, #tpu.memory_space<vmem>>
        %dma_wait3A_178 = tpu.memref_squeeze %dma_wait3A_177 : memref<1x80xi32, #tpu.memory_space<vmem>> -> memref<80xi32, #tpu.memory_space<vmem>>
        %dma_wait3A_179 = arith.constant 0 : i32
        %dma_wait3A_180 = arith.constant 0 : i32
        %dma_wait3A_181 = tpu.memref_slice %arg12[%dma_wait3A_179, %dma_wait3A_180] : memref<10240x128xf32, #tpu.memory_space<vmem_shared>> -> memref<10240x128xf32, #tpu.memory_space<vmem_shared>>
        tpu.wait_indirect_dma semaphore(%run_scoped3A_169 : memref<!tpu.dma_semaphore, #tpu.memory_space<semaphore_mem>>) src(%arg11 : memref<80x128xf32, #tpu.memory_space<vmem>>) dst(%dma_wait3A_181 : memref<10240x128xf32, #tpu.memory_space<vmem_shared>>)
        tpu.yield
      }) : () -> ()
      %dma_wait3A_130 = arith.constant 4 : i32
      %dma_wait3A_131 = arith.constant 0 : i32
      %dma_wait3A_132 = tpu.memref_slice %arg7[%dma_wait3A_130, %dma_wait3A_131] : memref<8x80xi32, #tpu.memory_space<vmem>> -> memref<1x80xi32, #tpu.memory_space<vmem>>
      %dma_wait3A_133 = tpu.memref_squeeze %dma_wait3A_132 : memref<1x80xi32, #tpu.memory_space<vmem>> -> memref<80xi32, #tpu.memory_space<vmem>>
      %dma_wait3A_134 = arith.constant 0 : i32
      %dma_wait3A_135 = arith.constant 0 : i32
      %dma_wait3A_136 = tpu.memref_slice %arg2[%dma_wait3A_134, %dma_wait3A_135] : memref<10240x128xf32, #tpu.memory_space<hbm>> -> memref<10240x128xf32, #tpu.memory_space<hbm>>
      tpu.wait_indirect_dma semaphore(%arg13 : memref<!tpu.dma_semaphore, #tpu.memory_space<semaphore_mem>>) src(%dma_wait3A_136 : memref<10240x128xf32, #tpu.memory_space<hbm>>) dst(%arg8 : memref<80x128xf32, #tpu.memory_space<vmem>>)
      %dma_start3A_137 = arith.constant 7 : i32
      %dma_start3A_138 = arith.constant 0 : i32
      %dma_start3A_139 = tpu.memref_slice %arg7[%dma_start3A_137, %dma_start3A_138] : memref<8x80xi32, #tpu.memory_space<vmem>> -> memref<1x80xi32, #tpu.memory_space<vmem>>
      %dma_start3A_140 = tpu.memref_squeeze %dma_start3A_139 : memref<1x80xi32, #tpu.memory_space<vmem>> -> memref<80xi32, #tpu.memory_space<vmem>>
      %dma_start3A_141 = arith.constant 0 : i32
      %dma_start3A_142 = arith.constant 0 : i32
      %dma_start3A_143 = tpu.memref_slice %arg2[%dma_start3A_141, %dma_start3A_142] : memref<10240x128xf32, #tpu.memory_space<hbm>> -> memref<10240x128xf32, #tpu.memory_space<hbm>>
      tpu.enqueue_indirect_dma source(%dma_start3A_143 : memref<10240x128xf32, #tpu.memory_space<hbm>>) target(%arg11 : memref<80x128xf32, #tpu.memory_space<vmem>>) offsets(%dma_start3A_140 : memref<80xi32, #tpu.memory_space<vmem>>) semaphore(%arg16 : memref<!tpu.dma_semaphore, #tpu.memory_space<semaphore_mem>>)
      %run_scoped3A_144 = arith.constant 4 : i32
      "tpu.region"() ({
        %run_scoped3A_169 = tpu.sem_alloc : memref<!tpu.dma_semaphore, #tpu.memory_space<semaphore_mem>>
        %dma_start3A_170 = arith.constant 0 : i32
        %dma_start3A_171 = tpu.memref_slice %arg6[%run_scoped3A_144, %dma_start3A_170] : memref<8x80xi32, #tpu.memory_space<vmem>> -> memref<1x80xi32, #tpu.memory_space<vmem>>
        %dma_start3A_172 = tpu.memref_squeeze %dma_start3A_171 : memref<1x80xi32, #tpu.memory_space<vmem>> -> memref<80xi32, #tpu.memory_space<vmem>>
        %dma_start3A_173 = arith.constant 0 : i32
        %dma_start3A_174 = arith.constant 0 : i32
        %dma_start3A_175 = tpu.memref_slice %arg12[%dma_start3A_173, %dma_start3A_174] : memref<10240x128xf32, #tpu.memory_space<vmem_shared>> -> memref<10240x128xf32, #tpu.memory_space<vmem_shared>>
        tpu.enqueue_indirect_dma source(%arg8 : memref<80x128xf32, #tpu.memory_space<vmem>>) target(%dma_start3A_175 : memref<10240x128xf32, #tpu.memory_space<vmem_shared>>) offsets(%dma_start3A_172 : memref<80xi32, #tpu.memory_space<vmem>>) semaphore(%run_scoped3A_169 : memref<!tpu.dma_semaphore, #tpu.memory_space<semaphore_mem>>) {add = true}
        %dma_wait3A_176 = arith.constant 0 : i32
        %dma_wait3A_177 = tpu.memref_slice %arg6[%run_scoped3A_144, %dma_wait3A_176] : memref<8x80xi32, #tpu.memory_space<vmem>> -> memref<1x80xi32, #tpu.memory_space<vmem>>
        %dma_wait3A_178 = tpu.memref_squeeze %dma_wait3A_177 : memref<1x80xi32, #tpu.memory_space<vmem>> -> memref<80xi32, #tpu.memory_space<vmem>>
        %dma_wait3A_179 = arith.constant 0 : i32
        %dma_wait3A_180 = arith.constant 0 : i32
        %dma_wait3A_181 = tpu.memref_slice %arg12[%dma_wait3A_179, %dma_wait3A_180] : memref<10240x128xf32, #tpu.memory_space<vmem_shared>> -> memref<10240x128xf32, #tpu.memory_space<vmem_shared>>
        tpu.wait_indirect_dma semaphore(%run_scoped3A_169 : memref<!tpu.dma_semaphore, #tpu.memory_space<semaphore_mem>>) src(%arg8 : memref<80x128xf32, #tpu.memory_space<vmem>>) dst(%dma_wait3A_181 : memref<10240x128xf32, #tpu.memory_space<vmem_shared>>)
        tpu.yield
      }) : () -> ()
      %dma_wait3A_145 = arith.constant 5 : i32
      %dma_wait3A_146 = arith.constant 0 : i32
      %dma_wait3A_147 = tpu.memref_slice %arg7[%dma_wait3A_145, %dma_wait3A_146] : memref<8x80xi32, #tpu.memory_space<vmem>> -> memref<1x80xi32, #tpu.memory_space<vmem>>
      %dma_wait3A_148 = tpu.memref_squeeze %dma_wait3A_147 : memref<1x80xi32, #tpu.memory_space<vmem>> -> memref<80xi32, #tpu.memory_space<vmem>>
      %dma_wait3A_149 = arith.constant 0 : i32
      %dma_wait3A_150 = arith.constant 0 : i32
      %dma_wait3A_151 = tpu.memref_slice %arg2[%dma_wait3A_149, %dma_wait3A_150] : memref<10240x128xf32, #tpu.memory_space<hbm>> -> memref<10240x128xf32, #tpu.memory_space<hbm>>
      tpu.wait_indirect_dma semaphore(%arg14 : memref<!tpu.dma_semaphore, #tpu.memory_space<semaphore_mem>>) src(%dma_wait3A_151 : memref<10240x128xf32, #tpu.memory_space<hbm>>) dst(%arg9 : memref<80x128xf32, #tpu.memory_space<vmem>>)
      %run_scoped3A_152 = arith.constant 5 : i32
      "tpu.region"() ({
        %run_scoped3A_169 = tpu.sem_alloc : memref<!tpu.dma_semaphore, #tpu.memory_space<semaphore_mem>>
        %dma_start3A_170 = arith.constant 0 : i32
        %dma_start3A_171 = tpu.memref_slice %arg6[%run_scoped3A_152, %dma_start3A_170] : memref<8x80xi32, #tpu.memory_space<vmem>> -> memref<1x80xi32, #tpu.memory_space<vmem>>
        %dma_start3A_172 = tpu.memref_squeeze %dma_start3A_171 : memref<1x80xi32, #tpu.memory_space<vmem>> -> memref<80xi32, #tpu.memory_space<vmem>>
        %dma_start3A_173 = arith.constant 0 : i32
        %dma_start3A_174 = arith.constant 0 : i32
        %dma_start3A_175 = tpu.memref_slice %arg12[%dma_start3A_173, %dma_start3A_174] : memref<10240x128xf32, #tpu.memory_space<vmem_shared>> -> memref<10240x128xf32, #tpu.memory_space<vmem_shared>>
        tpu.enqueue_indirect_dma source(%arg9 : memref<80x128xf32, #tpu.memory_space<vmem>>) target(%dma_start3A_175 : memref<10240x128xf32, #tpu.memory_space<vmem_shared>>) offsets(%dma_start3A_172 : memref<80xi32, #tpu.memory_space<vmem>>) semaphore(%run_scoped3A_169 : memref<!tpu.dma_semaphore, #tpu.memory_space<semaphore_mem>>) {add = true}
        %dma_wait3A_176 = arith.constant 0 : i32
        %dma_wait3A_177 = tpu.memref_slice %arg6[%run_scoped3A_152, %dma_wait3A_176] : memref<8x80xi32, #tpu.memory_space<vmem>> -> memref<1x80xi32, #tpu.memory_space<vmem>>
        %dma_wait3A_178 = tpu.memref_squeeze %dma_wait3A_177 : memref<1x80xi32, #tpu.memory_space<vmem>> -> memref<80xi32, #tpu.memory_space<vmem>>
        %dma_wait3A_179 = arith.constant 0 : i32
        %dma_wait3A_180 = arith.constant 0 : i32
        %dma_wait3A_181 = tpu.memref_slice %arg12[%dma_wait3A_179, %dma_wait3A_180] : memref<10240x128xf32, #tpu.memory_space<vmem_shared>> -> memref<10240x128xf32, #tpu.memory_space<vmem_shared>>
        tpu.wait_indirect_dma semaphore(%run_scoped3A_169 : memref<!tpu.dma_semaphore, #tpu.memory_space<semaphore_mem>>) src(%arg9 : memref<80x128xf32, #tpu.memory_space<vmem>>) dst(%dma_wait3A_181 : memref<10240x128xf32, #tpu.memory_space<vmem_shared>>)
        tpu.yield
      }) : () -> ()
      %dma_wait3A_153 = arith.constant 6 : i32
      %dma_wait3A_154 = arith.constant 0 : i32
      %dma_wait3A_155 = tpu.memref_slice %arg7[%dma_wait3A_153, %dma_wait3A_154] : memref<8x80xi32, #tpu.memory_space<vmem>> -> memref<1x80xi32, #tpu.memory_space<vmem>>
      %dma_wait3A_156 = tpu.memref_squeeze %dma_wait3A_155 : memref<1x80xi32, #tpu.memory_space<vmem>> -> memref<80xi32, #tpu.memory_space<vmem>>
      %dma_wait3A_157 = arith.constant 0 : i32
      %dma_wait3A_158 = arith.constant 0 : i32
      %dma_wait3A_159 = tpu.memref_slice %arg2[%dma_wait3A_157, %dma_wait3A_158] : memref<10240x128xf32, #tpu.memory_space<hbm>> -> memref<10240x128xf32, #tpu.memory_space<hbm>>
      tpu.wait_indirect_dma semaphore(%arg15 : memref<!tpu.dma_semaphore, #tpu.memory_space<semaphore_mem>>) src(%dma_wait3A_159 : memref<10240x128xf32, #tpu.memory_space<hbm>>) dst(%arg10 : memref<80x128xf32, #tpu.memory_space<vmem>>)
      %run_scoped3A_160 = arith.constant 6 : i32
      "tpu.region"() ({
        %run_scoped3A_169 = tpu.sem_alloc : memref<!tpu.dma_semaphore, #tpu.memory_space<semaphore_mem>>
        %dma_start3A_170 = arith.constant 0 : i32
        %dma_start3A_171 = tpu.memref_slice %arg6[%run_scoped3A_160, %dma_start3A_170] : memref<8x80xi32, #tpu.memory_space<vmem>> -> memref<1x80xi32, #tpu.memory_space<vmem>>
        %dma_start3A_172 = tpu.memref_squeeze %dma_start3A_171 : memref<1x80xi32, #tpu.memory_space<vmem>> -> memref<80xi32, #tpu.memory_space<vmem>>
        %dma_start3A_173 = arith.constant 0 : i32
        %dma_start3A_174 = arith.constant 0 : i32
        %dma_start3A_175 = tpu.memref_slice %arg12[%dma_start3A_173, %dma_start3A_174] : memref<10240x128xf32, #tpu.memory_space<vmem_shared>> -> memref<10240x128xf32, #tpu.memory_space<vmem_shared>>
        tpu.enqueue_indirect_dma source(%arg10 : memref<80x128xf32, #tpu.memory_space<vmem>>) target(%dma_start3A_175 : memref<10240x128xf32, #tpu.memory_space<vmem_shared>>) offsets(%dma_start3A_172 : memref<80xi32, #tpu.memory_space<vmem>>) semaphore(%run_scoped3A_169 : memref<!tpu.dma_semaphore, #tpu.memory_space<semaphore_mem>>) {add = true}
        %dma_wait3A_176 = arith.constant 0 : i32
        %dma_wait3A_177 = tpu.memref_slice %arg6[%run_scoped3A_160, %dma_wait3A_176] : memref<8x80xi32, #tpu.memory_space<vmem>> -> memref<1x80xi32, #tpu.memory_space<vmem>>
        %dma_wait3A_178 = tpu.memref_squeeze %dma_wait3A_177 : memref<1x80xi32, #tpu.memory_space<vmem>> -> memref<80xi32, #tpu.memory_space<vmem>>
        %dma_wait3A_179 = arith.constant 0 : i32
        %dma_wait3A_180 = arith.constant 0 : i32
        %dma_wait3A_181 = tpu.memref_slice %arg12[%dma_wait3A_179, %dma_wait3A_180] : memref<10240x128xf32, #tpu.memory_space<vmem_shared>> -> memref<10240x128xf32, #tpu.memory_space<vmem_shared>>
        tpu.wait_indirect_dma semaphore(%run_scoped3A_169 : memref<!tpu.dma_semaphore, #tpu.memory_space<semaphore_mem>>) src(%arg10 : memref<80x128xf32, #tpu.memory_space<vmem>>) dst(%dma_wait3A_181 : memref<10240x128xf32, #tpu.memory_space<vmem_shared>>)
        tpu.yield
      }) : () -> ()
      %dma_wait3A_161 = arith.constant 7 : i32
      %dma_wait3A_162 = arith.constant 0 : i32
      %dma_wait3A_163 = tpu.memref_slice %arg7[%dma_wait3A_161, %dma_wait3A_162] : memref<8x80xi32, #tpu.memory_space<vmem>> -> memref<1x80xi32, #tpu.memory_space<vmem>>
      %dma_wait3A_164 = tpu.memref_squeeze %dma_wait3A_163 : memref<1x80xi32, #tpu.memory_space<vmem>> -> memref<80xi32, #tpu.memory_space<vmem>>
      %dma_wait3A_165 = arith.constant 0 : i32
      %dma_wait3A_166 = arith.constant 0 : i32
      %dma_wait3A_167 = tpu.memref_slice %arg2[%dma_wait3A_165, %dma_wait3A_166] : memref<10240x128xf32, #tpu.memory_space<hbm>> -> memref<10240x128xf32, #tpu.memory_space<hbm>>
      tpu.wait_indirect_dma semaphore(%arg16 : memref<!tpu.dma_semaphore, #tpu.memory_space<semaphore_mem>>) src(%dma_wait3A_167 : memref<10240x128xf32, #tpu.memory_space<hbm>>) dst(%arg11 : memref<80x128xf32, #tpu.memory_space<vmem>>)
      %run_scoped3A_168 = arith.constant 7 : i32
      "tpu.region"() ({
        %run_scoped3A_169 = tpu.sem_alloc : memref<!tpu.dma_semaphore, #tpu.memory_space<semaphore_mem>>
        %dma_start3A_170 = arith.constant 0 : i32
        %dma_start3A_171 = tpu.memref_slice %arg6[%run_scoped3A_168, %dma_start3A_170] : memref<8x80xi32, #tpu.memory_space<vmem>> -> memref<1x80xi32, #tpu.memory_space<vmem>>
        %dma_start3A_172 = tpu.memref_squeeze %dma_start3A_171 : memref<1x80xi32, #tpu.memory_space<vmem>> -> memref<80xi32, #tpu.memory_space<vmem>>
        %dma_start3A_173 = arith.constant 0 : i32
        %dma_start3A_174 = arith.constant 0 : i32
        %dma_start3A_175 = tpu.memref_slice %arg12[%dma_start3A_173, %dma_start3A_174] : memref<10240x128xf32, #tpu.memory_space<vmem_shared>> -> memref<10240x128xf32, #tpu.memory_space<vmem_shared>>
        tpu.enqueue_indirect_dma source(%arg11 : memref<80x128xf32, #tpu.memory_space<vmem>>) target(%dma_start3A_175 : memref<10240x128xf32, #tpu.memory_space<vmem_shared>>) offsets(%dma_start3A_172 : memref<80xi32, #tpu.memory_space<vmem>>) semaphore(%run_scoped3A_169 : memref<!tpu.dma_semaphore, #tpu.memory_space<semaphore_mem>>) {add = true}
        %dma_wait3A_176 = arith.constant 0 : i32
        %dma_wait3A_177 = tpu.memref_slice %arg6[%run_scoped3A_168, %dma_wait3A_176] : memref<8x80xi32, #tpu.memory_space<vmem>> -> memref<1x80xi32, #tpu.memory_space<vmem>>
        %dma_wait3A_178 = tpu.memref_squeeze %dma_wait3A_177 : memref<1x80xi32, #tpu.memory_space<vmem>> -> memref<80xi32, #tpu.memory_space<vmem>>
        %dma_wait3A_179 = arith.constant 0 : i32
        %dma_wait3A_180 = arith.constant 0 : i32
        %dma_wait3A_181 = tpu.memref_slice %arg12[%dma_wait3A_179, %dma_wait3A_180] : memref<10240x128xf32, #tpu.memory_space<vmem_shared>> -> memref<10240x128xf32, #tpu.memory_space<vmem_shared>>
        tpu.wait_indirect_dma semaphore(%run_scoped3A_169 : memref<!tpu.dma_semaphore, #tpu.memory_space<semaphore_mem>>) src(%arg11 : memref<80x128xf32, #tpu.memory_space<vmem>>) dst(%dma_wait3A_181 : memref<10240x128xf32, #tpu.memory_space<vmem_shared>>)
        tpu.yield
      }) : () -> ()
    }
    %scan3A_29 = arith.constant 16 : i32
    %barrier3A_30 = arith.constant 0 : index
    tpu.barrier barrier_id(%barrier3A_30)
    %add3A_31 = arith.constant 0 : i32
    %add3A_32 = arith.addi %mul3A_2, %add3A_31 : i32
    "tpu.region"() ({
      %run_scoped3A = tpu.sem_alloc : memref<!tpu.dma_semaphore, #tpu.memory_space<semaphore_mem>>
      %dma_start3A = arith.constant 0 : i32
      %dma_start3A_47 = tpu.memref_slice %arg12[%add3A_32, %dma_start3A] : memref<10240x128xf32, #tpu.memory_space<vmem_shared>> -> memref<80x128xf32, #tpu.memory_space<vmem_shared>>
      %dma_start3A_48 = arith.constant 0 : i32
      %dma_start3A_49 = tpu.memref_slice %arg12[%add3A_32, %dma_start3A_48] : memref<10240x128xf32, #tpu.memory_space<vmem_shared>> -> memref<80x128xf32, #tpu.memory_space<vmem_shared>>
      tpu.enqueue_dma source(%dma_start3A_49 : memref<80x128xf32, #tpu.memory_space<vmem_shared>>) target(%arg8 : memref<80x128xf32, #tpu.memory_space<vmem>>) target_semaphore(%run_scoped3A : memref<!tpu.dma_semaphore, #tpu.memory_space<semaphore_mem>>)
      %dma_wait3A = arith.constant 0 : i32
      %dma_wait3A_50 = tpu.memref_slice %arg12[%add3A_32, %dma_wait3A] : memref<10240x128xf32, #tpu.memory_space<vmem_shared>> -> memref<80x128xf32, #tpu.memory_space<vmem_shared>>
      %dma_wait3A_51 = arith.constant 0 : i32
      %dma_wait3A_52 = tpu.memref_slice %arg12[%add3A_32, %dma_wait3A_51] : memref<10240x128xf32, #tpu.memory_space<vmem_shared>> -> memref<80x128xf32, #tpu.memory_space<vmem_shared>>
      tpu.wait_dma2 semaphore(%run_scoped3A : memref<!tpu.dma_semaphore, #tpu.memory_space<semaphore_mem>>) src(%dma_wait3A_52 : memref<80x128xf32, #tpu.memory_space<vmem_shared>>) dst(%arg8 : memref<80x128xf32, #tpu.memory_space<vmem>>)
      tpu.yield
    }) : () -> ()
    "tpu.region"() ({
      %run_scoped3A = tpu.sem_alloc : memref<!tpu.dma_semaphore, #tpu.memory_space<semaphore_mem>>
      %dma_start3A = arith.constant 0 : i32
      %dma_start3A_47 = tpu.memref_slice %arg5[%arg0, %add3A_32, %dma_start3A] : memref<2x10240x128xf32, #tpu.memory_space<hbm>> -> memref<1x80x128xf32, #tpu.memory_space<hbm>>
      %dma_start3A_48 = tpu.memref_squeeze %dma_start3A_47 : memref<1x80x128xf32, #tpu.memory_space<hbm>> -> memref<80x128xf32, #tpu.memory_space<hbm>>
      %dma_start3A_49 = arith.constant 0 : i32
      %dma_start3A_50 = tpu.memref_slice %arg5[%arg0, %add3A_32, %dma_start3A_49] : memref<2x10240x128xf32, #tpu.memory_space<hbm>> -> memref<1x80x128xf32, #tpu.memory_space<hbm>>
      %dma_start3A_51 = tpu.memref_squeeze %dma_start3A_50 : memref<1x80x128xf32, #tpu.memory_space<hbm>> -> memref<80x128xf32, #tpu.memory_space<hbm>>
      tpu.enqueue_dma source(%arg8 : memref<80x128xf32, #tpu.memory_space<vmem>>) target(%dma_start3A_51 : memref<80x128xf32, #tpu.memory_space<hbm>>) target_semaphore(%run_scoped3A : memref<!tpu.dma_semaphore, #tpu.memory_space<semaphore_mem>>)
      %dma_wait3A = arith.constant 0 : i32
      %dma_wait3A_52 = tpu.memref_slice %arg5[%arg0, %add3A_32, %dma_wait3A] : memref<2x10240x128xf32, #tpu.memory_space<hbm>> -> memref<1x80x128xf32, #tpu.memory_space<hbm>>
      %dma_wait3A_53 = tpu.memref_squeeze %dma_wait3A_52 : memref<1x80x128xf32, #tpu.memory_space<hbm>> -> memref<80x128xf32, #tpu.memory_space<hbm>>
      %dma_wait3A_54 = arith.constant 0 : i32
      %dma_wait3A_55 = tpu.memref_slice %arg5[%arg0, %add3A_32, %dma_wait3A_54] : memref<2x10240x128xf32, #tpu.memory_space<hbm>> -> memref<1x80x128xf32, #tpu.memory_space<hbm>>
      %dma_wait3A_56 = tpu.memref_squeeze %dma_wait3A_55 : memref<1x80x128xf32, #tpu.memory_space<hbm>> -> memref<80x128xf32, #tpu.memory_space<hbm>>
      tpu.wait_dma2 semaphore(%run_scoped3A : memref<!tpu.dma_semaphore, #tpu.memory_space<semaphore_mem>>) src(%arg8 : memref<80x128xf32, #tpu.memory_space<vmem>>) dst(%dma_wait3A_56 : memref<80x128xf32, #tpu.memory_space<hbm>>)
      tpu.yield
    }) : () -> ()
    %add3A_33 = arith.constant 80 : i32
    %add3A_34 = arith.addi %mul3A_2, %add3A_33 : i32
    "tpu.region"() ({
      %run_scoped3A = tpu.sem_alloc : memref<!tpu.dma_semaphore, #tpu.memory_space<semaphore_mem>>
      %dma_start3A = arith.constant 0 : i32
      %dma_start3A_47 = tpu.memref_slice %arg12[%add3A_34, %dma_start3A] : memref<10240x128xf32, #tpu.memory_space<vmem_shared>> -> memref<80x128xf32, #tpu.memory_space<vmem_shared>>
      %dma_start3A_48 = arith.constant 0 : i32
      %dma_start3A_49 = tpu.memref_slice %arg12[%add3A_34, %dma_start3A_48] : memref<10240x128xf32, #tpu.memory_space<vmem_shared>> -> memref<80x128xf32, #tpu.memory_space<vmem_shared>>
      tpu.enqueue_dma source(%dma_start3A_49 : memref<80x128xf32, #tpu.memory_space<vmem_shared>>) target(%arg8 : memref<80x128xf32, #tpu.memory_space<vmem>>) target_semaphore(%run_scoped3A : memref<!tpu.dma_semaphore, #tpu.memory_space<semaphore_mem>>)
      %dma_wait3A = arith.constant 0 : i32
      %dma_wait3A_50 = tpu.memref_slice %arg12[%add3A_34, %dma_wait3A] : memref<10240x128xf32, #tpu.memory_space<vmem_shared>> -> memref<80x128xf32, #tpu.memory_space<vmem_shared>>
      %dma_wait3A_51 = arith.constant 0 : i32
      %dma_wait3A_52 = tpu.memref_slice %arg12[%add3A_34, %dma_wait3A_51] : memref<10240x128xf32, #tpu.memory_space<vmem_shared>> -> memref<80x128xf32, #tpu.memory_space<vmem_shared>>
      tpu.wait_dma2 semaphore(%run_scoped3A : memref<!tpu.dma_semaphore, #tpu.memory_space<semaphore_mem>>) src(%dma_wait3A_52 : memref<80x128xf32, #tpu.memory_space<vmem_shared>>) dst(%arg8 : memref<80x128xf32, #tpu.memory_space<vmem>>)
      tpu.yield
    }) : () -> ()
    "tpu.region"() ({
      %run_scoped3A = tpu.sem_alloc : memref<!tpu.dma_semaphore, #tpu.memory_space<semaphore_mem>>
      %dma_start3A = arith.constant 0 : i32
      %dma_start3A_47 = tpu.memref_slice %arg5[%arg0, %add3A_34, %dma_start3A] : memref<2x10240x128xf32, #tpu.memory_space<hbm>> -> memref<1x80x128xf32, #tpu.memory_space<hbm>>
      %dma_start3A_48 = tpu.memref_squeeze %dma_start3A_47 : memref<1x80x128xf32, #tpu.memory_space<hbm>> -> memref<80x128xf32, #tpu.memory_space<hbm>>
      %dma_start3A_49 = arith.constant 0 : i32
      %dma_start3A_50 = tpu.memref_slice %arg5[%arg0, %add3A_34, %dma_start3A_49] : memref<2x10240x128xf32, #tpu.memory_space<hbm>> -> memref<1x80x128xf32, #tpu.memory_space<hbm>>
      %dma_start3A_51 = tpu.memref_squeeze %dma_start3A_50 : memref<1x80x128xf32, #tpu.memory_space<hbm>> -> memref<80x128xf32, #tpu.memory_space<hbm>>
      tpu.enqueue_dma source(%arg8 : memref<80x128xf32, #tpu.memory_space<vmem>>) target(%dma_start3A_51 : memref<80x128xf32, #tpu.memory_space<hbm>>) target_semaphore(%run_scoped3A : memref<!tpu.dma_semaphore, #tpu.memory_space<semaphore_mem>>)
      %dma_wait3A = arith.constant 0 : i32
      %dma_wait3A_52 = tpu.memref_slice %arg5[%arg0, %add3A_34, %dma_wait3A] : memref<2x10240x128xf32, #tpu.memory_space<hbm>> -> memref<1x80x128xf32, #tpu.memory_space<hbm>>
      %dma_wait3A_53 = tpu.memref_squeeze %dma_wait3A_52 : memref<1x80x128xf32, #tpu.memory_space<hbm>> -> memref<80x128xf32, #tpu.memory_space<hbm>>
      %dma_wait3A_54 = arith.constant 0 : i32
      %dma_wait3A_55 = tpu.memref_slice %arg5[%arg0, %add3A_34, %dma_wait3A_54] : memref<2x10240x128xf32, #tpu.memory_space<hbm>> -> memref<1x80x128xf32, #tpu.memory_space<hbm>>
      %dma_wait3A_56 = tpu.memref_squeeze %dma_wait3A_55 : memref<1x80x128xf32, #tpu.memory_space<hbm>> -> memref<80x128xf32, #tpu.memory_space<hbm>>
      tpu.wait_dma2 semaphore(%run_scoped3A : memref<!tpu.dma_semaphore, #tpu.memory_space<semaphore_mem>>) src(%arg8 : memref<80x128xf32, #tpu.memory_space<vmem>>) dst(%dma_wait3A_56 : memref<80x128xf32, #tpu.memory_space<hbm>>)
      tpu.yield
    }) : () -> ()
    %add3A_35 = arith.constant 160 : i32
    %add3A_36 = arith.addi %mul3A_2, %add3A_35 : i32
    "tpu.region"() ({
      %run_scoped3A = tpu.sem_alloc : memref<!tpu.dma_semaphore, #tpu.memory_space<semaphore_mem>>
      %dma_start3A = arith.constant 0 : i32
      %dma_start3A_47 = tpu.memref_slice %arg12[%add3A_36, %dma_start3A] : memref<10240x128xf32, #tpu.memory_space<vmem_shared>> -> memref<80x128xf32, #tpu.memory_space<vmem_shared>>
      %dma_start3A_48 = arith.constant 0 : i32
      %dma_start3A_49 = tpu.memref_slice %arg12[%add3A_36, %dma_start3A_48] : memref<10240x128xf32, #tpu.memory_space<vmem_shared>> -> memref<80x128xf32, #tpu.memory_space<vmem_shared>>
      tpu.enqueue_dma source(%dma_start3A_49 : memref<80x128xf32, #tpu.memory_space<vmem_shared>>) target(%arg8 : memref<80x128xf32, #tpu.memory_space<vmem>>) target_semaphore(%run_scoped3A : memref<!tpu.dma_semaphore, #tpu.memory_space<semaphore_mem>>)
      %dma_wait3A = arith.constant 0 : i32
      %dma_wait3A_50 = tpu.memref_slice %arg12[%add3A_36, %dma_wait3A] : memref<10240x128xf32, #tpu.memory_space<vmem_shared>> -> memref<80x128xf32, #tpu.memory_space<vmem_shared>>
      %dma_wait3A_51 = arith.constant 0 : i32
      %dma_wait3A_52 = tpu.memref_slice %arg12[%add3A_36, %dma_wait3A_51] : memref<10240x128xf32, #tpu.memory_space<vmem_shared>> -> memref<80x128xf32, #tpu.memory_space<vmem_shared>>
      tpu.wait_dma2 semaphore(%run_scoped3A : memref<!tpu.dma_semaphore, #tpu.memory_space<semaphore_mem>>) src(%dma_wait3A_52 : memref<80x128xf32, #tpu.memory_space<vmem_shared>>) dst(%arg8 : memref<80x128xf32, #tpu.memory_space<vmem>>)
      tpu.yield
    }) : () -> ()
    "tpu.region"() ({
      %run_scoped3A = tpu.sem_alloc : memref<!tpu.dma_semaphore, #tpu.memory_space<semaphore_mem>>
      %dma_start3A = arith.constant 0 : i32
      %dma_start3A_47 = tpu.memref_slice %arg5[%arg0, %add3A_36, %dma_start3A] : memref<2x10240x128xf32, #tpu.memory_space<hbm>> -> memref<1x80x128xf32, #tpu.memory_space<hbm>>
      %dma_start3A_48 = tpu.memref_squeeze %dma_start3A_47 : memref<1x80x128xf32, #tpu.memory_space<hbm>> -> memref<80x128xf32, #tpu.memory_space<hbm>>
      %dma_start3A_49 = arith.constant 0 : i32
      %dma_start3A_50 = tpu.memref_slice %arg5[%arg0, %add3A_36, %dma_start3A_49] : memref<2x10240x128xf32, #tpu.memory_space<hbm>> -> memref<1x80x128xf32, #tpu.memory_space<hbm>>
      %dma_start3A_51 = tpu.memref_squeeze %dma_start3A_50 : memref<1x80x128xf32, #tpu.memory_space<hbm>> -> memref<80x128xf32, #tpu.memory_space<hbm>>
      tpu.enqueue_dma source(%arg8 : memref<80x128xf32, #tpu.memory_space<vmem>>) target(%dma_start3A_51 : memref<80x128xf32, #tpu.memory_space<hbm>>) target_semaphore(%run_scoped3A : memref<!tpu.dma_semaphore, #tpu.memory_space<semaphore_mem>>)
      %dma_wait3A = arith.constant 0 : i32
      %dma_wait3A_52 = tpu.memref_slice %arg5[%arg0, %add3A_36, %dma_wait3A] : memref<2x10240x128xf32, #tpu.memory_space<hbm>> -> memref<1x80x128xf32, #tpu.memory_space<hbm>>
      %dma_wait3A_53 = tpu.memref_squeeze %dma_wait3A_52 : memref<1x80x128xf32, #tpu.memory_space<hbm>> -> memref<80x128xf32, #tpu.memory_space<hbm>>
      %dma_wait3A_54 = arith.constant 0 : i32
      %dma_wait3A_55 = tpu.memref_slice %arg5[%arg0, %add3A_36, %dma_wait3A_54] : memref<2x10240x128xf32, #tpu.memory_space<hbm>> -> memref<1x80x128xf32, #tpu.memory_space<hbm>>
      %dma_wait3A_56 = tpu.memref_squeeze %dma_wait3A_55 : memref<1x80x128xf32, #tpu.memory_space<hbm>> -> memref<80x128xf32, #tpu.memory_space<hbm>>
      tpu.wait_dma2 semaphore(%run_scoped3A : memref<!tpu.dma_semaphore, #tpu.memory_space<semaphore_mem>>) src(%arg8 : memref<80x128xf32, #tpu.memory_space<vmem>>) dst(%dma_wait3A_56 : memref<80x128xf32, #tpu.memory_space<hbm>>)
      tpu.yield
    }) : () -> ()
    %add3A_37 = arith.constant 240 : i32
    %add3A_38 = arith.addi %mul3A_2, %add3A_37 : i32
    "tpu.region"() ({
      %run_scoped3A = tpu.sem_alloc : memref<!tpu.dma_semaphore, #tpu.memory_space<semaphore_mem>>
      %dma_start3A = arith.constant 0 : i32
      %dma_start3A_47 = tpu.memref_slice %arg12[%add3A_38, %dma_start3A] : memref<10240x128xf32, #tpu.memory_space<vmem_shared>> -> memref<80x128xf32, #tpu.memory_space<vmem_shared>>
      %dma_start3A_48 = arith.constant 0 : i32
      %dma_start3A_49 = tpu.memref_slice %arg12[%add3A_38, %dma_start3A_48] : memref<10240x128xf32, #tpu.memory_space<vmem_shared>> -> memref<80x128xf32, #tpu.memory_space<vmem_shared>>
      tpu.enqueue_dma source(%dma_start3A_49 : memref<80x128xf32, #tpu.memory_space<vmem_shared>>) target(%arg8 : memref<80x128xf32, #tpu.memory_space<vmem>>) target_semaphore(%run_scoped3A : memref<!tpu.dma_semaphore, #tpu.memory_space<semaphore_mem>>)
      %dma_wait3A = arith.constant 0 : i32
      %dma_wait3A_50 = tpu.memref_slice %arg12[%add3A_38, %dma_wait3A] : memref<10240x128xf32, #tpu.memory_space<vmem_shared>> -> memref<80x128xf32, #tpu.memory_space<vmem_shared>>
      %dma_wait3A_51 = arith.constant 0 : i32
      %dma_wait3A_52 = tpu.memref_slice %arg12[%add3A_38, %dma_wait3A_51] : memref<10240x128xf32, #tpu.memory_space<vmem_shared>> -> memref<80x128xf32, #tpu.memory_space<vmem_shared>>
      tpu.wait_dma2 semaphore(%run_scoped3A : memref<!tpu.dma_semaphore, #tpu.memory_space<semaphore_mem>>) src(%dma_wait3A_52 : memref<80x128xf32, #tpu.memory_space<vmem_shared>>) dst(%arg8 : memref<80x128xf32, #tpu.memory_space<vmem>>)
      tpu.yield
    }) : () -> ()
    "tpu.region"() ({
      %run_scoped3A = tpu.sem_alloc : memref<!tpu.dma_semaphore, #tpu.memory_space<semaphore_mem>>
      %dma_start3A = arith.constant 0 : i32
      %dma_start3A_47 = tpu.memref_slice %arg5[%arg0, %add3A_38, %dma_start3A] : memref<2x10240x128xf32, #tpu.memory_space<hbm>> -> memref<1x80x128xf32, #tpu.memory_space<hbm>>
      %dma_start3A_48 = tpu.memref_squeeze %dma_start3A_47 : memref<1x80x128xf32, #tpu.memory_space<hbm>> -> memref<80x128xf32, #tpu.memory_space<hbm>>
      %dma_start3A_49 = arith.constant 0 : i32
      %dma_start3A_50 = tpu.memref_slice %arg5[%arg0, %add3A_38, %dma_start3A_49] : memref<2x10240x128xf32, #tpu.memory_space<hbm>> -> memref<1x80x128xf32, #tpu.memory_space<hbm>>
      %dma_start3A_51 = tpu.memref_squeeze %dma_start3A_50 : memref<1x80x128xf32, #tpu.memory_space<hbm>> -> memref<80x128xf32, #tpu.memory_space<hbm>>
      tpu.enqueue_dma source(%arg8 : memref<80x128xf32, #tpu.memory_space<vmem>>) target(%dma_start3A_51 : memref<80x128xf32, #tpu.memory_space<hbm>>) target_semaphore(%run_scoped3A : memref<!tpu.dma_semaphore, #tpu.memory_space<semaphore_mem>>)
      %dma_wait3A = arith.constant 0 : i32
      %dma_wait3A_52 = tpu.memref_slice %arg5[%arg0, %add3A_38, %dma_wait3A] : memref<2x10240x128xf32, #tpu.memory_space<hbm>> -> memref<1x80x128xf32, #tpu.memory_space<hbm>>
      %dma_wait3A_53 = tpu.memref_squeeze %dma_wait3A_52 : memref<1x80x128xf32, #tpu.memory_space<hbm>> -> memref<80x128xf32, #tpu.memory_space<hbm>>
      %dma_wait3A_54 = arith.constant 0 : i32
      %dma_wait3A_55 = tpu.memref_slice %arg5[%arg0, %add3A_38, %dma_wait3A_54] : memref<2x10240x128xf32, #tpu.memory_space<hbm>> -> memref<1x80x128xf32, #tpu.memory_space<hbm>>
      %dma_wait3A_56 = tpu.memref_squeeze %dma_wait3A_55 : memref<1x80x128xf32, #tpu.memory_space<hbm>> -> memref<80x128xf32, #tpu.memory_space<hbm>>
      tpu.wait_dma2 semaphore(%run_scoped3A : memref<!tpu.dma_semaphore, #tpu.memory_space<semaphore_mem>>) src(%arg8 : memref<80x128xf32, #tpu.memory_space<vmem>>) dst(%dma_wait3A_56 : memref<80x128xf32, #tpu.memory_space<hbm>>)
      tpu.yield
    }) : () -> ()
    %add3A_39 = arith.constant 320 : i32
    %add3A_40 = arith.addi %mul3A_2, %add3A_39 : i32
    "tpu.region"() ({
      %run_scoped3A = tpu.sem_alloc : memref<!tpu.dma_semaphore, #tpu.memory_space<semaphore_mem>>
      %dma_start3A = arith.constant 0 : i32
      %dma_start3A_47 = tpu.memref_slice %arg12[%add3A_40, %dma_start3A] : memref<10240x128xf32, #tpu.memory_space<vmem_shared>> -> memref<80x128xf32, #tpu.memory_space<vmem_shared>>
      %dma_start3A_48 = arith.constant 0 : i32
      %dma_start3A_49 = tpu.memref_slice %arg12[%add3A_40, %dma_start3A_48] : memref<10240x128xf32, #tpu.memory_space<vmem_shared>> -> memref<80x128xf32, #tpu.memory_space<vmem_shared>>
      tpu.enqueue_dma source(%dma_start3A_49 : memref<80x128xf32, #tpu.memory_space<vmem_shared>>) target(%arg8 : memref<80x128xf32, #tpu.memory_space<vmem>>) target_semaphore(%run_scoped3A : memref<!tpu.dma_semaphore, #tpu.memory_space<semaphore_mem>>)
      %dma_wait3A = arith.constant 0 : i32
      %dma_wait3A_50 = tpu.memref_slice %arg12[%add3A_40, %dma_wait3A] : memref<10240x128xf32, #tpu.memory_space<vmem_shared>> -> memref<80x128xf32, #tpu.memory_space<vmem_shared>>
      %dma_wait3A_51 = arith.constant 0 : i32
      %dma_wait3A_52 = tpu.memref_slice %arg12[%add3A_40, %dma_wait3A_51] : memref<10240x128xf32, #tpu.memory_space<vmem_shared>> -> memref<80x128xf32, #tpu.memory_space<vmem_shared>>
      tpu.wait_dma2 semaphore(%run_scoped3A : memref<!tpu.dma_semaphore, #tpu.memory_space<semaphore_mem>>) src(%dma_wait3A_52 : memref<80x128xf32, #tpu.memory_space<vmem_shared>>) dst(%arg8 : memref<80x128xf32, #tpu.memory_space<vmem>>)
      tpu.yield
    }) : () -> ()
    "tpu.region"() ({
      %run_scoped3A = tpu.sem_alloc : memref<!tpu.dma_semaphore, #tpu.memory_space<semaphore_mem>>
      %dma_start3A = arith.constant 0 : i32
      %dma_start3A_47 = tpu.memref_slice %arg5[%arg0, %add3A_40, %dma_start3A] : memref<2x10240x128xf32, #tpu.memory_space<hbm>> -> memref<1x80x128xf32, #tpu.memory_space<hbm>>
      %dma_start3A_48 = tpu.memref_squeeze %dma_start3A_47 : memref<1x80x128xf32, #tpu.memory_space<hbm>> -> memref<80x128xf32, #tpu.memory_space<hbm>>
      %dma_start3A_49 = arith.constant 0 : i32
      %dma_start3A_50 = tpu.memref_slice %arg5[%arg0, %add3A_40, %dma_start3A_49] : memref<2x10240x128xf32, #tpu.memory_space<hbm>> -> memref<1x80x128xf32, #tpu.memory_space<hbm>>
      %dma_start3A_51 = tpu.memref_squeeze %dma_start3A_50 : memref<1x80x128xf32, #tpu.memory_space<hbm>> -> memref<80x128xf32, #tpu.memory_space<hbm>>
      tpu.enqueue_dma source(%arg8 : memref<80x128xf32, #tpu.memory_space<vmem>>) target(%dma_start3A_51 : memref<80x128xf32, #tpu.memory_space<hbm>>) target_semaphore(%run_scoped3A : memref<!tpu.dma_semaphore, #tpu.memory_space<semaphore_mem>>)
      %dma_wait3A = arith.constant 0 : i32
      %dma_wait3A_52 = tpu.memref_slice %arg5[%arg0, %add3A_40, %dma_wait3A] : memref<2x10240x128xf32, #tpu.memory_space<hbm>> -> memref<1x80x128xf32, #tpu.memory_space<hbm>>
      %dma_wait3A_53 = tpu.memref_squeeze %dma_wait3A_52 : memref<1x80x128xf32, #tpu.memory_space<hbm>> -> memref<80x128xf32, #tpu.memory_space<hbm>>
      %dma_wait3A_54 = arith.constant 0 : i32
      %dma_wait3A_55 = tpu.memref_slice %arg5[%arg0, %add3A_40, %dma_wait3A_54] : memref<2x10240x128xf32, #tpu.memory_space<hbm>> -> memref<1x80x128xf32, #tpu.memory_space<hbm>>
      %dma_wait3A_56 = tpu.memref_squeeze %dma_wait3A_55 : memref<1x80x128xf32, #tpu.memory_space<hbm>> -> memref<80x128xf32, #tpu.memory_space<hbm>>
      tpu.wait_dma2 semaphore(%run_scoped3A : memref<!tpu.dma_semaphore, #tpu.memory_space<semaphore_mem>>) src(%arg8 : memref<80x128xf32, #tpu.memory_space<vmem>>) dst(%dma_wait3A_56 : memref<80x128xf32, #tpu.memory_space<hbm>>)
      tpu.yield
    }) : () -> ()
    %add3A_41 = arith.constant 400 : i32
    %add3A_42 = arith.addi %mul3A_2, %add3A_41 : i32
    "tpu.region"() ({
      %run_scoped3A = tpu.sem_alloc : memref<!tpu.dma_semaphore, #tpu.memory_space<semaphore_mem>>
      %dma_start3A = arith.constant 0 : i32
      %dma_start3A_47 = tpu.memref_slice %arg12[%add3A_42, %dma_start3A] : memref<10240x128xf32, #tpu.memory_space<vmem_shared>> -> memref<80x128xf32, #tpu.memory_space<vmem_shared>>
      %dma_start3A_48 = arith.constant 0 : i32
      %dma_start3A_49 = tpu.memref_slice %arg12[%add3A_42, %dma_start3A_48] : memref<10240x128xf32, #tpu.memory_space<vmem_shared>> -> memref<80x128xf32, #tpu.memory_space<vmem_shared>>
      tpu.enqueue_dma source(%dma_start3A_49 : memref<80x128xf32, #tpu.memory_space<vmem_shared>>) target(%arg8 : memref<80x128xf32, #tpu.memory_space<vmem>>) target_semaphore(%run_scoped3A : memref<!tpu.dma_semaphore, #tpu.memory_space<semaphore_mem>>)
      %dma_wait3A = arith.constant 0 : i32
      %dma_wait3A_50 = tpu.memref_slice %arg12[%add3A_42, %dma_wait3A] : memref<10240x128xf32, #tpu.memory_space<vmem_shared>> -> memref<80x128xf32, #tpu.memory_space<vmem_shared>>
      %dma_wait3A_51 = arith.constant 0 : i32
      %dma_wait3A_52 = tpu.memref_slice %arg12[%add3A_42, %dma_wait3A_51] : memref<10240x128xf32, #tpu.memory_space<vmem_shared>> -> memref<80x128xf32, #tpu.memory_space<vmem_shared>>
      tpu.wait_dma2 semaphore(%run_scoped3A : memref<!tpu.dma_semaphore, #tpu.memory_space<semaphore_mem>>) src(%dma_wait3A_52 : memref<80x128xf32, #tpu.memory_space<vmem_shared>>) dst(%arg8 : memref<80x128xf32, #tpu.memory_space<vmem>>)
      tpu.yield
    }) : () -> ()
    "tpu.region"() ({
      %run_scoped3A = tpu.sem_alloc : memref<!tpu.dma_semaphore, #tpu.memory_space<semaphore_mem>>
      %dma_start3A = arith.constant 0 : i32
      %dma_start3A_47 = tpu.memref_slice %arg5[%arg0, %add3A_42, %dma_start3A] : memref<2x10240x128xf32, #tpu.memory_space<hbm>> -> memref<1x80x128xf32, #tpu.memory_space<hbm>>
      %dma_start3A_48 = tpu.memref_squeeze %dma_start3A_47 : memref<1x80x128xf32, #tpu.memory_space<hbm>> -> memref<80x128xf32, #tpu.memory_space<hbm>>
      %dma_start3A_49 = arith.constant 0 : i32
      %dma_start3A_50 = tpu.memref_slice %arg5[%arg0, %add3A_42, %dma_start3A_49] : memref<2x10240x128xf32, #tpu.memory_space<hbm>> -> memref<1x80x128xf32, #tpu.memory_space<hbm>>
      %dma_start3A_51 = tpu.memref_squeeze %dma_start3A_50 : memref<1x80x128xf32, #tpu.memory_space<hbm>> -> memref<80x128xf32, #tpu.memory_space<hbm>>
      tpu.enqueue_dma source(%arg8 : memref<80x128xf32, #tpu.memory_space<vmem>>) target(%dma_start3A_51 : memref<80x128xf32, #tpu.memory_space<hbm>>) target_semaphore(%run_scoped3A : memref<!tpu.dma_semaphore, #tpu.memory_space<semaphore_mem>>)
      %dma_wait3A = arith.constant 0 : i32
      %dma_wait3A_52 = tpu.memref_slice %arg5[%arg0, %add3A_42, %dma_wait3A] : memref<2x10240x128xf32, #tpu.memory_space<hbm>> -> memref<1x80x128xf32, #tpu.memory_space<hbm>>
      %dma_wait3A_53 = tpu.memref_squeeze %dma_wait3A_52 : memref<1x80x128xf32, #tpu.memory_space<hbm>> -> memref<80x128xf32, #tpu.memory_space<hbm>>
      %dma_wait3A_54 = arith.constant 0 : i32
      %dma_wait3A_55 = tpu.memref_slice %arg5[%arg0, %add3A_42, %dma_wait3A_54] : memref<2x10240x128xf32, #tpu.memory_space<hbm>> -> memref<1x80x128xf32, #tpu.memory_space<hbm>>
      %dma_wait3A_56 = tpu.memref_squeeze %dma_wait3A_55 : memref<1x80x128xf32, #tpu.memory_space<hbm>> -> memref<80x128xf32, #tpu.memory_space<hbm>>
      tpu.wait_dma2 semaphore(%run_scoped3A : memref<!tpu.dma_semaphore, #tpu.memory_space<semaphore_mem>>) src(%arg8 : memref<80x128xf32, #tpu.memory_space<vmem>>) dst(%dma_wait3A_56 : memref<80x128xf32, #tpu.memory_space<hbm>>)
      tpu.yield
    }) : () -> ()
    %add3A_43 = arith.constant 480 : i32
    %add3A_44 = arith.addi %mul3A_2, %add3A_43 : i32
    "tpu.region"() ({
      %run_scoped3A = tpu.sem_alloc : memref<!tpu.dma_semaphore, #tpu.memory_space<semaphore_mem>>
      %dma_start3A = arith.constant 0 : i32
      %dma_start3A_47 = tpu.memref_slice %arg12[%add3A_44, %dma_start3A] : memref<10240x128xf32, #tpu.memory_space<vmem_shared>> -> memref<80x128xf32, #tpu.memory_space<vmem_shared>>
      %dma_start3A_48 = arith.constant 0 : i32
      %dma_start3A_49 = tpu.memref_slice %arg12[%add3A_44, %dma_start3A_48] : memref<10240x128xf32, #tpu.memory_space<vmem_shared>> -> memref<80x128xf32, #tpu.memory_space<vmem_shared>>
      tpu.enqueue_dma source(%dma_start3A_49 : memref<80x128xf32, #tpu.memory_space<vmem_shared>>) target(%arg8 : memref<80x128xf32, #tpu.memory_space<vmem>>) target_semaphore(%run_scoped3A : memref<!tpu.dma_semaphore, #tpu.memory_space<semaphore_mem>>)
      %dma_wait3A = arith.constant 0 : i32
      %dma_wait3A_50 = tpu.memref_slice %arg12[%add3A_44, %dma_wait3A] : memref<10240x128xf32, #tpu.memory_space<vmem_shared>> -> memref<80x128xf32, #tpu.memory_space<vmem_shared>>
      %dma_wait3A_51 = arith.constant 0 : i32
      %dma_wait3A_52 = tpu.memref_slice %arg12[%add3A_44, %dma_wait3A_51] : memref<10240x128xf32, #tpu.memory_space<vmem_shared>> -> memref<80x128xf32, #tpu.memory_space<vmem_shared>>
      tpu.wait_dma2 semaphore(%run_scoped3A : memref<!tpu.dma_semaphore, #tpu.memory_space<semaphore_mem>>) src(%dma_wait3A_52 : memref<80x128xf32, #tpu.memory_space<vmem_shared>>) dst(%arg8 : memref<80x128xf32, #tpu.memory_space<vmem>>)
      tpu.yield
    }) : () -> ()
    "tpu.region"() ({
      %run_scoped3A = tpu.sem_alloc : memref<!tpu.dma_semaphore, #tpu.memory_space<semaphore_mem>>
      %dma_start3A = arith.constant 0 : i32
      %dma_start3A_47 = tpu.memref_slice %arg5[%arg0, %add3A_44, %dma_start3A] : memref<2x10240x128xf32, #tpu.memory_space<hbm>> -> memref<1x80x128xf32, #tpu.memory_space<hbm>>
      %dma_start3A_48 = tpu.memref_squeeze %dma_start3A_47 : memref<1x80x128xf32, #tpu.memory_space<hbm>> -> memref<80x128xf32, #tpu.memory_space<hbm>>
      %dma_start3A_49 = arith.constant 0 : i32
      %dma_start3A_50 = tpu.memref_slice %arg5[%arg0, %add3A_44, %dma_start3A_49] : memref<2x10240x128xf32, #tpu.memory_space<hbm>> -> memref<1x80x128xf32, #tpu.memory_space<hbm>>
      %dma_start3A_51 = tpu.memref_squeeze %dma_start3A_50 : memref<1x80x128xf32, #tpu.memory_space<hbm>> -> memref<80x128xf32, #tpu.memory_space<hbm>>
      tpu.enqueue_dma source(%arg8 : memref<80x128xf32, #tpu.memory_space<vmem>>) target(%dma_start3A_51 : memref<80x128xf32, #tpu.memory_space<hbm>>) target_semaphore(%run_scoped3A : memref<!tpu.dma_semaphore, #tpu.memory_space<semaphore_mem>>)
      %dma_wait3A = arith.constant 0 : i32
      %dma_wait3A_52 = tpu.memref_slice %arg5[%arg0, %add3A_44, %dma_wait3A] : memref<2x10240x128xf32, #tpu.memory_space<hbm>> -> memref<1x80x128xf32, #tpu.memory_space<hbm>>
      %dma_wait3A_53 = tpu.memref_squeeze %dma_wait3A_52 : memref<1x80x128xf32, #tpu.memory_space<hbm>> -> memref<80x128xf32, #tpu.memory_space<hbm>>
      %dma_wait3A_54 = arith.constant 0 : i32
      %dma_wait3A_55 = tpu.memref_slice %arg5[%arg0, %add3A_44, %dma_wait3A_54] : memref<2x10240x128xf32, #tpu.memory_space<hbm>> -> memref<1x80x128xf32, #tpu.memory_space<hbm>>
      %dma_wait3A_56 = tpu.memref_squeeze %dma_wait3A_55 : memref<1x80x128xf32, #tpu.memory_space<hbm>> -> memref<80x128xf32, #tpu.memory_space<hbm>>
      tpu.wait_dma2 semaphore(%run_scoped3A : memref<!tpu.dma_semaphore, #tpu.memory_space<semaphore_mem>>) src(%arg8 : memref<80x128xf32, #tpu.memory_space<vmem>>) dst(%dma_wait3A_56 : memref<80x128xf32, #tpu.memory_space<hbm>>)
      tpu.yield
    }) : () -> ()
    %add3A_45 = arith.constant 560 : i32
    %add3A_46 = arith.addi %mul3A_2, %add3A_45 : i32
    "tpu.region"() ({
      %run_scoped3A = tpu.sem_alloc : memref<!tpu.dma_semaphore, #tpu.memory_space<semaphore_mem>>
      %dma_start3A = arith.constant 0 : i32
      %dma_start3A_47 = tpu.memref_slice %arg12[%add3A_46, %dma_start3A] : memref<10240x128xf32, #tpu.memory_space<vmem_shared>> -> memref<80x128xf32, #tpu.memory_space<vmem_shared>>
      %dma_start3A_48 = arith.constant 0 : i32
      %dma_start3A_49 = tpu.memref_slice %arg12[%add3A_46, %dma_start3A_48] : memref<10240x128xf32, #tpu.memory_space<vmem_shared>> -> memref<80x128xf32, #tpu.memory_space<vmem_shared>>
      tpu.enqueue_dma source(%dma_start3A_49 : memref<80x128xf32, #tpu.memory_space<vmem_shared>>) target(%arg8 : memref<80x128xf32, #tpu.memory_space<vmem>>) target_semaphore(%run_scoped3A : memref<!tpu.dma_semaphore, #tpu.memory_space<semaphore_mem>>)
      %dma_wait3A = arith.constant 0 : i32
      %dma_wait3A_50 = tpu.memref_slice %arg12[%add3A_46, %dma_wait3A] : memref<10240x128xf32, #tpu.memory_space<vmem_shared>> -> memref<80x128xf32, #tpu.memory_space<vmem_shared>>
      %dma_wait3A_51 = arith.constant 0 : i32
      %dma_wait3A_52 = tpu.memref_slice %arg12[%add3A_46, %dma_wait3A_51] : memref<10240x128xf32, #tpu.memory_space<vmem_shared>> -> memref<80x128xf32, #tpu.memory_space<vmem_shared>>
      tpu.wait_dma2 semaphore(%run_scoped3A : memref<!tpu.dma_semaphore, #tpu.memory_space<semaphore_mem>>) src(%dma_wait3A_52 : memref<80x128xf32, #tpu.memory_space<vmem_shared>>) dst(%arg8 : memref<80x128xf32, #tpu.memory_space<vmem>>)
      tpu.yield
    }) : () -> ()
    "tpu.region"() ({
      %run_scoped3A = tpu.sem_alloc : memref<!tpu.dma_semaphore, #tpu.memory_space<semaphore_mem>>
      %dma_start3A = arith.constant 0 : i32
      %dma_start3A_47 = tpu.memref_slice %arg5[%arg0, %add3A_46, %dma_start3A] : memref<2x10240x128xf32, #tpu.memory_space<hbm>> -> memref<1x80x128xf32, #tpu.memory_space<hbm>>
      %dma_start3A_48 = tpu.memref_squeeze %dma_start3A_47 : memref<1x80x128xf32, #tpu.memory_space<hbm>> -> memref<80x128xf32, #tpu.memory_space<hbm>>
      %dma_start3A_49 = arith.constant 0 : i32
      %dma_start3A_50 = tpu.memref_slice %arg5[%arg0, %add3A_46, %dma_start3A_49] : memref<2x10240x128xf32, #tpu.memory_space<hbm>> -> memref<1x80x128xf32, #tpu.memory_space<hbm>>
      %dma_start3A_51 = tpu.memref_squeeze %dma_start3A_50 : memref<1x80x128xf32, #tpu.memory_space<hbm>> -> memref<80x128xf32, #tpu.memory_space<hbm>>
      tpu.enqueue_dma source(%arg8 : memref<80x128xf32, #tpu.memory_space<vmem>>) target(%dma_start3A_51 : memref<80x128xf32, #tpu.memory_space<hbm>>) target_semaphore(%run_scoped3A : memref<!tpu.dma_semaphore, #tpu.memory_space<semaphore_mem>>)
      %dma_wait3A = arith.constant 0 : i32
      %dma_wait3A_52 = tpu.memref_slice %arg5[%arg0, %add3A_46, %dma_wait3A] : memref<2x10240x128xf32, #tpu.memory_space<hbm>> -> memref<1x80x128xf32, #tpu.memory_space<hbm>>
      %dma_wait3A_53 = tpu.memref_squeeze %dma_wait3A_52 : memref<1x80x128xf32, #tpu.memory_space<hbm>> -> memref<80x128xf32, #tpu.memory_space<hbm>>
      %dma_wait3A_54 = arith.constant 0 : i32
      %dma_wait3A_55 = tpu.memref_slice %arg5[%arg0, %add3A_46, %dma_wait3A_54] : memref<2x10240x128xf32, #tpu.memory_space<hbm>> -> memref<1x80x128xf32, #tpu.memory_space<hbm>>
      %dma_wait3A_56 = tpu.memref_squeeze %dma_wait3A_55 : memref<1x80x128xf32, #tpu.memory_space<hbm>> -> memref<80x128xf32, #tpu.memory_space<hbm>>
      tpu.wait_dma2 semaphore(%run_scoped3A : memref<!tpu.dma_semaphore, #tpu.memory_space<semaphore_mem>>) src(%arg8 : memref<80x128xf32, #tpu.memory_space<vmem>>) dst(%dma_wait3A_56 : memref<80x128xf32, #tpu.memory_space<hbm>>)
      tpu.yield
    }) : () -> ()
    return
  }
}

#map = affine_map<(d0, d1) -> (0, 0)>
#map1 = affine_map<(d0, d1) -> (0, 0, 0)>
module attributes {stable_mosaic.version = 14 : i64} {
  func.func @_edge_body(%arg0: i32, %arg1: i32, %arg2: memref<10240x128xf32, #tpu.memory_space<hbm>>, %arg3: memref<32x128x80xi32, #tpu.memory_space<hbm>>, %arg4: memref<32x128x80xi32, #tpu.memory_space<hbm>>, %arg5: memref<2x10240x128xf32, #tpu.memory_space<hbm>>, %arg6: memref<8x80xi32, #tpu.memory_space<vmem>>, %arg7: memref<8x80xi32, #tpu.memory_space<vmem>>, %arg8: memref<80x128xf32, #tpu.memory_space<vmem>>, %arg9: memref<80x128xf32, #tpu.memory_space<vmem>>, %arg10: memref<80x128xf32, #tpu.memory_space<vmem>>, %arg11: memref<80x128xf32, #tpu.memory_space<vmem>>, %arg12: memref<10240x128xf32, #tpu.memory_space<vmem_shared>>, %arg13: memref<!tpu.dma_semaphore, #tpu.memory_space<semaphore_mem>>, %arg14: memref<!tpu.dma_semaphore, #tpu.memory_space<semaphore_mem>>, %arg15: memref<!tpu.dma_semaphore, #tpu.memory_space<semaphore_mem>>, %arg16: memref<!tpu.dma_semaphore, #tpu.memory_space<semaphore_mem>>) attributes {dimension_semantics = [#tpu.dimension_semantics<core_parallel>, #tpu.dimension_semantics<subcore_parallel>], iteration_bounds = array<i64: 2, 16>, scalar_prefetch = 0 : i64, scratch_operands = 11 : i64, tpu.core_type = #tpu.core_type<sc_vector_subcore>, window_params = [{transform_indices = #map}, {transform_indices = #map1}, {transform_indices = #map1}, {transform_indices = #map1}]} {
    %mul3A = arith.constant 16 : i32
    %mul3A_0 = arith.muli %arg0, %mul3A : i32
    %add3A = arith.addi %mul3A_0, %arg1 : i32
    %mul3A_1 = arith.constant 640 : i32
    %mul3A_2 = arith.muli %arg1, %mul3A_1 : i32
    %scan3A = arith.constant 0 : i32
    %scan3A_3 = arith.constant 0 : i32
    %scan3A_4 = arith.constant 80 : i32
    %scan3A_5 = arith.addi %scan3A_3, %scan3A_4 : i32
    %scan3A_6 = arith.constant 1 : i32
    scf.for %scan3A_47 = %scan3A_3 to %scan3A_5 step %scan3A_6  : i32 {
      %broadcast_in_dim3A = arith.constant 0.000000e+00 : f32
      %broadcast_in_dim3A_48 = vector.broadcast %broadcast_in_dim3A : f32 to vector<16xf32>
      %swap3A = arith.index_cast %scan3A_47 : i32 to index
      %swap3A_49 = arith.constant 0 : index
      %swap3A_50 = tpu.vector_load %arg8[%swap3A, %swap3A_49] {strides = array<i32>} : memref<80x128xf32, #tpu.memory_space<vmem>>, vector<1x16xf32>,
      %swap3A_51 = vector.shape_cast %swap3A_50 : vector<1x16xf32> to vector<16xf32>
      %swap3A_52 = vector.shape_cast %broadcast_in_dim3A_48 : vector<16xf32> to vector<1x16xf32>
      tpu.vector_store %arg8[%swap3A, %swap3A_49], %swap3A_52 {strides = array<i32>} : memref<80x128xf32, #tpu.memory_space<vmem>>, vector<1x16xf32>,
      %broadcast_in_dim3A_53 = arith.constant 0.000000e+00 : f32
      %broadcast_in_dim3A_54 = vector.broadcast %broadcast_in_dim3A_53 : f32 to vector<16xf32>
      %swap3A_55 = arith.index_cast %scan3A_47 : i32 to index
      %swap3A_56 = arith.constant 16 : index
      %swap3A_57 = tpu.vector_load %arg8[%swap3A_55, %swap3A_56] {strides = array<i32>} : memref<80x128xf32, #tpu.memory_space<vmem>>, vector<1x16xf32>,
      %swap3A_58 = vector.shape_cast %swap3A_57 : vector<1x16xf32> to vector<16xf32>
      %swap3A_59 = vector.shape_cast %broadcast_in_dim3A_54 : vector<16xf32> to vector<1x16xf32>
      tpu.vector_store %arg8[%swap3A_55, %swap3A_56], %swap3A_59 {strides = array<i32>} : memref<80x128xf32, #tpu.memory_space<vmem>>, vector<1x16xf32>,
      %broadcast_in_dim3A_60 = arith.constant 0.000000e+00 : f32
      %broadcast_in_dim3A_61 = vector.broadcast %broadcast_in_dim3A_60 : f32 to vector<16xf32>
      %swap3A_62 = arith.index_cast %scan3A_47 : i32 to index
      %swap3A_63 = arith.constant 32 : index
      %swap3A_64 = tpu.vector_load %arg8[%swap3A_62, %swap3A_63] {strides = array<i32>} : memref<80x128xf32, #tpu.memory_space<vmem>>, vector<1x16xf32>,
      %swap3A_65 = vector.shape_cast %swap3A_64 : vector<1x16xf32> to vector<16xf32>
      %swap3A_66 = vector.shape_cast %broadcast_in_dim3A_61 : vector<16xf32> to vector<1x16xf32>
      tpu.vector_store %arg8[%swap3A_62, %swap3A_63], %swap3A_66 {strides = array<i32>} : memref<80x128xf32, #tpu.memory_space<vmem>>, vector<1x16xf32>,
      %broadcast_in_dim3A_67 = arith.constant 0.000000e+00 : f32
      %broadcast_in_dim3A_68 = vector.broadcast %broadcast_in_dim3A_67 : f32 to vector<16xf32>
      %swap3A_69 = arith.index_cast %scan3A_47 : i32 to index
      %swap3A_70 = arith.constant 48 : index
      %swap3A_71 = tpu.vector_load %arg8[%swap3A_69, %swap3A_70] {strides = array<i32>} : memref<80x128xf32, #tpu.memory_space<vmem>>, vector<1x16xf32>,
      %swap3A_72 = vector.shape_cast %swap3A_71 : vector<1x16xf32> to vector<16xf32>
      %swap3A_73 = vector.shape_cast %broadcast_in_dim3A_68 : vector<16xf32> to vector<1x16xf32>
      tpu.vector_store %arg8[%swap3A_69, %swap3A_70], %swap3A_73 {strides = array<i32>} : memref<80x128xf32, #tpu.memory_space<vmem>>, vector<1x16xf32>,
      %broadcast_in_dim3A_74 = arith.constant 0.000000e+00 : f32
      %broadcast_in_dim3A_75 = vector.broadcast %broadcast_in_dim3A_74 : f32 to vector<16xf32>
      %swap3A_76 = arith.index_cast %scan3A_47 : i32 to index
      %swap3A_77 = arith.constant 64 : index
      %swap3A_78 = tpu.vector_load %arg8[%swap3A_76, %swap3A_77] {strides = array<i32>} : memref<80x128xf32, #tpu.memory_space<vmem>>, vector<1x16xf32>,
      %swap3A_79 = vector.shape_cast %swap3A_78 : vector<1x16xf32> to vector<16xf32>
      %swap3A_80 = vector.shape_cast %broadcast_in_dim3A_75 : vector<16xf32> to vector<1x16xf32>
      tpu.vector_store %arg8[%swap3A_76, %swap3A_77], %swap3A_80 {strides = array<i32>} : memref<80x128xf32, #tpu.memory_space<vmem>>, vector<1x16xf32>,
      %broadcast_in_dim3A_81 = arith.constant 0.000000e+00 : f32
      %broadcast_in_dim3A_82 = vector.broadcast %broadcast_in_dim3A_81 : f32 to vector<16xf32>
      %swap3A_83 = arith.index_cast %scan3A_47 : i32 to index
      %swap3A_84 = arith.constant 80 : index
      %swap3A_85 = tpu.vector_load %arg8[%swap3A_83, %swap3A_84] {strides = array<i32>} : memref<80x128xf32, #tpu.memory_space<vmem>>, vector<1x16xf32>,
      %swap3A_86 = vector.shape_cast %swap3A_85 : vector<1x16xf32> to vector<16xf32>
      %swap3A_87 = vector.shape_cast %broadcast_in_dim3A_82 : vector<16xf32> to vector<1x16xf32>
      tpu.vector_store %arg8[%swap3A_83, %swap3A_84], %swap3A_87 {strides = array<i32>} : memref<80x128xf32, #tpu.memory_space<vmem>>, vector<1x16xf32>,
      %broadcast_in_dim3A_88 = arith.constant 0.000000e+00 : f32
      %broadcast_in_dim3A_89 = vector.broadcast %broadcast_in_dim3A_88 : f32 to vector<16xf32>
      %swap3A_90 = arith.index_cast %scan3A_47 : i32 to index
      %swap3A_91 = arith.constant 96 : index
      %swap3A_92 = tpu.vector_load %arg8[%swap3A_90, %swap3A_91] {strides = array<i32>} : memref<80x128xf32, #tpu.memory_space<vmem>>, vector<1x16xf32>,
      %swap3A_93 = vector.shape_cast %swap3A_92 : vector<1x16xf32> to vector<16xf32>
      %swap3A_94 = vector.shape_cast %broadcast_in_dim3A_89 : vector<16xf32> to vector<1x16xf32>
      tpu.vector_store %arg8[%swap3A_90, %swap3A_91], %swap3A_94 {strides = array<i32>} : memref<80x128xf32, #tpu.memory_space<vmem>>, vector<1x16xf32>,
      %broadcast_in_dim3A_95 = arith.constant 0.000000e+00 : f32
      %broadcast_in_dim3A_96 = vector.broadcast %broadcast_in_dim3A_95 : f32 to vector<16xf32>
      %swap3A_97 = arith.index_cast %scan3A_47 : i32 to index
      %swap3A_98 = arith.constant 112 : index
      %swap3A_99 = tpu.vector_load %arg8[%swap3A_97, %swap3A_98] {strides = array<i32>} : memref<80x128xf32, #tpu.memory_space<vmem>>, vector<1x16xf32>,
      %swap3A_100 = vector.shape_cast %swap3A_99 : vector<1x16xf32> to vector<16xf32>
      %swap3A_101 = vector.shape_cast %broadcast_in_dim3A_96 : vector<16xf32> to vector<1x16xf32>
      tpu.vector_store %arg8[%swap3A_97, %swap3A_98], %swap3A_101 {strides = array<i32>} : memref<80x128xf32, #tpu.memory_space<vmem>>, vector<1x16xf32>,
    }
    %scan3A_7 = arith.constant 80 : i32
    %add3A_8 = arith.constant 0 : i32
    %add3A_9 = arith.addi %mul3A_2, %add3A_8 : i32
    "tpu.region"() ({
      %run_scoped3A = tpu.sem_alloc : memref<!tpu.dma_semaphore, #tpu.memory_space<semaphore_mem>>
      %dma_start3A = arith.constant 0 : i32
      %dma_start3A_47 = tpu.memref_slice %arg12[%add3A_9, %dma_start3A] : memref<10240x128xf32, #tpu.memory_space<vmem_shared>> -> memref<80x128xf32, #tpu.memory_space<vmem_shared>>
      %dma_start3A_48 = arith.constant 0 : i32
      %dma_start3A_49 = tpu.memref_slice %arg12[%add3A_9, %dma_start3A_48] : memref<10240x128xf32, #tpu.memory_space<vmem_shared>> -> memref<80x128xf32, #tpu.memory_space<vmem_shared>>
      tpu.enqueue_dma source(%arg8 : memref<80x128xf32, #tpu.memory_space<vmem>>) target(%dma_start3A_49 : memref<80x128xf32, #tpu.memory_space<vmem_shared>>) target_semaphore(%run_scoped3A : memref<!tpu.dma_semaphore, #tpu.memory_space<semaphore_mem>>)
      %dma_wait3A = arith.constant 0 : i32
      %dma_wait3A_50 = tpu.memref_slice %arg12[%add3A_9, %dma_wait3A] : memref<10240x128xf32, #tpu.memory_space<vmem_shared>> -> memref<80x128xf32, #tpu.memory_space<vmem_shared>>
      %dma_wait3A_51 = arith.constant 0 : i32
      %dma_wait3A_52 = tpu.memref_slice %arg12[%add3A_9, %dma_wait3A_51] : memref<10240x128xf32, #tpu.memory_space<vmem_shared>> -> memref<80x128xf32, #tpu.memory_space<vmem_shared>>
      tpu.wait_dma2 semaphore(%run_scoped3A : memref<!tpu.dma_semaphore, #tpu.memory_space<semaphore_mem>>) src(%arg8 : memref<80x128xf32, #tpu.memory_space<vmem>>) dst(%dma_wait3A_52 : memref<80x128xf32, #tpu.memory_space<vmem_shared>>)
      tpu.yield
    }) : () -> ()
    %add3A_10 = arith.constant 80 : i32
    %add3A_11 = arith.addi %mul3A_2, %add3A_10 : i32
    "tpu.region"() ({
      %run_scoped3A = tpu.sem_alloc : memref<!tpu.dma_semaphore, #tpu.memory_space<semaphore_mem>>
      %dma_start3A = arith.constant 0 : i32
      %dma_start3A_47 = tpu.memref_slice %arg12[%add3A_11, %dma_start3A] : memref<10240x128xf32, #tpu.memory_space<vmem_shared>> -> memref<80x128xf32, #tpu.memory_space<vmem_shared>>
      %dma_start3A_48 = arith.constant 0 : i32
      %dma_start3A_49 = tpu.memref_slice %arg12[%add3A_11, %dma_start3A_48] : memref<10240x128xf32, #tpu.memory_space<vmem_shared>> -> memref<80x128xf32, #tpu.memory_space<vmem_shared>>
      tpu.enqueue_dma source(%arg8 : memref<80x128xf32, #tpu.memory_space<vmem>>) target(%dma_start3A_49 : memref<80x128xf32, #tpu.memory_space<vmem_shared>>) target_semaphore(%run_scoped3A : memref<!tpu.dma_semaphore, #tpu.memory_space<semaphore_mem>>)
      %dma_wait3A = arith.constant 0 : i32
      %dma_wait3A_50 = tpu.memref_slice %arg12[%add3A_11, %dma_wait3A] : memref<10240x128xf32, #tpu.memory_space<vmem_shared>> -> memref<80x128xf32, #tpu.memory_space<vmem_shared>>
      %dma_wait3A_51 = arith.constant 0 : i32
      %dma_wait3A_52 = tpu.memref_slice %arg12[%add3A_11, %dma_wait3A_51] : memref<10240x128xf32, #tpu.memory_space<vmem_shared>> -> memref<80x128xf32, #tpu.memory_space<vmem_shared>>
      tpu.wait_dma2 semaphore(%run_scoped3A : memref<!tpu.dma_semaphore, #tpu.memory_space<semaphore_mem>>) src(%arg8 : memref<80x128xf32, #tpu.memory_space<vmem>>) dst(%dma_wait3A_52 : memref<80x128xf32, #tpu.memory_space<vmem_shared>>)
      tpu.yield
    }) : () -> ()
    %add3A_12 = arith.constant 160 : i32
    %add3A_13 = arith.addi %mul3A_2, %add3A_12 : i32
    "tpu.region"() ({
      %run_scoped3A = tpu.sem_alloc : memref<!tpu.dma_semaphore, #tpu.memory_space<semaphore_mem>>
      %dma_start3A = arith.constant 0 : i32
      %dma_start3A_47 = tpu.memref_slice %arg12[%add3A_13, %dma_start3A] : memref<10240x128xf32, #tpu.memory_space<vmem_shared>> -> memref<80x128xf32, #tpu.memory_space<vmem_shared>>
      %dma_start3A_48 = arith.constant 0 : i32
      %dma_start3A_49 = tpu.memref_slice %arg12[%add3A_13, %dma_start3A_48] : memref<10240x128xf32, #tpu.memory_space<vmem_shared>> -> memref<80x128xf32, #tpu.memory_space<vmem_shared>>
      tpu.enqueue_dma source(%arg8 : memref<80x128xf32, #tpu.memory_space<vmem>>) target(%dma_start3A_49 : memref<80x128xf32, #tpu.memory_space<vmem_shared>>) target_semaphore(%run_scoped3A : memref<!tpu.dma_semaphore, #tpu.memory_space<semaphore_mem>>)
      %dma_wait3A = arith.constant 0 : i32
      %dma_wait3A_50 = tpu.memref_slice %arg12[%add3A_13, %dma_wait3A] : memref<10240x128xf32, #tpu.memory_space<vmem_shared>> -> memref<80x128xf32, #tpu.memory_space<vmem_shared>>
      %dma_wait3A_51 = arith.constant 0 : i32
      %dma_wait3A_52 = tpu.memref_slice %arg12[%add3A_13, %dma_wait3A_51] : memref<10240x128xf32, #tpu.memory_space<vmem_shared>> -> memref<80x128xf32, #tpu.memory_space<vmem_shared>>
      tpu.wait_dma2 semaphore(%run_scoped3A : memref<!tpu.dma_semaphore, #tpu.memory_space<semaphore_mem>>) src(%arg8 : memref<80x128xf32, #tpu.memory_space<vmem>>) dst(%dma_wait3A_52 : memref<80x128xf32, #tpu.memory_space<vmem_shared>>)
      tpu.yield
    }) : () -> ()
    %add3A_14 = arith.constant 240 : i32
    %add3A_15 = arith.addi %mul3A_2, %add3A_14 : i32
    "tpu.region"() ({
      %run_scoped3A = tpu.sem_alloc : memref<!tpu.dma_semaphore, #tpu.memory_space<semaphore_mem>>
      %dma_start3A = arith.constant 0 : i32
      %dma_start3A_47 = tpu.memref_slice %arg12[%add3A_15, %dma_start3A] : memref<10240x128xf32, #tpu.memory_space<vmem_shared>> -> memref<80x128xf32, #tpu.memory_space<vmem_shared>>
      %dma_start3A_48 = arith.constant 0 : i32
      %dma_start3A_49 = tpu.memref_slice %arg12[%add3A_15, %dma_start3A_48] : memref<10240x128xf32, #tpu.memory_space<vmem_shared>> -> memref<80x128xf32, #tpu.memory_space<vmem_shared>>
      tpu.enqueue_dma source(%arg8 : memref<80x128xf32, #tpu.memory_space<vmem>>) target(%dma_start3A_49 : memref<80x128xf32, #tpu.memory_space<vmem_shared>>) target_semaphore(%run_scoped3A : memref<!tpu.dma_semaphore, #tpu.memory_space<semaphore_mem>>)
      %dma_wait3A = arith.constant 0 : i32
      %dma_wait3A_50 = tpu.memref_slice %arg12[%add3A_15, %dma_wait3A] : memref<10240x128xf32, #tpu.memory_space<vmem_shared>> -> memref<80x128xf32, #tpu.memory_space<vmem_shared>>
      %dma_wait3A_51 = arith.constant 0 : i32
      %dma_wait3A_52 = tpu.memref_slice %arg12[%add3A_15, %dma_wait3A_51] : memref<10240x128xf32, #tpu.memory_space<vmem_shared>> -> memref<80x128xf32, #tpu.memory_space<vmem_shared>>
      tpu.wait_dma2 semaphore(%run_scoped3A : memref<!tpu.dma_semaphore, #tpu.memory_space<semaphore_mem>>) src(%arg8 : memref<80x128xf32, #tpu.memory_space<vmem>>) dst(%dma_wait3A_52 : memref<80x128xf32, #tpu.memory_space<vmem_shared>>)
      tpu.yield
    }) : () -> ()
    %add3A_16 = arith.constant 320 : i32
    %add3A_17 = arith.addi %mul3A_2, %add3A_16 : i32
    "tpu.region"() ({
      %run_scoped3A = tpu.sem_alloc : memref<!tpu.dma_semaphore, #tpu.memory_space<semaphore_mem>>
      %dma_start3A = arith.constant 0 : i32
      %dma_start3A_47 = tpu.memref_slice %arg12[%add3A_17, %dma_start3A] : memref<10240x128xf32, #tpu.memory_space<vmem_shared>> -> memref<80x128xf32, #tpu.memory_space<vmem_shared>>
      %dma_start3A_48 = arith.constant 0 : i32
      %dma_start3A_49 = tpu.memref_slice %arg12[%add3A_17, %dma_start3A_48] : memref<10240x128xf32, #tpu.memory_space<vmem_shared>> -> memref<80x128xf32, #tpu.memory_space<vmem_shared>>
      tpu.enqueue_dma source(%arg8 : memref<80x128xf32, #tpu.memory_space<vmem>>) target(%dma_start3A_49 : memref<80x128xf32, #tpu.memory_space<vmem_shared>>) target_semaphore(%run_scoped3A : memref<!tpu.dma_semaphore, #tpu.memory_space<semaphore_mem>>)
      %dma_wait3A = arith.constant 0 : i32
      %dma_wait3A_50 = tpu.memref_slice %arg12[%add3A_17, %dma_wait3A] : memref<10240x128xf32, #tpu.memory_space<vmem_shared>> -> memref<80x128xf32, #tpu.memory_space<vmem_shared>>
      %dma_wait3A_51 = arith.constant 0 : i32
      %dma_wait3A_52 = tpu.memref_slice %arg12[%add3A_17, %dma_wait3A_51] : memref<10240x128xf32, #tpu.memory_space<vmem_shared>> -> memref<80x128xf32, #tpu.memory_space<vmem_shared>>
      tpu.wait_dma2 semaphore(%run_scoped3A : memref<!tpu.dma_semaphore, #tpu.memory_space<semaphore_mem>>) src(%arg8 : memref<80x128xf32, #tpu.memory_space<vmem>>) dst(%dma_wait3A_52 : memref<80x128xf32, #tpu.memory_space<vmem_shared>>)
      tpu.yield
    }) : () -> ()
    %add3A_18 = arith.constant 400 : i32
    %add3A_19 = arith.addi %mul3A_2, %add3A_18 : i32
    "tpu.region"() ({
      %run_scoped3A = tpu.sem_alloc : memref<!tpu.dma_semaphore, #tpu.memory_space<semaphore_mem>>
      %dma_start3A = arith.constant 0 : i32
      %dma_start3A_47 = tpu.memref_slice %arg12[%add3A_19, %dma_start3A] : memref<10240x128xf32, #tpu.memory_space<vmem_shared>> -> memref<80x128xf32, #tpu.memory_space<vmem_shared>>
      %dma_start3A_48 = arith.constant 0 : i32
      %dma_start3A_49 = tpu.memref_slice %arg12[%add3A_19, %dma_start3A_48] : memref<10240x128xf32, #tpu.memory_space<vmem_shared>> -> memref<80x128xf32, #tpu.memory_space<vmem_shared>>
      tpu.enqueue_dma source(%arg8 : memref<80x128xf32, #tpu.memory_space<vmem>>) target(%dma_start3A_49 : memref<80x128xf32, #tpu.memory_space<vmem_shared>>) target_semaphore(%run_scoped3A : memref<!tpu.dma_semaphore, #tpu.memory_space<semaphore_mem>>)
      %dma_wait3A = arith.constant 0 : i32
      %dma_wait3A_50 = tpu.memref_slice %arg12[%add3A_19, %dma_wait3A] : memref<10240x128xf32, #tpu.memory_space<vmem_shared>> -> memref<80x128xf32, #tpu.memory_space<vmem_shared>>
      %dma_wait3A_51 = arith.constant 0 : i32
      %dma_wait3A_52 = tpu.memref_slice %arg12[%add3A_19, %dma_wait3A_51] : memref<10240x128xf32, #tpu.memory_space<vmem_shared>> -> memref<80x128xf32, #tpu.memory_space<vmem_shared>>
      tpu.wait_dma2 semaphore(%run_scoped3A : memref<!tpu.dma_semaphore, #tpu.memory_space<semaphore_mem>>) src(%arg8 : memref<80x128xf32, #tpu.memory_space<vmem>>) dst(%dma_wait3A_52 : memref<80x128xf32, #tpu.memory_space<vmem_shared>>)
      tpu.yield
    }) : () -> ()
    %add3A_20 = arith.constant 480 : i32
    %add3A_21 = arith.addi %mul3A_2, %add3A_20 : i32
    "tpu.region"() ({
      %run_scoped3A = tpu.sem_alloc : memref<!tpu.dma_semaphore, #tpu.memory_space<semaphore_mem>>
      %dma_start3A = arith.constant 0 : i32
      %dma_start3A_47 = tpu.memref_slice %arg12[%add3A_21, %dma_start3A] : memref<10240x128xf32, #tpu.memory_space<vmem_shared>> -> memref<80x128xf32, #tpu.memory_space<vmem_shared>>
      %dma_start3A_48 = arith.constant 0 : i32
      %dma_start3A_49 = tpu.memref_slice %arg12[%add3A_21, %dma_start3A_48] : memref<10240x128xf32, #tpu.memory_space<vmem_shared>> -> memref<80x128xf32, #tpu.memory_space<vmem_shared>>
      tpu.enqueue_dma source(%arg8 : memref<80x128xf32, #tpu.memory_space<vmem>>) target(%dma_start3A_49 : memref<80x128xf32, #tpu.memory_space<vmem_shared>>) target_semaphore(%run_scoped3A : memref<!tpu.dma_semaphore, #tpu.memory_space<semaphore_mem>>)
      %dma_wait3A = arith.constant 0 : i32
      %dma_wait3A_50 = tpu.memref_slice %arg12[%add3A_21, %dma_wait3A] : memref<10240x128xf32, #tpu.memory_space<vmem_shared>> -> memref<80x128xf32, #tpu.memory_space<vmem_shared>>
      %dma_wait3A_51 = arith.constant 0 : i32
      %dma_wait3A_52 = tpu.memref_slice %arg12[%add3A_21, %dma_wait3A_51] : memref<10240x128xf32, #tpu.memory_space<vmem_shared>> -> memref<80x128xf32, #tpu.memory_space<vmem_shared>>
      tpu.wait_dma2 semaphore(%run_scoped3A : memref<!tpu.dma_semaphore, #tpu.memory_space<semaphore_mem>>) src(%arg8 : memref<80x128xf32, #tpu.memory_space<vmem>>) dst(%dma_wait3A_52 : memref<80x128xf32, #tpu.memory_space<vmem_shared>>)
      tpu.yield
    }) : () -> ()
    %add3A_22 = arith.constant 560 : i32
    %add3A_23 = arith.addi %mul3A_2, %add3A_22 : i32
    "tpu.region"() ({
      %run_scoped3A = tpu.sem_alloc : memref<!tpu.dma_semaphore, #tpu.memory_space<semaphore_mem>>
      %dma_start3A = arith.constant 0 : i32
      %dma_start3A_47 = tpu.memref_slice %arg12[%add3A_23, %dma_start3A] : memref<10240x128xf32, #tpu.memory_space<vmem_shared>> -> memref<80x128xf32, #tpu.memory_space<vmem_shared>>
      %dma_start3A_48 = arith.constant 0 : i32
      %dma_start3A_49 = tpu.memref_slice %arg12[%add3A_23, %dma_start3A_48] : memref<10240x128xf32, #tpu.memory_space<vmem_shared>> -> memref<80x128xf32, #tpu.memory_space<vmem_shared>>
      tpu.enqueue_dma source(%arg8 : memref<80x128xf32, #tpu.memory_space<vmem>>) target(%dma_start3A_49 : memref<80x128xf32, #tpu.memory_space<vmem_shared>>) target_semaphore(%run_scoped3A : memref<!tpu.dma_semaphore, #tpu.memory_space<semaphore_mem>>)
      %dma_wait3A = arith.constant 0 : i32
      %dma_wait3A_50 = tpu.memref_slice %arg12[%add3A_23, %dma_wait3A] : memref<10240x128xf32, #tpu.memory_space<vmem_shared>> -> memref<80x128xf32, #tpu.memory_space<vmem_shared>>
      %dma_wait3A_51 = arith.constant 0 : i32
      %dma_wait3A_52 = tpu.memref_slice %arg12[%add3A_23, %dma_wait3A_51] : memref<10240x128xf32, #tpu.memory_space<vmem_shared>> -> memref<80x128xf32, #tpu.memory_space<vmem_shared>>
      tpu.wait_dma2 semaphore(%run_scoped3A : memref<!tpu.dma_semaphore, #tpu.memory_space<semaphore_mem>>) src(%arg8 : memref<80x128xf32, #tpu.memory_space<vmem>>) dst(%dma_wait3A_52 : memref<80x128xf32, #tpu.memory_space<vmem_shared>>)
      tpu.yield
    }) : () -> ()
    %barrier3A = arith.constant 0 : index
    tpu.barrier barrier_id(%barrier3A)
    %scan3A_24 = arith.constant 0 : i32
    %scan3A_25 = arith.constant 0 : i32
    %scan3A_26 = arith.constant 16 : i32
    %scan3A_27 = arith.addi %scan3A_25, %scan3A_26 : i32
    %scan3A_28 = arith.constant 1 : i32
    scf.for %scan3A_47 = %scan3A_25 to %scan3A_27 step %scan3A_28  : i32 {
      %mul3A_48 = arith.constant 8 : i32
      %mul3A_49 = arith.muli %scan3A_47, %mul3A_48 : i32
      "tpu.region"() ({
        %run_scoped3A_169 = tpu.sem_alloc : memref<!tpu.dma_semaphore, #tpu.memory_space<semaphore_mem>>
        %dma_start3A_170 = arith.constant 0 : i32
        %dma_start3A_171 = tpu.memref_slice %arg3[%add3A, %mul3A_49, %dma_start3A_170] : memref<32x128x80xi32, #tpu.memory_space<hbm>> -> memref<1x8x80xi32, #tpu.memory_space<hbm>>
        %dma_start3A_172 = tpu.memref_squeeze %dma_start3A_171 : memref<1x8x80xi32, #tpu.memory_space<hbm>> -> memref<8x80xi32, #tpu.memory_space<hbm>>
        %dma_start3A_173 = arith.constant 0 : i32
        %dma_start3A_174 = tpu.memref_slice %arg3[%add3A, %mul3A_49, %dma_start3A_173] : memref<32x128x80xi32, #tpu.memory_space<hbm>> -> memref<1x8x80xi32, #tpu.memory_space<hbm>>
        %dma_start3A_175 = tpu.memref_squeeze %dma_start3A_174 : memref<1x8x80xi32, #tpu.memory_space<hbm>> -> memref<8x80xi32, #tpu.memory_space<hbm>>
        tpu.enqueue_dma source(%dma_start3A_175 : memref<8x80xi32, #tpu.memory_space<hbm>>) target(%arg6 : memref<8x80xi32, #tpu.memory_space<vmem>>) target_semaphore(%run_scoped3A_169 : memref<!tpu.dma_semaphore, #tpu.memory_space<semaphore_mem>>)
        %dma_wait3A_176 = arith.constant 0 : i32
        %dma_wait3A_177 = tpu.memref_slice %arg3[%add3A, %mul3A_49, %dma_wait3A_176] : memref<32x128x80xi32, #tpu.memory_space<hbm>> -> memref<1x8x80xi32, #tpu.memory_space<hbm>>
        %dma_wait3A_178 = tpu.memref_squeeze %dma_wait3A_177 : memref<1x8x80xi32, #tpu.memory_space<hbm>> -> memref<8x80xi32, #tpu.memory_space<hbm>>
        %dma_wait3A_179 = arith.constant 0 : i32
        %dma_wait3A_180 = tpu.memref_slice %arg3[%add3A, %mul3A_49, %dma_wait3A_179] : memref<32x128x80xi32, #tpu.memory_space<hbm>> -> memref<1x8x80xi32, #tpu.memory_space<hbm>>
        %dma_wait3A_181 = tpu.memref_squeeze %dma_wait3A_180 : memref<1x8x80xi32, #tpu.memory_space<hbm>> -> memref<8x80xi32, #tpu.memory_space<hbm>>
        tpu.wait_dma2 semaphore(%run_scoped3A_169 : memref<!tpu.dma_semaphore, #tpu.memory_space<semaphore_mem>>) src(%dma_wait3A_181 : memref<8x80xi32, #tpu.memory_space<hbm>>) dst(%arg6 : memref<8x80xi32, #tpu.memory_space<vmem>>)
        tpu.yield
      }) : () -> ()
      %mul3A_50 = arith.constant 8 : i32
      %mul3A_51 = arith.muli %scan3A_47, %mul3A_50 : i32
      "tpu.region"() ({
        %run_scoped3A_169 = tpu.sem_alloc : memref<!tpu.dma_semaphore, #tpu.memory_space<semaphore_mem>>
        %dma_start3A_170 = arith.constant 0 : i32
        %dma_start3A_171 = tpu.memref_slice %arg4[%add3A, %mul3A_51, %dma_start3A_170] : memref<32x128x80xi32, #tpu.memory_space<hbm>> -> memref<1x8x80xi32, #tpu.memory_space<hbm>>
        %dma_start3A_172 = tpu.memref_squeeze %dma_start3A_171 : memref<1x8x80xi32, #tpu.memory_space<hbm>> -> memref<8x80xi32, #tpu.memory_space<hbm>>
        %dma_start3A_173 = arith.constant 0 : i32
        %dma_start3A_174 = tpu.memref_slice %arg4[%add3A, %mul3A_51, %dma_start3A_173] : memref<32x128x80xi32, #tpu.memory_space<hbm>> -> memref<1x8x80xi32, #tpu.memory_space<hbm>>
        %dma_start3A_175 = tpu.memref_squeeze %dma_start3A_174 : memref<1x8x80xi32, #tpu.memory_space<hbm>> -> memref<8x80xi32, #tpu.memory_space<hbm>>
        tpu.enqueue_dma source(%dma_start3A_175 : memref<8x80xi32, #tpu.memory_space<hbm>>) target(%arg7 : memref<8x80xi32, #tpu.memory_space<vmem>>) target_semaphore(%run_scoped3A_169 : memref<!tpu.dma_semaphore, #tpu.memory_space<semaphore_mem>>)
        %dma_wait3A_176 = arith.constant 0 : i32
        %dma_wait3A_177 = tpu.memref_slice %arg4[%add3A, %mul3A_51, %dma_wait3A_176] : memref<32x128x80xi32, #tpu.memory_space<hbm>> -> memref<1x8x80xi32, #tpu.memory_space<hbm>>
        %dma_wait3A_178 = tpu.memref_squeeze %dma_wait3A_177 : memref<1x8x80xi32, #tpu.memory_space<hbm>> -> memref<8x80xi32, #tpu.memory_space<hbm>>
        %dma_wait3A_179 = arith.constant 0 : i32
        %dma_wait3A_180 = tpu.memref_slice %arg4[%add3A, %mul3A_51, %dma_wait3A_179] : memref<32x128x80xi32, #tpu.memory_space<hbm>> -> memref<1x8x80xi32, #tpu.memory_space<hbm>>
        %dma_wait3A_181 = tpu.memref_squeeze %dma_wait3A_180 : memref<1x8x80xi32, #tpu.memory_space<hbm>> -> memref<8x80xi32, #tpu.memory_space<hbm>>
        tpu.wait_dma2 semaphore(%run_scoped3A_169 : memref<!tpu.dma_semaphore, #tpu.memory_space<semaphore_mem>>) src(%dma_wait3A_181 : memref<8x80xi32, #tpu.memory_space<hbm>>) dst(%arg7 : memref<8x80xi32, #tpu.memory_space<vmem>>)
        tpu.yield
      }) : () -> ()
      %dma_start3A = arith.constant 0 : i32
      %dma_start3A_52 = arith.constant 0 : i32
      %dma_start3A_53 = tpu.memref_slice %arg7[%dma_start3A, %dma_start3A_52] : memref<8x80xi32, #tpu.memory_space<vmem>> -> memref<1x80xi32, #tpu.memory_space<vmem>>
      %dma_start3A_54 = tpu.memref_squeeze %dma_start3A_53 : memref<1x80xi32, #tpu.memory_space<vmem>> -> memref<80xi32, #tpu.memory_space<vmem>>
      %dma_start3A_55 = arith.constant 0 : i32
      %dma_start3A_56 = arith.constant 0 : i32
      %dma_start3A_57 = tpu.memref_slice %arg2[%dma_start3A_55, %dma_start3A_56] : memref<10240x128xf32, #tpu.memory_space<hbm>> -> memref<10240x128xf32, #tpu.memory_space<hbm>>
      tpu.enqueue_indirect_dma source(%dma_start3A_57 : memref<10240x128xf32, #tpu.memory_space<hbm>>) target(%arg8 : memref<80x128xf32, #tpu.memory_space<vmem>>) offsets(%dma_start3A_54 : memref<80xi32, #tpu.memory_space<vmem>>) semaphore(%arg13 : memref<!tpu.dma_semaphore, #tpu.memory_space<semaphore_mem>>)
      %dma_start3A_58 = arith.constant 1 : i32
      %dma_start3A_59 = arith.constant 0 : i32
      %dma_start3A_60 = tpu.memref_slice %arg7[%dma_start3A_58, %dma_start3A_59] : memref<8x80xi32, #tpu.memory_space<vmem>> -> memref<1x80xi32, #tpu.memory_space<vmem>>
      %dma_start3A_61 = tpu.memref_squeeze %dma_start3A_60 : memref<1x80xi32, #tpu.memory_space<vmem>> -> memref<80xi32, #tpu.memory_space<vmem>>
      %dma_start3A_62 = arith.constant 0 : i32
      %dma_start3A_63 = arith.constant 0 : i32
      %dma_start3A_64 = tpu.memref_slice %arg2[%dma_start3A_62, %dma_start3A_63] : memref<10240x128xf32, #tpu.memory_space<hbm>> -> memref<10240x128xf32, #tpu.memory_space<hbm>>
      tpu.enqueue_indirect_dma source(%dma_start3A_64 : memref<10240x128xf32, #tpu.memory_space<hbm>>) target(%arg9 : memref<80x128xf32, #tpu.memory_space<vmem>>) offsets(%dma_start3A_61 : memref<80xi32, #tpu.memory_space<vmem>>) semaphore(%arg14 : memref<!tpu.dma_semaphore, #tpu.memory_space<semaphore_mem>>)
      %dma_start3A_65 = arith.constant 2 : i32
      %dma_start3A_66 = arith.constant 0 : i32
      %dma_start3A_67 = tpu.memref_slice %arg7[%dma_start3A_65, %dma_start3A_66] : memref<8x80xi32, #tpu.memory_space<vmem>> -> memref<1x80xi32, #tpu.memory_space<vmem>>
      %dma_start3A_68 = tpu.memref_squeeze %dma_start3A_67 : memref<1x80xi32, #tpu.memory_space<vmem>> -> memref<80xi32, #tpu.memory_space<vmem>>
      %dma_start3A_69 = arith.constant 0 : i32
      %dma_start3A_70 = arith.constant 0 : i32
      %dma_start3A_71 = tpu.memref_slice %arg2[%dma_start3A_69, %dma_start3A_70] : memref<10240x128xf32, #tpu.memory_space<hbm>> -> memref<10240x128xf32, #tpu.memory_space<hbm>>
      tpu.enqueue_indirect_dma source(%dma_start3A_71 : memref<10240x128xf32, #tpu.memory_space<hbm>>) target(%arg10 : memref<80x128xf32, #tpu.memory_space<vmem>>) offsets(%dma_start3A_68 : memref<80xi32, #tpu.memory_space<vmem>>) semaphore(%arg15 : memref<!tpu.dma_semaphore, #tpu.memory_space<semaphore_mem>>)
      %dma_wait3A = arith.constant 0 : i32
      %dma_wait3A_72 = arith.constant 0 : i32
      %dma_wait3A_73 = tpu.memref_slice %arg7[%dma_wait3A, %dma_wait3A_72] : memref<8x80xi32, #tpu.memory_space<vmem>> -> memref<1x80xi32, #tpu.memory_space<vmem>>
      %dma_wait3A_74 = tpu.memref_squeeze %dma_wait3A_73 : memref<1x80xi32, #tpu.memory_space<vmem>> -> memref<80xi32, #tpu.memory_space<vmem>>
      %dma_wait3A_75 = arith.constant 0 : i32
      %dma_wait3A_76 = arith.constant 0 : i32
      %dma_wait3A_77 = tpu.memref_slice %arg2[%dma_wait3A_75, %dma_wait3A_76] : memref<10240x128xf32, #tpu.memory_space<hbm>> -> memref<10240x128xf32, #tpu.memory_space<hbm>>
      tpu.wait_indirect_dma semaphore(%arg13 : memref<!tpu.dma_semaphore, #tpu.memory_space<semaphore_mem>>) src(%dma_wait3A_77 : memref<10240x128xf32, #tpu.memory_space<hbm>>) dst(%arg8 : memref<80x128xf32, #tpu.memory_space<vmem>>)
      %dma_start3A_78 = arith.constant 3 : i32
      %dma_start3A_79 = arith.constant 0 : i32
      %dma_start3A_80 = tpu.memref_slice %arg7[%dma_start3A_78, %dma_start3A_79] : memref<8x80xi32, #tpu.memory_space<vmem>> -> memref<1x80xi32, #tpu.memory_space<vmem>>
      %dma_start3A_81 = tpu.memref_squeeze %dma_start3A_80 : memref<1x80xi32, #tpu.memory_space<vmem>> -> memref<80xi32, #tpu.memory_space<vmem>>
      %dma_start3A_82 = arith.constant 0 : i32
      %dma_start3A_83 = arith.constant 0 : i32
      %dma_start3A_84 = tpu.memref_slice %arg2[%dma_start3A_82, %dma_start3A_83] : memref<10240x128xf32, #tpu.memory_space<hbm>> -> memref<10240x128xf32, #tpu.memory_space<hbm>>
      tpu.enqueue_indirect_dma source(%dma_start3A_84 : memref<10240x128xf32, #tpu.memory_space<hbm>>) target(%arg11 : memref<80x128xf32, #tpu.memory_space<vmem>>) offsets(%dma_start3A_81 : memref<80xi32, #tpu.memory_space<vmem>>) semaphore(%arg16 : memref<!tpu.dma_semaphore, #tpu.memory_space<semaphore_mem>>)
      %run_scoped3A = arith.constant 0 : i32
      "tpu.region"() ({
        %run_scoped3A_169 = tpu.sem_alloc : memref<!tpu.dma_semaphore, #tpu.memory_space<semaphore_mem>>
        %dma_start3A_170 = arith.constant 0 : i32
        %dma_start3A_171 = tpu.memref_slice %arg6[%run_scoped3A, %dma_start3A_170] : memref<8x80xi32, #tpu.memory_space<vmem>> -> memref<1x80xi32, #tpu.memory_space<vmem>>
        %dma_start3A_172 = tpu.memref_squeeze %dma_start3A_171 : memref<1x80xi32, #tpu.memory_space<vmem>> -> memref<80xi32, #tpu.memory_space<vmem>>
        %dma_start3A_173 = arith.constant 0 : i32
        %dma_start3A_174 = arith.constant 0 : i32
        %dma_start3A_175 = tpu.memref_slice %arg12[%dma_start3A_173, %dma_start3A_174] : memref<10240x128xf32, #tpu.memory_space<vmem_shared>> -> memref<10240x128xf32, #tpu.memory_space<vmem_shared>>
        tpu.enqueue_indirect_dma source(%arg8 : memref<80x128xf32, #tpu.memory_space<vmem>>) target(%dma_start3A_175 : memref<10240x128xf32, #tpu.memory_space<vmem_shared>>) offsets(%dma_start3A_172 : memref<80xi32, #tpu.memory_space<vmem>>) semaphore(%run_scoped3A_169 : memref<!tpu.dma_semaphore, #tpu.memory_space<semaphore_mem>>) {add = true}
        %dma_wait3A_176 = arith.constant 0 : i32
        %dma_wait3A_177 = tpu.memref_slice %arg6[%run_scoped3A, %dma_wait3A_176] : memref<8x80xi32, #tpu.memory_space<vmem>> -> memref<1x80xi32, #tpu.memory_space<vmem>>
        %dma_wait3A_178 = tpu.memref_squeeze %dma_wait3A_177 : memref<1x80xi32, #tpu.memory_space<vmem>> -> memref<80xi32, #tpu.memory_space<vmem>>
        %dma_wait3A_179 = arith.constant 0 : i32
        %dma_wait3A_180 = arith.constant 0 : i32
        %dma_wait3A_181 = tpu.memref_slice %arg12[%dma_wait3A_179, %dma_wait3A_180] : memref<10240x128xf32, #tpu.memory_space<vmem_shared>> -> memref<10240x128xf32, #tpu.memory_space<vmem_shared>>
        tpu.wait_indirect_dma semaphore(%run_scoped3A_169 : memref<!tpu.dma_semaphore, #tpu.memory_space<semaphore_mem>>) src(%arg8 : memref<80x128xf32, #tpu.memory_space<vmem>>) dst(%dma_wait3A_181 : memref<10240x128xf32, #tpu.memory_space<vmem_shared>>)
        tpu.yield
      }) : () -> ()
      %dma_wait3A_85 = arith.constant 1 : i32
      %dma_wait3A_86 = arith.constant 0 : i32
      %dma_wait3A_87 = tpu.memref_slice %arg7[%dma_wait3A_85, %dma_wait3A_86] : memref<8x80xi32, #tpu.memory_space<vmem>> -> memref<1x80xi32, #tpu.memory_space<vmem>>
      %dma_wait3A_88 = tpu.memref_squeeze %dma_wait3A_87 : memref<1x80xi32, #tpu.memory_space<vmem>> -> memref<80xi32, #tpu.memory_space<vmem>>
      %dma_wait3A_89 = arith.constant 0 : i32
      %dma_wait3A_90 = arith.constant 0 : i32
      %dma_wait3A_91 = tpu.memref_slice %arg2[%dma_wait3A_89, %dma_wait3A_90] : memref<10240x128xf32, #tpu.memory_space<hbm>> -> memref<10240x128xf32, #tpu.memory_space<hbm>>
      tpu.wait_indirect_dma semaphore(%arg14 : memref<!tpu.dma_semaphore, #tpu.memory_space<semaphore_mem>>) src(%dma_wait3A_91 : memref<10240x128xf32, #tpu.memory_space<hbm>>) dst(%arg9 : memref<80x128xf32, #tpu.memory_space<vmem>>)
      %dma_start3A_92 = arith.constant 4 : i32
      %dma_start3A_93 = arith.constant 0 : i32
      %dma_start3A_94 = tpu.memref_slice %arg7[%dma_start3A_92, %dma_start3A_93] : memref<8x80xi32, #tpu.memory_space<vmem>> -> memref<1x80xi32, #tpu.memory_space<vmem>>
      %dma_start3A_95 = tpu.memref_squeeze %dma_start3A_94 : memref<1x80xi32, #tpu.memory_space<vmem>> -> memref<80xi32, #tpu.memory_space<vmem>>
      %dma_start3A_96 = arith.constant 0 : i32
      %dma_start3A_97 = arith.constant 0 : i32
      %dma_start3A_98 = tpu.memref_slice %arg2[%dma_start3A_96, %dma_start3A_97] : memref<10240x128xf32, #tpu.memory_space<hbm>> -> memref<10240x128xf32, #tpu.memory_space<hbm>>
      tpu.enqueue_indirect_dma source(%dma_start3A_98 : memref<10240x128xf32, #tpu.memory_space<hbm>>) target(%arg8 : memref<80x128xf32, #tpu.memory_space<vmem>>) offsets(%dma_start3A_95 : memref<80xi32, #tpu.memory_space<vmem>>) semaphore(%arg13 : memref<!tpu.dma_semaphore, #tpu.memory_space<semaphore_mem>>)
      %run_scoped3A_99 = arith.constant 1 : i32
      "tpu.region"() ({
        %run_scoped3A_169 = tpu.sem_alloc : memref<!tpu.dma_semaphore, #tpu.memory_space<semaphore_mem>>
        %dma_start3A_170 = arith.constant 0 : i32
        %dma_start3A_171 = tpu.memref_slice %arg6[%run_scoped3A_99, %dma_start3A_170] : memref<8x80xi32, #tpu.memory_space<vmem>> -> memref<1x80xi32, #tpu.memory_space<vmem>>
        %dma_start3A_172 = tpu.memref_squeeze %dma_start3A_171 : memref<1x80xi32, #tpu.memory_space<vmem>> -> memref<80xi32, #tpu.memory_space<vmem>>
        %dma_start3A_173 = arith.constant 0 : i32
        %dma_start3A_174 = arith.constant 0 : i32
        %dma_start3A_175 = tpu.memref_slice %arg12[%dma_start3A_173, %dma_start3A_174] : memref<10240x128xf32, #tpu.memory_space<vmem_shared>> -> memref<10240x128xf32, #tpu.memory_space<vmem_shared>>
        tpu.enqueue_indirect_dma source(%arg9 : memref<80x128xf32, #tpu.memory_space<vmem>>) target(%dma_start3A_175 : memref<10240x128xf32, #tpu.memory_space<vmem_shared>>) offsets(%dma_start3A_172 : memref<80xi32, #tpu.memory_space<vmem>>) semaphore(%run_scoped3A_169 : memref<!tpu.dma_semaphore, #tpu.memory_space<semaphore_mem>>) {add = true}
        %dma_wait3A_176 = arith.constant 0 : i32
        %dma_wait3A_177 = tpu.memref_slice %arg6[%run_scoped3A_99, %dma_wait3A_176] : memref<8x80xi32, #tpu.memory_space<vmem>> -> memref<1x80xi32, #tpu.memory_space<vmem>>
        %dma_wait3A_178 = tpu.memref_squeeze %dma_wait3A_177 : memref<1x80xi32, #tpu.memory_space<vmem>> -> memref<80xi32, #tpu.memory_space<vmem>>
        %dma_wait3A_179 = arith.constant 0 : i32
        %dma_wait3A_180 = arith.constant 0 : i32
        %dma_wait3A_181 = tpu.memref_slice %arg12[%dma_wait3A_179, %dma_wait3A_180] : memref<10240x128xf32, #tpu.memory_space<vmem_shared>> -> memref<10240x128xf32, #tpu.memory_space<vmem_shared>>
        tpu.wait_indirect_dma semaphore(%run_scoped3A_169 : memref<!tpu.dma_semaphore, #tpu.memory_space<semaphore_mem>>) src(%arg9 : memref<80x128xf32, #tpu.memory_space<vmem>>) dst(%dma_wait3A_181 : memref<10240x128xf32, #tpu.memory_space<vmem_shared>>)
        tpu.yield
      }) : () -> ()
      %dma_wait3A_100 = arith.constant 2 : i32
      %dma_wait3A_101 = arith.constant 0 : i32
      %dma_wait3A_102 = tpu.memref_slice %arg7[%dma_wait3A_100, %dma_wait3A_101] : memref<8x80xi32, #tpu.memory_space<vmem>> -> memref<1x80xi32, #tpu.memory_space<vmem>>
      %dma_wait3A_103 = tpu.memref_squeeze %dma_wait3A_102 : memref<1x80xi32, #tpu.memory_space<vmem>> -> memref<80xi32, #tpu.memory_space<vmem>>
      %dma_wait3A_104 = arith.constant 0 : i32
      %dma_wait3A_105 = arith.constant 0 : i32
      %dma_wait3A_106 = tpu.memref_slice %arg2[%dma_wait3A_104, %dma_wait3A_105] : memref<10240x128xf32, #tpu.memory_space<hbm>> -> memref<10240x128xf32, #tpu.memory_space<hbm>>
      tpu.wait_indirect_dma semaphore(%arg15 : memref<!tpu.dma_semaphore, #tpu.memory_space<semaphore_mem>>) src(%dma_wait3A_106 : memref<10240x128xf32, #tpu.memory_space<hbm>>) dst(%arg10 : memref<80x128xf32, #tpu.memory_space<vmem>>)
      %dma_start3A_107 = arith.constant 5 : i32
      %dma_start3A_108 = arith.constant 0 : i32
      %dma_start3A_109 = tpu.memref_slice %arg7[%dma_start3A_107, %dma_start3A_108] : memref<8x80xi32, #tpu.memory_space<vmem>> -> memref<1x80xi32, #tpu.memory_space<vmem>>
      %dma_start3A_110 = tpu.memref_squeeze %dma_start3A_109 : memref<1x80xi32, #tpu.memory_space<vmem>> -> memref<80xi32, #tpu.memory_space<vmem>>
      %dma_start3A_111 = arith.constant 0 : i32
      %dma_start3A_112 = arith.constant 0 : i32
      %dma_start3A_113 = tpu.memref_slice %arg2[%dma_start3A_111, %dma_start3A_112] : memref<10240x128xf32, #tpu.memory_space<hbm>> -> memref<10240x128xf32, #tpu.memory_space<hbm>>
      tpu.enqueue_indirect_dma source(%dma_start3A_113 : memref<10240x128xf32, #tpu.memory_space<hbm>>) target(%arg9 : memref<80x128xf32, #tpu.memory_space<vmem>>) offsets(%dma_start3A_110 : memref<80xi32, #tpu.memory_space<vmem>>) semaphore(%arg14 : memref<!tpu.dma_semaphore, #tpu.memory_space<semaphore_mem>>)
      %run_scoped3A_114 = arith.constant 2 : i32
      "tpu.region"() ({
        %run_scoped3A_169 = tpu.sem_alloc : memref<!tpu.dma_semaphore, #tpu.memory_space<semaphore_mem>>
        %dma_start3A_170 = arith.constant 0 : i32
        %dma_start3A_171 = tpu.memref_slice %arg6[%run_scoped3A_114, %dma_start3A_170] : memref<8x80xi32, #tpu.memory_space<vmem>> -> memref<1x80xi32, #tpu.memory_space<vmem>>
        %dma_start3A_172 = tpu.memref_squeeze %dma_start3A_171 : memref<1x80xi32, #tpu.memory_space<vmem>> -> memref<80xi32, #tpu.memory_space<vmem>>
        %dma_start3A_173 = arith.constant 0 : i32
        %dma_start3A_174 = arith.constant 0 : i32
        %dma_start3A_175 = tpu.memref_slice %arg12[%dma_start3A_173, %dma_start3A_174] : memref<10240x128xf32, #tpu.memory_space<vmem_shared>> -> memref<10240x128xf32, #tpu.memory_space<vmem_shared>>
        tpu.enqueue_indirect_dma source(%arg10 : memref<80x128xf32, #tpu.memory_space<vmem>>) target(%dma_start3A_175 : memref<10240x128xf32, #tpu.memory_space<vmem_shared>>) offsets(%dma_start3A_172 : memref<80xi32, #tpu.memory_space<vmem>>) semaphore(%run_scoped3A_169 : memref<!tpu.dma_semaphore, #tpu.memory_space<semaphore_mem>>) {add = true}
        %dma_wait3A_176 = arith.constant 0 : i32
        %dma_wait3A_177 = tpu.memref_slice %arg6[%run_scoped3A_114, %dma_wait3A_176] : memref<8x80xi32, #tpu.memory_space<vmem>> -> memref<1x80xi32, #tpu.memory_space<vmem>>
        %dma_wait3A_178 = tpu.memref_squeeze %dma_wait3A_177 : memref<1x80xi32, #tpu.memory_space<vmem>> -> memref<80xi32, #tpu.memory_space<vmem>>
        %dma_wait3A_179 = arith.constant 0 : i32
        %dma_wait3A_180 = arith.constant 0 : i32
        %dma_wait3A_181 = tpu.memref_slice %arg12[%dma_wait3A_179, %dma_wait3A_180] : memref<10240x128xf32, #tpu.memory_space<vmem_shared>> -> memref<10240x128xf32, #tpu.memory_space<vmem_shared>>
        tpu.wait_indirect_dma semaphore(%run_scoped3A_169 : memref<!tpu.dma_semaphore, #tpu.memory_space<semaphore_mem>>) src(%arg10 : memref<80x128xf32, #tpu.memory_space<vmem>>) dst(%dma_wait3A_181 : memref<10240x128xf32, #tpu.memory_space<vmem_shared>>)
        tpu.yield
      }) : () -> ()
      %dma_wait3A_115 = arith.constant 3 : i32
      %dma_wait3A_116 = arith.constant 0 : i32
      %dma_wait3A_117 = tpu.memref_slice %arg7[%dma_wait3A_115, %dma_wait3A_116] : memref<8x80xi32, #tpu.memory_space<vmem>> -> memref<1x80xi32, #tpu.memory_space<vmem>>
      %dma_wait3A_118 = tpu.memref_squeeze %dma_wait3A_117 : memref<1x80xi32, #tpu.memory_space<vmem>> -> memref<80xi32, #tpu.memory_space<vmem>>
      %dma_wait3A_119 = arith.constant 0 : i32
      %dma_wait3A_120 = arith.constant 0 : i32
      %dma_wait3A_121 = tpu.memref_slice %arg2[%dma_wait3A_119, %dma_wait3A_120] : memref<10240x128xf32, #tpu.memory_space<hbm>> -> memref<10240x128xf32, #tpu.memory_space<hbm>>
      tpu.wait_indirect_dma semaphore(%arg16 : memref<!tpu.dma_semaphore, #tpu.memory_space<semaphore_mem>>) src(%dma_wait3A_121 : memref<10240x128xf32, #tpu.memory_space<hbm>>) dst(%arg11 : memref<80x128xf32, #tpu.memory_space<vmem>>)
      %dma_start3A_122 = arith.constant 6 : i32
      %dma_start3A_123 = arith.constant 0 : i32
      %dma_start3A_124 = tpu.memref_slice %arg7[%dma_start3A_122, %dma_start3A_123] : memref<8x80xi32, #tpu.memory_space<vmem>> -> memref<1x80xi32, #tpu.memory_space<vmem>>
      %dma_start3A_125 = tpu.memref_squeeze %dma_start3A_124 : memref<1x80xi32, #tpu.memory_space<vmem>> -> memref<80xi32, #tpu.memory_space<vmem>>
      %dma_start3A_126 = arith.constant 0 : i32
      %dma_start3A_127 = arith.constant 0 : i32
      %dma_start3A_128 = tpu.memref_slice %arg2[%dma_start3A_126, %dma_start3A_127] : memref<10240x128xf32, #tpu.memory_space<hbm>> -> memref<10240x128xf32, #tpu.memory_space<hbm>>
      tpu.enqueue_indirect_dma source(%dma_start3A_128 : memref<10240x128xf32, #tpu.memory_space<hbm>>) target(%arg10 : memref<80x128xf32, #tpu.memory_space<vmem>>) offsets(%dma_start3A_125 : memref<80xi32, #tpu.memory_space<vmem>>) semaphore(%arg15 : memref<!tpu.dma_semaphore, #tpu.memory_space<semaphore_mem>>)
      %run_scoped3A_129 = arith.constant 3 : i32
      "tpu.region"() ({
        %run_scoped3A_169 = tpu.sem_alloc : memref<!tpu.dma_semaphore, #tpu.memory_space<semaphore_mem>>
        %dma_start3A_170 = arith.constant 0 : i32
        %dma_start3A_171 = tpu.memref_slice %arg6[%run_scoped3A_129, %dma_start3A_170] : memref<8x80xi32, #tpu.memory_space<vmem>> -> memref<1x80xi32, #tpu.memory_space<vmem>>
        %dma_start3A_172 = tpu.memref_squeeze %dma_start3A_171 : memref<1x80xi32, #tpu.memory_space<vmem>> -> memref<80xi32, #tpu.memory_space<vmem>>
        %dma_start3A_173 = arith.constant 0 : i32
        %dma_start3A_174 = arith.constant 0 : i32
        %dma_start3A_175 = tpu.memref_slice %arg12[%dma_start3A_173, %dma_start3A_174] : memref<10240x128xf32, #tpu.memory_space<vmem_shared>> -> memref<10240x128xf32, #tpu.memory_space<vmem_shared>>
        tpu.enqueue_indirect_dma source(%arg11 : memref<80x128xf32, #tpu.memory_space<vmem>>) target(%dma_start3A_175 : memref<10240x128xf32, #tpu.memory_space<vmem_shared>>) offsets(%dma_start3A_172 : memref<80xi32, #tpu.memory_space<vmem>>) semaphore(%run_scoped3A_169 : memref<!tpu.dma_semaphore, #tpu.memory_space<semaphore_mem>>) {add = true}
        %dma_wait3A_176 = arith.constant 0 : i32
        %dma_wait3A_177 = tpu.memref_slice %arg6[%run_scoped3A_129, %dma_wait3A_176] : memref<8x80xi32, #tpu.memory_space<vmem>> -> memref<1x80xi32, #tpu.memory_space<vmem>>
        %dma_wait3A_178 = tpu.memref_squeeze %dma_wait3A_177 : memref<1x80xi32, #tpu.memory_space<vmem>> -> memref<80xi32, #tpu.memory_space<vmem>>
        %dma_wait3A_179 = arith.constant 0 : i32
        %dma_wait3A_180 = arith.constant 0 : i32
        %dma_wait3A_181 = tpu.memref_slice %arg12[%dma_wait3A_179, %dma_wait3A_180] : memref<10240x128xf32, #tpu.memory_space<vmem_shared>> -> memref<10240x128xf32, #tpu.memory_space<vmem_shared>>
        tpu.wait_indirect_dma semaphore(%run_scoped3A_169 : memref<!tpu.dma_semaphore, #tpu.memory_space<semaphore_mem>>) src(%arg11 : memref<80x128xf32, #tpu.memory_space<vmem>>) dst(%dma_wait3A_181 : memref<10240x128xf32, #tpu.memory_space<vmem_shared>>)
        tpu.yield
      }) : () -> ()
      %dma_wait3A_130 = arith.constant 4 : i32
      %dma_wait3A_131 = arith.constant 0 : i32
      %dma_wait3A_132 = tpu.memref_slice %arg7[%dma_wait3A_130, %dma_wait3A_131] : memref<8x80xi32, #tpu.memory_space<vmem>> -> memref<1x80xi32, #tpu.memory_space<vmem>>
      %dma_wait3A_133 = tpu.memref_squeeze %dma_wait3A_132 : memref<1x80xi32, #tpu.memory_space<vmem>> -> memref<80xi32, #tpu.memory_space<vmem>>
      %dma_wait3A_134 = arith.constant 0 : i32
      %dma_wait3A_135 = arith.constant 0 : i32
      %dma_wait3A_136 = tpu.memref_slice %arg2[%dma_wait3A_134, %dma_wait3A_135] : memref<10240x128xf32, #tpu.memory_space<hbm>> -> memref<10240x128xf32, #tpu.memory_space<hbm>>
      tpu.wait_indirect_dma semaphore(%arg13 : memref<!tpu.dma_semaphore, #tpu.memory_space<semaphore_mem>>) src(%dma_wait3A_136 : memref<10240x128xf32, #tpu.memory_space<hbm>>) dst(%arg8 : memref<80x128xf32, #tpu.memory_space<vmem>>)
      %dma_start3A_137 = arith.constant 7 : i32
      %dma_start3A_138 = arith.constant 0 : i32
      %dma_start3A_139 = tpu.memref_slice %arg7[%dma_start3A_137, %dma_start3A_138] : memref<8x80xi32, #tpu.memory_space<vmem>> -> memref<1x80xi32, #tpu.memory_space<vmem>>
      %dma_start3A_140 = tpu.memref_squeeze %dma_start3A_139 : memref<1x80xi32, #tpu.memory_space<vmem>> -> memref<80xi32, #tpu.memory_space<vmem>>
      %dma_start3A_141 = arith.constant 0 : i32
      %dma_start3A_142 = arith.constant 0 : i32
      %dma_start3A_143 = tpu.memref_slice %arg2[%dma_start3A_141, %dma_start3A_142] : memref<10240x128xf32, #tpu.memory_space<hbm>> -> memref<10240x128xf32, #tpu.memory_space<hbm>>
      tpu.enqueue_indirect_dma source(%dma_start3A_143 : memref<10240x128xf32, #tpu.memory_space<hbm>>) target(%arg11 : memref<80x128xf32, #tpu.memory_space<vmem>>) offsets(%dma_start3A_140 : memref<80xi32, #tpu.memory_space<vmem>>) semaphore(%arg16 : memref<!tpu.dma_semaphore, #tpu.memory_space<semaphore_mem>>)
      %run_scoped3A_144 = arith.constant 4 : i32
      "tpu.region"() ({
        %run_scoped3A_169 = tpu.sem_alloc : memref<!tpu.dma_semaphore, #tpu.memory_space<semaphore_mem>>
        %dma_start3A_170 = arith.constant 0 : i32
        %dma_start3A_171 = tpu.memref_slice %arg6[%run_scoped3A_144, %dma_start3A_170] : memref<8x80xi32, #tpu.memory_space<vmem>> -> memref<1x80xi32, #tpu.memory_space<vmem>>
        %dma_start3A_172 = tpu.memref_squeeze %dma_start3A_171 : memref<1x80xi32, #tpu.memory_space<vmem>> -> memref<80xi32, #tpu.memory_space<vmem>>
        %dma_start3A_173 = arith.constant 0 : i32
        %dma_start3A_174 = arith.constant 0 : i32
        %dma_start3A_175 = tpu.memref_slice %arg12[%dma_start3A_173, %dma_start3A_174] : memref<10240x128xf32, #tpu.memory_space<vmem_shared>> -> memref<10240x128xf32, #tpu.memory_space<vmem_shared>>
        tpu.enqueue_indirect_dma source(%arg8 : memref<80x128xf32, #tpu.memory_space<vmem>>) target(%dma_start3A_175 : memref<10240x128xf32, #tpu.memory_space<vmem_shared>>) offsets(%dma_start3A_172 : memref<80xi32, #tpu.memory_space<vmem>>) semaphore(%run_scoped3A_169 : memref<!tpu.dma_semaphore, #tpu.memory_space<semaphore_mem>>) {add = true}
        %dma_wait3A_176 = arith.constant 0 : i32
        %dma_wait3A_177 = tpu.memref_slice %arg6[%run_scoped3A_144, %dma_wait3A_176] : memref<8x80xi32, #tpu.memory_space<vmem>> -> memref<1x80xi32, #tpu.memory_space<vmem>>
        %dma_wait3A_178 = tpu.memref_squeeze %dma_wait3A_177 : memref<1x80xi32, #tpu.memory_space<vmem>> -> memref<80xi32, #tpu.memory_space<vmem>>
        %dma_wait3A_179 = arith.constant 0 : i32
        %dma_wait3A_180 = arith.constant 0 : i32
        %dma_wait3A_181 = tpu.memref_slice %arg12[%dma_wait3A_179, %dma_wait3A_180] : memref<10240x128xf32, #tpu.memory_space<vmem_shared>> -> memref<10240x128xf32, #tpu.memory_space<vmem_shared>>
        tpu.wait_indirect_dma semaphore(%run_scoped3A_169 : memref<!tpu.dma_semaphore, #tpu.memory_space<semaphore_mem>>) src(%arg8 : memref<80x128xf32, #tpu.memory_space<vmem>>) dst(%dma_wait3A_181 : memref<10240x128xf32, #tpu.memory_space<vmem_shared>>)
        tpu.yield
      }) : () -> ()
      %dma_wait3A_145 = arith.constant 5 : i32
      %dma_wait3A_146 = arith.constant 0 : i32
      %dma_wait3A_147 = tpu.memref_slice %arg7[%dma_wait3A_145, %dma_wait3A_146] : memref<8x80xi32, #tpu.memory_space<vmem>> -> memref<1x80xi32, #tpu.memory_space<vmem>>
      %dma_wait3A_148 = tpu.memref_squeeze %dma_wait3A_147 : memref<1x80xi32, #tpu.memory_space<vmem>> -> memref<80xi32, #tpu.memory_space<vmem>>
      %dma_wait3A_149 = arith.constant 0 : i32
      %dma_wait3A_150 = arith.constant 0 : i32
      %dma_wait3A_151 = tpu.memref_slice %arg2[%dma_wait3A_149, %dma_wait3A_150] : memref<10240x128xf32, #tpu.memory_space<hbm>> -> memref<10240x128xf32, #tpu.memory_space<hbm>>
      tpu.wait_indirect_dma semaphore(%arg14 : memref<!tpu.dma_semaphore, #tpu.memory_space<semaphore_mem>>) src(%dma_wait3A_151 : memref<10240x128xf32, #tpu.memory_space<hbm>>) dst(%arg9 : memref<80x128xf32, #tpu.memory_space<vmem>>)
      %run_scoped3A_152 = arith.constant 5 : i32
      "tpu.region"() ({
        %run_scoped3A_169 = tpu.sem_alloc : memref<!tpu.dma_semaphore, #tpu.memory_space<semaphore_mem>>
        %dma_start3A_170 = arith.constant 0 : i32
        %dma_start3A_171 = tpu.memref_slice %arg6[%run_scoped3A_152, %dma_start3A_170] : memref<8x80xi32, #tpu.memory_space<vmem>> -> memref<1x80xi32, #tpu.memory_space<vmem>>
        %dma_start3A_172 = tpu.memref_squeeze %dma_start3A_171 : memref<1x80xi32, #tpu.memory_space<vmem>> -> memref<80xi32, #tpu.memory_space<vmem>>
        %dma_start3A_173 = arith.constant 0 : i32
        %dma_start3A_174 = arith.constant 0 : i32
        %dma_start3A_175 = tpu.memref_slice %arg12[%dma_start3A_173, %dma_start3A_174] : memref<10240x128xf32, #tpu.memory_space<vmem_shared>> -> memref<10240x128xf32, #tpu.memory_space<vmem_shared>>
        tpu.enqueue_indirect_dma source(%arg9 : memref<80x128xf32, #tpu.memory_space<vmem>>) target(%dma_start3A_175 : memref<10240x128xf32, #tpu.memory_space<vmem_shared>>) offsets(%dma_start3A_172 : memref<80xi32, #tpu.memory_space<vmem>>) semaphore(%run_scoped3A_169 : memref<!tpu.dma_semaphore, #tpu.memory_space<semaphore_mem>>) {add = true}
        %dma_wait3A_176 = arith.constant 0 : i32
        %dma_wait3A_177 = tpu.memref_slice %arg6[%run_scoped3A_152, %dma_wait3A_176] : memref<8x80xi32, #tpu.memory_space<vmem>> -> memref<1x80xi32, #tpu.memory_space<vmem>>
        %dma_wait3A_178 = tpu.memref_squeeze %dma_wait3A_177 : memref<1x80xi32, #tpu.memory_space<vmem>> -> memref<80xi32, #tpu.memory_space<vmem>>
        %dma_wait3A_179 = arith.constant 0 : i32
        %dma_wait3A_180 = arith.constant 0 : i32
        %dma_wait3A_181 = tpu.memref_slice %arg12[%dma_wait3A_179, %dma_wait3A_180] : memref<10240x128xf32, #tpu.memory_space<vmem_shared>> -> memref<10240x128xf32, #tpu.memory_space<vmem_shared>>
        tpu.wait_indirect_dma semaphore(%run_scoped3A_169 : memref<!tpu.dma_semaphore, #tpu.memory_space<semaphore_mem>>) src(%arg9 : memref<80x128xf32, #tpu.memory_space<vmem>>) dst(%dma_wait3A_181 : memref<10240x128xf32, #tpu.memory_space<vmem_shared>>)
        tpu.yield
      }) : () -> ()
      %dma_wait3A_153 = arith.constant 6 : i32
      %dma_wait3A_154 = arith.constant 0 : i32
      %dma_wait3A_155 = tpu.memref_slice %arg7[%dma_wait3A_153, %dma_wait3A_154] : memref<8x80xi32, #tpu.memory_space<vmem>> -> memref<1x80xi32, #tpu.memory_space<vmem>>
      %dma_wait3A_156 = tpu.memref_squeeze %dma_wait3A_155 : memref<1x80xi32, #tpu.memory_space<vmem>> -> memref<80xi32, #tpu.memory_space<vmem>>
      %dma_wait3A_157 = arith.constant 0 : i32
      %dma_wait3A_158 = arith.constant 0 : i32
      %dma_wait3A_159 = tpu.memref_slice %arg2[%dma_wait3A_157, %dma_wait3A_158] : memref<10240x128xf32, #tpu.memory_space<hbm>> -> memref<10240x128xf32, #tpu.memory_space<hbm>>
      tpu.wait_indirect_dma semaphore(%arg15 : memref<!tpu.dma_semaphore, #tpu.memory_space<semaphore_mem>>) src(%dma_wait3A_159 : memref<10240x128xf32, #tpu.memory_space<hbm>>) dst(%arg10 : memref<80x128xf32, #tpu.memory_space<vmem>>)
      %run_scoped3A_160 = arith.constant 6 : i32
      "tpu.region"() ({
        %run_scoped3A_169 = tpu.sem_alloc : memref<!tpu.dma_semaphore, #tpu.memory_space<semaphore_mem>>
        %dma_start3A_170 = arith.constant 0 : i32
        %dma_start3A_171 = tpu.memref_slice %arg6[%run_scoped3A_160, %dma_start3A_170] : memref<8x80xi32, #tpu.memory_space<vmem>> -> memref<1x80xi32, #tpu.memory_space<vmem>>
        %dma_start3A_172 = tpu.memref_squeeze %dma_start3A_171 : memref<1x80xi32, #tpu.memory_space<vmem>> -> memref<80xi32, #tpu.memory_space<vmem>>
        %dma_start3A_173 = arith.constant 0 : i32
        %dma_start3A_174 = arith.constant 0 : i32
        %dma_start3A_175 = tpu.memref_slice %arg12[%dma_start3A_173, %dma_start3A_174] : memref<10240x128xf32, #tpu.memory_space<vmem_shared>> -> memref<10240x128xf32, #tpu.memory_space<vmem_shared>>
        tpu.enqueue_indirect_dma source(%arg10 : memref<80x128xf32, #tpu.memory_space<vmem>>) target(%dma_start3A_175 : memref<10240x128xf32, #tpu.memory_space<vmem_shared>>) offsets(%dma_start3A_172 : memref<80xi32, #tpu.memory_space<vmem>>) semaphore(%run_scoped3A_169 : memref<!tpu.dma_semaphore, #tpu.memory_space<semaphore_mem>>) {add = true}
        %dma_wait3A_176 = arith.constant 0 : i32
        %dma_wait3A_177 = tpu.memref_slice %arg6[%run_scoped3A_160, %dma_wait3A_176] : memref<8x80xi32, #tpu.memory_space<vmem>> -> memref<1x80xi32, #tpu.memory_space<vmem>>
        %dma_wait3A_178 = tpu.memref_squeeze %dma_wait3A_177 : memref<1x80xi32, #tpu.memory_space<vmem>> -> memref<80xi32, #tpu.memory_space<vmem>>
        %dma_wait3A_179 = arith.constant 0 : i32
        %dma_wait3A_180 = arith.constant 0 : i32
        %dma_wait3A_181 = tpu.memref_slice %arg12[%dma_wait3A_179, %dma_wait3A_180] : memref<10240x128xf32, #tpu.memory_space<vmem_shared>> -> memref<10240x128xf32, #tpu.memory_space<vmem_shared>>
        tpu.wait_indirect_dma semaphore(%run_scoped3A_169 : memref<!tpu.dma_semaphore, #tpu.memory_space<semaphore_mem>>) src(%arg10 : memref<80x128xf32, #tpu.memory_space<vmem>>) dst(%dma_wait3A_181 : memref<10240x128xf32, #tpu.memory_space<vmem_shared>>)
        tpu.yield
      }) : () -> ()
      %dma_wait3A_161 = arith.constant 7 : i32
      %dma_wait3A_162 = arith.constant 0 : i32
      %dma_wait3A_163 = tpu.memref_slice %arg7[%dma_wait3A_161, %dma_wait3A_162] : memref<8x80xi32, #tpu.memory_space<vmem>> -> memref<1x80xi32, #tpu.memory_space<vmem>>
      %dma_wait3A_164 = tpu.memref_squeeze %dma_wait3A_163 : memref<1x80xi32, #tpu.memory_space<vmem>> -> memref<80xi32, #tpu.memory_space<vmem>>
      %dma_wait3A_165 = arith.constant 0 : i32
      %dma_wait3A_166 = arith.constant 0 : i32
      %dma_wait3A_167 = tpu.memref_slice %arg2[%dma_wait3A_165, %dma_wait3A_166] : memref<10240x128xf32, #tpu.memory_space<hbm>> -> memref<10240x128xf32, #tpu.memory_space<hbm>>
      tpu.wait_indirect_dma semaphore(%arg16 : memref<!tpu.dma_semaphore, #tpu.memory_space<semaphore_mem>>) src(%dma_wait3A_167 : memref<10240x128xf32, #tpu.memory_space<hbm>>) dst(%arg11 : memref<80x128xf32, #tpu.memory_space<vmem>>)
      %run_scoped3A_168 = arith.constant 7 : i32
      "tpu.region"() ({
        %run_scoped3A_169 = tpu.sem_alloc : memref<!tpu.dma_semaphore, #tpu.memory_space<semaphore_mem>>
        %dma_start3A_170 = arith.constant 0 : i32
        %dma_start3A_171 = tpu.memref_slice %arg6[%run_scoped3A_168, %dma_start3A_170] : memref<8x80xi32, #tpu.memory_space<vmem>> -> memref<1x80xi32, #tpu.memory_space<vmem>>
        %dma_start3A_172 = tpu.memref_squeeze %dma_start3A_171 : memref<1x80xi32, #tpu.memory_space<vmem>> -> memref<80xi32, #tpu.memory_space<vmem>>
        %dma_start3A_173 = arith.constant 0 : i32
        %dma_start3A_174 = arith.constant 0 : i32
        %dma_start3A_175 = tpu.memref_slice %arg12[%dma_start3A_173, %dma_start3A_174] : memref<10240x128xf32, #tpu.memory_space<vmem_shared>> -> memref<10240x128xf32, #tpu.memory_space<vmem_shared>>
        tpu.enqueue_indirect_dma source(%arg11 : memref<80x128xf32, #tpu.memory_space<vmem>>) target(%dma_start3A_175 : memref<10240x128xf32, #tpu.memory_space<vmem_shared>>) offsets(%dma_start3A_172 : memref<80xi32, #tpu.memory_space<vmem>>) semaphore(%run_scoped3A_169 : memref<!tpu.dma_semaphore, #tpu.memory_space<semaphore_mem>>) {add = true}
        %dma_wait3A_176 = arith.constant 0 : i32
        %dma_wait3A_177 = tpu.memref_slice %arg6[%run_scoped3A_168, %dma_wait3A_176] : memref<8x80xi32, #tpu.memory_space<vmem>> -> memref<1x80xi32, #tpu.memory_space<vmem>>
        %dma_wait3A_178 = tpu.memref_squeeze %dma_wait3A_177 : memref<1x80xi32, #tpu.memory_space<vmem>> -> memref<80xi32, #tpu.memory_space<vmem>>
        %dma_wait3A_179 = arith.constant 0 : i32
        %dma_wait3A_180 = arith.constant 0 : i32
        %dma_wait3A_181 = tpu.memref_slice %arg12[%dma_wait3A_179, %dma_wait3A_180] : memref<10240x128xf32, #tpu.memory_space<vmem_shared>> -> memref<10240x128xf32, #tpu.memory_space<vmem_shared>>
        tpu.wait_indirect_dma semaphore(%run_scoped3A_169 : memref<!tpu.dma_semaphore, #tpu.memory_space<semaphore_mem>>) src(%arg11 : memref<80x128xf32, #tpu.memory_space<vmem>>) dst(%dma_wait3A_181 : memref<10240x128xf32, #tpu.memory_space<vmem_shared>>)
        tpu.yield
      }) : () -> ()
    }
    %scan3A_29 = arith.constant 16 : i32
    %barrier3A_30 = arith.constant 0 : index
    tpu.barrier barrier_id(%barrier3A_30)
    %add3A_31 = arith.constant 0 : i32
    %add3A_32 = arith.addi %mul3A_2, %add3A_31 : i32
    "tpu.region"() ({
      %run_scoped3A = tpu.sem_alloc : memref<!tpu.dma_semaphore, #tpu.memory_space<semaphore_mem>>
      %dma_start3A = arith.constant 0 : i32
      %dma_start3A_47 = tpu.memref_slice %arg12[%add3A_32, %dma_start3A] : memref<10240x128xf32, #tpu.memory_space<vmem_shared>> -> memref<80x128xf32, #tpu.memory_space<vmem_shared>>
      %dma_start3A_48 = arith.constant 0 : i32
      %dma_start3A_49 = tpu.memref_slice %arg12[%add3A_32, %dma_start3A_48] : memref<10240x128xf32, #tpu.memory_space<vmem_shared>> -> memref<80x128xf32, #tpu.memory_space<vmem_shared>>
      tpu.enqueue_dma source(%dma_start3A_49 : memref<80x128xf32, #tpu.memory_space<vmem_shared>>) target(%arg8 : memref<80x128xf32, #tpu.memory_space<vmem>>) target_semaphore(%run_scoped3A : memref<!tpu.dma_semaphore, #tpu.memory_space<semaphore_mem>>)
      %dma_wait3A = arith.constant 0 : i32
      %dma_wait3A_50 = tpu.memref_slice %arg12[%add3A_32, %dma_wait3A] : memref<10240x128xf32, #tpu.memory_space<vmem_shared>> -> memref<80x128xf32, #tpu.memory_space<vmem_shared>>
      %dma_wait3A_51 = arith.constant 0 : i32
      %dma_wait3A_52 = tpu.memref_slice %arg12[%add3A_32, %dma_wait3A_51] : memref<10240x128xf32, #tpu.memory_space<vmem_shared>> -> memref<80x128xf32, #tpu.memory_space<vmem_shared>>
      tpu.wait_dma2 semaphore(%run_scoped3A : memref<!tpu.dma_semaphore, #tpu.memory_space<semaphore_mem>>) src(%dma_wait3A_52 : memref<80x128xf32, #tpu.memory_space<vmem_shared>>) dst(%arg8 : memref<80x128xf32, #tpu.memory_space<vmem>>)
      tpu.yield
    }) : () -> ()
    "tpu.region"() ({
      %run_scoped3A = tpu.sem_alloc : memref<!tpu.dma_semaphore, #tpu.memory_space<semaphore_mem>>
      %dma_start3A = arith.constant 0 : i32
      %dma_start3A_47 = tpu.memref_slice %arg5[%arg0, %add3A_32, %dma_start3A] : memref<2x10240x128xf32, #tpu.memory_space<hbm>> -> memref<1x80x128xf32, #tpu.memory_space<hbm>>
      %dma_start3A_48 = tpu.memref_squeeze %dma_start3A_47 : memref<1x80x128xf32, #tpu.memory_space<hbm>> -> memref<80x128xf32, #tpu.memory_space<hbm>>
      %dma_start3A_49 = arith.constant 0 : i32
      %dma_start3A_50 = tpu.memref_slice %arg5[%arg0, %add3A_32, %dma_start3A_49] : memref<2x10240x128xf32, #tpu.memory_space<hbm>> -> memref<1x80x128xf32, #tpu.memory_space<hbm>>
      %dma_start3A_51 = tpu.memref_squeeze %dma_start3A_50 : memref<1x80x128xf32, #tpu.memory_space<hbm>> -> memref<80x128xf32, #tpu.memory_space<hbm>>
      tpu.enqueue_dma source(%arg8 : memref<80x128xf32, #tpu.memory_space<vmem>>) target(%dma_start3A_51 : memref<80x128xf32, #tpu.memory_space<hbm>>) target_semaphore(%run_scoped3A : memref<!tpu.dma_semaphore, #tpu.memory_space<semaphore_mem>>)
      %dma_wait3A = arith.constant 0 : i32
      %dma_wait3A_52 = tpu.memref_slice %arg5[%arg0, %add3A_32, %dma_wait3A] : memref<2x10240x128xf32, #tpu.memory_space<hbm>> -> memref<1x80x128xf32, #tpu.memory_space<hbm>>
      %dma_wait3A_53 = tpu.memref_squeeze %dma_wait3A_52 : memref<1x80x128xf32, #tpu.memory_space<hbm>> -> memref<80x128xf32, #tpu.memory_space<hbm>>
      %dma_wait3A_54 = arith.constant 0 : i32
      %dma_wait3A_55 = tpu.memref_slice %arg5[%arg0, %add3A_32, %dma_wait3A_54] : memref<2x10240x128xf32, #tpu.memory_space<hbm>> -> memref<1x80x128xf32, #tpu.memory_space<hbm>>
      %dma_wait3A_56 = tpu.memref_squeeze %dma_wait3A_55 : memref<1x80x128xf32, #tpu.memory_space<hbm>> -> memref<80x128xf32, #tpu.memory_space<hbm>>
      tpu.wait_dma2 semaphore(%run_scoped3A : memref<!tpu.dma_semaphore, #tpu.memory_space<semaphore_mem>>) src(%arg8 : memref<80x128xf32, #tpu.memory_space<vmem>>) dst(%dma_wait3A_56 : memref<80x128xf32, #tpu.memory_space<hbm>>)
      tpu.yield
    }) : () -> ()
    %add3A_33 = arith.constant 80 : i32
    %add3A_34 = arith.addi %mul3A_2, %add3A_33 : i32
    "tpu.region"() ({
      %run_scoped3A = tpu.sem_alloc : memref<!tpu.dma_semaphore, #tpu.memory_space<semaphore_mem>>
      %dma_start3A = arith.constant 0 : i32
      %dma_start3A_47 = tpu.memref_slice %arg12[%add3A_34, %dma_start3A] : memref<10240x128xf32, #tpu.memory_space<vmem_shared>> -> memref<80x128xf32, #tpu.memory_space<vmem_shared>>
      %dma_start3A_48 = arith.constant 0 : i32
      %dma_start3A_49 = tpu.memref_slice %arg12[%add3A_34, %dma_start3A_48] : memref<10240x128xf32, #tpu.memory_space<vmem_shared>> -> memref<80x128xf32, #tpu.memory_space<vmem_shared>>
      tpu.enqueue_dma source(%dma_start3A_49 : memref<80x128xf32, #tpu.memory_space<vmem_shared>>) target(%arg8 : memref<80x128xf32, #tpu.memory_space<vmem>>) target_semaphore(%run_scoped3A : memref<!tpu.dma_semaphore, #tpu.memory_space<semaphore_mem>>)
      %dma_wait3A = arith.constant 0 : i32
      %dma_wait3A_50 = tpu.memref_slice %arg12[%add3A_34, %dma_wait3A] : memref<10240x128xf32, #tpu.memory_space<vmem_shared>> -> memref<80x128xf32, #tpu.memory_space<vmem_shared>>
      %dma_wait3A_51 = arith.constant 0 : i32
      %dma_wait3A_52 = tpu.memref_slice %arg12[%add3A_34, %dma_wait3A_51] : memref<10240x128xf32, #tpu.memory_space<vmem_shared>> -> memref<80x128xf32, #tpu.memory_space<vmem_shared>>
      tpu.wait_dma2 semaphore(%run_scoped3A : memref<!tpu.dma_semaphore, #tpu.memory_space<semaphore_mem>>) src(%dma_wait3A_52 : memref<80x128xf32, #tpu.memory_space<vmem_shared>>) dst(%arg8 : memref<80x128xf32, #tpu.memory_space<vmem>>)
      tpu.yield
    }) : () -> ()
    "tpu.region"() ({
      %run_scoped3A = tpu.sem_alloc : memref<!tpu.dma_semaphore, #tpu.memory_space<semaphore_mem>>
      %dma_start3A = arith.constant 0 : i32
      %dma_start3A_47 = tpu.memref_slice %arg5[%arg0, %add3A_34, %dma_start3A] : memref<2x10240x128xf32, #tpu.memory_space<hbm>> -> memref<1x80x128xf32, #tpu.memory_space<hbm>>
      %dma_start3A_48 = tpu.memref_squeeze %dma_start3A_47 : memref<1x80x128xf32, #tpu.memory_space<hbm>> -> memref<80x128xf32, #tpu.memory_space<hbm>>
      %dma_start3A_49 = arith.constant 0 : i32
      %dma_start3A_50 = tpu.memref_slice %arg5[%arg0, %add3A_34, %dma_start3A_49] : memref<2x10240x128xf32, #tpu.memory_space<hbm>> -> memref<1x80x128xf32, #tpu.memory_space<hbm>>
      %dma_start3A_51 = tpu.memref_squeeze %dma_start3A_50 : memref<1x80x128xf32, #tpu.memory_space<hbm>> -> memref<80x128xf32, #tpu.memory_space<hbm>>
      tpu.enqueue_dma source(%arg8 : memref<80x128xf32, #tpu.memory_space<vmem>>) target(%dma_start3A_51 : memref<80x128xf32, #tpu.memory_space<hbm>>) target_semaphore(%run_scoped3A : memref<!tpu.dma_semaphore, #tpu.memory_space<semaphore_mem>>)
      %dma_wait3A = arith.constant 0 : i32
      %dma_wait3A_52 = tpu.memref_slice %arg5[%arg0, %add3A_34, %dma_wait3A] : memref<2x10240x128xf32, #tpu.memory_space<hbm>> -> memref<1x80x128xf32, #tpu.memory_space<hbm>>
      %dma_wait3A_53 = tpu.memref_squeeze %dma_wait3A_52 : memref<1x80x128xf32, #tpu.memory_space<hbm>> -> memref<80x128xf32, #tpu.memory_space<hbm>>
      %dma_wait3A_54 = arith.constant 0 : i32
      %dma_wait3A_55 = tpu.memref_slice %arg5[%arg0, %add3A_34, %dma_wait3A_54] : memref<2x10240x128xf32, #tpu.memory_space<hbm>> -> memref<1x80x128xf32, #tpu.memory_space<hbm>>
      %dma_wait3A_56 = tpu.memref_squeeze %dma_wait3A_55 : memref<1x80x128xf32, #tpu.memory_space<hbm>> -> memref<80x128xf32, #tpu.memory_space<hbm>>
      tpu.wait_dma2 semaphore(%run_scoped3A : memref<!tpu.dma_semaphore, #tpu.memory_space<semaphore_mem>>) src(%arg8 : memref<80x128xf32, #tpu.memory_space<vmem>>) dst(%dma_wait3A_56 : memref<80x128xf32, #tpu.memory_space<hbm>>)
      tpu.yield
    }) : () -> ()
    %add3A_35 = arith.constant 160 : i32
    %add3A_36 = arith.addi %mul3A_2, %add3A_35 : i32
    "tpu.region"() ({
      %run_scoped3A = tpu.sem_alloc : memref<!tpu.dma_semaphore, #tpu.memory_space<semaphore_mem>>
      %dma_start3A = arith.constant 0 : i32
      %dma_start3A_47 = tpu.memref_slice %arg12[%add3A_36, %dma_start3A] : memref<10240x128xf32, #tpu.memory_space<vmem_shared>> -> memref<80x128xf32, #tpu.memory_space<vmem_shared>>
      %dma_start3A_48 = arith.constant 0 : i32
      %dma_start3A_49 = tpu.memref_slice %arg12[%add3A_36, %dma_start3A_48] : memref<10240x128xf32, #tpu.memory_space<vmem_shared>> -> memref<80x128xf32, #tpu.memory_space<vmem_shared>>
      tpu.enqueue_dma source(%dma_start3A_49 : memref<80x128xf32, #tpu.memory_space<vmem_shared>>) target(%arg8 : memref<80x128xf32, #tpu.memory_space<vmem>>) target_semaphore(%run_scoped3A : memref<!tpu.dma_semaphore, #tpu.memory_space<semaphore_mem>>)
      %dma_wait3A = arith.constant 0 : i32
      %dma_wait3A_50 = tpu.memref_slice %arg12[%add3A_36, %dma_wait3A] : memref<10240x128xf32, #tpu.memory_space<vmem_shared>> -> memref<80x128xf32, #tpu.memory_space<vmem_shared>>
      %dma_wait3A_51 = arith.constant 0 : i32
      %dma_wait3A_52 = tpu.memref_slice %arg12[%add3A_36, %dma_wait3A_51] : memref<10240x128xf32, #tpu.memory_space<vmem_shared>> -> memref<80x128xf32, #tpu.memory_space<vmem_shared>>
      tpu.wait_dma2 semaphore(%run_scoped3A : memref<!tpu.dma_semaphore, #tpu.memory_space<semaphore_mem>>) src(%dma_wait3A_52 : memref<80x128xf32, #tpu.memory_space<vmem_shared>>) dst(%arg8 : memref<80x128xf32, #tpu.memory_space<vmem>>)
      tpu.yield
    }) : () -> ()
    "tpu.region"() ({
      %run_scoped3A = tpu.sem_alloc : memref<!tpu.dma_semaphore, #tpu.memory_space<semaphore_mem>>
      %dma_start3A = arith.constant 0 : i32
      %dma_start3A_47 = tpu.memref_slice %arg5[%arg0, %add3A_36, %dma_start3A] : memref<2x10240x128xf32, #tpu.memory_space<hbm>> -> memref<1x80x128xf32, #tpu.memory_space<hbm>>
      %dma_start3A_48 = tpu.memref_squeeze %dma_start3A_47 : memref<1x80x128xf32, #tpu.memory_space<hbm>> -> memref<80x128xf32, #tpu.memory_space<hbm>>
      %dma_start3A_49 = arith.constant 0 : i32
      %dma_start3A_50 = tpu.memref_slice %arg5[%arg0, %add3A_36, %dma_start3A_49] : memref<2x10240x128xf32, #tpu.memory_space<hbm>> -> memref<1x80x128xf32, #tpu.memory_space<hbm>>
      %dma_start3A_51 = tpu.memref_squeeze %dma_start3A_50 : memref<1x80x128xf32, #tpu.memory_space<hbm>> -> memref<80x128xf32, #tpu.memory_space<hbm>>
      tpu.enqueue_dma source(%arg8 : memref<80x128xf32, #tpu.memory_space<vmem>>) target(%dma_start3A_51 : memref<80x128xf32, #tpu.memory_space<hbm>>) target_semaphore(%run_scoped3A : memref<!tpu.dma_semaphore, #tpu.memory_space<semaphore_mem>>)
      %dma_wait3A = arith.constant 0 : i32
      %dma_wait3A_52 = tpu.memref_slice %arg5[%arg0, %add3A_36, %dma_wait3A] : memref<2x10240x128xf32, #tpu.memory_space<hbm>> -> memref<1x80x128xf32, #tpu.memory_space<hbm>>
      %dma_wait3A_53 = tpu.memref_squeeze %dma_wait3A_52 : memref<1x80x128xf32, #tpu.memory_space<hbm>> -> memref<80x128xf32, #tpu.memory_space<hbm>>
      %dma_wait3A_54 = arith.constant 0 : i32
      %dma_wait3A_55 = tpu.memref_slice %arg5[%arg0, %add3A_36, %dma_wait3A_54] : memref<2x10240x128xf32, #tpu.memory_space<hbm>> -> memref<1x80x128xf32, #tpu.memory_space<hbm>>
      %dma_wait3A_56 = tpu.memref_squeeze %dma_wait3A_55 : memref<1x80x128xf32, #tpu.memory_space<hbm>> -> memref<80x128xf32, #tpu.memory_space<hbm>>
      tpu.wait_dma2 semaphore(%run_scoped3A : memref<!tpu.dma_semaphore, #tpu.memory_space<semaphore_mem>>) src(%arg8 : memref<80x128xf32, #tpu.memory_space<vmem>>) dst(%dma_wait3A_56 : memref<80x128xf32, #tpu.memory_space<hbm>>)
      tpu.yield
    }) : () -> ()
    %add3A_37 = arith.constant 240 : i32
    %add3A_38 = arith.addi %mul3A_2, %add3A_37 : i32
    "tpu.region"() ({
      %run_scoped3A = tpu.sem_alloc : memref<!tpu.dma_semaphore, #tpu.memory_space<semaphore_mem>>
      %dma_start3A = arith.constant 0 : i32
      %dma_start3A_47 = tpu.memref_slice %arg12[%add3A_38, %dma_start3A] : memref<10240x128xf32, #tpu.memory_space<vmem_shared>> -> memref<80x128xf32, #tpu.memory_space<vmem_shared>>
      %dma_start3A_48 = arith.constant 0 : i32
      %dma_start3A_49 = tpu.memref_slice %arg12[%add3A_38, %dma_start3A_48] : memref<10240x128xf32, #tpu.memory_space<vmem_shared>> -> memref<80x128xf32, #tpu.memory_space<vmem_shared>>
      tpu.enqueue_dma source(%dma_start3A_49 : memref<80x128xf32, #tpu.memory_space<vmem_shared>>) target(%arg8 : memref<80x128xf32, #tpu.memory_space<vmem>>) target_semaphore(%run_scoped3A : memref<!tpu.dma_semaphore, #tpu.memory_space<semaphore_mem>>)
      %dma_wait3A = arith.constant 0 : i32
      %dma_wait3A_50 = tpu.memref_slice %arg12[%add3A_38, %dma_wait3A] : memref<10240x128xf32, #tpu.memory_space<vmem_shared>> -> memref<80x128xf32, #tpu.memory_space<vmem_shared>>
      %dma_wait3A_51 = arith.constant 0 : i32
      %dma_wait3A_52 = tpu.memref_slice %arg12[%add3A_38, %dma_wait3A_51] : memref<10240x128xf32, #tpu.memory_space<vmem_shared>> -> memref<80x128xf32, #tpu.memory_space<vmem_shared>>
      tpu.wait_dma2 semaphore(%run_scoped3A : memref<!tpu.dma_semaphore, #tpu.memory_space<semaphore_mem>>) src(%dma_wait3A_52 : memref<80x128xf32, #tpu.memory_space<vmem_shared>>) dst(%arg8 : memref<80x128xf32, #tpu.memory_space<vmem>>)
      tpu.yield
    }) : () -> ()
    "tpu.region"() ({
      %run_scoped3A = tpu.sem_alloc : memref<!tpu.dma_semaphore, #tpu.memory_space<semaphore_mem>>
      %dma_start3A = arith.constant 0 : i32
      %dma_start3A_47 = tpu.memref_slice %arg5[%arg0, %add3A_38, %dma_start3A] : memref<2x10240x128xf32, #tpu.memory_space<hbm>> -> memref<1x80x128xf32, #tpu.memory_space<hbm>>
      %dma_start3A_48 = tpu.memref_squeeze %dma_start3A_47 : memref<1x80x128xf32, #tpu.memory_space<hbm>> -> memref<80x128xf32, #tpu.memory_space<hbm>>
      %dma_start3A_49 = arith.constant 0 : i32
      %dma_start3A_50 = tpu.memref_slice %arg5[%arg0, %add3A_38, %dma_start3A_49] : memref<2x10240x128xf32, #tpu.memory_space<hbm>> -> memref<1x80x128xf32, #tpu.memory_space<hbm>>
      %dma_start3A_51 = tpu.memref_squeeze %dma_start3A_50 : memref<1x80x128xf32, #tpu.memory_space<hbm>> -> memref<80x128xf32, #tpu.memory_space<hbm>>
      tpu.enqueue_dma source(%arg8 : memref<80x128xf32, #tpu.memory_space<vmem>>) target(%dma_start3A_51 : memref<80x128xf32, #tpu.memory_space<hbm>>) target_semaphore(%run_scoped3A : memref<!tpu.dma_semaphore, #tpu.memory_space<semaphore_mem>>)
      %dma_wait3A = arith.constant 0 : i32
      %dma_wait3A_52 = tpu.memref_slice %arg5[%arg0, %add3A_38, %dma_wait3A] : memref<2x10240x128xf32, #tpu.memory_space<hbm>> -> memref<1x80x128xf32, #tpu.memory_space<hbm>>
      %dma_wait3A_53 = tpu.memref_squeeze %dma_wait3A_52 : memref<1x80x128xf32, #tpu.memory_space<hbm>> -> memref<80x128xf32, #tpu.memory_space<hbm>>
      %dma_wait3A_54 = arith.constant 0 : i32
      %dma_wait3A_55 = tpu.memref_slice %arg5[%arg0, %add3A_38, %dma_wait3A_54] : memref<2x10240x128xf32, #tpu.memory_space<hbm>> -> memref<1x80x128xf32, #tpu.memory_space<hbm>>
      %dma_wait3A_56 = tpu.memref_squeeze %dma_wait3A_55 : memref<1x80x128xf32, #tpu.memory_space<hbm>> -> memref<80x128xf32, #tpu.memory_space<hbm>>
      tpu.wait_dma2 semaphore(%run_scoped3A : memref<!tpu.dma_semaphore, #tpu.memory_space<semaphore_mem>>) src(%arg8 : memref<80x128xf32, #tpu.memory_space<vmem>>) dst(%dma_wait3A_56 : memref<80x128xf32, #tpu.memory_space<hbm>>)
      tpu.yield
    }) : () -> ()
    %add3A_39 = arith.constant 320 : i32
    %add3A_40 = arith.addi %mul3A_2, %add3A_39 : i32
    "tpu.region"() ({
      %run_scoped3A = tpu.sem_alloc : memref<!tpu.dma_semaphore, #tpu.memory_space<semaphore_mem>>
      %dma_start3A = arith.constant 0 : i32
      %dma_start3A_47 = tpu.memref_slice %arg12[%add3A_40, %dma_start3A] : memref<10240x128xf32, #tpu.memory_space<vmem_shared>> -> memref<80x128xf32, #tpu.memory_space<vmem_shared>>
      %dma_start3A_48 = arith.constant 0 : i32
      %dma_start3A_49 = tpu.memref_slice %arg12[%add3A_40, %dma_start3A_48] : memref<10240x128xf32, #tpu.memory_space<vmem_shared>> -> memref<80x128xf32, #tpu.memory_space<vmem_shared>>
      tpu.enqueue_dma source(%dma_start3A_49 : memref<80x128xf32, #tpu.memory_space<vmem_shared>>) target(%arg8 : memref<80x128xf32, #tpu.memory_space<vmem>>) target_semaphore(%run_scoped3A : memref<!tpu.dma_semaphore, #tpu.memory_space<semaphore_mem>>)
      %dma_wait3A = arith.constant 0 : i32
      %dma_wait3A_50 = tpu.memref_slice %arg12[%add3A_40, %dma_wait3A] : memref<10240x128xf32, #tpu.memory_space<vmem_shared>> -> memref<80x128xf32, #tpu.memory_space<vmem_shared>>
      %dma_wait3A_51 = arith.constant 0 : i32
      %dma_wait3A_52 = tpu.memref_slice %arg12[%add3A_40, %dma_wait3A_51] : memref<10240x128xf32, #tpu.memory_space<vmem_shared>> -> memref<80x128xf32, #tpu.memory_space<vmem_shared>>
      tpu.wait_dma2 semaphore(%run_scoped3A : memref<!tpu.dma_semaphore, #tpu.memory_space<semaphore_mem>>) src(%dma_wait3A_52 : memref<80x128xf32, #tpu.memory_space<vmem_shared>>) dst(%arg8 : memref<80x128xf32, #tpu.memory_space<vmem>>)
      tpu.yield
    }) : () -> ()
    "tpu.region"() ({
      %run_scoped3A = tpu.sem_alloc : memref<!tpu.dma_semaphore, #tpu.memory_space<semaphore_mem>>
      %dma_start3A = arith.constant 0 : i32
      %dma_start3A_47 = tpu.memref_slice %arg5[%arg0, %add3A_40, %dma_start3A] : memref<2x10240x128xf32, #tpu.memory_space<hbm>> -> memref<1x80x128xf32, #tpu.memory_space<hbm>>
      %dma_start3A_48 = tpu.memref_squeeze %dma_start3A_47 : memref<1x80x128xf32, #tpu.memory_space<hbm>> -> memref<80x128xf32, #tpu.memory_space<hbm>>
      %dma_start3A_49 = arith.constant 0 : i32
      %dma_start3A_50 = tpu.memref_slice %arg5[%arg0, %add3A_40, %dma_start3A_49] : memref<2x10240x128xf32, #tpu.memory_space<hbm>> -> memref<1x80x128xf32, #tpu.memory_space<hbm>>
      %dma_start3A_51 = tpu.memref_squeeze %dma_start3A_50 : memref<1x80x128xf32, #tpu.memory_space<hbm>> -> memref<80x128xf32, #tpu.memory_space<hbm>>
      tpu.enqueue_dma source(%arg8 : memref<80x128xf32, #tpu.memory_space<vmem>>) target(%dma_start3A_51 : memref<80x128xf32, #tpu.memory_space<hbm>>) target_semaphore(%run_scoped3A : memref<!tpu.dma_semaphore, #tpu.memory_space<semaphore_mem>>)
      %dma_wait3A = arith.constant 0 : i32
      %dma_wait3A_52 = tpu.memref_slice %arg5[%arg0, %add3A_40, %dma_wait3A] : memref<2x10240x128xf32, #tpu.memory_space<hbm>> -> memref<1x80x128xf32, #tpu.memory_space<hbm>>
      %dma_wait3A_53 = tpu.memref_squeeze %dma_wait3A_52 : memref<1x80x128xf32, #tpu.memory_space<hbm>> -> memref<80x128xf32, #tpu.memory_space<hbm>>
      %dma_wait3A_54 = arith.constant 0 : i32
      %dma_wait3A_55 = tpu.memref_slice %arg5[%arg0, %add3A_40, %dma_wait3A_54] : memref<2x10240x128xf32, #tpu.memory_space<hbm>> -> memref<1x80x128xf32, #tpu.memory_space<hbm>>
      %dma_wait3A_56 = tpu.memref_squeeze %dma_wait3A_55 : memref<1x80x128xf32, #tpu.memory_space<hbm>> -> memref<80x128xf32, #tpu.memory_space<hbm>>
      tpu.wait_dma2 semaphore(%run_scoped3A : memref<!tpu.dma_semaphore, #tpu.memory_space<semaphore_mem>>) src(%arg8 : memref<80x128xf32, #tpu.memory_space<vmem>>) dst(%dma_wait3A_56 : memref<80x128xf32, #tpu.memory_space<hbm>>)
      tpu.yield
    }) : () -> ()
    %add3A_41 = arith.constant 400 : i32
    %add3A_42 = arith.addi %mul3A_2, %add3A_41 : i32
    "tpu.region"() ({
      %run_scoped3A = tpu.sem_alloc : memref<!tpu.dma_semaphore, #tpu.memory_space<semaphore_mem>>
      %dma_start3A = arith.constant 0 : i32
      %dma_start3A_47 = tpu.memref_slice %arg12[%add3A_42, %dma_start3A] : memref<10240x128xf32, #tpu.memory_space<vmem_shared>> -> memref<80x128xf32, #tpu.memory_space<vmem_shared>>
      %dma_start3A_48 = arith.constant 0 : i32
      %dma_start3A_49 = tpu.memref_slice %arg12[%add3A_42, %dma_start3A_48] : memref<10240x128xf32, #tpu.memory_space<vmem_shared>> -> memref<80x128xf32, #tpu.memory_space<vmem_shared>>
      tpu.enqueue_dma source(%dma_start3A_49 : memref<80x128xf32, #tpu.memory_space<vmem_shared>>) target(%arg8 : memref<80x128xf32, #tpu.memory_space<vmem>>) target_semaphore(%run_scoped3A : memref<!tpu.dma_semaphore, #tpu.memory_space<semaphore_mem>>)
      %dma_wait3A = arith.constant 0 : i32
      %dma_wait3A_50 = tpu.memref_slice %arg12[%add3A_42, %dma_wait3A] : memref<10240x128xf32, #tpu.memory_space<vmem_shared>> -> memref<80x128xf32, #tpu.memory_space<vmem_shared>>
      %dma_wait3A_51 = arith.constant 0 : i32
      %dma_wait3A_52 = tpu.memref_slice %arg12[%add3A_42, %dma_wait3A_51] : memref<10240x128xf32, #tpu.memory_space<vmem_shared>> -> memref<80x128xf32, #tpu.memory_space<vmem_shared>>
      tpu.wait_dma2 semaphore(%run_scoped3A : memref<!tpu.dma_semaphore, #tpu.memory_space<semaphore_mem>>) src(%dma_wait3A_52 : memref<80x128xf32, #tpu.memory_space<vmem_shared>>) dst(%arg8 : memref<80x128xf32, #tpu.memory_space<vmem>>)
      tpu.yield
    }) : () -> ()
    "tpu.region"() ({
      %run_scoped3A = tpu.sem_alloc : memref<!tpu.dma_semaphore, #tpu.memory_space<semaphore_mem>>
      %dma_start3A = arith.constant 0 : i32
      %dma_start3A_47 = tpu.memref_slice %arg5[%arg0, %add3A_42, %dma_start3A] : memref<2x10240x128xf32, #tpu.memory_space<hbm>> -> memref<1x80x128xf32, #tpu.memory_space<hbm>>
      %dma_start3A_48 = tpu.memref_squeeze %dma_start3A_47 : memref<1x80x128xf32, #tpu.memory_space<hbm>> -> memref<80x128xf32, #tpu.memory_space<hbm>>
      %dma_start3A_49 = arith.constant 0 : i32
      %dma_start3A_50 = tpu.memref_slice %arg5[%arg0, %add3A_42, %dma_start3A_49] : memref<2x10240x128xf32, #tpu.memory_space<hbm>> -> memref<1x80x128xf32, #tpu.memory_space<hbm>>
      %dma_start3A_51 = tpu.memref_squeeze %dma_start3A_50 : memref<1x80x128xf32, #tpu.memory_space<hbm>> -> memref<80x128xf32, #tpu.memory_space<hbm>>
      tpu.enqueue_dma source(%arg8 : memref<80x128xf32, #tpu.memory_space<vmem>>) target(%dma_start3A_51 : memref<80x128xf32, #tpu.memory_space<hbm>>) target_semaphore(%run_scoped3A : memref<!tpu.dma_semaphore, #tpu.memory_space<semaphore_mem>>)
      %dma_wait3A = arith.constant 0 : i32
      %dma_wait3A_52 = tpu.memref_slice %arg5[%arg0, %add3A_42, %dma_wait3A] : memref<2x10240x128xf32, #tpu.memory_space<hbm>> -> memref<1x80x128xf32, #tpu.memory_space<hbm>>
      %dma_wait3A_53 = tpu.memref_squeeze %dma_wait3A_52 : memref<1x80x128xf32, #tpu.memory_space<hbm>> -> memref<80x128xf32, #tpu.memory_space<hbm>>
      %dma_wait3A_54 = arith.constant 0 : i32
      %dma_wait3A_55 = tpu.memref_slice %arg5[%arg0, %add3A_42, %dma_wait3A_54] : memref<2x10240x128xf32, #tpu.memory_space<hbm>> -> memref<1x80x128xf32, #tpu.memory_space<hbm>>
      %dma_wait3A_56 = tpu.memref_squeeze %dma_wait3A_55 : memref<1x80x128xf32, #tpu.memory_space<hbm>> -> memref<80x128xf32, #tpu.memory_space<hbm>>
      tpu.wait_dma2 semaphore(%run_scoped3A : memref<!tpu.dma_semaphore, #tpu.memory_space<semaphore_mem>>) src(%arg8 : memref<80x128xf32, #tpu.memory_space<vmem>>) dst(%dma_wait3A_56 : memref<80x128xf32, #tpu.memory_space<hbm>>)
      tpu.yield
    }) : () -> ()
    %add3A_43 = arith.constant 480 : i32
    %add3A_44 = arith.addi %mul3A_2, %add3A_43 : i32
    "tpu.region"() ({
      %run_scoped3A = tpu.sem_alloc : memref<!tpu.dma_semaphore, #tpu.memory_space<semaphore_mem>>
      %dma_start3A = arith.constant 0 : i32
      %dma_start3A_47 = tpu.memref_slice %arg12[%add3A_44, %dma_start3A] : memref<10240x128xf32, #tpu.memory_space<vmem_shared>> -> memref<80x128xf32, #tpu.memory_space<vmem_shared>>
      %dma_start3A_48 = arith.constant 0 : i32
      %dma_start3A_49 = tpu.memref_slice %arg12[%add3A_44, %dma_start3A_48] : memref<10240x128xf32, #tpu.memory_space<vmem_shared>> -> memref<80x128xf32, #tpu.memory_space<vmem_shared>>
      tpu.enqueue_dma source(%dma_start3A_49 : memref<80x128xf32, #tpu.memory_space<vmem_shared>>) target(%arg8 : memref<80x128xf32, #tpu.memory_space<vmem>>) target_semaphore(%run_scoped3A : memref<!tpu.dma_semaphore, #tpu.memory_space<semaphore_mem>>)
      %dma_wait3A = arith.constant 0 : i32
      %dma_wait3A_50 = tpu.memref_slice %arg12[%add3A_44, %dma_wait3A] : memref<10240x128xf32, #tpu.memory_space<vmem_shared>> -> memref<80x128xf32, #tpu.memory_space<vmem_shared>>
      %dma_wait3A_51 = arith.constant 0 : i32
      %dma_wait3A_52 = tpu.memref_slice %arg12[%add3A_44, %dma_wait3A_51] : memref<10240x128xf32, #tpu.memory_space<vmem_shared>> -> memref<80x128xf32, #tpu.memory_space<vmem_shared>>
      tpu.wait_dma2 semaphore(%run_scoped3A : memref<!tpu.dma_semaphore, #tpu.memory_space<semaphore_mem>>) src(%dma_wait3A_52 : memref<80x128xf32, #tpu.memory_space<vmem_shared>>) dst(%arg8 : memref<80x128xf32, #tpu.memory_space<vmem>>)
      tpu.yield
    }) : () -> ()
    "tpu.region"() ({
      %run_scoped3A = tpu.sem_alloc : memref<!tpu.dma_semaphore, #tpu.memory_space<semaphore_mem>>
      %dma_start3A = arith.constant 0 : i32
      %dma_start3A_47 = tpu.memref_slice %arg5[%arg0, %add3A_44, %dma_start3A] : memref<2x10240x128xf32, #tpu.memory_space<hbm>> -> memref<1x80x128xf32, #tpu.memory_space<hbm>>
      %dma_start3A_48 = tpu.memref_squeeze %dma_start3A_47 : memref<1x80x128xf32, #tpu.memory_space<hbm>> -> memref<80x128xf32, #tpu.memory_space<hbm>>
      %dma_start3A_49 = arith.constant 0 : i32
      %dma_start3A_50 = tpu.memref_slice %arg5[%arg0, %add3A_44, %dma_start3A_49] : memref<2x10240x128xf32, #tpu.memory_space<hbm>> -> memref<1x80x128xf32, #tpu.memory_space<hbm>>
      %dma_start3A_51 = tpu.memref_squeeze %dma_start3A_50 : memref<1x80x128xf32, #tpu.memory_space<hbm>> -> memref<80x128xf32, #tpu.memory_space<hbm>>
      tpu.enqueue_dma source(%arg8 : memref<80x128xf32, #tpu.memory_space<vmem>>) target(%dma_start3A_51 : memref<80x128xf32, #tpu.memory_space<hbm>>) target_semaphore(%run_scoped3A : memref<!tpu.dma_semaphore, #tpu.memory_space<semaphore_mem>>)
      %dma_wait3A = arith.constant 0 : i32
      %dma_wait3A_52 = tpu.memref_slice %arg5[%arg0, %add3A_44, %dma_wait3A] : memref<2x10240x128xf32, #tpu.memory_space<hbm>> -> memref<1x80x128xf32, #tpu.memory_space<hbm>>
      %dma_wait3A_53 = tpu.memref_squeeze %dma_wait3A_52 : memref<1x80x128xf32, #tpu.memory_space<hbm>> -> memref<80x128xf32, #tpu.memory_space<hbm>>
      %dma_wait3A_54 = arith.constant 0 : i32
      %dma_wait3A_55 = tpu.memref_slice %arg5[%arg0, %add3A_44, %dma_wait3A_54] : memref<2x10240x128xf32, #tpu.memory_space<hbm>> -> memref<1x80x128xf32, #tpu.memory_space<hbm>>
      %dma_wait3A_56 = tpu.memref_squeeze %dma_wait3A_55 : memref<1x80x128xf32, #tpu.memory_space<hbm>> -> memref<80x128xf32, #tpu.memory_space<hbm>>
      tpu.wait_dma2 semaphore(%run_scoped3A : memref<!tpu.dma_semaphore, #tpu.memory_space<semaphore_mem>>) src(%arg8 : memref<80x128xf32, #tpu.memory_space<vmem>>) dst(%dma_wait3A_56 : memref<80x128xf32, #tpu.memory_space<hbm>>)
      tpu.yield
    }) : () -> ()
    %add3A_45 = arith.constant 560 : i32
    %add3A_46 = arith.addi %mul3A_2, %add3A_45 : i32
    "tpu.region"() ({
      %run_scoped3A = tpu.sem_alloc : memref<!tpu.dma_semaphore, #tpu.memory_space<semaphore_mem>>
      %dma_start3A = arith.constant 0 : i32
      %dma_start3A_47 = tpu.memref_slice %arg12[%add3A_46, %dma_start3A] : memref<10240x128xf32, #tpu.memory_space<vmem_shared>> -> memref<80x128xf32, #tpu.memory_space<vmem_shared>>
      %dma_start3A_48 = arith.constant 0 : i32
      %dma_start3A_49 = tpu.memref_slice %arg12[%add3A_46, %dma_start3A_48] : memref<10240x128xf32, #tpu.memory_space<vmem_shared>> -> memref<80x128xf32, #tpu.memory_space<vmem_shared>>
      tpu.enqueue_dma source(%dma_start3A_49 : memref<80x128xf32, #tpu.memory_space<vmem_shared>>) target(%arg8 : memref<80x128xf32, #tpu.memory_space<vmem>>) target_semaphore(%run_scoped3A : memref<!tpu.dma_semaphore, #tpu.memory_space<semaphore_mem>>)
      %dma_wait3A = arith.constant 0 : i32
      %dma_wait3A_50 = tpu.memref_slice %arg12[%add3A_46, %dma_wait3A] : memref<10240x128xf32, #tpu.memory_space<vmem_shared>> -> memref<80x128xf32, #tpu.memory_space<vmem_shared>>
      %dma_wait3A_51 = arith.constant 0 : i32
      %dma_wait3A_52 = tpu.memref_slice %arg12[%add3A_46, %dma_wait3A_51] : memref<10240x128xf32, #tpu.memory_space<vmem_shared>> -> memref<80x128xf32, #tpu.memory_space<vmem_shared>>
      tpu.wait_dma2 semaphore(%run_scoped3A : memref<!tpu.dma_semaphore, #tpu.memory_space<semaphore_mem>>) src(%dma_wait3A_52 : memref<80x128xf32, #tpu.memory_space<vmem_shared>>) dst(%arg8 : memref<80x128xf32, #tpu.memory_space<vmem>>)
      tpu.yield
    }) : () -> ()
    "tpu.region"() ({
      %run_scoped3A = tpu.sem_alloc : memref<!tpu.dma_semaphore, #tpu.memory_space<semaphore_mem>>
      %dma_start3A = arith.constant 0 : i32
      %dma_start3A_47 = tpu.memref_slice %arg5[%arg0, %add3A_46, %dma_start3A] : memref<2x10240x128xf32, #tpu.memory_space<hbm>> -> memref<1x80x128xf32, #tpu.memory_space<hbm>>
      %dma_start3A_48 = tpu.memref_squeeze %dma_start3A_47 : memref<1x80x128xf32, #tpu.memory_space<hbm>> -> memref<80x128xf32, #tpu.memory_space<hbm>>
      %dma_start3A_49 = arith.constant 0 : i32
      %dma_start3A_50 = tpu.memref_slice %arg5[%arg0, %add3A_46, %dma_start3A_49] : memref<2x10240x128xf32, #tpu.memory_space<hbm>> -> memref<1x80x128xf32, #tpu.memory_space<hbm>>
      %dma_start3A_51 = tpu.memref_squeeze %dma_start3A_50 : memref<1x80x128xf32, #tpu.memory_space<hbm>> -> memref<80x128xf32, #tpu.memory_space<hbm>>
      tpu.enqueue_dma source(%arg8 : memref<80x128xf32, #tpu.memory_space<vmem>>) target(%dma_start3A_51 : memref<80x128xf32, #tpu.memory_space<hbm>>) target_semaphore(%run_scoped3A : memref<!tpu.dma_semaphore, #tpu.memory_space<semaphore_mem>>)
      %dma_wait3A = arith.constant 0 : i32
      %dma_wait3A_52 = tpu.memref_slice %arg5[%arg0, %add3A_46, %dma_wait3A] : memref<2x10240x128xf32, #tpu.memory_space<hbm>> -> memref<1x80x128xf32, #tpu.memory_space<hbm>>
      %dma_wait3A_53 = tpu.memref_squeeze %dma_wait3A_52 : memref<1x80x128xf32, #tpu.memory_space<hbm>> -> memref<80x128xf32, #tpu.memory_space<hbm>>
      %dma_wait3A_54 = arith.constant 0 : i32
      %dma_wait3A_55 = tpu.memref_slice %arg5[%arg0, %add3A_46, %dma_wait3A_54] : memref<2x10240x128xf32, #tpu.memory_space<hbm>> -> memref<1x80x128xf32, #tpu.memory_space<hbm>>
      %dma_wait3A_56 = tpu.memref_squeeze %dma_wait3A_55 : memref<1x80x128xf32, #tpu.memory_space<hbm>> -> memref<80x128xf32, #tpu.memory_space<hbm>>
      tpu.wait_dma2 semaphore(%run_scoped3A : memref<!tpu.dma_semaphore, #tpu.memory_space<semaphore_mem>>) src(%arg8 : memref<80x128xf32, #tpu.memory_space<vmem>>) dst(%dma_wait3A_56 : memref<80x128xf32, #tpu.memory_space<hbm>>)
      tpu.yield
    }) : () -> ()
    return
  }
}

#map = affine_map<(d0, d1) -> (0, 0, 0)>
module attributes {stable_mosaic.version = 14 : i64} {
  func.func @_deg_body(%arg0: i32, %arg1: i32, %arg2: memref<32x80x128xi32, #tpu.memory_space<hbm>>, %arg3: memref<2x10240x128xf32, #tpu.memory_space<hbm>>, %arg4: memref<8x128xi32, #tpu.memory_space<vmem>>, %arg5: memref<128x128xf32, #tpu.memory_space<vmem>>, %arg6: memref<10240x128xf32, #tpu.memory_space<vmem_shared>>, %arg7: memref<!tpu.dma_semaphore, #tpu.memory_space<semaphore_mem>>) attributes {dimension_semantics = [#tpu.dimension_semantics<core_parallel>, #tpu.dimension_semantics<subcore_parallel>], iteration_bounds = array<i64: 2, 16>, scalar_prefetch = 0 : i64, scratch_operands = 4 : i64, tpu.core_type = #tpu.core_type<sc_vector_subcore>, window_params = [{transform_indices = #map}, {transform_indices = #map}]} {
    %mul3A = arith.constant 16 : i32
    %mul3A_0 = arith.muli %arg0, %mul3A : i32
    %add3A = arith.addi %mul3A_0, %arg1 : i32
    %mul3A_1 = arith.constant 640 : i32
    %mul3A_2 = arith.muli %arg1, %mul3A_1 : i32
    %scan3A = arith.constant 0 : i32
    %scan3A_3 = arith.constant 0 : i32
    %scan3A_4 = arith.constant 128 : i32
    %scan3A_5 = arith.addi %scan3A_3, %scan3A_4 : i32
    %scan3A_6 = arith.constant 1 : i32
    scf.for %scan3A_41 = %scan3A_3 to %scan3A_5 step %scan3A_6  : i32 {
      %broadcast_in_dim3A = arith.constant 0.000000e+00 : f32
      %broadcast_in_dim3A_42 = vector.broadcast %broadcast_in_dim3A : f32 to vector<16xf32>
      %swap3A = arith.index_cast %scan3A_41 : i32 to index
      %swap3A_43 = arith.constant 0 : index
      %swap3A_44 = tpu.vector_load %arg5[%swap3A, %swap3A_43] {strides = array<i32>} : memref<128x128xf32, #tpu.memory_space<vmem>>, vector<1x16xf32>,
      %swap3A_45 = vector.shape_cast %swap3A_44 : vector<1x16xf32> to vector<16xf32>
      %swap3A_46 = vector.shape_cast %broadcast_in_dim3A_42 : vector<16xf32> to vector<1x16xf32>
      tpu.vector_store %arg5[%swap3A, %swap3A_43], %swap3A_46 {strides = array<i32>} : memref<128x128xf32, #tpu.memory_space<vmem>>, vector<1x16xf32>,
      %broadcast_in_dim3A_47 = arith.constant 0.000000e+00 : f32
      %broadcast_in_dim3A_48 = vector.broadcast %broadcast_in_dim3A_47 : f32 to vector<16xf32>
      %swap3A_49 = arith.index_cast %scan3A_41 : i32 to index
      %swap3A_50 = arith.constant 16 : index
      %swap3A_51 = tpu.vector_load %arg5[%swap3A_49, %swap3A_50] {strides = array<i32>} : memref<128x128xf32, #tpu.memory_space<vmem>>, vector<1x16xf32>,
      %swap3A_52 = vector.shape_cast %swap3A_51 : vector<1x16xf32> to vector<16xf32>
      %swap3A_53 = vector.shape_cast %broadcast_in_dim3A_48 : vector<16xf32> to vector<1x16xf32>
      tpu.vector_store %arg5[%swap3A_49, %swap3A_50], %swap3A_53 {strides = array<i32>} : memref<128x128xf32, #tpu.memory_space<vmem>>, vector<1x16xf32>,
      %broadcast_in_dim3A_54 = arith.constant 0.000000e+00 : f32
      %broadcast_in_dim3A_55 = vector.broadcast %broadcast_in_dim3A_54 : f32 to vector<16xf32>
      %swap3A_56 = arith.index_cast %scan3A_41 : i32 to index
      %swap3A_57 = arith.constant 32 : index
      %swap3A_58 = tpu.vector_load %arg5[%swap3A_56, %swap3A_57] {strides = array<i32>} : memref<128x128xf32, #tpu.memory_space<vmem>>, vector<1x16xf32>,
      %swap3A_59 = vector.shape_cast %swap3A_58 : vector<1x16xf32> to vector<16xf32>
      %swap3A_60 = vector.shape_cast %broadcast_in_dim3A_55 : vector<16xf32> to vector<1x16xf32>
      tpu.vector_store %arg5[%swap3A_56, %swap3A_57], %swap3A_60 {strides = array<i32>} : memref<128x128xf32, #tpu.memory_space<vmem>>, vector<1x16xf32>,
      %broadcast_in_dim3A_61 = arith.constant 0.000000e+00 : f32
      %broadcast_in_dim3A_62 = vector.broadcast %broadcast_in_dim3A_61 : f32 to vector<16xf32>
      %swap3A_63 = arith.index_cast %scan3A_41 : i32 to index
      %swap3A_64 = arith.constant 48 : index
      %swap3A_65 = tpu.vector_load %arg5[%swap3A_63, %swap3A_64] {strides = array<i32>} : memref<128x128xf32, #tpu.memory_space<vmem>>, vector<1x16xf32>,
      %swap3A_66 = vector.shape_cast %swap3A_65 : vector<1x16xf32> to vector<16xf32>
      %swap3A_67 = vector.shape_cast %broadcast_in_dim3A_62 : vector<16xf32> to vector<1x16xf32>
      tpu.vector_store %arg5[%swap3A_63, %swap3A_64], %swap3A_67 {strides = array<i32>} : memref<128x128xf32, #tpu.memory_space<vmem>>, vector<1x16xf32>,
      %broadcast_in_dim3A_68 = arith.constant 0.000000e+00 : f32
      %broadcast_in_dim3A_69 = vector.broadcast %broadcast_in_dim3A_68 : f32 to vector<16xf32>
      %swap3A_70 = arith.index_cast %scan3A_41 : i32 to index
      %swap3A_71 = arith.constant 64 : index
      %swap3A_72 = tpu.vector_load %arg5[%swap3A_70, %swap3A_71] {strides = array<i32>} : memref<128x128xf32, #tpu.memory_space<vmem>>, vector<1x16xf32>,
      %swap3A_73 = vector.shape_cast %swap3A_72 : vector<1x16xf32> to vector<16xf32>
      %swap3A_74 = vector.shape_cast %broadcast_in_dim3A_69 : vector<16xf32> to vector<1x16xf32>
      tpu.vector_store %arg5[%swap3A_70, %swap3A_71], %swap3A_74 {strides = array<i32>} : memref<128x128xf32, #tpu.memory_space<vmem>>, vector<1x16xf32>,
      %broadcast_in_dim3A_75 = arith.constant 0.000000e+00 : f32
      %broadcast_in_dim3A_76 = vector.broadcast %broadcast_in_dim3A_75 : f32 to vector<16xf32>
      %swap3A_77 = arith.index_cast %scan3A_41 : i32 to index
      %swap3A_78 = arith.constant 80 : index
      %swap3A_79 = tpu.vector_load %arg5[%swap3A_77, %swap3A_78] {strides = array<i32>} : memref<128x128xf32, #tpu.memory_space<vmem>>, vector<1x16xf32>,
      %swap3A_80 = vector.shape_cast %swap3A_79 : vector<1x16xf32> to vector<16xf32>
      %swap3A_81 = vector.shape_cast %broadcast_in_dim3A_76 : vector<16xf32> to vector<1x16xf32>
      tpu.vector_store %arg5[%swap3A_77, %swap3A_78], %swap3A_81 {strides = array<i32>} : memref<128x128xf32, #tpu.memory_space<vmem>>, vector<1x16xf32>,
      %broadcast_in_dim3A_82 = arith.constant 0.000000e+00 : f32
      %broadcast_in_dim3A_83 = vector.broadcast %broadcast_in_dim3A_82 : f32 to vector<16xf32>
      %swap3A_84 = arith.index_cast %scan3A_41 : i32 to index
      %swap3A_85 = arith.constant 96 : index
      %swap3A_86 = tpu.vector_load %arg5[%swap3A_84, %swap3A_85] {strides = array<i32>} : memref<128x128xf32, #tpu.memory_space<vmem>>, vector<1x16xf32>,
      %swap3A_87 = vector.shape_cast %swap3A_86 : vector<1x16xf32> to vector<16xf32>
      %swap3A_88 = vector.shape_cast %broadcast_in_dim3A_83 : vector<16xf32> to vector<1x16xf32>
      tpu.vector_store %arg5[%swap3A_84, %swap3A_85], %swap3A_88 {strides = array<i32>} : memref<128x128xf32, #tpu.memory_space<vmem>>, vector<1x16xf32>,
      %broadcast_in_dim3A_89 = arith.constant 0.000000e+00 : f32
      %broadcast_in_dim3A_90 = vector.broadcast %broadcast_in_dim3A_89 : f32 to vector<16xf32>
      %swap3A_91 = arith.index_cast %scan3A_41 : i32 to index
      %swap3A_92 = arith.constant 112 : index
      %swap3A_93 = tpu.vector_load %arg5[%swap3A_91, %swap3A_92] {strides = array<i32>} : memref<128x128xf32, #tpu.memory_space<vmem>>, vector<1x16xf32>,
      %swap3A_94 = vector.shape_cast %swap3A_93 : vector<1x16xf32> to vector<16xf32>
      %swap3A_95 = vector.shape_cast %broadcast_in_dim3A_90 : vector<16xf32> to vector<1x16xf32>
      tpu.vector_store %arg5[%swap3A_91, %swap3A_92], %swap3A_95 {strides = array<i32>} : memref<128x128xf32, #tpu.memory_space<vmem>>, vector<1x16xf32>,
    }
    %scan3A_7 = arith.constant 128 : i32
    %add3A_8 = arith.constant 0 : i32
    %add3A_9 = arith.addi %mul3A_2, %add3A_8 : i32
    "tpu.region"() ({
      %run_scoped3A = tpu.sem_alloc : memref<!tpu.dma_semaphore, #tpu.memory_space<semaphore_mem>>
      %dma_start3A = arith.constant 0 : i32
      %dma_start3A_41 = tpu.memref_slice %arg6[%add3A_9, %dma_start3A] : memref<10240x128xf32, #tpu.memory_space<vmem_shared>> -> memref<128x128xf32, #tpu.memory_space<vmem_shared>>
      %dma_start3A_42 = arith.constant 0 : i32
      %dma_start3A_43 = tpu.memref_slice %arg6[%add3A_9, %dma_start3A_42] : memref<10240x128xf32, #tpu.memory_space<vmem_shared>> -> memref<128x128xf32, #tpu.memory_space<vmem_shared>>
      tpu.enqueue_dma source(%arg5 : memref<128x128xf32, #tpu.memory_space<vmem>>) target(%dma_start3A_43 : memref<128x128xf32, #tpu.memory_space<vmem_shared>>) target_semaphore(%run_scoped3A : memref<!tpu.dma_semaphore, #tpu.memory_space<semaphore_mem>>)
      %dma_wait3A = arith.constant 0 : i32
      %dma_wait3A_44 = tpu.memref_slice %arg6[%add3A_9, %dma_wait3A] : memref<10240x128xf32, #tpu.memory_space<vmem_shared>> -> memref<128x128xf32, #tpu.memory_space<vmem_shared>>
      %dma_wait3A_45 = arith.constant 0 : i32
      %dma_wait3A_46 = tpu.memref_slice %arg6[%add3A_9, %dma_wait3A_45] : memref<10240x128xf32, #tpu.memory_space<vmem_shared>> -> memref<128x128xf32, #tpu.memory_space<vmem_shared>>
      tpu.wait_dma2 semaphore(%run_scoped3A : memref<!tpu.dma_semaphore, #tpu.memory_space<semaphore_mem>>) src(%arg5 : memref<128x128xf32, #tpu.memory_space<vmem>>) dst(%dma_wait3A_46 : memref<128x128xf32, #tpu.memory_space<vmem_shared>>)
      tpu.yield
    }) : () -> ()
    %add3A_10 = arith.constant 128 : i32
    %add3A_11 = arith.addi %mul3A_2, %add3A_10 : i32
    "tpu.region"() ({
      %run_scoped3A = tpu.sem_alloc : memref<!tpu.dma_semaphore, #tpu.memory_space<semaphore_mem>>
      %dma_start3A = arith.constant 0 : i32
      %dma_start3A_41 = tpu.memref_slice %arg6[%add3A_11, %dma_start3A] : memref<10240x128xf32, #tpu.memory_space<vmem_shared>> -> memref<128x128xf32, #tpu.memory_space<vmem_shared>>
      %dma_start3A_42 = arith.constant 0 : i32
      %dma_start3A_43 = tpu.memref_slice %arg6[%add3A_11, %dma_start3A_42] : memref<10240x128xf32, #tpu.memory_space<vmem_shared>> -> memref<128x128xf32, #tpu.memory_space<vmem_shared>>
      tpu.enqueue_dma source(%arg5 : memref<128x128xf32, #tpu.memory_space<vmem>>) target(%dma_start3A_43 : memref<128x128xf32, #tpu.memory_space<vmem_shared>>) target_semaphore(%run_scoped3A : memref<!tpu.dma_semaphore, #tpu.memory_space<semaphore_mem>>)
      %dma_wait3A = arith.constant 0 : i32
      %dma_wait3A_44 = tpu.memref_slice %arg6[%add3A_11, %dma_wait3A] : memref<10240x128xf32, #tpu.memory_space<vmem_shared>> -> memref<128x128xf32, #tpu.memory_space<vmem_shared>>
      %dma_wait3A_45 = arith.constant 0 : i32
      %dma_wait3A_46 = tpu.memref_slice %arg6[%add3A_11, %dma_wait3A_45] : memref<10240x128xf32, #tpu.memory_space<vmem_shared>> -> memref<128x128xf32, #tpu.memory_space<vmem_shared>>
      tpu.wait_dma2 semaphore(%run_scoped3A : memref<!tpu.dma_semaphore, #tpu.memory_space<semaphore_mem>>) src(%arg5 : memref<128x128xf32, #tpu.memory_space<vmem>>) dst(%dma_wait3A_46 : memref<128x128xf32, #tpu.memory_space<vmem_shared>>)
      tpu.yield
    }) : () -> ()
    %add3A_12 = arith.constant 256 : i32
    %add3A_13 = arith.addi %mul3A_2, %add3A_12 : i32
    "tpu.region"() ({
      %run_scoped3A = tpu.sem_alloc : memref<!tpu.dma_semaphore, #tpu.memory_space<semaphore_mem>>
      %dma_start3A = arith.constant 0 : i32
      %dma_start3A_41 = tpu.memref_slice %arg6[%add3A_13, %dma_start3A] : memref<10240x128xf32, #tpu.memory_space<vmem_shared>> -> memref<128x128xf32, #tpu.memory_space<vmem_shared>>
      %dma_start3A_42 = arith.constant 0 : i32
      %dma_start3A_43 = tpu.memref_slice %arg6[%add3A_13, %dma_start3A_42] : memref<10240x128xf32, #tpu.memory_space<vmem_shared>> -> memref<128x128xf32, #tpu.memory_space<vmem_shared>>
      tpu.enqueue_dma source(%arg5 : memref<128x128xf32, #tpu.memory_space<vmem>>) target(%dma_start3A_43 : memref<128x128xf32, #tpu.memory_space<vmem_shared>>) target_semaphore(%run_scoped3A : memref<!tpu.dma_semaphore, #tpu.memory_space<semaphore_mem>>)
      %dma_wait3A = arith.constant 0 : i32
      %dma_wait3A_44 = tpu.memref_slice %arg6[%add3A_13, %dma_wait3A] : memref<10240x128xf32, #tpu.memory_space<vmem_shared>> -> memref<128x128xf32, #tpu.memory_space<vmem_shared>>
      %dma_wait3A_45 = arith.constant 0 : i32
      %dma_wait3A_46 = tpu.memref_slice %arg6[%add3A_13, %dma_wait3A_45] : memref<10240x128xf32, #tpu.memory_space<vmem_shared>> -> memref<128x128xf32, #tpu.memory_space<vmem_shared>>
      tpu.wait_dma2 semaphore(%run_scoped3A : memref<!tpu.dma_semaphore, #tpu.memory_space<semaphore_mem>>) src(%arg5 : memref<128x128xf32, #tpu.memory_space<vmem>>) dst(%dma_wait3A_46 : memref<128x128xf32, #tpu.memory_space<vmem_shared>>)
      tpu.yield
    }) : () -> ()
    %add3A_14 = arith.constant 384 : i32
    %add3A_15 = arith.addi %mul3A_2, %add3A_14 : i32
    "tpu.region"() ({
      %run_scoped3A = tpu.sem_alloc : memref<!tpu.dma_semaphore, #tpu.memory_space<semaphore_mem>>
      %dma_start3A = arith.constant 0 : i32
      %dma_start3A_41 = tpu.memref_slice %arg6[%add3A_15, %dma_start3A] : memref<10240x128xf32, #tpu.memory_space<vmem_shared>> -> memref<128x128xf32, #tpu.memory_space<vmem_shared>>
      %dma_start3A_42 = arith.constant 0 : i32
      %dma_start3A_43 = tpu.memref_slice %arg6[%add3A_15, %dma_start3A_42] : memref<10240x128xf32, #tpu.memory_space<vmem_shared>> -> memref<128x128xf32, #tpu.memory_space<vmem_shared>>
      tpu.enqueue_dma source(%arg5 : memref<128x128xf32, #tpu.memory_space<vmem>>) target(%dma_start3A_43 : memref<128x128xf32, #tpu.memory_space<vmem_shared>>) target_semaphore(%run_scoped3A : memref<!tpu.dma_semaphore, #tpu.memory_space<semaphore_mem>>)
      %dma_wait3A = arith.constant 0 : i32
      %dma_wait3A_44 = tpu.memref_slice %arg6[%add3A_15, %dma_wait3A] : memref<10240x128xf32, #tpu.memory_space<vmem_shared>> -> memref<128x128xf32, #tpu.memory_space<vmem_shared>>
      %dma_wait3A_45 = arith.constant 0 : i32
      %dma_wait3A_46 = tpu.memref_slice %arg6[%add3A_15, %dma_wait3A_45] : memref<10240x128xf32, #tpu.memory_space<vmem_shared>> -> memref<128x128xf32, #tpu.memory_space<vmem_shared>>
      tpu.wait_dma2 semaphore(%run_scoped3A : memref<!tpu.dma_semaphore, #tpu.memory_space<semaphore_mem>>) src(%arg5 : memref<128x128xf32, #tpu.memory_space<vmem>>) dst(%dma_wait3A_46 : memref<128x128xf32, #tpu.memory_space<vmem_shared>>)
      tpu.yield
    }) : () -> ()
    %add3A_16 = arith.constant 512 : i32
    %add3A_17 = arith.addi %mul3A_2, %add3A_16 : i32
    "tpu.region"() ({
      %run_scoped3A = tpu.sem_alloc : memref<!tpu.dma_semaphore, #tpu.memory_space<semaphore_mem>>
      %dma_start3A = arith.constant 0 : i32
      %dma_start3A_41 = tpu.memref_slice %arg6[%add3A_17, %dma_start3A] : memref<10240x128xf32, #tpu.memory_space<vmem_shared>> -> memref<128x128xf32, #tpu.memory_space<vmem_shared>>
      %dma_start3A_42 = arith.constant 0 : i32
      %dma_start3A_43 = tpu.memref_slice %arg6[%add3A_17, %dma_start3A_42] : memref<10240x128xf32, #tpu.memory_space<vmem_shared>> -> memref<128x128xf32, #tpu.memory_space<vmem_shared>>
      tpu.enqueue_dma source(%arg5 : memref<128x128xf32, #tpu.memory_space<vmem>>) target(%dma_start3A_43 : memref<128x128xf32, #tpu.memory_space<vmem_shared>>) target_semaphore(%run_scoped3A : memref<!tpu.dma_semaphore, #tpu.memory_space<semaphore_mem>>)
      %dma_wait3A = arith.constant 0 : i32
      %dma_wait3A_44 = tpu.memref_slice %arg6[%add3A_17, %dma_wait3A] : memref<10240x128xf32, #tpu.memory_space<vmem_shared>> -> memref<128x128xf32, #tpu.memory_space<vmem_shared>>
      %dma_wait3A_45 = arith.constant 0 : i32
      %dma_wait3A_46 = tpu.memref_slice %arg6[%add3A_17, %dma_wait3A_45] : memref<10240x128xf32, #tpu.memory_space<vmem_shared>> -> memref<128x128xf32, #tpu.memory_space<vmem_shared>>
      tpu.wait_dma2 semaphore(%run_scoped3A : memref<!tpu.dma_semaphore, #tpu.memory_space<semaphore_mem>>) src(%arg5 : memref<128x128xf32, #tpu.memory_space<vmem>>) dst(%dma_wait3A_46 : memref<128x128xf32, #tpu.memory_space<vmem_shared>>)
      tpu.yield
    }) : () -> ()
    %barrier3A = arith.constant 0 : index
    tpu.barrier barrier_id(%barrier3A)
    %scan3A_18 = arith.constant 0 : i32
    %scan3A_19 = arith.constant 0 : i32
    %scan3A_20 = arith.constant 128 : i32
    %scan3A_21 = arith.addi %scan3A_19, %scan3A_20 : i32
    %scan3A_22 = arith.constant 1 : i32
    scf.for %scan3A_41 = %scan3A_19 to %scan3A_21 step %scan3A_22  : i32 {
      %broadcast_in_dim3A = arith.constant 1.000000e+00 : f32
      %broadcast_in_dim3A_42 = vector.broadcast %broadcast_in_dim3A : f32 to vector<16xf32>
      %swap3A = arith.index_cast %scan3A_41 : i32 to index
      %swap3A_43 = arith.constant 0 : index
      %swap3A_44 = tpu.vector_load %arg5[%swap3A, %swap3A_43] {strides = array<i32>} : memref<128x128xf32, #tpu.memory_space<vmem>>, vector<1x16xf32>,
      %swap3A_45 = vector.shape_cast %swap3A_44 : vector<1x16xf32> to vector<16xf32>
      %swap3A_46 = vector.shape_cast %broadcast_in_dim3A_42 : vector<16xf32> to vector<1x16xf32>
      tpu.vector_store %arg5[%swap3A, %swap3A_43], %swap3A_46 {strides = array<i32>} : memref<128x128xf32, #tpu.memory_space<vmem>>, vector<1x16xf32>,
      %broadcast_in_dim3A_47 = arith.constant 1.000000e+00 : f32
      %broadcast_in_dim3A_48 = vector.broadcast %broadcast_in_dim3A_47 : f32 to vector<16xf32>
      %swap3A_49 = arith.index_cast %scan3A_41 : i32 to index
      %swap3A_50 = arith.constant 16 : index
      %swap3A_51 = tpu.vector_load %arg5[%swap3A_49, %swap3A_50] {strides = array<i32>} : memref<128x128xf32, #tpu.memory_space<vmem>>, vector<1x16xf32>,
      %swap3A_52 = vector.shape_cast %swap3A_51 : vector<1x16xf32> to vector<16xf32>
      %swap3A_53 = vector.shape_cast %broadcast_in_dim3A_48 : vector<16xf32> to vector<1x16xf32>
      tpu.vector_store %arg5[%swap3A_49, %swap3A_50], %swap3A_53 {strides = array<i32>} : memref<128x128xf32, #tpu.memory_space<vmem>>, vector<1x16xf32>,
      %broadcast_in_dim3A_54 = arith.constant 1.000000e+00 : f32
      %broadcast_in_dim3A_55 = vector.broadcast %broadcast_in_dim3A_54 : f32 to vector<16xf32>
      %swap3A_56 = arith.index_cast %scan3A_41 : i32 to index
      %swap3A_57 = arith.constant 32 : index
      %swap3A_58 = tpu.vector_load %arg5[%swap3A_56, %swap3A_57] {strides = array<i32>} : memref<128x128xf32, #tpu.memory_space<vmem>>, vector<1x16xf32>,
      %swap3A_59 = vector.shape_cast %swap3A_58 : vector<1x16xf32> to vector<16xf32>
      %swap3A_60 = vector.shape_cast %broadcast_in_dim3A_55 : vector<16xf32> to vector<1x16xf32>
      tpu.vector_store %arg5[%swap3A_56, %swap3A_57], %swap3A_60 {strides = array<i32>} : memref<128x128xf32, #tpu.memory_space<vmem>>, vector<1x16xf32>,
      %broadcast_in_dim3A_61 = arith.constant 1.000000e+00 : f32
      %broadcast_in_dim3A_62 = vector.broadcast %broadcast_in_dim3A_61 : f32 to vector<16xf32>
      %swap3A_63 = arith.index_cast %scan3A_41 : i32 to index
      %swap3A_64 = arith.constant 48 : index
      %swap3A_65 = tpu.vector_load %arg5[%swap3A_63, %swap3A_64] {strides = array<i32>} : memref<128x128xf32, #tpu.memory_space<vmem>>, vector<1x16xf32>,
      %swap3A_66 = vector.shape_cast %swap3A_65 : vector<1x16xf32> to vector<16xf32>
      %swap3A_67 = vector.shape_cast %broadcast_in_dim3A_62 : vector<16xf32> to vector<1x16xf32>
      tpu.vector_store %arg5[%swap3A_63, %swap3A_64], %swap3A_67 {strides = array<i32>} : memref<128x128xf32, #tpu.memory_space<vmem>>, vector<1x16xf32>,
      %broadcast_in_dim3A_68 = arith.constant 1.000000e+00 : f32
      %broadcast_in_dim3A_69 = vector.broadcast %broadcast_in_dim3A_68 : f32 to vector<16xf32>
      %swap3A_70 = arith.index_cast %scan3A_41 : i32 to index
      %swap3A_71 = arith.constant 64 : index
      %swap3A_72 = tpu.vector_load %arg5[%swap3A_70, %swap3A_71] {strides = array<i32>} : memref<128x128xf32, #tpu.memory_space<vmem>>, vector<1x16xf32>,
      %swap3A_73 = vector.shape_cast %swap3A_72 : vector<1x16xf32> to vector<16xf32>
      %swap3A_74 = vector.shape_cast %broadcast_in_dim3A_69 : vector<16xf32> to vector<1x16xf32>
      tpu.vector_store %arg5[%swap3A_70, %swap3A_71], %swap3A_74 {strides = array<i32>} : memref<128x128xf32, #tpu.memory_space<vmem>>, vector<1x16xf32>,
      %broadcast_in_dim3A_75 = arith.constant 1.000000e+00 : f32
      %broadcast_in_dim3A_76 = vector.broadcast %broadcast_in_dim3A_75 : f32 to vector<16xf32>
      %swap3A_77 = arith.index_cast %scan3A_41 : i32 to index
      %swap3A_78 = arith.constant 80 : index
      %swap3A_79 = tpu.vector_load %arg5[%swap3A_77, %swap3A_78] {strides = array<i32>} : memref<128x128xf32, #tpu.memory_space<vmem>>, vector<1x16xf32>,
      %swap3A_80 = vector.shape_cast %swap3A_79 : vector<1x16xf32> to vector<16xf32>
      %swap3A_81 = vector.shape_cast %broadcast_in_dim3A_76 : vector<16xf32> to vector<1x16xf32>
      tpu.vector_store %arg5[%swap3A_77, %swap3A_78], %swap3A_81 {strides = array<i32>} : memref<128x128xf32, #tpu.memory_space<vmem>>, vector<1x16xf32>,
      %broadcast_in_dim3A_82 = arith.constant 1.000000e+00 : f32
      %broadcast_in_dim3A_83 = vector.broadcast %broadcast_in_dim3A_82 : f32 to vector<16xf32>
      %swap3A_84 = arith.index_cast %scan3A_41 : i32 to index
      %swap3A_85 = arith.constant 96 : index
      %swap3A_86 = tpu.vector_load %arg5[%swap3A_84, %swap3A_85] {strides = array<i32>} : memref<128x128xf32, #tpu.memory_space<vmem>>, vector<1x16xf32>,
      %swap3A_87 = vector.shape_cast %swap3A_86 : vector<1x16xf32> to vector<16xf32>
      %swap3A_88 = vector.shape_cast %broadcast_in_dim3A_83 : vector<16xf32> to vector<1x16xf32>
      tpu.vector_store %arg5[%swap3A_84, %swap3A_85], %swap3A_88 {strides = array<i32>} : memref<128x128xf32, #tpu.memory_space<vmem>>, vector<1x16xf32>,
      %broadcast_in_dim3A_89 = arith.constant 1.000000e+00 : f32
      %broadcast_in_dim3A_90 = vector.broadcast %broadcast_in_dim3A_89 : f32 to vector<16xf32>
      %swap3A_91 = arith.index_cast %scan3A_41 : i32 to index
      %swap3A_92 = arith.constant 112 : index
      %swap3A_93 = tpu.vector_load %arg5[%swap3A_91, %swap3A_92] {strides = array<i32>} : memref<128x128xf32, #tpu.memory_space<vmem>>, vector<1x16xf32>,
      %swap3A_94 = vector.shape_cast %swap3A_93 : vector<1x16xf32> to vector<16xf32>
      %swap3A_95 = vector.shape_cast %broadcast_in_dim3A_90 : vector<16xf32> to vector<1x16xf32>
      tpu.vector_store %arg5[%swap3A_91, %swap3A_92], %swap3A_95 {strides = array<i32>} : memref<128x128xf32, #tpu.memory_space<vmem>>, vector<1x16xf32>,
    }
    %scan3A_23 = arith.constant 128 : i32
    %scan3A_24 = arith.constant 0 : i32
    %scan3A_25 = arith.constant 0 : i32
    %scan3A_26 = arith.constant 10 : i32
    %scan3A_27 = arith.addi %scan3A_25, %scan3A_26 : i32
    %scan3A_28 = arith.constant 1 : i32
    scf.for %scan3A_41 = %scan3A_25 to %scan3A_27 step %scan3A_28  : i32 {
      %mul3A_42 = arith.constant 8 : i32
      %mul3A_43 = arith.muli %scan3A_41, %mul3A_42 : i32
      "tpu.region"() ({
        %run_scoped3A_51 = tpu.sem_alloc : memref<!tpu.dma_semaphore, #tpu.memory_space<semaphore_mem>>
        %dma_start3A = arith.constant 0 : i32
        %dma_start3A_52 = tpu.memref_slice %arg2[%add3A, %mul3A_43, %dma_start3A] : memref<32x80x128xi32, #tpu.memory_space<hbm>> -> memref<1x8x128xi32, #tpu.memory_space<hbm>>
        %dma_start3A_53 = tpu.memref_squeeze %dma_start3A_52 : memref<1x8x128xi32, #tpu.memory_space<hbm>> -> memref<8x128xi32, #tpu.memory_space<hbm>>
        %dma_start3A_54 = arith.constant 0 : i32
        %dma_start3A_55 = tpu.memref_slice %arg2[%add3A, %mul3A_43, %dma_start3A_54] : memref<32x80x128xi32, #tpu.memory_space<hbm>> -> memref<1x8x128xi32, #tpu.memory_space<hbm>>
        %dma_start3A_56 = tpu.memref_squeeze %dma_start3A_55 : memref<1x8x128xi32, #tpu.memory_space<hbm>> -> memref<8x128xi32, #tpu.memory_space<hbm>>
        tpu.enqueue_dma source(%dma_start3A_56 : memref<8x128xi32, #tpu.memory_space<hbm>>) target(%arg4 : memref<8x128xi32, #tpu.memory_space<vmem>>) target_semaphore(%run_scoped3A_51 : memref<!tpu.dma_semaphore, #tpu.memory_space<semaphore_mem>>)
        %dma_wait3A = arith.constant 0 : i32
        %dma_wait3A_57 = tpu.memref_slice %arg2[%add3A, %mul3A_43, %dma_wait3A] : memref<32x80x128xi32, #tpu.memory_space<hbm>> -> memref<1x8x128xi32, #tpu.memory_space<hbm>>
        %dma_wait3A_58 = tpu.memref_squeeze %dma_wait3A_57 : memref<1x8x128xi32, #tpu.memory_space<hbm>> -> memref<8x128xi32, #tpu.memory_space<hbm>>
        %dma_wait3A_59 = arith.constant 0 : i32
        %dma_wait3A_60 = tpu.memref_slice %arg2[%add3A, %mul3A_43, %dma_wait3A_59] : memref<32x80x128xi32, #tpu.memory_space<hbm>> -> memref<1x8x128xi32, #tpu.memory_space<hbm>>
        %dma_wait3A_61 = tpu.memref_squeeze %dma_wait3A_60 : memref<1x8x128xi32, #tpu.memory_space<hbm>> -> memref<8x128xi32, #tpu.memory_space<hbm>>
        tpu.wait_dma2 semaphore(%run_scoped3A_51 : memref<!tpu.dma_semaphore, #tpu.memory_space<semaphore_mem>>) src(%dma_wait3A_61 : memref<8x128xi32, #tpu.memory_space<hbm>>) dst(%arg4 : memref<8x128xi32, #tpu.memory_space<vmem>>)
        tpu.yield
      }) : () -> ()
      %run_scoped3A = arith.constant 0 : i32
      "tpu.region"() ({
        %run_scoped3A_51 = tpu.sem_alloc : memref<!tpu.dma_semaphore, #tpu.memory_space<semaphore_mem>>
        %dma_start3A = arith.constant 0 : i32
        %dma_start3A_52 = tpu.memref_slice %arg4[%run_scoped3A, %dma_start3A] : memref<8x128xi32, #tpu.memory_space<vmem>> -> memref<1x128xi32, #tpu.memory_space<vmem>>
        %dma_start3A_53 = tpu.memref_squeeze %dma_start3A_52 : memref<1x128xi32, #tpu.memory_space<vmem>> -> memref<128xi32, #tpu.memory_space<vmem>>
        %dma_start3A_54 = arith.constant 0 : i32
        %dma_start3A_55 = arith.constant 0 : i32
        %dma_start3A_56 = tpu.memref_slice %arg6[%dma_start3A_54, %dma_start3A_55] : memref<10240x128xf32, #tpu.memory_space<vmem_shared>> -> memref<10240x128xf32, #tpu.memory_space<vmem_shared>>
        tpu.enqueue_indirect_dma source(%arg5 : memref<128x128xf32, #tpu.memory_space<vmem>>) target(%dma_start3A_56 : memref<10240x128xf32, #tpu.memory_space<vmem_shared>>) offsets(%dma_start3A_53 : memref<128xi32, #tpu.memory_space<vmem>>) semaphore(%run_scoped3A_51 : memref<!tpu.dma_semaphore, #tpu.memory_space<semaphore_mem>>) {add = true}
        %dma_wait3A = arith.constant 0 : i32
        %dma_wait3A_57 = tpu.memref_slice %arg4[%run_scoped3A, %dma_wait3A] : memref<8x128xi32, #tpu.memory_space<vmem>> -> memref<1x128xi32, #tpu.memory_space<vmem>>
        %dma_wait3A_58 = tpu.memref_squeeze %dma_wait3A_57 : memref<1x128xi32, #tpu.memory_space<vmem>> -> memref<128xi32, #tpu.memory_space<vmem>>
        %dma_wait3A_59 = arith.constant 0 : i32
        %dma_wait3A_60 = arith.constant 0 : i32
        %dma_wait3A_61 = tpu.memref_slice %arg6[%dma_wait3A_59, %dma_wait3A_60] : memref<10240x128xf32, #tpu.memory_space<vmem_shared>> -> memref<10240x128xf32, #tpu.memory_space<vmem_shared>>
        tpu.wait_indirect_dma semaphore(%run_scoped3A_51 : memref<!tpu.dma_semaphore, #tpu.memory_space<semaphore_mem>>) src(%arg5 : memref<128x128xf32, #tpu.memory_space<vmem>>) dst(%dma_wait3A_61 : memref<10240x128xf32, #tpu.memory_space<vmem_shared>>)
        tpu.yield
      }) : () -> ()
      %run_scoped3A_44 = arith.constant 1 : i32
      "tpu.region"() ({
        %run_scoped3A_51 = tpu.sem_alloc : memref<!tpu.dma_semaphore, #tpu.memory_space<semaphore_mem>>
        %dma_start3A = arith.constant 0 : i32
        %dma_start3A_52 = tpu.memref_slice %arg4[%run_scoped3A_44, %dma_start3A] : memref<8x128xi32, #tpu.memory_space<vmem>> -> memref<1x128xi32, #tpu.memory_space<vmem>>
        %dma_start3A_53 = tpu.memref_squeeze %dma_start3A_52 : memref<1x128xi32, #tpu.memory_space<vmem>> -> memref<128xi32, #tpu.memory_space<vmem>>
        %dma_start3A_54 = arith.constant 0 : i32
        %dma_start3A_55 = arith.constant 0 : i32
        %dma_start3A_56 = tpu.memref_slice %arg6[%dma_start3A_54, %dma_start3A_55] : memref<10240x128xf32, #tpu.memory_space<vmem_shared>> -> memref<10240x128xf32, #tpu.memory_space<vmem_shared>>
        tpu.enqueue_indirect_dma source(%arg5 : memref<128x128xf32, #tpu.memory_space<vmem>>) target(%dma_start3A_56 : memref<10240x128xf32, #tpu.memory_space<vmem_shared>>) offsets(%dma_start3A_53 : memref<128xi32, #tpu.memory_space<vmem>>) semaphore(%run_scoped3A_51 : memref<!tpu.dma_semaphore, #tpu.memory_space<semaphore_mem>>) {add = true}
        %dma_wait3A = arith.constant 0 : i32
        %dma_wait3A_57 = tpu.memref_slice %arg4[%run_scoped3A_44, %dma_wait3A] : memref<8x128xi32, #tpu.memory_space<vmem>> -> memref<1x128xi32, #tpu.memory_space<vmem>>
        %dma_wait3A_58 = tpu.memref_squeeze %dma_wait3A_57 : memref<1x128xi32, #tpu.memory_space<vmem>> -> memref<128xi32, #tpu.memory_space<vmem>>
        %dma_wait3A_59 = arith.constant 0 : i32
        %dma_wait3A_60 = arith.constant 0 : i32
        %dma_wait3A_61 = tpu.memref_slice %arg6[%dma_wait3A_59, %dma_wait3A_60] : memref<10240x128xf32, #tpu.memory_space<vmem_shared>> -> memref<10240x128xf32, #tpu.memory_space<vmem_shared>>
        tpu.wait_indirect_dma semaphore(%run_scoped3A_51 : memref<!tpu.dma_semaphore, #tpu.memory_space<semaphore_mem>>) src(%arg5 : memref<128x128xf32, #tpu.memory_space<vmem>>) dst(%dma_wait3A_61 : memref<10240x128xf32, #tpu.memory_space<vmem_shared>>)
        tpu.yield
      }) : () -> ()
      %run_scoped3A_45 = arith.constant 2 : i32
      "tpu.region"() ({
        %run_scoped3A_51 = tpu.sem_alloc : memref<!tpu.dma_semaphore, #tpu.memory_space<semaphore_mem>>
        %dma_start3A = arith.constant 0 : i32
        %dma_start3A_52 = tpu.memref_slice %arg4[%run_scoped3A_45, %dma_start3A] : memref<8x128xi32, #tpu.memory_space<vmem>> -> memref<1x128xi32, #tpu.memory_space<vmem>>
        %dma_start3A_53 = tpu.memref_squeeze %dma_start3A_52 : memref<1x128xi32, #tpu.memory_space<vmem>> -> memref<128xi32, #tpu.memory_space<vmem>>
        %dma_start3A_54 = arith.constant 0 : i32
        %dma_start3A_55 = arith.constant 0 : i32
        %dma_start3A_56 = tpu.memref_slice %arg6[%dma_start3A_54, %dma_start3A_55] : memref<10240x128xf32, #tpu.memory_space<vmem_shared>> -> memref<10240x128xf32, #tpu.memory_space<vmem_shared>>
        tpu.enqueue_indirect_dma source(%arg5 : memref<128x128xf32, #tpu.memory_space<vmem>>) target(%dma_start3A_56 : memref<10240x128xf32, #tpu.memory_space<vmem_shared>>) offsets(%dma_start3A_53 : memref<128xi32, #tpu.memory_space<vmem>>) semaphore(%run_scoped3A_51 : memref<!tpu.dma_semaphore, #tpu.memory_space<semaphore_mem>>) {add = true}
        %dma_wait3A = arith.constant 0 : i32
        %dma_wait3A_57 = tpu.memref_slice %arg4[%run_scoped3A_45, %dma_wait3A] : memref<8x128xi32, #tpu.memory_space<vmem>> -> memref<1x128xi32, #tpu.memory_space<vmem>>
        %dma_wait3A_58 = tpu.memref_squeeze %dma_wait3A_57 : memref<1x128xi32, #tpu.memory_space<vmem>> -> memref<128xi32, #tpu.memory_space<vmem>>
        %dma_wait3A_59 = arith.constant 0 : i32
        %dma_wait3A_60 = arith.constant 0 : i32
        %dma_wait3A_61 = tpu.memref_slice %arg6[%dma_wait3A_59, %dma_wait3A_60] : memref<10240x128xf32, #tpu.memory_space<vmem_shared>> -> memref<10240x128xf32, #tpu.memory_space<vmem_shared>>
        tpu.wait_indirect_dma semaphore(%run_scoped3A_51 : memref<!tpu.dma_semaphore, #tpu.memory_space<semaphore_mem>>) src(%arg5 : memref<128x128xf32, #tpu.memory_space<vmem>>) dst(%dma_wait3A_61 : memref<10240x128xf32, #tpu.memory_space<vmem_shared>>)
        tpu.yield
      }) : () -> ()
      %run_scoped3A_46 = arith.constant 3 : i32
      "tpu.region"() ({
        %run_scoped3A_51 = tpu.sem_alloc : memref<!tpu.dma_semaphore, #tpu.memory_space<semaphore_mem>>
        %dma_start3A = arith.constant 0 : i32
        %dma_start3A_52 = tpu.memref_slice %arg4[%run_scoped3A_46, %dma_start3A] : memref<8x128xi32, #tpu.memory_space<vmem>> -> memref<1x128xi32, #tpu.memory_space<vmem>>
        %dma_start3A_53 = tpu.memref_squeeze %dma_start3A_52 : memref<1x128xi32, #tpu.memory_space<vmem>> -> memref<128xi32, #tpu.memory_space<vmem>>
        %dma_start3A_54 = arith.constant 0 : i32
        %dma_start3A_55 = arith.constant 0 : i32
        %dma_start3A_56 = tpu.memref_slice %arg6[%dma_start3A_54, %dma_start3A_55] : memref<10240x128xf32, #tpu.memory_space<vmem_shared>> -> memref<10240x128xf32, #tpu.memory_space<vmem_shared>>
        tpu.enqueue_indirect_dma source(%arg5 : memref<128x128xf32, #tpu.memory_space<vmem>>) target(%dma_start3A_56 : memref<10240x128xf32, #tpu.memory_space<vmem_shared>>) offsets(%dma_start3A_53 : memref<128xi32, #tpu.memory_space<vmem>>) semaphore(%run_scoped3A_51 : memref<!tpu.dma_semaphore, #tpu.memory_space<semaphore_mem>>) {add = true}
        %dma_wait3A = arith.constant 0 : i32
        %dma_wait3A_57 = tpu.memref_slice %arg4[%run_scoped3A_46, %dma_wait3A] : memref<8x128xi32, #tpu.memory_space<vmem>> -> memref<1x128xi32, #tpu.memory_space<vmem>>
        %dma_wait3A_58 = tpu.memref_squeeze %dma_wait3A_57 : memref<1x128xi32, #tpu.memory_space<vmem>> -> memref<128xi32, #tpu.memory_space<vmem>>
        %dma_wait3A_59 = arith.constant 0 : i32
        %dma_wait3A_60 = arith.constant 0 : i32
        %dma_wait3A_61 = tpu.memref_slice %arg6[%dma_wait3A_59, %dma_wait3A_60] : memref<10240x128xf32, #tpu.memory_space<vmem_shared>> -> memref<10240x128xf32, #tpu.memory_space<vmem_shared>>
        tpu.wait_indirect_dma semaphore(%run_scoped3A_51 : memref<!tpu.dma_semaphore, #tpu.memory_space<semaphore_mem>>) src(%arg5 : memref<128x128xf32, #tpu.memory_space<vmem>>) dst(%dma_wait3A_61 : memref<10240x128xf32, #tpu.memory_space<vmem_shared>>)
        tpu.yield
      }) : () -> ()
      %run_scoped3A_47 = arith.constant 4 : i32
      "tpu.region"() ({
        %run_scoped3A_51 = tpu.sem_alloc : memref<!tpu.dma_semaphore, #tpu.memory_space<semaphore_mem>>
        %dma_start3A = arith.constant 0 : i32
        %dma_start3A_52 = tpu.memref_slice %arg4[%run_scoped3A_47, %dma_start3A] : memref<8x128xi32, #tpu.memory_space<vmem>> -> memref<1x128xi32, #tpu.memory_space<vmem>>
        %dma_start3A_53 = tpu.memref_squeeze %dma_start3A_52 : memref<1x128xi32, #tpu.memory_space<vmem>> -> memref<128xi32, #tpu.memory_space<vmem>>
        %dma_start3A_54 = arith.constant 0 : i32
        %dma_start3A_55 = arith.constant 0 : i32
        %dma_start3A_56 = tpu.memref_slice %arg6[%dma_start3A_54, %dma_start3A_55] : memref<10240x128xf32, #tpu.memory_space<vmem_shared>> -> memref<10240x128xf32, #tpu.memory_space<vmem_shared>>
        tpu.enqueue_indirect_dma source(%arg5 : memref<128x128xf32, #tpu.memory_space<vmem>>) target(%dma_start3A_56 : memref<10240x128xf32, #tpu.memory_space<vmem_shared>>) offsets(%dma_start3A_53 : memref<128xi32, #tpu.memory_space<vmem>>) semaphore(%run_scoped3A_51 : memref<!tpu.dma_semaphore, #tpu.memory_space<semaphore_mem>>) {add = true}
        %dma_wait3A = arith.constant 0 : i32
        %dma_wait3A_57 = tpu.memref_slice %arg4[%run_scoped3A_47, %dma_wait3A] : memref<8x128xi32, #tpu.memory_space<vmem>> -> memref<1x128xi32, #tpu.memory_space<vmem>>
        %dma_wait3A_58 = tpu.memref_squeeze %dma_wait3A_57 : memref<1x128xi32, #tpu.memory_space<vmem>> -> memref<128xi32, #tpu.memory_space<vmem>>
        %dma_wait3A_59 = arith.constant 0 : i32
        %dma_wait3A_60 = arith.constant 0 : i32
        %dma_wait3A_61 = tpu.memref_slice %arg6[%dma_wait3A_59, %dma_wait3A_60] : memref<10240x128xf32, #tpu.memory_space<vmem_shared>> -> memref<10240x128xf32, #tpu.memory_space<vmem_shared>>
        tpu.wait_indirect_dma semaphore(%run_scoped3A_51 : memref<!tpu.dma_semaphore, #tpu.memory_space<semaphore_mem>>) src(%arg5 : memref<128x128xf32, #tpu.memory_space<vmem>>) dst(%dma_wait3A_61 : memref<10240x128xf32, #tpu.memory_space<vmem_shared>>)
        tpu.yield
      }) : () -> ()
      %run_scoped3A_48 = arith.constant 5 : i32
      "tpu.region"() ({
        %run_scoped3A_51 = tpu.sem_alloc : memref<!tpu.dma_semaphore, #tpu.memory_space<semaphore_mem>>
        %dma_start3A = arith.constant 0 : i32
        %dma_start3A_52 = tpu.memref_slice %arg4[%run_scoped3A_48, %dma_start3A] : memref<8x128xi32, #tpu.memory_space<vmem>> -> memref<1x128xi32, #tpu.memory_space<vmem>>
        %dma_start3A_53 = tpu.memref_squeeze %dma_start3A_52 : memref<1x128xi32, #tpu.memory_space<vmem>> -> memref<128xi32, #tpu.memory_space<vmem>>
        %dma_start3A_54 = arith.constant 0 : i32
        %dma_start3A_55 = arith.constant 0 : i32
        %dma_start3A_56 = tpu.memref_slice %arg6[%dma_start3A_54, %dma_start3A_55] : memref<10240x128xf32, #tpu.memory_space<vmem_shared>> -> memref<10240x128xf32, #tpu.memory_space<vmem_shared>>
        tpu.enqueue_indirect_dma source(%arg5 : memref<128x128xf32, #tpu.memory_space<vmem>>) target(%dma_start3A_56 : memref<10240x128xf32, #tpu.memory_space<vmem_shared>>) offsets(%dma_start3A_53 : memref<128xi32, #tpu.memory_space<vmem>>) semaphore(%run_scoped3A_51 : memref<!tpu.dma_semaphore, #tpu.memory_space<semaphore_mem>>) {add = true}
        %dma_wait3A = arith.constant 0 : i32
        %dma_wait3A_57 = tpu.memref_slice %arg4[%run_scoped3A_48, %dma_wait3A] : memref<8x128xi32, #tpu.memory_space<vmem>> -> memref<1x128xi32, #tpu.memory_space<vmem>>
        %dma_wait3A_58 = tpu.memref_squeeze %dma_wait3A_57 : memref<1x128xi32, #tpu.memory_space<vmem>> -> memref<128xi32, #tpu.memory_space<vmem>>
        %dma_wait3A_59 = arith.constant 0 : i32
        %dma_wait3A_60 = arith.constant 0 : i32
        %dma_wait3A_61 = tpu.memref_slice %arg6[%dma_wait3A_59, %dma_wait3A_60] : memref<10240x128xf32, #tpu.memory_space<vmem_shared>> -> memref<10240x128xf32, #tpu.memory_space<vmem_shared>>
        tpu.wait_indirect_dma semaphore(%run_scoped3A_51 : memref<!tpu.dma_semaphore, #tpu.memory_space<semaphore_mem>>) src(%arg5 : memref<128x128xf32, #tpu.memory_space<vmem>>) dst(%dma_wait3A_61 : memref<10240x128xf32, #tpu.memory_space<vmem_shared>>)
        tpu.yield
      }) : () -> ()
      %run_scoped3A_49 = arith.constant 6 : i32
      "tpu.region"() ({
        %run_scoped3A_51 = tpu.sem_alloc : memref<!tpu.dma_semaphore, #tpu.memory_space<semaphore_mem>>
        %dma_start3A = arith.constant 0 : i32
        %dma_start3A_52 = tpu.memref_slice %arg4[%run_scoped3A_49, %dma_start3A] : memref<8x128xi32, #tpu.memory_space<vmem>> -> memref<1x128xi32, #tpu.memory_space<vmem>>
        %dma_start3A_53 = tpu.memref_squeeze %dma_start3A_52 : memref<1x128xi32, #tpu.memory_space<vmem>> -> memref<128xi32, #tpu.memory_space<vmem>>
        %dma_start3A_54 = arith.constant 0 : i32
        %dma_start3A_55 = arith.constant 0 : i32
        %dma_start3A_56 = tpu.memref_slice %arg6[%dma_start3A_54, %dma_start3A_55] : memref<10240x128xf32, #tpu.memory_space<vmem_shared>> -> memref<10240x128xf32, #tpu.memory_space<vmem_shared>>
        tpu.enqueue_indirect_dma source(%arg5 : memref<128x128xf32, #tpu.memory_space<vmem>>) target(%dma_start3A_56 : memref<10240x128xf32, #tpu.memory_space<vmem_shared>>) offsets(%dma_start3A_53 : memref<128xi32, #tpu.memory_space<vmem>>) semaphore(%run_scoped3A_51 : memref<!tpu.dma_semaphore, #tpu.memory_space<semaphore_mem>>) {add = true}
        %dma_wait3A = arith.constant 0 : i32
        %dma_wait3A_57 = tpu.memref_slice %arg4[%run_scoped3A_49, %dma_wait3A] : memref<8x128xi32, #tpu.memory_space<vmem>> -> memref<1x128xi32, #tpu.memory_space<vmem>>
        %dma_wait3A_58 = tpu.memref_squeeze %dma_wait3A_57 : memref<1x128xi32, #tpu.memory_space<vmem>> -> memref<128xi32, #tpu.memory_space<vmem>>
        %dma_wait3A_59 = arith.constant 0 : i32
        %dma_wait3A_60 = arith.constant 0 : i32
        %dma_wait3A_61 = tpu.memref_slice %arg6[%dma_wait3A_59, %dma_wait3A_60] : memref<10240x128xf32, #tpu.memory_space<vmem_shared>> -> memref<10240x128xf32, #tpu.memory_space<vmem_shared>>
        tpu.wait_indirect_dma semaphore(%run_scoped3A_51 : memref<!tpu.dma_semaphore, #tpu.memory_space<semaphore_mem>>) src(%arg5 : memref<128x128xf32, #tpu.memory_space<vmem>>) dst(%dma_wait3A_61 : memref<10240x128xf32, #tpu.memory_space<vmem_shared>>)
        tpu.yield
      }) : () -> ()
      %run_scoped3A_50 = arith.constant 7 : i32
      "tpu.region"() ({
        %run_scoped3A_51 = tpu.sem_alloc : memref<!tpu.dma_semaphore, #tpu.memory_space<semaphore_mem>>
        %dma_start3A = arith.constant 0 : i32
        %dma_start3A_52 = tpu.memref_slice %arg4[%run_scoped3A_50, %dma_start3A] : memref<8x128xi32, #tpu.memory_space<vmem>> -> memref<1x128xi32, #tpu.memory_space<vmem>>
        %dma_start3A_53 = tpu.memref_squeeze %dma_start3A_52 : memref<1x128xi32, #tpu.memory_space<vmem>> -> memref<128xi32, #tpu.memory_space<vmem>>
        %dma_start3A_54 = arith.constant 0 : i32
        %dma_start3A_55 = arith.constant 0 : i32
        %dma_start3A_56 = tpu.memref_slice %arg6[%dma_start3A_54, %dma_start3A_55] : memref<10240x128xf32, #tpu.memory_space<vmem_shared>> -> memref<10240x128xf32, #tpu.memory_space<vmem_shared>>
        tpu.enqueue_indirect_dma source(%arg5 : memref<128x128xf32, #tpu.memory_space<vmem>>) target(%dma_start3A_56 : memref<10240x128xf32, #tpu.memory_space<vmem_shared>>) offsets(%dma_start3A_53 : memref<128xi32, #tpu.memory_space<vmem>>) semaphore(%run_scoped3A_51 : memref<!tpu.dma_semaphore, #tpu.memory_space<semaphore_mem>>) {add = true}
        %dma_wait3A = arith.constant 0 : i32
        %dma_wait3A_57 = tpu.memref_slice %arg4[%run_scoped3A_50, %dma_wait3A] : memref<8x128xi32, #tpu.memory_space<vmem>> -> memref<1x128xi32, #tpu.memory_space<vmem>>
        %dma_wait3A_58 = tpu.memref_squeeze %dma_wait3A_57 : memref<1x128xi32, #tpu.memory_space<vmem>> -> memref<128xi32, #tpu.memory_space<vmem>>
        %dma_wait3A_59 = arith.constant 0 : i32
        %dma_wait3A_60 = arith.constant 0 : i32
        %dma_wait3A_61 = tpu.memref_slice %arg6[%dma_wait3A_59, %dma_wait3A_60] : memref<10240x128xf32, #tpu.memory_space<vmem_shared>> -> memref<10240x128xf32, #tpu.memory_space<vmem_shared>>
        tpu.wait_indirect_dma semaphore(%run_scoped3A_51 : memref<!tpu.dma_semaphore, #tpu.memory_space<semaphore_mem>>) src(%arg5 : memref<128x128xf32, #tpu.memory_space<vmem>>) dst(%dma_wait3A_61 : memref<10240x128xf32, #tpu.memory_space<vmem_shared>>)
        tpu.yield
      }) : () -> ()
    }
    %scan3A_29 = arith.constant 10 : i32
    %barrier3A_30 = arith.constant 0 : index
    tpu.barrier barrier_id(%barrier3A_30)
    %add3A_31 = arith.constant 0 : i32
    %add3A_32 = arith.addi %mul3A_2, %add3A_31 : i32
    "tpu.region"() ({
      %run_scoped3A = tpu.sem_alloc : memref<!tpu.dma_semaphore, #tpu.memory_space<semaphore_mem>>
      %dma_start3A = arith.constant 0 : i32
      %dma_start3A_41 = tpu.memref_slice %arg6[%add3A_32, %dma_start3A] : memref<10240x128xf32, #tpu.memory_space<vmem_shared>> -> memref<128x128xf32, #tpu.memory_space<vmem_shared>>
      %dma_start3A_42 = arith.constant 0 : i32
      %dma_start3A_43 = tpu.memref_slice %arg6[%add3A_32, %dma_start3A_42] : memref<10240x128xf32, #tpu.memory_space<vmem_shared>> -> memref<128x128xf32, #tpu.memory_space<vmem_shared>>
      tpu.enqueue_dma source(%dma_start3A_43 : memref<128x128xf32, #tpu.memory_space<vmem_shared>>) target(%arg5 : memref<128x128xf32, #tpu.memory_space<vmem>>) target_semaphore(%run_scoped3A : memref<!tpu.dma_semaphore, #tpu.memory_space<semaphore_mem>>)
      %dma_wait3A = arith.constant 0 : i32
      %dma_wait3A_44 = tpu.memref_slice %arg6[%add3A_32, %dma_wait3A] : memref<10240x128xf32, #tpu.memory_space<vmem_shared>> -> memref<128x128xf32, #tpu.memory_space<vmem_shared>>
      %dma_wait3A_45 = arith.constant 0 : i32
      %dma_wait3A_46 = tpu.memref_slice %arg6[%add3A_32, %dma_wait3A_45] : memref<10240x128xf32, #tpu.memory_space<vmem_shared>> -> memref<128x128xf32, #tpu.memory_space<vmem_shared>>
      tpu.wait_dma2 semaphore(%run_scoped3A : memref<!tpu.dma_semaphore, #tpu.memory_space<semaphore_mem>>) src(%dma_wait3A_46 : memref<128x128xf32, #tpu.memory_space<vmem_shared>>) dst(%arg5 : memref<128x128xf32, #tpu.memory_space<vmem>>)
      tpu.yield
    }) : () -> ()
    "tpu.region"() ({
      %run_scoped3A = tpu.sem_alloc : memref<!tpu.dma_semaphore, #tpu.memory_space<semaphore_mem>>
      %dma_start3A = arith.constant 0 : i32
      %dma_start3A_41 = tpu.memref_slice %arg3[%arg0, %add3A_32, %dma_start3A] : memref<2x10240x128xf32, #tpu.memory_space<hbm>> -> memref<1x128x128xf32, #tpu.memory_space<hbm>>
      %dma_start3A_42 = tpu.memref_squeeze %dma_start3A_41 : memref<1x128x128xf32, #tpu.memory_space<hbm>> -> memref<128x128xf32, #tpu.memory_space<hbm>>
      %dma_start3A_43 = arith.constant 0 : i32
      %dma_start3A_44 = tpu.memref_slice %arg3[%arg0, %add3A_32, %dma_start3A_43] : memref<2x10240x128xf32, #tpu.memory_space<hbm>> -> memref<1x128x128xf32, #tpu.memory_space<hbm>>
      %dma_start3A_45 = tpu.memref_squeeze %dma_start3A_44 : memref<1x128x128xf32, #tpu.memory_space<hbm>> -> memref<128x128xf32, #tpu.memory_space<hbm>>
      tpu.enqueue_dma source(%arg5 : memref<128x128xf32, #tpu.memory_space<vmem>>) target(%dma_start3A_45 : memref<128x128xf32, #tpu.memory_space<hbm>>) target_semaphore(%run_scoped3A : memref<!tpu.dma_semaphore, #tpu.memory_space<semaphore_mem>>)
      %dma_wait3A = arith.constant 0 : i32
      %dma_wait3A_46 = tpu.memref_slice %arg3[%arg0, %add3A_32, %dma_wait3A] : memref<2x10240x128xf32, #tpu.memory_space<hbm>> -> memref<1x128x128xf32, #tpu.memory_space<hbm>>
      %dma_wait3A_47 = tpu.memref_squeeze %dma_wait3A_46 : memref<1x128x128xf32, #tpu.memory_space<hbm>> -> memref<128x128xf32, #tpu.memory_space<hbm>>
      %dma_wait3A_48 = arith.constant 0 : i32
      %dma_wait3A_49 = tpu.memref_slice %arg3[%arg0, %add3A_32, %dma_wait3A_48] : memref<2x10240x128xf32, #tpu.memory_space<hbm>> -> memref<1x128x128xf32, #tpu.memory_space<hbm>>
      %dma_wait3A_50 = tpu.memref_squeeze %dma_wait3A_49 : memref<1x128x128xf32, #tpu.memory_space<hbm>> -> memref<128x128xf32, #tpu.memory_space<hbm>>
      tpu.wait_dma2 semaphore(%run_scoped3A : memref<!tpu.dma_semaphore, #tpu.memory_space<semaphore_mem>>) src(%arg5 : memref<128x128xf32, #tpu.memory_space<vmem>>) dst(%dma_wait3A_50 : memref<128x128xf32, #tpu.memory_space<hbm>>)
      tpu.yield
    }) : () -> ()
    %add3A_33 = arith.constant 128 : i32
    %add3A_34 = arith.addi %mul3A_2, %add3A_33 : i32
    "tpu.region"() ({
      %run_scoped3A = tpu.sem_alloc : memref<!tpu.dma_semaphore, #tpu.memory_space<semaphore_mem>>
      %dma_start3A = arith.constant 0 : i32
      %dma_start3A_41 = tpu.memref_slice %arg6[%add3A_34, %dma_start3A] : memref<10240x128xf32, #tpu.memory_space<vmem_shared>> -> memref<128x128xf32, #tpu.memory_space<vmem_shared>>
      %dma_start3A_42 = arith.constant 0 : i32
      %dma_start3A_43 = tpu.memref_slice %arg6[%add3A_34, %dma_start3A_42] : memref<10240x128xf32, #tpu.memory_space<vmem_shared>> -> memref<128x128xf32, #tpu.memory_space<vmem_shared>>
      tpu.enqueue_dma source(%dma_start3A_43 : memref<128x128xf32, #tpu.memory_space<vmem_shared>>) target(%arg5 : memref<128x128xf32, #tpu.memory_space<vmem>>) target_semaphore(%run_scoped3A : memref<!tpu.dma_semaphore, #tpu.memory_space<semaphore_mem>>)
      %dma_wait3A = arith.constant 0 : i32
      %dma_wait3A_44 = tpu.memref_slice %arg6[%add3A_34, %dma_wait3A] : memref<10240x128xf32, #tpu.memory_space<vmem_shared>> -> memref<128x128xf32, #tpu.memory_space<vmem_shared>>
      %dma_wait3A_45 = arith.constant 0 : i32
      %dma_wait3A_46 = tpu.memref_slice %arg6[%add3A_34, %dma_wait3A_45] : memref<10240x128xf32, #tpu.memory_space<vmem_shared>> -> memref<128x128xf32, #tpu.memory_space<vmem_shared>>
      tpu.wait_dma2 semaphore(%run_scoped3A : memref<!tpu.dma_semaphore, #tpu.memory_space<semaphore_mem>>) src(%dma_wait3A_46 : memref<128x128xf32, #tpu.memory_space<vmem_shared>>) dst(%arg5 : memref<128x128xf32, #tpu.memory_space<vmem>>)
      tpu.yield
    }) : () -> ()
    "tpu.region"() ({
      %run_scoped3A = tpu.sem_alloc : memref<!tpu.dma_semaphore, #tpu.memory_space<semaphore_mem>>
      %dma_start3A = arith.constant 0 : i32
      %dma_start3A_41 = tpu.memref_slice %arg3[%arg0, %add3A_34, %dma_start3A] : memref<2x10240x128xf32, #tpu.memory_space<hbm>> -> memref<1x128x128xf32, #tpu.memory_space<hbm>>
      %dma_start3A_42 = tpu.memref_squeeze %dma_start3A_41 : memref<1x128x128xf32, #tpu.memory_space<hbm>> -> memref<128x128xf32, #tpu.memory_space<hbm>>
      %dma_start3A_43 = arith.constant 0 : i32
      %dma_start3A_44 = tpu.memref_slice %arg3[%arg0, %add3A_34, %dma_start3A_43] : memref<2x10240x128xf32, #tpu.memory_space<hbm>> -> memref<1x128x128xf32, #tpu.memory_space<hbm>>
      %dma_start3A_45 = tpu.memref_squeeze %dma_start3A_44 : memref<1x128x128xf32, #tpu.memory_space<hbm>> -> memref<128x128xf32, #tpu.memory_space<hbm>>
      tpu.enqueue_dma source(%arg5 : memref<128x128xf32, #tpu.memory_space<vmem>>) target(%dma_start3A_45 : memref<128x128xf32, #tpu.memory_space<hbm>>) target_semaphore(%run_scoped3A : memref<!tpu.dma_semaphore, #tpu.memory_space<semaphore_mem>>)
      %dma_wait3A = arith.constant 0 : i32
      %dma_wait3A_46 = tpu.memref_slice %arg3[%arg0, %add3A_34, %dma_wait3A] : memref<2x10240x128xf32, #tpu.memory_space<hbm>> -> memref<1x128x128xf32, #tpu.memory_space<hbm>>
      %dma_wait3A_47 = tpu.memref_squeeze %dma_wait3A_46 : memref<1x128x128xf32, #tpu.memory_space<hbm>> -> memref<128x128xf32, #tpu.memory_space<hbm>>
      %dma_wait3A_48 = arith.constant 0 : i32
      %dma_wait3A_49 = tpu.memref_slice %arg3[%arg0, %add3A_34, %dma_wait3A_48] : memref<2x10240x128xf32, #tpu.memory_space<hbm>> -> memref<1x128x128xf32, #tpu.memory_space<hbm>>
      %dma_wait3A_50 = tpu.memref_squeeze %dma_wait3A_49 : memref<1x128x128xf32, #tpu.memory_space<hbm>> -> memref<128x128xf32, #tpu.memory_space<hbm>>
      tpu.wait_dma2 semaphore(%run_scoped3A : memref<!tpu.dma_semaphore, #tpu.memory_space<semaphore_mem>>) src(%arg5 : memref<128x128xf32, #tpu.memory_space<vmem>>) dst(%dma_wait3A_50 : memref<128x128xf32, #tpu.memory_space<hbm>>)
      tpu.yield
    }) : () -> ()
    %add3A_35 = arith.constant 256 : i32
    %add3A_36 = arith.addi %mul3A_2, %add3A_35 : i32
    "tpu.region"() ({
      %run_scoped3A = tpu.sem_alloc : memref<!tpu.dma_semaphore, #tpu.memory_space<semaphore_mem>>
      %dma_start3A = arith.constant 0 : i32
      %dma_start3A_41 = tpu.memref_slice %arg6[%add3A_36, %dma_start3A] : memref<10240x128xf32, #tpu.memory_space<vmem_shared>> -> memref<128x128xf32, #tpu.memory_space<vmem_shared>>
      %dma_start3A_42 = arith.constant 0 : i32
      %dma_start3A_43 = tpu.memref_slice %arg6[%add3A_36, %dma_start3A_42] : memref<10240x128xf32, #tpu.memory_space<vmem_shared>> -> memref<128x128xf32, #tpu.memory_space<vmem_shared>>
      tpu.enqueue_dma source(%dma_start3A_43 : memref<128x128xf32, #tpu.memory_space<vmem_shared>>) target(%arg5 : memref<128x128xf32, #tpu.memory_space<vmem>>) target_semaphore(%run_scoped3A : memref<!tpu.dma_semaphore, #tpu.memory_space<semaphore_mem>>)
      %dma_wait3A = arith.constant 0 : i32
      %dma_wait3A_44 = tpu.memref_slice %arg6[%add3A_36, %dma_wait3A] : memref<10240x128xf32, #tpu.memory_space<vmem_shared>> -> memref<128x128xf32, #tpu.memory_space<vmem_shared>>
      %dma_wait3A_45 = arith.constant 0 : i32
      %dma_wait3A_46 = tpu.memref_slice %arg6[%add3A_36, %dma_wait3A_45] : memref<10240x128xf32, #tpu.memory_space<vmem_shared>> -> memref<128x128xf32, #tpu.memory_space<vmem_shared>>
      tpu.wait_dma2 semaphore(%run_scoped3A : memref<!tpu.dma_semaphore, #tpu.memory_space<semaphore_mem>>) src(%dma_wait3A_46 : memref<128x128xf32, #tpu.memory_space<vmem_shared>>) dst(%arg5 : memref<128x128xf32, #tpu.memory_space<vmem>>)
      tpu.yield
    }) : () -> ()
    "tpu.region"() ({
      %run_scoped3A = tpu.sem_alloc : memref<!tpu.dma_semaphore, #tpu.memory_space<semaphore_mem>>
      %dma_start3A = arith.constant 0 : i32
      %dma_start3A_41 = tpu.memref_slice %arg3[%arg0, %add3A_36, %dma_start3A] : memref<2x10240x128xf32, #tpu.memory_space<hbm>> -> memref<1x128x128xf32, #tpu.memory_space<hbm>>
      %dma_start3A_42 = tpu.memref_squeeze %dma_start3A_41 : memref<1x128x128xf32, #tpu.memory_space<hbm>> -> memref<128x128xf32, #tpu.memory_space<hbm>>
      %dma_start3A_43 = arith.constant 0 : i32
      %dma_start3A_44 = tpu.memref_slice %arg3[%arg0, %add3A_36, %dma_start3A_43] : memref<2x10240x128xf32, #tpu.memory_space<hbm>> -> memref<1x128x128xf32, #tpu.memory_space<hbm>>
      %dma_start3A_45 = tpu.memref_squeeze %dma_start3A_44 : memref<1x128x128xf32, #tpu.memory_space<hbm>> -> memref<128x128xf32, #tpu.memory_space<hbm>>
      tpu.enqueue_dma source(%arg5 : memref<128x128xf32, #tpu.memory_space<vmem>>) target(%dma_start3A_45 : memref<128x128xf32, #tpu.memory_space<hbm>>) target_semaphore(%run_scoped3A : memref<!tpu.dma_semaphore, #tpu.memory_space<semaphore_mem>>)
      %dma_wait3A = arith.constant 0 : i32
      %dma_wait3A_46 = tpu.memref_slice %arg3[%arg0, %add3A_36, %dma_wait3A] : memref<2x10240x128xf32, #tpu.memory_space<hbm>> -> memref<1x128x128xf32, #tpu.memory_space<hbm>>
      %dma_wait3A_47 = tpu.memref_squeeze %dma_wait3A_46 : memref<1x128x128xf32, #tpu.memory_space<hbm>> -> memref<128x128xf32, #tpu.memory_space<hbm>>
      %dma_wait3A_48 = arith.constant 0 : i32
      %dma_wait3A_49 = tpu.memref_slice %arg3[%arg0, %add3A_36, %dma_wait3A_48] : memref<2x10240x128xf32, #tpu.memory_space<hbm>> -> memref<1x128x128xf32, #tpu.memory_space<hbm>>
      %dma_wait3A_50 = tpu.memref_squeeze %dma_wait3A_49 : memref<1x128x128xf32, #tpu.memory_space<hbm>> -> memref<128x128xf32, #tpu.memory_space<hbm>>
      tpu.wait_dma2 semaphore(%run_scoped3A : memref<!tpu.dma_semaphore, #tpu.memory_space<semaphore_mem>>) src(%arg5 : memref<128x128xf32, #tpu.memory_space<vmem>>) dst(%dma_wait3A_50 : memref<128x128xf32, #tpu.memory_space<hbm>>)
      tpu.yield
    }) : () -> ()
    %add3A_37 = arith.constant 384 : i32
    %add3A_38 = arith.addi %mul3A_2, %add3A_37 : i32
    "tpu.region"() ({
      %run_scoped3A = tpu.sem_alloc : memref<!tpu.dma_semaphore, #tpu.memory_space<semaphore_mem>>
      %dma_start3A = arith.constant 0 : i32
      %dma_start3A_41 = tpu.memref_slice %arg6[%add3A_38, %dma_start3A] : memref<10240x128xf32, #tpu.memory_space<vmem_shared>> -> memref<128x128xf32, #tpu.memory_space<vmem_shared>>
      %dma_start3A_42 = arith.constant 0 : i32
      %dma_start3A_43 = tpu.memref_slice %arg6[%add3A_38, %dma_start3A_42] : memref<10240x128xf32, #tpu.memory_space<vmem_shared>> -> memref<128x128xf32, #tpu.memory_space<vmem_shared>>
      tpu.enqueue_dma source(%dma_start3A_43 : memref<128x128xf32, #tpu.memory_space<vmem_shared>>) target(%arg5 : memref<128x128xf32, #tpu.memory_space<vmem>>) target_semaphore(%run_scoped3A : memref<!tpu.dma_semaphore, #tpu.memory_space<semaphore_mem>>)
      %dma_wait3A = arith.constant 0 : i32
      %dma_wait3A_44 = tpu.memref_slice %arg6[%add3A_38, %dma_wait3A] : memref<10240x128xf32, #tpu.memory_space<vmem_shared>> -> memref<128x128xf32, #tpu.memory_space<vmem_shared>>
      %dma_wait3A_45 = arith.constant 0 : i32
      %dma_wait3A_46 = tpu.memref_slice %arg6[%add3A_38, %dma_wait3A_45] : memref<10240x128xf32, #tpu.memory_space<vmem_shared>> -> memref<128x128xf32, #tpu.memory_space<vmem_shared>>
      tpu.wait_dma2 semaphore(%run_scoped3A : memref<!tpu.dma_semaphore, #tpu.memory_space<semaphore_mem>>) src(%dma_wait3A_46 : memref<128x128xf32, #tpu.memory_space<vmem_shared>>) dst(%arg5 : memref<128x128xf32, #tpu.memory_space<vmem>>)
      tpu.yield
    }) : () -> ()
    "tpu.region"() ({
      %run_scoped3A = tpu.sem_alloc : memref<!tpu.dma_semaphore, #tpu.memory_space<semaphore_mem>>
      %dma_start3A = arith.constant 0 : i32
      %dma_start3A_41 = tpu.memref_slice %arg3[%arg0, %add3A_38, %dma_start3A] : memref<2x10240x128xf32, #tpu.memory_space<hbm>> -> memref<1x128x128xf32, #tpu.memory_space<hbm>>
      %dma_start3A_42 = tpu.memref_squeeze %dma_start3A_41 : memref<1x128x128xf32, #tpu.memory_space<hbm>> -> memref<128x128xf32, #tpu.memory_space<hbm>>
      %dma_start3A_43 = arith.constant 0 : i32
      %dma_start3A_44 = tpu.memref_slice %arg3[%arg0, %add3A_38, %dma_start3A_43] : memref<2x10240x128xf32, #tpu.memory_space<hbm>> -> memref<1x128x128xf32, #tpu.memory_space<hbm>>
      %dma_start3A_45 = tpu.memref_squeeze %dma_start3A_44 : memref<1x128x128xf32, #tpu.memory_space<hbm>> -> memref<128x128xf32, #tpu.memory_space<hbm>>
      tpu.enqueue_dma source(%arg5 : memref<128x128xf32, #tpu.memory_space<vmem>>) target(%dma_start3A_45 : memref<128x128xf32, #tpu.memory_space<hbm>>) target_semaphore(%run_scoped3A : memref<!tpu.dma_semaphore, #tpu.memory_space<semaphore_mem>>)
      %dma_wait3A = arith.constant 0 : i32
      %dma_wait3A_46 = tpu.memref_slice %arg3[%arg0, %add3A_38, %dma_wait3A] : memref<2x10240x128xf32, #tpu.memory_space<hbm>> -> memref<1x128x128xf32, #tpu.memory_space<hbm>>
      %dma_wait3A_47 = tpu.memref_squeeze %dma_wait3A_46 : memref<1x128x128xf32, #tpu.memory_space<hbm>> -> memref<128x128xf32, #tpu.memory_space<hbm>>
      %dma_wait3A_48 = arith.constant 0 : i32
      %dma_wait3A_49 = tpu.memref_slice %arg3[%arg0, %add3A_38, %dma_wait3A_48] : memref<2x10240x128xf32, #tpu.memory_space<hbm>> -> memref<1x128x128xf32, #tpu.memory_space<hbm>>
      %dma_wait3A_50 = tpu.memref_squeeze %dma_wait3A_49 : memref<1x128x128xf32, #tpu.memory_space<hbm>> -> memref<128x128xf32, #tpu.memory_space<hbm>>
      tpu.wait_dma2 semaphore(%run_scoped3A : memref<!tpu.dma_semaphore, #tpu.memory_space<semaphore_mem>>) src(%arg5 : memref<128x128xf32, #tpu.memory_space<vmem>>) dst(%dma_wait3A_50 : memref<128x128xf32, #tpu.memory_space<hbm>>)
      tpu.yield
    }) : () -> ()
    %add3A_39 = arith.constant 512 : i32
    %add3A_40 = arith.addi %mul3A_2, %add3A_39 : i32
    "tpu.region"() ({
      %run_scoped3A = tpu.sem_alloc : memref<!tpu.dma_semaphore, #tpu.memory_space<semaphore_mem>>
      %dma_start3A = arith.constant 0 : i32
      %dma_start3A_41 = tpu.memref_slice %arg6[%add3A_40, %dma_start3A] : memref<10240x128xf32, #tpu.memory_space<vmem_shared>> -> memref<128x128xf32, #tpu.memory_space<vmem_shared>>
      %dma_start3A_42 = arith.constant 0 : i32
      %dma_start3A_43 = tpu.memref_slice %arg6[%add3A_40, %dma_start3A_42] : memref<10240x128xf32, #tpu.memory_space<vmem_shared>> -> memref<128x128xf32, #tpu.memory_space<vmem_shared>>
      tpu.enqueue_dma source(%dma_start3A_43 : memref<128x128xf32, #tpu.memory_space<vmem_shared>>) target(%arg5 : memref<128x128xf32, #tpu.memory_space<vmem>>) target_semaphore(%run_scoped3A : memref<!tpu.dma_semaphore, #tpu.memory_space<semaphore_mem>>)
      %dma_wait3A = arith.constant 0 : i32
      %dma_wait3A_44 = tpu.memref_slice %arg6[%add3A_40, %dma_wait3A] : memref<10240x128xf32, #tpu.memory_space<vmem_shared>> -> memref<128x128xf32, #tpu.memory_space<vmem_shared>>
      %dma_wait3A_45 = arith.constant 0 : i32
      %dma_wait3A_46 = tpu.memref_slice %arg6[%add3A_40, %dma_wait3A_45] : memref<10240x128xf32, #tpu.memory_space<vmem_shared>> -> memref<128x128xf32, #tpu.memory_space<vmem_shared>>
      tpu.wait_dma2 semaphore(%run_scoped3A : memref<!tpu.dma_semaphore, #tpu.memory_space<semaphore_mem>>) src(%dma_wait3A_46 : memref<128x128xf32, #tpu.memory_space<vmem_shared>>) dst(%arg5 : memref<128x128xf32, #tpu.memory_space<vmem>>)
      tpu.yield
    }) : () -> ()
    "tpu.region"() ({
      %run_scoped3A = tpu.sem_alloc : memref<!tpu.dma_semaphore, #tpu.memory_space<semaphore_mem>>
      %dma_start3A = arith.constant 0 : i32
      %dma_start3A_41 = tpu.memref_slice %arg3[%arg0, %add3A_40, %dma_start3A] : memref<2x10240x128xf32, #tpu.memory_space<hbm>> -> memref<1x128x128xf32, #tpu.memory_space<hbm>>
      %dma_start3A_42 = tpu.memref_squeeze %dma_start3A_41 : memref<1x128x128xf32, #tpu.memory_space<hbm>> -> memref<128x128xf32, #tpu.memory_space<hbm>>
      %dma_start3A_43 = arith.constant 0 : i32
      %dma_start3A_44 = tpu.memref_slice %arg3[%arg0, %add3A_40, %dma_start3A_43] : memref<2x10240x128xf32, #tpu.memory_space<hbm>> -> memref<1x128x128xf32, #tpu.memory_space<hbm>>
      %dma_start3A_45 = tpu.memref_squeeze %dma_start3A_44 : memref<1x128x128xf32, #tpu.memory_space<hbm>> -> memref<128x128xf32, #tpu.memory_space<hbm>>
      tpu.enqueue_dma source(%arg5 : memref<128x128xf32, #tpu.memory_space<vmem>>) target(%dma_start3A_45 : memref<128x128xf32, #tpu.memory_space<hbm>>) target_semaphore(%run_scoped3A : memref<!tpu.dma_semaphore, #tpu.memory_space<semaphore_mem>>)
      %dma_wait3A = arith.constant 0 : i32
      %dma_wait3A_46 = tpu.memref_slice %arg3[%arg0, %add3A_40, %dma_wait3A] : memref<2x10240x128xf32, #tpu.memory_space<hbm>> -> memref<1x128x128xf32, #tpu.memory_space<hbm>>
      %dma_wait3A_47 = tpu.memref_squeeze %dma_wait3A_46 : memref<1x128x128xf32, #tpu.memory_space<hbm>> -> memref<128x128xf32, #tpu.memory_space<hbm>>
      %dma_wait3A_48 = arith.constant 0 : i32
      %dma_wait3A_49 = tpu.memref_slice %arg3[%arg0, %add3A_40, %dma_wait3A_48] : memref<2x10240x128xf32, #tpu.memory_space<hbm>> -> memref<1x128x128xf32, #tpu.memory_space<hbm>>
      %dma_wait3A_50 = tpu.memref_squeeze %dma_wait3A_49 : memref<1x128x128xf32, #tpu.memory_space<hbm>> -> memref<128x128xf32, #tpu.memory_space<hbm>>
      tpu.wait_dma2 semaphore(%run_scoped3A : memref<!tpu.dma_semaphore, #tpu.memory_space<semaphore_mem>>) src(%arg5 : memref<128x128xf32, #tpu.memory_space<vmem>>) dst(%dma_wait3A_50 : memref<128x128xf32, #tpu.memory_space<hbm>>)
      tpu.yield
    }) : () -> ()
    return
  }
}

#map = affine_map<(d0, d1) -> (0, 0)>
#map1 = affine_map<(d0, d1) -> (0, 0, 0)>
module attributes {stable_mosaic.version = 14 : i64} {
  func.func @_edge_body(%arg0: i32, %arg1: i32, %arg2: memref<10240x128xf32, #tpu.memory_space<hbm>>, %arg3: memref<32x128x80xi32, #tpu.memory_space<hbm>>, %arg4: memref<32x128x80xi32, #tpu.memory_space<hbm>>, %arg5: memref<2x10240x128xf32, #tpu.memory_space<hbm>>, %arg6: memref<8x80xi32, #tpu.memory_space<vmem>>, %arg7: memref<8x80xi32, #tpu.memory_space<vmem>>, %arg8: memref<80x128xf32, #tpu.memory_space<vmem>>, %arg9: memref<80x128xf32, #tpu.memory_space<vmem>>, %arg10: memref<80x128xf32, #tpu.memory_space<vmem>>, %arg11: memref<80x128xf32, #tpu.memory_space<vmem>>, %arg12: memref<10240x128xf32, #tpu.memory_space<vmem_shared>>, %arg13: memref<!tpu.dma_semaphore, #tpu.memory_space<semaphore_mem>>, %arg14: memref<!tpu.dma_semaphore, #tpu.memory_space<semaphore_mem>>, %arg15: memref<!tpu.dma_semaphore, #tpu.memory_space<semaphore_mem>>, %arg16: memref<!tpu.dma_semaphore, #tpu.memory_space<semaphore_mem>>) attributes {dimension_semantics = [#tpu.dimension_semantics<core_parallel>, #tpu.dimension_semantics<subcore_parallel>], iteration_bounds = array<i64: 2, 16>, scalar_prefetch = 0 : i64, scratch_operands = 11 : i64, tpu.core_type = #tpu.core_type<sc_vector_subcore>, window_params = [{transform_indices = #map}, {transform_indices = #map1}, {transform_indices = #map1}, {transform_indices = #map1}]} {
    %mul3A = arith.constant 16 : i32
    %mul3A_0 = arith.muli %arg0, %mul3A : i32
    %add3A = arith.addi %mul3A_0, %arg1 : i32
    %mul3A_1 = arith.constant 640 : i32
    %mul3A_2 = arith.muli %arg1, %mul3A_1 : i32
    %scan3A = arith.constant 0 : i32
    %scan3A_3 = arith.constant 0 : i32
    %scan3A_4 = arith.constant 80 : i32
    %scan3A_5 = arith.addi %scan3A_3, %scan3A_4 : i32
    %scan3A_6 = arith.constant 1 : i32
    scf.for %scan3A_47 = %scan3A_3 to %scan3A_5 step %scan3A_6  : i32 {
      %broadcast_in_dim3A = arith.constant 0.000000e+00 : f32
      %broadcast_in_dim3A_48 = vector.broadcast %broadcast_in_dim3A : f32 to vector<16xf32>
      %swap3A = arith.index_cast %scan3A_47 : i32 to index
      %swap3A_49 = arith.constant 0 : index
      %swap3A_50 = tpu.vector_load %arg8[%swap3A, %swap3A_49] {strides = array<i32>} : memref<80x128xf32, #tpu.memory_space<vmem>>, vector<1x16xf32>,
      %swap3A_51 = vector.shape_cast %swap3A_50 : vector<1x16xf32> to vector<16xf32>
      %swap3A_52 = vector.shape_cast %broadcast_in_dim3A_48 : vector<16xf32> to vector<1x16xf32>
      tpu.vector_store %arg8[%swap3A, %swap3A_49], %swap3A_52 {strides = array<i32>} : memref<80x128xf32, #tpu.memory_space<vmem>>, vector<1x16xf32>,
      %broadcast_in_dim3A_53 = arith.constant 0.000000e+00 : f32
      %broadcast_in_dim3A_54 = vector.broadcast %broadcast_in_dim3A_53 : f32 to vector<16xf32>
      %swap3A_55 = arith.index_cast %scan3A_47 : i32 to index
      %swap3A_56 = arith.constant 16 : index
      %swap3A_57 = tpu.vector_load %arg8[%swap3A_55, %swap3A_56] {strides = array<i32>} : memref<80x128xf32, #tpu.memory_space<vmem>>, vector<1x16xf32>,
      %swap3A_58 = vector.shape_cast %swap3A_57 : vector<1x16xf32> to vector<16xf32>
      %swap3A_59 = vector.shape_cast %broadcast_in_dim3A_54 : vector<16xf32> to vector<1x16xf32>
      tpu.vector_store %arg8[%swap3A_55, %swap3A_56], %swap3A_59 {strides = array<i32>} : memref<80x128xf32, #tpu.memory_space<vmem>>, vector<1x16xf32>,
      %broadcast_in_dim3A_60 = arith.constant 0.000000e+00 : f32
      %broadcast_in_dim3A_61 = vector.broadcast %broadcast_in_dim3A_60 : f32 to vector<16xf32>
      %swap3A_62 = arith.index_cast %scan3A_47 : i32 to index
      %swap3A_63 = arith.constant 32 : index
      %swap3A_64 = tpu.vector_load %arg8[%swap3A_62, %swap3A_63] {strides = array<i32>} : memref<80x128xf32, #tpu.memory_space<vmem>>, vector<1x16xf32>,
      %swap3A_65 = vector.shape_cast %swap3A_64 : vector<1x16xf32> to vector<16xf32>
      %swap3A_66 = vector.shape_cast %broadcast_in_dim3A_61 : vector<16xf32> to vector<1x16xf32>
      tpu.vector_store %arg8[%swap3A_62, %swap3A_63], %swap3A_66 {strides = array<i32>} : memref<80x128xf32, #tpu.memory_space<vmem>>, vector<1x16xf32>,
      %broadcast_in_dim3A_67 = arith.constant 0.000000e+00 : f32
      %broadcast_in_dim3A_68 = vector.broadcast %broadcast_in_dim3A_67 : f32 to vector<16xf32>
      %swap3A_69 = arith.index_cast %scan3A_47 : i32 to index
      %swap3A_70 = arith.constant 48 : index
      %swap3A_71 = tpu.vector_load %arg8[%swap3A_69, %swap3A_70] {strides = array<i32>} : memref<80x128xf32, #tpu.memory_space<vmem>>, vector<1x16xf32>,
      %swap3A_72 = vector.shape_cast %swap3A_71 : vector<1x16xf32> to vector<16xf32>
      %swap3A_73 = vector.shape_cast %broadcast_in_dim3A_68 : vector<16xf32> to vector<1x16xf32>
      tpu.vector_store %arg8[%swap3A_69, %swap3A_70], %swap3A_73 {strides = array<i32>} : memref<80x128xf32, #tpu.memory_space<vmem>>, vector<1x16xf32>,
      %broadcast_in_dim3A_74 = arith.constant 0.000000e+00 : f32
      %broadcast_in_dim3A_75 = vector.broadcast %broadcast_in_dim3A_74 : f32 to vector<16xf32>
      %swap3A_76 = arith.index_cast %scan3A_47 : i32 to index
      %swap3A_77 = arith.constant 64 : index
      %swap3A_78 = tpu.vector_load %arg8[%swap3A_76, %swap3A_77] {strides = array<i32>} : memref<80x128xf32, #tpu.memory_space<vmem>>, vector<1x16xf32>,
      %swap3A_79 = vector.shape_cast %swap3A_78 : vector<1x16xf32> to vector<16xf32>
      %swap3A_80 = vector.shape_cast %broadcast_in_dim3A_75 : vector<16xf32> to vector<1x16xf32>
      tpu.vector_store %arg8[%swap3A_76, %swap3A_77], %swap3A_80 {strides = array<i32>} : memref<80x128xf32, #tpu.memory_space<vmem>>, vector<1x16xf32>,
      %broadcast_in_dim3A_81 = arith.constant 0.000000e+00 : f32
      %broadcast_in_dim3A_82 = vector.broadcast %broadcast_in_dim3A_81 : f32 to vector<16xf32>
      %swap3A_83 = arith.index_cast %scan3A_47 : i32 to index
      %swap3A_84 = arith.constant 80 : index
      %swap3A_85 = tpu.vector_load %arg8[%swap3A_83, %swap3A_84] {strides = array<i32>} : memref<80x128xf32, #tpu.memory_space<vmem>>, vector<1x16xf32>,
      %swap3A_86 = vector.shape_cast %swap3A_85 : vector<1x16xf32> to vector<16xf32>
      %swap3A_87 = vector.shape_cast %broadcast_in_dim3A_82 : vector<16xf32> to vector<1x16xf32>
      tpu.vector_store %arg8[%swap3A_83, %swap3A_84], %swap3A_87 {strides = array<i32>} : memref<80x128xf32, #tpu.memory_space<vmem>>, vector<1x16xf32>,
      %broadcast_in_dim3A_88 = arith.constant 0.000000e+00 : f32
      %broadcast_in_dim3A_89 = vector.broadcast %broadcast_in_dim3A_88 : f32 to vector<16xf32>
      %swap3A_90 = arith.index_cast %scan3A_47 : i32 to index
      %swap3A_91 = arith.constant 96 : index
      %swap3A_92 = tpu.vector_load %arg8[%swap3A_90, %swap3A_91] {strides = array<i32>} : memref<80x128xf32, #tpu.memory_space<vmem>>, vector<1x16xf32>,
      %swap3A_93 = vector.shape_cast %swap3A_92 : vector<1x16xf32> to vector<16xf32>
      %swap3A_94 = vector.shape_cast %broadcast_in_dim3A_89 : vector<16xf32> to vector<1x16xf32>
      tpu.vector_store %arg8[%swap3A_90, %swap3A_91], %swap3A_94 {strides = array<i32>} : memref<80x128xf32, #tpu.memory_space<vmem>>, vector<1x16xf32>,
      %broadcast_in_dim3A_95 = arith.constant 0.000000e+00 : f32
      %broadcast_in_dim3A_96 = vector.broadcast %broadcast_in_dim3A_95 : f32 to vector<16xf32>
      %swap3A_97 = arith.index_cast %scan3A_47 : i32 to index
      %swap3A_98 = arith.constant 112 : index
      %swap3A_99 = tpu.vector_load %arg8[%swap3A_97, %swap3A_98] {strides = array<i32>} : memref<80x128xf32, #tpu.memory_space<vmem>>, vector<1x16xf32>,
      %swap3A_100 = vector.shape_cast %swap3A_99 : vector<1x16xf32> to vector<16xf32>
      %swap3A_101 = vector.shape_cast %broadcast_in_dim3A_96 : vector<16xf32> to vector<1x16xf32>
      tpu.vector_store %arg8[%swap3A_97, %swap3A_98], %swap3A_101 {strides = array<i32>} : memref<80x128xf32, #tpu.memory_space<vmem>>, vector<1x16xf32>,
    }
    %scan3A_7 = arith.constant 80 : i32
    %add3A_8 = arith.constant 0 : i32
    %add3A_9 = arith.addi %mul3A_2, %add3A_8 : i32
    "tpu.region"() ({
      %run_scoped3A = tpu.sem_alloc : memref<!tpu.dma_semaphore, #tpu.memory_space<semaphore_mem>>
      %dma_start3A = arith.constant 0 : i32
      %dma_start3A_47 = tpu.memref_slice %arg12[%add3A_9, %dma_start3A] : memref<10240x128xf32, #tpu.memory_space<vmem_shared>> -> memref<80x128xf32, #tpu.memory_space<vmem_shared>>
      %dma_start3A_48 = arith.constant 0 : i32
      %dma_start3A_49 = tpu.memref_slice %arg12[%add3A_9, %dma_start3A_48] : memref<10240x128xf32, #tpu.memory_space<vmem_shared>> -> memref<80x128xf32, #tpu.memory_space<vmem_shared>>
      tpu.enqueue_dma source(%arg8 : memref<80x128xf32, #tpu.memory_space<vmem>>) target(%dma_start3A_49 : memref<80x128xf32, #tpu.memory_space<vmem_shared>>) target_semaphore(%run_scoped3A : memref<!tpu.dma_semaphore, #tpu.memory_space<semaphore_mem>>)
      %dma_wait3A = arith.constant 0 : i32
      %dma_wait3A_50 = tpu.memref_slice %arg12[%add3A_9, %dma_wait3A] : memref<10240x128xf32, #tpu.memory_space<vmem_shared>> -> memref<80x128xf32, #tpu.memory_space<vmem_shared>>
      %dma_wait3A_51 = arith.constant 0 : i32
      %dma_wait3A_52 = tpu.memref_slice %arg12[%add3A_9, %dma_wait3A_51] : memref<10240x128xf32, #tpu.memory_space<vmem_shared>> -> memref<80x128xf32, #tpu.memory_space<vmem_shared>>
      tpu.wait_dma2 semaphore(%run_scoped3A : memref<!tpu.dma_semaphore, #tpu.memory_space<semaphore_mem>>) src(%arg8 : memref<80x128xf32, #tpu.memory_space<vmem>>) dst(%dma_wait3A_52 : memref<80x128xf32, #tpu.memory_space<vmem_shared>>)
      tpu.yield
    }) : () -> ()
    %add3A_10 = arith.constant 80 : i32
    %add3A_11 = arith.addi %mul3A_2, %add3A_10 : i32
    "tpu.region"() ({
      %run_scoped3A = tpu.sem_alloc : memref<!tpu.dma_semaphore, #tpu.memory_space<semaphore_mem>>
      %dma_start3A = arith.constant 0 : i32
      %dma_start3A_47 = tpu.memref_slice %arg12[%add3A_11, %dma_start3A] : memref<10240x128xf32, #tpu.memory_space<vmem_shared>> -> memref<80x128xf32, #tpu.memory_space<vmem_shared>>
      %dma_start3A_48 = arith.constant 0 : i32
      %dma_start3A_49 = tpu.memref_slice %arg12[%add3A_11, %dma_start3A_48] : memref<10240x128xf32, #tpu.memory_space<vmem_shared>> -> memref<80x128xf32, #tpu.memory_space<vmem_shared>>
      tpu.enqueue_dma source(%arg8 : memref<80x128xf32, #tpu.memory_space<vmem>>) target(%dma_start3A_49 : memref<80x128xf32, #tpu.memory_space<vmem_shared>>) target_semaphore(%run_scoped3A : memref<!tpu.dma_semaphore, #tpu.memory_space<semaphore_mem>>)
      %dma_wait3A = arith.constant 0 : i32
      %dma_wait3A_50 = tpu.memref_slice %arg12[%add3A_11, %dma_wait3A] : memref<10240x128xf32, #tpu.memory_space<vmem_shared>> -> memref<80x128xf32, #tpu.memory_space<vmem_shared>>
      %dma_wait3A_51 = arith.constant 0 : i32
      %dma_wait3A_52 = tpu.memref_slice %arg12[%add3A_11, %dma_wait3A_51] : memref<10240x128xf32, #tpu.memory_space<vmem_shared>> -> memref<80x128xf32, #tpu.memory_space<vmem_shared>>
      tpu.wait_dma2 semaphore(%run_scoped3A : memref<!tpu.dma_semaphore, #tpu.memory_space<semaphore_mem>>) src(%arg8 : memref<80x128xf32, #tpu.memory_space<vmem>>) dst(%dma_wait3A_52 : memref<80x128xf32, #tpu.memory_space<vmem_shared>>)
      tpu.yield
    }) : () -> ()
    %add3A_12 = arith.constant 160 : i32
    %add3A_13 = arith.addi %mul3A_2, %add3A_12 : i32
    "tpu.region"() ({
      %run_scoped3A = tpu.sem_alloc : memref<!tpu.dma_semaphore, #tpu.memory_space<semaphore_mem>>
      %dma_start3A = arith.constant 0 : i32
      %dma_start3A_47 = tpu.memref_slice %arg12[%add3A_13, %dma_start3A] : memref<10240x128xf32, #tpu.memory_space<vmem_shared>> -> memref<80x128xf32, #tpu.memory_space<vmem_shared>>
      %dma_start3A_48 = arith.constant 0 : i32
      %dma_start3A_49 = tpu.memref_slice %arg12[%add3A_13, %dma_start3A_48] : memref<10240x128xf32, #tpu.memory_space<vmem_shared>> -> memref<80x128xf32, #tpu.memory_space<vmem_shared>>
      tpu.enqueue_dma source(%arg8 : memref<80x128xf32, #tpu.memory_space<vmem>>) target(%dma_start3A_49 : memref<80x128xf32, #tpu.memory_space<vmem_shared>>) target_semaphore(%run_scoped3A : memref<!tpu.dma_semaphore, #tpu.memory_space<semaphore_mem>>)
      %dma_wait3A = arith.constant 0 : i32
      %dma_wait3A_50 = tpu.memref_slice %arg12[%add3A_13, %dma_wait3A] : memref<10240x128xf32, #tpu.memory_space<vmem_shared>> -> memref<80x128xf32, #tpu.memory_space<vmem_shared>>
      %dma_wait3A_51 = arith.constant 0 : i32
      %dma_wait3A_52 = tpu.memref_slice %arg12[%add3A_13, %dma_wait3A_51] : memref<10240x128xf32, #tpu.memory_space<vmem_shared>> -> memref<80x128xf32, #tpu.memory_space<vmem_shared>>
      tpu.wait_dma2 semaphore(%run_scoped3A : memref<!tpu.dma_semaphore, #tpu.memory_space<semaphore_mem>>) src(%arg8 : memref<80x128xf32, #tpu.memory_space<vmem>>) dst(%dma_wait3A_52 : memref<80x128xf32, #tpu.memory_space<vmem_shared>>)
      tpu.yield
    }) : () -> ()
    %add3A_14 = arith.constant 240 : i32
    %add3A_15 = arith.addi %mul3A_2, %add3A_14 : i32
    "tpu.region"() ({
      %run_scoped3A = tpu.sem_alloc : memref<!tpu.dma_semaphore, #tpu.memory_space<semaphore_mem>>
      %dma_start3A = arith.constant 0 : i32
      %dma_start3A_47 = tpu.memref_slice %arg12[%add3A_15, %dma_start3A] : memref<10240x128xf32, #tpu.memory_space<vmem_shared>> -> memref<80x128xf32, #tpu.memory_space<vmem_shared>>
      %dma_start3A_48 = arith.constant 0 : i32
      %dma_start3A_49 = tpu.memref_slice %arg12[%add3A_15, %dma_start3A_48] : memref<10240x128xf32, #tpu.memory_space<vmem_shared>> -> memref<80x128xf32, #tpu.memory_space<vmem_shared>>
      tpu.enqueue_dma source(%arg8 : memref<80x128xf32, #tpu.memory_space<vmem>>) target(%dma_start3A_49 : memref<80x128xf32, #tpu.memory_space<vmem_shared>>) target_semaphore(%run_scoped3A : memref<!tpu.dma_semaphore, #tpu.memory_space<semaphore_mem>>)
      %dma_wait3A = arith.constant 0 : i32
      %dma_wait3A_50 = tpu.memref_slice %arg12[%add3A_15, %dma_wait3A] : memref<10240x128xf32, #tpu.memory_space<vmem_shared>> -> memref<80x128xf32, #tpu.memory_space<vmem_shared>>
      %dma_wait3A_51 = arith.constant 0 : i32
      %dma_wait3A_52 = tpu.memref_slice %arg12[%add3A_15, %dma_wait3A_51] : memref<10240x128xf32, #tpu.memory_space<vmem_shared>> -> memref<80x128xf32, #tpu.memory_space<vmem_shared>>
      tpu.wait_dma2 semaphore(%run_scoped3A : memref<!tpu.dma_semaphore, #tpu.memory_space<semaphore_mem>>) src(%arg8 : memref<80x128xf32, #tpu.memory_space<vmem>>) dst(%dma_wait3A_52 : memref<80x128xf32, #tpu.memory_space<vmem_shared>>)
      tpu.yield
    }) : () -> ()
    %add3A_16 = arith.constant 320 : i32
    %add3A_17 = arith.addi %mul3A_2, %add3A_16 : i32
    "tpu.region"() ({
      %run_scoped3A = tpu.sem_alloc : memref<!tpu.dma_semaphore, #tpu.memory_space<semaphore_mem>>
      %dma_start3A = arith.constant 0 : i32
      %dma_start3A_47 = tpu.memref_slice %arg12[%add3A_17, %dma_start3A] : memref<10240x128xf32, #tpu.memory_space<vmem_shared>> -> memref<80x128xf32, #tpu.memory_space<vmem_shared>>
      %dma_start3A_48 = arith.constant 0 : i32
      %dma_start3A_49 = tpu.memref_slice %arg12[%add3A_17, %dma_start3A_48] : memref<10240x128xf32, #tpu.memory_space<vmem_shared>> -> memref<80x128xf32, #tpu.memory_space<vmem_shared>>
      tpu.enqueue_dma source(%arg8 : memref<80x128xf32, #tpu.memory_space<vmem>>) target(%dma_start3A_49 : memref<80x128xf32, #tpu.memory_space<vmem_shared>>) target_semaphore(%run_scoped3A : memref<!tpu.dma_semaphore, #tpu.memory_space<semaphore_mem>>)
      %dma_wait3A = arith.constant 0 : i32
      %dma_wait3A_50 = tpu.memref_slice %arg12[%add3A_17, %dma_wait3A] : memref<10240x128xf32, #tpu.memory_space<vmem_shared>> -> memref<80x128xf32, #tpu.memory_space<vmem_shared>>
      %dma_wait3A_51 = arith.constant 0 : i32
      %dma_wait3A_52 = tpu.memref_slice %arg12[%add3A_17, %dma_wait3A_51] : memref<10240x128xf32, #tpu.memory_space<vmem_shared>> -> memref<80x128xf32, #tpu.memory_space<vmem_shared>>
      tpu.wait_dma2 semaphore(%run_scoped3A : memref<!tpu.dma_semaphore, #tpu.memory_space<semaphore_mem>>) src(%arg8 : memref<80x128xf32, #tpu.memory_space<vmem>>) dst(%dma_wait3A_52 : memref<80x128xf32, #tpu.memory_space<vmem_shared>>)
      tpu.yield
    }) : () -> ()
    %add3A_18 = arith.constant 400 : i32
    %add3A_19 = arith.addi %mul3A_2, %add3A_18 : i32
    "tpu.region"() ({
      %run_scoped3A = tpu.sem_alloc : memref<!tpu.dma_semaphore, #tpu.memory_space<semaphore_mem>>
      %dma_start3A = arith.constant 0 : i32
      %dma_start3A_47 = tpu.memref_slice %arg12[%add3A_19, %dma_start3A] : memref<10240x128xf32, #tpu.memory_space<vmem_shared>> -> memref<80x128xf32, #tpu.memory_space<vmem_shared>>
      %dma_start3A_48 = arith.constant 0 : i32
      %dma_start3A_49 = tpu.memref_slice %arg12[%add3A_19, %dma_start3A_48] : memref<10240x128xf32, #tpu.memory_space<vmem_shared>> -> memref<80x128xf32, #tpu.memory_space<vmem_shared>>
      tpu.enqueue_dma source(%arg8 : memref<80x128xf32, #tpu.memory_space<vmem>>) target(%dma_start3A_49 : memref<80x128xf32, #tpu.memory_space<vmem_shared>>) target_semaphore(%run_scoped3A : memref<!tpu.dma_semaphore, #tpu.memory_space<semaphore_mem>>)
      %dma_wait3A = arith.constant 0 : i32
      %dma_wait3A_50 = tpu.memref_slice %arg12[%add3A_19, %dma_wait3A] : memref<10240x128xf32, #tpu.memory_space<vmem_shared>> -> memref<80x128xf32, #tpu.memory_space<vmem_shared>>
      %dma_wait3A_51 = arith.constant 0 : i32
      %dma_wait3A_52 = tpu.memref_slice %arg12[%add3A_19, %dma_wait3A_51] : memref<10240x128xf32, #tpu.memory_space<vmem_shared>> -> memref<80x128xf32, #tpu.memory_space<vmem_shared>>
      tpu.wait_dma2 semaphore(%run_scoped3A : memref<!tpu.dma_semaphore, #tpu.memory_space<semaphore_mem>>) src(%arg8 : memref<80x128xf32, #tpu.memory_space<vmem>>) dst(%dma_wait3A_52 : memref<80x128xf32, #tpu.memory_space<vmem_shared>>)
      tpu.yield
    }) : () -> ()
    %add3A_20 = arith.constant 480 : i32
    %add3A_21 = arith.addi %mul3A_2, %add3A_20 : i32
    "tpu.region"() ({
      %run_scoped3A = tpu.sem_alloc : memref<!tpu.dma_semaphore, #tpu.memory_space<semaphore_mem>>
      %dma_start3A = arith.constant 0 : i32
      %dma_start3A_47 = tpu.memref_slice %arg12[%add3A_21, %dma_start3A] : memref<10240x128xf32, #tpu.memory_space<vmem_shared>> -> memref<80x128xf32, #tpu.memory_space<vmem_shared>>
      %dma_start3A_48 = arith.constant 0 : i32
      %dma_start3A_49 = tpu.memref_slice %arg12[%add3A_21, %dma_start3A_48] : memref<10240x128xf32, #tpu.memory_space<vmem_shared>> -> memref<80x128xf32, #tpu.memory_space<vmem_shared>>
      tpu.enqueue_dma source(%arg8 : memref<80x128xf32, #tpu.memory_space<vmem>>) target(%dma_start3A_49 : memref<80x128xf32, #tpu.memory_space<vmem_shared>>) target_semaphore(%run_scoped3A : memref<!tpu.dma_semaphore, #tpu.memory_space<semaphore_mem>>)
      %dma_wait3A = arith.constant 0 : i32
      %dma_wait3A_50 = tpu.memref_slice %arg12[%add3A_21, %dma_wait3A] : memref<10240x128xf32, #tpu.memory_space<vmem_shared>> -> memref<80x128xf32, #tpu.memory_space<vmem_shared>>
      %dma_wait3A_51 = arith.constant 0 : i32
      %dma_wait3A_52 = tpu.memref_slice %arg12[%add3A_21, %dma_wait3A_51] : memref<10240x128xf32, #tpu.memory_space<vmem_shared>> -> memref<80x128xf32, #tpu.memory_space<vmem_shared>>
      tpu.wait_dma2 semaphore(%run_scoped3A : memref<!tpu.dma_semaphore, #tpu.memory_space<semaphore_mem>>) src(%arg8 : memref<80x128xf32, #tpu.memory_space<vmem>>) dst(%dma_wait3A_52 : memref<80x128xf32, #tpu.memory_space<vmem_shared>>)
      tpu.yield
    }) : () -> ()
    %add3A_22 = arith.constant 560 : i32
    %add3A_23 = arith.addi %mul3A_2, %add3A_22 : i32
    "tpu.region"() ({
      %run_scoped3A = tpu.sem_alloc : memref<!tpu.dma_semaphore, #tpu.memory_space<semaphore_mem>>
      %dma_start3A = arith.constant 0 : i32
      %dma_start3A_47 = tpu.memref_slice %arg12[%add3A_23, %dma_start3A] : memref<10240x128xf32, #tpu.memory_space<vmem_shared>> -> memref<80x128xf32, #tpu.memory_space<vmem_shared>>
      %dma_start3A_48 = arith.constant 0 : i32
      %dma_start3A_49 = tpu.memref_slice %arg12[%add3A_23, %dma_start3A_48] : memref<10240x128xf32, #tpu.memory_space<vmem_shared>> -> memref<80x128xf32, #tpu.memory_space<vmem_shared>>
      tpu.enqueue_dma source(%arg8 : memref<80x128xf32, #tpu.memory_space<vmem>>) target(%dma_start3A_49 : memref<80x128xf32, #tpu.memory_space<vmem_shared>>) target_semaphore(%run_scoped3A : memref<!tpu.dma_semaphore, #tpu.memory_space<semaphore_mem>>)
      %dma_wait3A = arith.constant 0 : i32
      %dma_wait3A_50 = tpu.memref_slice %arg12[%add3A_23, %dma_wait3A] : memref<10240x128xf32, #tpu.memory_space<vmem_shared>> -> memref<80x128xf32, #tpu.memory_space<vmem_shared>>
      %dma_wait3A_51 = arith.constant 0 : i32
      %dma_wait3A_52 = tpu.memref_slice %arg12[%add3A_23, %dma_wait3A_51] : memref<10240x128xf32, #tpu.memory_space<vmem_shared>> -> memref<80x128xf32, #tpu.memory_space<vmem_shared>>
      tpu.wait_dma2 semaphore(%run_scoped3A : memref<!tpu.dma_semaphore, #tpu.memory_space<semaphore_mem>>) src(%arg8 : memref<80x128xf32, #tpu.memory_space<vmem>>) dst(%dma_wait3A_52 : memref<80x128xf32, #tpu.memory_space<vmem_shared>>)
      tpu.yield
    }) : () -> ()
    %barrier3A = arith.constant 0 : index
    tpu.barrier barrier_id(%barrier3A)
    %scan3A_24 = arith.constant 0 : i32
    %scan3A_25 = arith.constant 0 : i32
    %scan3A_26 = arith.constant 16 : i32
    %scan3A_27 = arith.addi %scan3A_25, %scan3A_26 : i32
    %scan3A_28 = arith.constant 1 : i32
    scf.for %scan3A_47 = %scan3A_25 to %scan3A_27 step %scan3A_28  : i32 {
      %mul3A_48 = arith.constant 8 : i32
      %mul3A_49 = arith.muli %scan3A_47, %mul3A_48 : i32
      "tpu.region"() ({
        %run_scoped3A_169 = tpu.sem_alloc : memref<!tpu.dma_semaphore, #tpu.memory_space<semaphore_mem>>
        %dma_start3A_170 = arith.constant 0 : i32
        %dma_start3A_171 = tpu.memref_slice %arg3[%add3A, %mul3A_49, %dma_start3A_170] : memref<32x128x80xi32, #tpu.memory_space<hbm>> -> memref<1x8x80xi32, #tpu.memory_space<hbm>>
        %dma_start3A_172 = tpu.memref_squeeze %dma_start3A_171 : memref<1x8x80xi32, #tpu.memory_space<hbm>> -> memref<8x80xi32, #tpu.memory_space<hbm>>
        %dma_start3A_173 = arith.constant 0 : i32
        %dma_start3A_174 = tpu.memref_slice %arg3[%add3A, %mul3A_49, %dma_start3A_173] : memref<32x128x80xi32, #tpu.memory_space<hbm>> -> memref<1x8x80xi32, #tpu.memory_space<hbm>>
        %dma_start3A_175 = tpu.memref_squeeze %dma_start3A_174 : memref<1x8x80xi32, #tpu.memory_space<hbm>> -> memref<8x80xi32, #tpu.memory_space<hbm>>
        tpu.enqueue_dma source(%dma_start3A_175 : memref<8x80xi32, #tpu.memory_space<hbm>>) target(%arg6 : memref<8x80xi32, #tpu.memory_space<vmem>>) target_semaphore(%run_scoped3A_169 : memref<!tpu.dma_semaphore, #tpu.memory_space<semaphore_mem>>)
        %dma_wait3A_176 = arith.constant 0 : i32
        %dma_wait3A_177 = tpu.memref_slice %arg3[%add3A, %mul3A_49, %dma_wait3A_176] : memref<32x128x80xi32, #tpu.memory_space<hbm>> -> memref<1x8x80xi32, #tpu.memory_space<hbm>>
        %dma_wait3A_178 = tpu.memref_squeeze %dma_wait3A_177 : memref<1x8x80xi32, #tpu.memory_space<hbm>> -> memref<8x80xi32, #tpu.memory_space<hbm>>
        %dma_wait3A_179 = arith.constant 0 : i32
        %dma_wait3A_180 = tpu.memref_slice %arg3[%add3A, %mul3A_49, %dma_wait3A_179] : memref<32x128x80xi32, #tpu.memory_space<hbm>> -> memref<1x8x80xi32, #tpu.memory_space<hbm>>
        %dma_wait3A_181 = tpu.memref_squeeze %dma_wait3A_180 : memref<1x8x80xi32, #tpu.memory_space<hbm>> -> memref<8x80xi32, #tpu.memory_space<hbm>>
        tpu.wait_dma2 semaphore(%run_scoped3A_169 : memref<!tpu.dma_semaphore, #tpu.memory_space<semaphore_mem>>) src(%dma_wait3A_181 : memref<8x80xi32, #tpu.memory_space<hbm>>) dst(%arg6 : memref<8x80xi32, #tpu.memory_space<vmem>>)
        tpu.yield
      }) : () -> ()
      %mul3A_50 = arith.constant 8 : i32
      %mul3A_51 = arith.muli %scan3A_47, %mul3A_50 : i32
      "tpu.region"() ({
        %run_scoped3A_169 = tpu.sem_alloc : memref<!tpu.dma_semaphore, #tpu.memory_space<semaphore_mem>>
        %dma_start3A_170 = arith.constant 0 : i32
        %dma_start3A_171 = tpu.memref_slice %arg4[%add3A, %mul3A_51, %dma_start3A_170] : memref<32x128x80xi32, #tpu.memory_space<hbm>> -> memref<1x8x80xi32, #tpu.memory_space<hbm>>
        %dma_start3A_172 = tpu.memref_squeeze %dma_start3A_171 : memref<1x8x80xi32, #tpu.memory_space<hbm>> -> memref<8x80xi32, #tpu.memory_space<hbm>>
        %dma_start3A_173 = arith.constant 0 : i32
        %dma_start3A_174 = tpu.memref_slice %arg4[%add3A, %mul3A_51, %dma_start3A_173] : memref<32x128x80xi32, #tpu.memory_space<hbm>> -> memref<1x8x80xi32, #tpu.memory_space<hbm>>
        %dma_start3A_175 = tpu.memref_squeeze %dma_start3A_174 : memref<1x8x80xi32, #tpu.memory_space<hbm>> -> memref<8x80xi32, #tpu.memory_space<hbm>>
        tpu.enqueue_dma source(%dma_start3A_175 : memref<8x80xi32, #tpu.memory_space<hbm>>) target(%arg7 : memref<8x80xi32, #tpu.memory_space<vmem>>) target_semaphore(%run_scoped3A_169 : memref<!tpu.dma_semaphore, #tpu.memory_space<semaphore_mem>>)
        %dma_wait3A_176 = arith.constant 0 : i32
        %dma_wait3A_177 = tpu.memref_slice %arg4[%add3A, %mul3A_51, %dma_wait3A_176] : memref<32x128x80xi32, #tpu.memory_space<hbm>> -> memref<1x8x80xi32, #tpu.memory_space<hbm>>
        %dma_wait3A_178 = tpu.memref_squeeze %dma_wait3A_177 : memref<1x8x80xi32, #tpu.memory_space<hbm>> -> memref<8x80xi32, #tpu.memory_space<hbm>>
        %dma_wait3A_179 = arith.constant 0 : i32
        %dma_wait3A_180 = tpu.memref_slice %arg4[%add3A, %mul3A_51, %dma_wait3A_179] : memref<32x128x80xi32, #tpu.memory_space<hbm>> -> memref<1x8x80xi32, #tpu.memory_space<hbm>>
        %dma_wait3A_181 = tpu.memref_squeeze %dma_wait3A_180 : memref<1x8x80xi32, #tpu.memory_space<hbm>> -> memref<8x80xi32, #tpu.memory_space<hbm>>
        tpu.wait_dma2 semaphore(%run_scoped3A_169 : memref<!tpu.dma_semaphore, #tpu.memory_space<semaphore_mem>>) src(%dma_wait3A_181 : memref<8x80xi32, #tpu.memory_space<hbm>>) dst(%arg7 : memref<8x80xi32, #tpu.memory_space<vmem>>)
        tpu.yield
      }) : () -> ()
      %dma_start3A = arith.constant 0 : i32
      %dma_start3A_52 = arith.constant 0 : i32
      %dma_start3A_53 = tpu.memref_slice %arg7[%dma_start3A, %dma_start3A_52] : memref<8x80xi32, #tpu.memory_space<vmem>> -> memref<1x80xi32, #tpu.memory_space<vmem>>
      %dma_start3A_54 = tpu.memref_squeeze %dma_start3A_53 : memref<1x80xi32, #tpu.memory_space<vmem>> -> memref<80xi32, #tpu.memory_space<vmem>>
      %dma_start3A_55 = arith.constant 0 : i32
      %dma_start3A_56 = arith.constant 0 : i32
      %dma_start3A_57 = tpu.memref_slice %arg2[%dma_start3A_55, %dma_start3A_56] : memref<10240x128xf32, #tpu.memory_space<hbm>> -> memref<10240x128xf32, #tpu.memory_space<hbm>>
      tpu.enqueue_indirect_dma source(%dma_start3A_57 : memref<10240x128xf32, #tpu.memory_space<hbm>>) target(%arg8 : memref<80x128xf32, #tpu.memory_space<vmem>>) offsets(%dma_start3A_54 : memref<80xi32, #tpu.memory_space<vmem>>) semaphore(%arg13 : memref<!tpu.dma_semaphore, #tpu.memory_space<semaphore_mem>>)
      %dma_start3A_58 = arith.constant 1 : i32
      %dma_start3A_59 = arith.constant 0 : i32
      %dma_start3A_60 = tpu.memref_slice %arg7[%dma_start3A_58, %dma_start3A_59] : memref<8x80xi32, #tpu.memory_space<vmem>> -> memref<1x80xi32, #tpu.memory_space<vmem>>
      %dma_start3A_61 = tpu.memref_squeeze %dma_start3A_60 : memref<1x80xi32, #tpu.memory_space<vmem>> -> memref<80xi32, #tpu.memory_space<vmem>>
      %dma_start3A_62 = arith.constant 0 : i32
      %dma_start3A_63 = arith.constant 0 : i32
      %dma_start3A_64 = tpu.memref_slice %arg2[%dma_start3A_62, %dma_start3A_63] : memref<10240x128xf32, #tpu.memory_space<hbm>> -> memref<10240x128xf32, #tpu.memory_space<hbm>>
      tpu.enqueue_indirect_dma source(%dma_start3A_64 : memref<10240x128xf32, #tpu.memory_space<hbm>>) target(%arg9 : memref<80x128xf32, #tpu.memory_space<vmem>>) offsets(%dma_start3A_61 : memref<80xi32, #tpu.memory_space<vmem>>) semaphore(%arg14 : memref<!tpu.dma_semaphore, #tpu.memory_space<semaphore_mem>>)
      %dma_start3A_65 = arith.constant 2 : i32
      %dma_start3A_66 = arith.constant 0 : i32
      %dma_start3A_67 = tpu.memref_slice %arg7[%dma_start3A_65, %dma_start3A_66] : memref<8x80xi32, #tpu.memory_space<vmem>> -> memref<1x80xi32, #tpu.memory_space<vmem>>
      %dma_start3A_68 = tpu.memref_squeeze %dma_start3A_67 : memref<1x80xi32, #tpu.memory_space<vmem>> -> memref<80xi32, #tpu.memory_space<vmem>>
      %dma_start3A_69 = arith.constant 0 : i32
      %dma_start3A_70 = arith.constant 0 : i32
      %dma_start3A_71 = tpu.memref_slice %arg2[%dma_start3A_69, %dma_start3A_70] : memref<10240x128xf32, #tpu.memory_space<hbm>> -> memref<10240x128xf32, #tpu.memory_space<hbm>>
      tpu.enqueue_indirect_dma source(%dma_start3A_71 : memref<10240x128xf32, #tpu.memory_space<hbm>>) target(%arg10 : memref<80x128xf32, #tpu.memory_space<vmem>>) offsets(%dma_start3A_68 : memref<80xi32, #tpu.memory_space<vmem>>) semaphore(%arg15 : memref<!tpu.dma_semaphore, #tpu.memory_space<semaphore_mem>>)
      %dma_wait3A = arith.constant 0 : i32
      %dma_wait3A_72 = arith.constant 0 : i32
      %dma_wait3A_73 = tpu.memref_slice %arg7[%dma_wait3A, %dma_wait3A_72] : memref<8x80xi32, #tpu.memory_space<vmem>> -> memref<1x80xi32, #tpu.memory_space<vmem>>
      %dma_wait3A_74 = tpu.memref_squeeze %dma_wait3A_73 : memref<1x80xi32, #tpu.memory_space<vmem>> -> memref<80xi32, #tpu.memory_space<vmem>>
      %dma_wait3A_75 = arith.constant 0 : i32
      %dma_wait3A_76 = arith.constant 0 : i32
      %dma_wait3A_77 = tpu.memref_slice %arg2[%dma_wait3A_75, %dma_wait3A_76] : memref<10240x128xf32, #tpu.memory_space<hbm>> -> memref<10240x128xf32, #tpu.memory_space<hbm>>
      tpu.wait_indirect_dma semaphore(%arg13 : memref<!tpu.dma_semaphore, #tpu.memory_space<semaphore_mem>>) src(%dma_wait3A_77 : memref<10240x128xf32, #tpu.memory_space<hbm>>) dst(%arg8 : memref<80x128xf32, #tpu.memory_space<vmem>>)
      %dma_start3A_78 = arith.constant 3 : i32
      %dma_start3A_79 = arith.constant 0 : i32
      %dma_start3A_80 = tpu.memref_slice %arg7[%dma_start3A_78, %dma_start3A_79] : memref<8x80xi32, #tpu.memory_space<vmem>> -> memref<1x80xi32, #tpu.memory_space<vmem>>
      %dma_start3A_81 = tpu.memref_squeeze %dma_start3A_80 : memref<1x80xi32, #tpu.memory_space<vmem>> -> memref<80xi32, #tpu.memory_space<vmem>>
      %dma_start3A_82 = arith.constant 0 : i32
      %dma_start3A_83 = arith.constant 0 : i32
      %dma_start3A_84 = tpu.memref_slice %arg2[%dma_start3A_82, %dma_start3A_83] : memref<10240x128xf32, #tpu.memory_space<hbm>> -> memref<10240x128xf32, #tpu.memory_space<hbm>>
      tpu.enqueue_indirect_dma source(%dma_start3A_84 : memref<10240x128xf32, #tpu.memory_space<hbm>>) target(%arg11 : memref<80x128xf32, #tpu.memory_space<vmem>>) offsets(%dma_start3A_81 : memref<80xi32, #tpu.memory_space<vmem>>) semaphore(%arg16 : memref<!tpu.dma_semaphore, #tpu.memory_space<semaphore_mem>>)
      %run_scoped3A = arith.constant 0 : i32
      "tpu.region"() ({
        %run_scoped3A_169 = tpu.sem_alloc : memref<!tpu.dma_semaphore, #tpu.memory_space<semaphore_mem>>
        %dma_start3A_170 = arith.constant 0 : i32
        %dma_start3A_171 = tpu.memref_slice %arg6[%run_scoped3A, %dma_start3A_170] : memref<8x80xi32, #tpu.memory_space<vmem>> -> memref<1x80xi32, #tpu.memory_space<vmem>>
        %dma_start3A_172 = tpu.memref_squeeze %dma_start3A_171 : memref<1x80xi32, #tpu.memory_space<vmem>> -> memref<80xi32, #tpu.memory_space<vmem>>
        %dma_start3A_173 = arith.constant 0 : i32
        %dma_start3A_174 = arith.constant 0 : i32
        %dma_start3A_175 = tpu.memref_slice %arg12[%dma_start3A_173, %dma_start3A_174] : memref<10240x128xf32, #tpu.memory_space<vmem_shared>> -> memref<10240x128xf32, #tpu.memory_space<vmem_shared>>
        tpu.enqueue_indirect_dma source(%arg8 : memref<80x128xf32, #tpu.memory_space<vmem>>) target(%dma_start3A_175 : memref<10240x128xf32, #tpu.memory_space<vmem_shared>>) offsets(%dma_start3A_172 : memref<80xi32, #tpu.memory_space<vmem>>) semaphore(%run_scoped3A_169 : memref<!tpu.dma_semaphore, #tpu.memory_space<semaphore_mem>>) {add = true}
        %dma_wait3A_176 = arith.constant 0 : i32
        %dma_wait3A_177 = tpu.memref_slice %arg6[%run_scoped3A, %dma_wait3A_176] : memref<8x80xi32, #tpu.memory_space<vmem>> -> memref<1x80xi32, #tpu.memory_space<vmem>>
        %dma_wait3A_178 = tpu.memref_squeeze %dma_wait3A_177 : memref<1x80xi32, #tpu.memory_space<vmem>> -> memref<80xi32, #tpu.memory_space<vmem>>
        %dma_wait3A_179 = arith.constant 0 : i32
        %dma_wait3A_180 = arith.constant 0 : i32
        %dma_wait3A_181 = tpu.memref_slice %arg12[%dma_wait3A_179, %dma_wait3A_180] : memref<10240x128xf32, #tpu.memory_space<vmem_shared>> -> memref<10240x128xf32, #tpu.memory_space<vmem_shared>>
        tpu.wait_indirect_dma semaphore(%run_scoped3A_169 : memref<!tpu.dma_semaphore, #tpu.memory_space<semaphore_mem>>) src(%arg8 : memref<80x128xf32, #tpu.memory_space<vmem>>) dst(%dma_wait3A_181 : memref<10240x128xf32, #tpu.memory_space<vmem_shared>>)
        tpu.yield
      }) : () -> ()
      %dma_wait3A_85 = arith.constant 1 : i32
      %dma_wait3A_86 = arith.constant 0 : i32
      %dma_wait3A_87 = tpu.memref_slice %arg7[%dma_wait3A_85, %dma_wait3A_86] : memref<8x80xi32, #tpu.memory_space<vmem>> -> memref<1x80xi32, #tpu.memory_space<vmem>>
      %dma_wait3A_88 = tpu.memref_squeeze %dma_wait3A_87 : memref<1x80xi32, #tpu.memory_space<vmem>> -> memref<80xi32, #tpu.memory_space<vmem>>
      %dma_wait3A_89 = arith.constant 0 : i32
      %dma_wait3A_90 = arith.constant 0 : i32
      %dma_wait3A_91 = tpu.memref_slice %arg2[%dma_wait3A_89, %dma_wait3A_90] : memref<10240x128xf32, #tpu.memory_space<hbm>> -> memref<10240x128xf32, #tpu.memory_space<hbm>>
      tpu.wait_indirect_dma semaphore(%arg14 : memref<!tpu.dma_semaphore, #tpu.memory_space<semaphore_mem>>) src(%dma_wait3A_91 : memref<10240x128xf32, #tpu.memory_space<hbm>>) dst(%arg9 : memref<80x128xf32, #tpu.memory_space<vmem>>)
      %dma_start3A_92 = arith.constant 4 : i32
      %dma_start3A_93 = arith.constant 0 : i32
      %dma_start3A_94 = tpu.memref_slice %arg7[%dma_start3A_92, %dma_start3A_93] : memref<8x80xi32, #tpu.memory_space<vmem>> -> memref<1x80xi32, #tpu.memory_space<vmem>>
      %dma_start3A_95 = tpu.memref_squeeze %dma_start3A_94 : memref<1x80xi32, #tpu.memory_space<vmem>> -> memref<80xi32, #tpu.memory_space<vmem>>
      %dma_start3A_96 = arith.constant 0 : i32
      %dma_start3A_97 = arith.constant 0 : i32
      %dma_start3A_98 = tpu.memref_slice %arg2[%dma_start3A_96, %dma_start3A_97] : memref<10240x128xf32, #tpu.memory_space<hbm>> -> memref<10240x128xf32, #tpu.memory_space<hbm>>
      tpu.enqueue_indirect_dma source(%dma_start3A_98 : memref<10240x128xf32, #tpu.memory_space<hbm>>) target(%arg8 : memref<80x128xf32, #tpu.memory_space<vmem>>) offsets(%dma_start3A_95 : memref<80xi32, #tpu.memory_space<vmem>>) semaphore(%arg13 : memref<!tpu.dma_semaphore, #tpu.memory_space<semaphore_mem>>)
      %run_scoped3A_99 = arith.constant 1 : i32
      "tpu.region"() ({
        %run_scoped3A_169 = tpu.sem_alloc : memref<!tpu.dma_semaphore, #tpu.memory_space<semaphore_mem>>
        %dma_start3A_170 = arith.constant 0 : i32
        %dma_start3A_171 = tpu.memref_slice %arg6[%run_scoped3A_99, %dma_start3A_170] : memref<8x80xi32, #tpu.memory_space<vmem>> -> memref<1x80xi32, #tpu.memory_space<vmem>>
        %dma_start3A_172 = tpu.memref_squeeze %dma_start3A_171 : memref<1x80xi32, #tpu.memory_space<vmem>> -> memref<80xi32, #tpu.memory_space<vmem>>
        %dma_start3A_173 = arith.constant 0 : i32
        %dma_start3A_174 = arith.constant 0 : i32
        %dma_start3A_175 = tpu.memref_slice %arg12[%dma_start3A_173, %dma_start3A_174] : memref<10240x128xf32, #tpu.memory_space<vmem_shared>> -> memref<10240x128xf32, #tpu.memory_space<vmem_shared>>
        tpu.enqueue_indirect_dma source(%arg9 : memref<80x128xf32, #tpu.memory_space<vmem>>) target(%dma_start3A_175 : memref<10240x128xf32, #tpu.memory_space<vmem_shared>>) offsets(%dma_start3A_172 : memref<80xi32, #tpu.memory_space<vmem>>) semaphore(%run_scoped3A_169 : memref<!tpu.dma_semaphore, #tpu.memory_space<semaphore_mem>>) {add = true}
        %dma_wait3A_176 = arith.constant 0 : i32
        %dma_wait3A_177 = tpu.memref_slice %arg6[%run_scoped3A_99, %dma_wait3A_176] : memref<8x80xi32, #tpu.memory_space<vmem>> -> memref<1x80xi32, #tpu.memory_space<vmem>>
        %dma_wait3A_178 = tpu.memref_squeeze %dma_wait3A_177 : memref<1x80xi32, #tpu.memory_space<vmem>> -> memref<80xi32, #tpu.memory_space<vmem>>
        %dma_wait3A_179 = arith.constant 0 : i32
        %dma_wait3A_180 = arith.constant 0 : i32
        %dma_wait3A_181 = tpu.memref_slice %arg12[%dma_wait3A_179, %dma_wait3A_180] : memref<10240x128xf32, #tpu.memory_space<vmem_shared>> -> memref<10240x128xf32, #tpu.memory_space<vmem_shared>>
        tpu.wait_indirect_dma semaphore(%run_scoped3A_169 : memref<!tpu.dma_semaphore, #tpu.memory_space<semaphore_mem>>) src(%arg9 : memref<80x128xf32, #tpu.memory_space<vmem>>) dst(%dma_wait3A_181 : memref<10240x128xf32, #tpu.memory_space<vmem_shared>>)
        tpu.yield
      }) : () -> ()
      %dma_wait3A_100 = arith.constant 2 : i32
      %dma_wait3A_101 = arith.constant 0 : i32
      %dma_wait3A_102 = tpu.memref_slice %arg7[%dma_wait3A_100, %dma_wait3A_101] : memref<8x80xi32, #tpu.memory_space<vmem>> -> memref<1x80xi32, #tpu.memory_space<vmem>>
      %dma_wait3A_103 = tpu.memref_squeeze %dma_wait3A_102 : memref<1x80xi32, #tpu.memory_space<vmem>> -> memref<80xi32, #tpu.memory_space<vmem>>
      %dma_wait3A_104 = arith.constant 0 : i32
      %dma_wait3A_105 = arith.constant 0 : i32
      %dma_wait3A_106 = tpu.memref_slice %arg2[%dma_wait3A_104, %dma_wait3A_105] : memref<10240x128xf32, #tpu.memory_space<hbm>> -> memref<10240x128xf32, #tpu.memory_space<hbm>>
      tpu.wait_indirect_dma semaphore(%arg15 : memref<!tpu.dma_semaphore, #tpu.memory_space<semaphore_mem>>) src(%dma_wait3A_106 : memref<10240x128xf32, #tpu.memory_space<hbm>>) dst(%arg10 : memref<80x128xf32, #tpu.memory_space<vmem>>)
      %dma_start3A_107 = arith.constant 5 : i32
      %dma_start3A_108 = arith.constant 0 : i32
      %dma_start3A_109 = tpu.memref_slice %arg7[%dma_start3A_107, %dma_start3A_108] : memref<8x80xi32, #tpu.memory_space<vmem>> -> memref<1x80xi32, #tpu.memory_space<vmem>>
      %dma_start3A_110 = tpu.memref_squeeze %dma_start3A_109 : memref<1x80xi32, #tpu.memory_space<vmem>> -> memref<80xi32, #tpu.memory_space<vmem>>
      %dma_start3A_111 = arith.constant 0 : i32
      %dma_start3A_112 = arith.constant 0 : i32
      %dma_start3A_113 = tpu.memref_slice %arg2[%dma_start3A_111, %dma_start3A_112] : memref<10240x128xf32, #tpu.memory_space<hbm>> -> memref<10240x128xf32, #tpu.memory_space<hbm>>
      tpu.enqueue_indirect_dma source(%dma_start3A_113 : memref<10240x128xf32, #tpu.memory_space<hbm>>) target(%arg9 : memref<80x128xf32, #tpu.memory_space<vmem>>) offsets(%dma_start3A_110 : memref<80xi32, #tpu.memory_space<vmem>>) semaphore(%arg14 : memref<!tpu.dma_semaphore, #tpu.memory_space<semaphore_mem>>)
      %run_scoped3A_114 = arith.constant 2 : i32
      "tpu.region"() ({
        %run_scoped3A_169 = tpu.sem_alloc : memref<!tpu.dma_semaphore, #tpu.memory_space<semaphore_mem>>
        %dma_start3A_170 = arith.constant 0 : i32
        %dma_start3A_171 = tpu.memref_slice %arg6[%run_scoped3A_114, %dma_start3A_170] : memref<8x80xi32, #tpu.memory_space<vmem>> -> memref<1x80xi32, #tpu.memory_space<vmem>>
        %dma_start3A_172 = tpu.memref_squeeze %dma_start3A_171 : memref<1x80xi32, #tpu.memory_space<vmem>> -> memref<80xi32, #tpu.memory_space<vmem>>
        %dma_start3A_173 = arith.constant 0 : i32
        %dma_start3A_174 = arith.constant 0 : i32
        %dma_start3A_175 = tpu.memref_slice %arg12[%dma_start3A_173, %dma_start3A_174] : memref<10240x128xf32, #tpu.memory_space<vmem_shared>> -> memref<10240x128xf32, #tpu.memory_space<vmem_shared>>
        tpu.enqueue_indirect_dma source(%arg10 : memref<80x128xf32, #tpu.memory_space<vmem>>) target(%dma_start3A_175 : memref<10240x128xf32, #tpu.memory_space<vmem_shared>>) offsets(%dma_start3A_172 : memref<80xi32, #tpu.memory_space<vmem>>) semaphore(%run_scoped3A_169 : memref<!tpu.dma_semaphore, #tpu.memory_space<semaphore_mem>>) {add = true}
        %dma_wait3A_176 = arith.constant 0 : i32
        %dma_wait3A_177 = tpu.memref_slice %arg6[%run_scoped3A_114, %dma_wait3A_176] : memref<8x80xi32, #tpu.memory_space<vmem>> -> memref<1x80xi32, #tpu.memory_space<vmem>>
        %dma_wait3A_178 = tpu.memref_squeeze %dma_wait3A_177 : memref<1x80xi32, #tpu.memory_space<vmem>> -> memref<80xi32, #tpu.memory_space<vmem>>
        %dma_wait3A_179 = arith.constant 0 : i32
        %dma_wait3A_180 = arith.constant 0 : i32
        %dma_wait3A_181 = tpu.memref_slice %arg12[%dma_wait3A_179, %dma_wait3A_180] : memref<10240x128xf32, #tpu.memory_space<vmem_shared>> -> memref<10240x128xf32, #tpu.memory_space<vmem_shared>>
        tpu.wait_indirect_dma semaphore(%run_scoped3A_169 : memref<!tpu.dma_semaphore, #tpu.memory_space<semaphore_mem>>) src(%arg10 : memref<80x128xf32, #tpu.memory_space<vmem>>) dst(%dma_wait3A_181 : memref<10240x128xf32, #tpu.memory_space<vmem_shared>>)
        tpu.yield
      }) : () -> ()
      %dma_wait3A_115 = arith.constant 3 : i32
      %dma_wait3A_116 = arith.constant 0 : i32
      %dma_wait3A_117 = tpu.memref_slice %arg7[%dma_wait3A_115, %dma_wait3A_116] : memref<8x80xi32, #tpu.memory_space<vmem>> -> memref<1x80xi32, #tpu.memory_space<vmem>>
      %dma_wait3A_118 = tpu.memref_squeeze %dma_wait3A_117 : memref<1x80xi32, #tpu.memory_space<vmem>> -> memref<80xi32, #tpu.memory_space<vmem>>
      %dma_wait3A_119 = arith.constant 0 : i32
      %dma_wait3A_120 = arith.constant 0 : i32
      %dma_wait3A_121 = tpu.memref_slice %arg2[%dma_wait3A_119, %dma_wait3A_120] : memref<10240x128xf32, #tpu.memory_space<hbm>> -> memref<10240x128xf32, #tpu.memory_space<hbm>>
      tpu.wait_indirect_dma semaphore(%arg16 : memref<!tpu.dma_semaphore, #tpu.memory_space<semaphore_mem>>) src(%dma_wait3A_121 : memref<10240x128xf32, #tpu.memory_space<hbm>>) dst(%arg11 : memref<80x128xf32, #tpu.memory_space<vmem>>)
      %dma_start3A_122 = arith.constant 6 : i32
      %dma_start3A_123 = arith.constant 0 : i32
      %dma_start3A_124 = tpu.memref_slice %arg7[%dma_start3A_122, %dma_start3A_123] : memref<8x80xi32, #tpu.memory_space<vmem>> -> memref<1x80xi32, #tpu.memory_space<vmem>>
      %dma_start3A_125 = tpu.memref_squeeze %dma_start3A_124 : memref<1x80xi32, #tpu.memory_space<vmem>> -> memref<80xi32, #tpu.memory_space<vmem>>
      %dma_start3A_126 = arith.constant 0 : i32
      %dma_start3A_127 = arith.constant 0 : i32
      %dma_start3A_128 = tpu.memref_slice %arg2[%dma_start3A_126, %dma_start3A_127] : memref<10240x128xf32, #tpu.memory_space<hbm>> -> memref<10240x128xf32, #tpu.memory_space<hbm>>
      tpu.enqueue_indirect_dma source(%dma_start3A_128 : memref<10240x128xf32, #tpu.memory_space<hbm>>) target(%arg10 : memref<80x128xf32, #tpu.memory_space<vmem>>) offsets(%dma_start3A_125 : memref<80xi32, #tpu.memory_space<vmem>>) semaphore(%arg15 : memref<!tpu.dma_semaphore, #tpu.memory_space<semaphore_mem>>)
      %run_scoped3A_129 = arith.constant 3 : i32
      "tpu.region"() ({
        %run_scoped3A_169 = tpu.sem_alloc : memref<!tpu.dma_semaphore, #tpu.memory_space<semaphore_mem>>
        %dma_start3A_170 = arith.constant 0 : i32
        %dma_start3A_171 = tpu.memref_slice %arg6[%run_scoped3A_129, %dma_start3A_170] : memref<8x80xi32, #tpu.memory_space<vmem>> -> memref<1x80xi32, #tpu.memory_space<vmem>>
        %dma_start3A_172 = tpu.memref_squeeze %dma_start3A_171 : memref<1x80xi32, #tpu.memory_space<vmem>> -> memref<80xi32, #tpu.memory_space<vmem>>
        %dma_start3A_173 = arith.constant 0 : i32
        %dma_start3A_174 = arith.constant 0 : i32
        %dma_start3A_175 = tpu.memref_slice %arg12[%dma_start3A_173, %dma_start3A_174] : memref<10240x128xf32, #tpu.memory_space<vmem_shared>> -> memref<10240x128xf32, #tpu.memory_space<vmem_shared>>
        tpu.enqueue_indirect_dma source(%arg11 : memref<80x128xf32, #tpu.memory_space<vmem>>) target(%dma_start3A_175 : memref<10240x128xf32, #tpu.memory_space<vmem_shared>>) offsets(%dma_start3A_172 : memref<80xi32, #tpu.memory_space<vmem>>) semaphore(%run_scoped3A_169 : memref<!tpu.dma_semaphore, #tpu.memory_space<semaphore_mem>>) {add = true}
        %dma_wait3A_176 = arith.constant 0 : i32
        %dma_wait3A_177 = tpu.memref_slice %arg6[%run_scoped3A_129, %dma_wait3A_176] : memref<8x80xi32, #tpu.memory_space<vmem>> -> memref<1x80xi32, #tpu.memory_space<vmem>>
        %dma_wait3A_178 = tpu.memref_squeeze %dma_wait3A_177 : memref<1x80xi32, #tpu.memory_space<vmem>> -> memref<80xi32, #tpu.memory_space<vmem>>
        %dma_wait3A_179 = arith.constant 0 : i32
        %dma_wait3A_180 = arith.constant 0 : i32
        %dma_wait3A_181 = tpu.memref_slice %arg12[%dma_wait3A_179, %dma_wait3A_180] : memref<10240x128xf32, #tpu.memory_space<vmem_shared>> -> memref<10240x128xf32, #tpu.memory_space<vmem_shared>>
        tpu.wait_indirect_dma semaphore(%run_scoped3A_169 : memref<!tpu.dma_semaphore, #tpu.memory_space<semaphore_mem>>) src(%arg11 : memref<80x128xf32, #tpu.memory_space<vmem>>) dst(%dma_wait3A_181 : memref<10240x128xf32, #tpu.memory_space<vmem_shared>>)
        tpu.yield
      }) : () -> ()
      %dma_wait3A_130 = arith.constant 4 : i32
      %dma_wait3A_131 = arith.constant 0 : i32
      %dma_wait3A_132 = tpu.memref_slice %arg7[%dma_wait3A_130, %dma_wait3A_131] : memref<8x80xi32, #tpu.memory_space<vmem>> -> memref<1x80xi32, #tpu.memory_space<vmem>>
      %dma_wait3A_133 = tpu.memref_squeeze %dma_wait3A_132 : memref<1x80xi32, #tpu.memory_space<vmem>> -> memref<80xi32, #tpu.memory_space<vmem>>
      %dma_wait3A_134 = arith.constant 0 : i32
      %dma_wait3A_135 = arith.constant 0 : i32
      %dma_wait3A_136 = tpu.memref_slice %arg2[%dma_wait3A_134, %dma_wait3A_135] : memref<10240x128xf32, #tpu.memory_space<hbm>> -> memref<10240x128xf32, #tpu.memory_space<hbm>>
      tpu.wait_indirect_dma semaphore(%arg13 : memref<!tpu.dma_semaphore, #tpu.memory_space<semaphore_mem>>) src(%dma_wait3A_136 : memref<10240x128xf32, #tpu.memory_space<hbm>>) dst(%arg8 : memref<80x128xf32, #tpu.memory_space<vmem>>)
      %dma_start3A_137 = arith.constant 7 : i32
      %dma_start3A_138 = arith.constant 0 : i32
      %dma_start3A_139 = tpu.memref_slice %arg7[%dma_start3A_137, %dma_start3A_138] : memref<8x80xi32, #tpu.memory_space<vmem>> -> memref<1x80xi32, #tpu.memory_space<vmem>>
      %dma_start3A_140 = tpu.memref_squeeze %dma_start3A_139 : memref<1x80xi32, #tpu.memory_space<vmem>> -> memref<80xi32, #tpu.memory_space<vmem>>
      %dma_start3A_141 = arith.constant 0 : i32
      %dma_start3A_142 = arith.constant 0 : i32
      %dma_start3A_143 = tpu.memref_slice %arg2[%dma_start3A_141, %dma_start3A_142] : memref<10240x128xf32, #tpu.memory_space<hbm>> -> memref<10240x128xf32, #tpu.memory_space<hbm>>
      tpu.enqueue_indirect_dma source(%dma_start3A_143 : memref<10240x128xf32, #tpu.memory_space<hbm>>) target(%arg11 : memref<80x128xf32, #tpu.memory_space<vmem>>) offsets(%dma_start3A_140 : memref<80xi32, #tpu.memory_space<vmem>>) semaphore(%arg16 : memref<!tpu.dma_semaphore, #tpu.memory_space<semaphore_mem>>)
      %run_scoped3A_144 = arith.constant 4 : i32
      "tpu.region"() ({
        %run_scoped3A_169 = tpu.sem_alloc : memref<!tpu.dma_semaphore, #tpu.memory_space<semaphore_mem>>
        %dma_start3A_170 = arith.constant 0 : i32
        %dma_start3A_171 = tpu.memref_slice %arg6[%run_scoped3A_144, %dma_start3A_170] : memref<8x80xi32, #tpu.memory_space<vmem>> -> memref<1x80xi32, #tpu.memory_space<vmem>>
        %dma_start3A_172 = tpu.memref_squeeze %dma_start3A_171 : memref<1x80xi32, #tpu.memory_space<vmem>> -> memref<80xi32, #tpu.memory_space<vmem>>
        %dma_start3A_173 = arith.constant 0 : i32
        %dma_start3A_174 = arith.constant 0 : i32
        %dma_start3A_175 = tpu.memref_slice %arg12[%dma_start3A_173, %dma_start3A_174] : memref<10240x128xf32, #tpu.memory_space<vmem_shared>> -> memref<10240x128xf32, #tpu.memory_space<vmem_shared>>
        tpu.enqueue_indirect_dma source(%arg8 : memref<80x128xf32, #tpu.memory_space<vmem>>) target(%dma_start3A_175 : memref<10240x128xf32, #tpu.memory_space<vmem_shared>>) offsets(%dma_start3A_172 : memref<80xi32, #tpu.memory_space<vmem>>) semaphore(%run_scoped3A_169 : memref<!tpu.dma_semaphore, #tpu.memory_space<semaphore_mem>>) {add = true}
        %dma_wait3A_176 = arith.constant 0 : i32
        %dma_wait3A_177 = tpu.memref_slice %arg6[%run_scoped3A_144, %dma_wait3A_176] : memref<8x80xi32, #tpu.memory_space<vmem>> -> memref<1x80xi32, #tpu.memory_space<vmem>>
        %dma_wait3A_178 = tpu.memref_squeeze %dma_wait3A_177 : memref<1x80xi32, #tpu.memory_space<vmem>> -> memref<80xi32, #tpu.memory_space<vmem>>
        %dma_wait3A_179 = arith.constant 0 : i32
        %dma_wait3A_180 = arith.constant 0 : i32
        %dma_wait3A_181 = tpu.memref_slice %arg12[%dma_wait3A_179, %dma_wait3A_180] : memref<10240x128xf32, #tpu.memory_space<vmem_shared>> -> memref<10240x128xf32, #tpu.memory_space<vmem_shared>>
        tpu.wait_indirect_dma semaphore(%run_scoped3A_169 : memref<!tpu.dma_semaphore, #tpu.memory_space<semaphore_mem>>) src(%arg8 : memref<80x128xf32, #tpu.memory_space<vmem>>) dst(%dma_wait3A_181 : memref<10240x128xf32, #tpu.memory_space<vmem_shared>>)
        tpu.yield
      }) : () -> ()
      %dma_wait3A_145 = arith.constant 5 : i32
      %dma_wait3A_146 = arith.constant 0 : i32
      %dma_wait3A_147 = tpu.memref_slice %arg7[%dma_wait3A_145, %dma_wait3A_146] : memref<8x80xi32, #tpu.memory_space<vmem>> -> memref<1x80xi32, #tpu.memory_space<vmem>>
      %dma_wait3A_148 = tpu.memref_squeeze %dma_wait3A_147 : memref<1x80xi32, #tpu.memory_space<vmem>> -> memref<80xi32, #tpu.memory_space<vmem>>
      %dma_wait3A_149 = arith.constant 0 : i32
      %dma_wait3A_150 = arith.constant 0 : i32
      %dma_wait3A_151 = tpu.memref_slice %arg2[%dma_wait3A_149, %dma_wait3A_150] : memref<10240x128xf32, #tpu.memory_space<hbm>> -> memref<10240x128xf32, #tpu.memory_space<hbm>>
      tpu.wait_indirect_dma semaphore(%arg14 : memref<!tpu.dma_semaphore, #tpu.memory_space<semaphore_mem>>) src(%dma_wait3A_151 : memref<10240x128xf32, #tpu.memory_space<hbm>>) dst(%arg9 : memref<80x128xf32, #tpu.memory_space<vmem>>)
      %run_scoped3A_152 = arith.constant 5 : i32
      "tpu.region"() ({
        %run_scoped3A_169 = tpu.sem_alloc : memref<!tpu.dma_semaphore, #tpu.memory_space<semaphore_mem>>
        %dma_start3A_170 = arith.constant 0 : i32
        %dma_start3A_171 = tpu.memref_slice %arg6[%run_scoped3A_152, %dma_start3A_170] : memref<8x80xi32, #tpu.memory_space<vmem>> -> memref<1x80xi32, #tpu.memory_space<vmem>>
        %dma_start3A_172 = tpu.memref_squeeze %dma_start3A_171 : memref<1x80xi32, #tpu.memory_space<vmem>> -> memref<80xi32, #tpu.memory_space<vmem>>
        %dma_start3A_173 = arith.constant 0 : i32
        %dma_start3A_174 = arith.constant 0 : i32
        %dma_start3A_175 = tpu.memref_slice %arg12[%dma_start3A_173, %dma_start3A_174] : memref<10240x128xf32, #tpu.memory_space<vmem_shared>> -> memref<10240x128xf32, #tpu.memory_space<vmem_shared>>
        tpu.enqueue_indirect_dma source(%arg9 : memref<80x128xf32, #tpu.memory_space<vmem>>) target(%dma_start3A_175 : memref<10240x128xf32, #tpu.memory_space<vmem_shared>>) offsets(%dma_start3A_172 : memref<80xi32, #tpu.memory_space<vmem>>) semaphore(%run_scoped3A_169 : memref<!tpu.dma_semaphore, #tpu.memory_space<semaphore_mem>>) {add = true}
        %dma_wait3A_176 = arith.constant 0 : i32
        %dma_wait3A_177 = tpu.memref_slice %arg6[%run_scoped3A_152, %dma_wait3A_176] : memref<8x80xi32, #tpu.memory_space<vmem>> -> memref<1x80xi32, #tpu.memory_space<vmem>>
        %dma_wait3A_178 = tpu.memref_squeeze %dma_wait3A_177 : memref<1x80xi32, #tpu.memory_space<vmem>> -> memref<80xi32, #tpu.memory_space<vmem>>
        %dma_wait3A_179 = arith.constant 0 : i32
        %dma_wait3A_180 = arith.constant 0 : i32
        %dma_wait3A_181 = tpu.memref_slice %arg12[%dma_wait3A_179, %dma_wait3A_180] : memref<10240x128xf32, #tpu.memory_space<vmem_shared>> -> memref<10240x128xf32, #tpu.memory_space<vmem_shared>>
        tpu.wait_indirect_dma semaphore(%run_scoped3A_169 : memref<!tpu.dma_semaphore, #tpu.memory_space<semaphore_mem>>) src(%arg9 : memref<80x128xf32, #tpu.memory_space<vmem>>) dst(%dma_wait3A_181 : memref<10240x128xf32, #tpu.memory_space<vmem_shared>>)
        tpu.yield
      }) : () -> ()
      %dma_wait3A_153 = arith.constant 6 : i32
      %dma_wait3A_154 = arith.constant 0 : i32
      %dma_wait3A_155 = tpu.memref_slice %arg7[%dma_wait3A_153, %dma_wait3A_154] : memref<8x80xi32, #tpu.memory_space<vmem>> -> memref<1x80xi32, #tpu.memory_space<vmem>>
      %dma_wait3A_156 = tpu.memref_squeeze %dma_wait3A_155 : memref<1x80xi32, #tpu.memory_space<vmem>> -> memref<80xi32, #tpu.memory_space<vmem>>
      %dma_wait3A_157 = arith.constant 0 : i32
      %dma_wait3A_158 = arith.constant 0 : i32
      %dma_wait3A_159 = tpu.memref_slice %arg2[%dma_wait3A_157, %dma_wait3A_158] : memref<10240x128xf32, #tpu.memory_space<hbm>> -> memref<10240x128xf32, #tpu.memory_space<hbm>>
      tpu.wait_indirect_dma semaphore(%arg15 : memref<!tpu.dma_semaphore, #tpu.memory_space<semaphore_mem>>) src(%dma_wait3A_159 : memref<10240x128xf32, #tpu.memory_space<hbm>>) dst(%arg10 : memref<80x128xf32, #tpu.memory_space<vmem>>)
      %run_scoped3A_160 = arith.constant 6 : i32
      "tpu.region"() ({
        %run_scoped3A_169 = tpu.sem_alloc : memref<!tpu.dma_semaphore, #tpu.memory_space<semaphore_mem>>
        %dma_start3A_170 = arith.constant 0 : i32
        %dma_start3A_171 = tpu.memref_slice %arg6[%run_scoped3A_160, %dma_start3A_170] : memref<8x80xi32, #tpu.memory_space<vmem>> -> memref<1x80xi32, #tpu.memory_space<vmem>>
        %dma_start3A_172 = tpu.memref_squeeze %dma_start3A_171 : memref<1x80xi32, #tpu.memory_space<vmem>> -> memref<80xi32, #tpu.memory_space<vmem>>
        %dma_start3A_173 = arith.constant 0 : i32
        %dma_start3A_174 = arith.constant 0 : i32
        %dma_start3A_175 = tpu.memref_slice %arg12[%dma_start3A_173, %dma_start3A_174] : memref<10240x128xf32, #tpu.memory_space<vmem_shared>> -> memref<10240x128xf32, #tpu.memory_space<vmem_shared>>
        tpu.enqueue_indirect_dma source(%arg10 : memref<80x128xf32, #tpu.memory_space<vmem>>) target(%dma_start3A_175 : memref<10240x128xf32, #tpu.memory_space<vmem_shared>>) offsets(%dma_start3A_172 : memref<80xi32, #tpu.memory_space<vmem>>) semaphore(%run_scoped3A_169 : memref<!tpu.dma_semaphore, #tpu.memory_space<semaphore_mem>>) {add = true}
        %dma_wait3A_176 = arith.constant 0 : i32
        %dma_wait3A_177 = tpu.memref_slice %arg6[%run_scoped3A_160, %dma_wait3A_176] : memref<8x80xi32, #tpu.memory_space<vmem>> -> memref<1x80xi32, #tpu.memory_space<vmem>>
        %dma_wait3A_178 = tpu.memref_squeeze %dma_wait3A_177 : memref<1x80xi32, #tpu.memory_space<vmem>> -> memref<80xi32, #tpu.memory_space<vmem>>
        %dma_wait3A_179 = arith.constant 0 : i32
        %dma_wait3A_180 = arith.constant 0 : i32
        %dma_wait3A_181 = tpu.memref_slice %arg12[%dma_wait3A_179, %dma_wait3A_180] : memref<10240x128xf32, #tpu.memory_space<vmem_shared>> -> memref<10240x128xf32, #tpu.memory_space<vmem_shared>>
        tpu.wait_indirect_dma semaphore(%run_scoped3A_169 : memref<!tpu.dma_semaphore, #tpu.memory_space<semaphore_mem>>) src(%arg10 : memref<80x128xf32, #tpu.memory_space<vmem>>) dst(%dma_wait3A_181 : memref<10240x128xf32, #tpu.memory_space<vmem_shared>>)
        tpu.yield
      }) : () -> ()
      %dma_wait3A_161 = arith.constant 7 : i32
      %dma_wait3A_162 = arith.constant 0 : i32
      %dma_wait3A_163 = tpu.memref_slice %arg7[%dma_wait3A_161, %dma_wait3A_162] : memref<8x80xi32, #tpu.memory_space<vmem>> -> memref<1x80xi32, #tpu.memory_space<vmem>>
      %dma_wait3A_164 = tpu.memref_squeeze %dma_wait3A_163 : memref<1x80xi32, #tpu.memory_space<vmem>> -> memref<80xi32, #tpu.memory_space<vmem>>
      %dma_wait3A_165 = arith.constant 0 : i32
      %dma_wait3A_166 = arith.constant 0 : i32
      %dma_wait3A_167 = tpu.memref_slice %arg2[%dma_wait3A_165, %dma_wait3A_166] : memref<10240x128xf32, #tpu.memory_space<hbm>> -> memref<10240x128xf32, #tpu.memory_space<hbm>>
      tpu.wait_indirect_dma semaphore(%arg16 : memref<!tpu.dma_semaphore, #tpu.memory_space<semaphore_mem>>) src(%dma_wait3A_167 : memref<10240x128xf32, #tpu.memory_space<hbm>>) dst(%arg11 : memref<80x128xf32, #tpu.memory_space<vmem>>)
      %run_scoped3A_168 = arith.constant 7 : i32
      "tpu.region"() ({
        %run_scoped3A_169 = tpu.sem_alloc : memref<!tpu.dma_semaphore, #tpu.memory_space<semaphore_mem>>
        %dma_start3A_170 = arith.constant 0 : i32
        %dma_start3A_171 = tpu.memref_slice %arg6[%run_scoped3A_168, %dma_start3A_170] : memref<8x80xi32, #tpu.memory_space<vmem>> -> memref<1x80xi32, #tpu.memory_space<vmem>>
        %dma_start3A_172 = tpu.memref_squeeze %dma_start3A_171 : memref<1x80xi32, #tpu.memory_space<vmem>> -> memref<80xi32, #tpu.memory_space<vmem>>
        %dma_start3A_173 = arith.constant 0 : i32
        %dma_start3A_174 = arith.constant 0 : i32
        %dma_start3A_175 = tpu.memref_slice %arg12[%dma_start3A_173, %dma_start3A_174] : memref<10240x128xf32, #tpu.memory_space<vmem_shared>> -> memref<10240x128xf32, #tpu.memory_space<vmem_shared>>
        tpu.enqueue_indirect_dma source(%arg11 : memref<80x128xf32, #tpu.memory_space<vmem>>) target(%dma_start3A_175 : memref<10240x128xf32, #tpu.memory_space<vmem_shared>>) offsets(%dma_start3A_172 : memref<80xi32, #tpu.memory_space<vmem>>) semaphore(%run_scoped3A_169 : memref<!tpu.dma_semaphore, #tpu.memory_space<semaphore_mem>>) {add = true}
        %dma_wait3A_176 = arith.constant 0 : i32
        %dma_wait3A_177 = tpu.memref_slice %arg6[%run_scoped3A_168, %dma_wait3A_176] : memref<8x80xi32, #tpu.memory_space<vmem>> -> memref<1x80xi32, #tpu.memory_space<vmem>>
        %dma_wait3A_178 = tpu.memref_squeeze %dma_wait3A_177 : memref<1x80xi32, #tpu.memory_space<vmem>> -> memref<80xi32, #tpu.memory_space<vmem>>
        %dma_wait3A_179 = arith.constant 0 : i32
        %dma_wait3A_180 = arith.constant 0 : i32
        %dma_wait3A_181 = tpu.memref_slice %arg12[%dma_wait3A_179, %dma_wait3A_180] : memref<10240x128xf32, #tpu.memory_space<vmem_shared>> -> memref<10240x128xf32, #tpu.memory_space<vmem_shared>>
        tpu.wait_indirect_dma semaphore(%run_scoped3A_169 : memref<!tpu.dma_semaphore, #tpu.memory_space<semaphore_mem>>) src(%arg11 : memref<80x128xf32, #tpu.memory_space<vmem>>) dst(%dma_wait3A_181 : memref<10240x128xf32, #tpu.memory_space<vmem_shared>>)
        tpu.yield
      }) : () -> ()
    }
    %scan3A_29 = arith.constant 16 : i32
    %barrier3A_30 = arith.constant 0 : index
    tpu.barrier barrier_id(%barrier3A_30)
    %add3A_31 = arith.constant 0 : i32
    %add3A_32 = arith.addi %mul3A_2, %add3A_31 : i32
    "tpu.region"() ({
      %run_scoped3A = tpu.sem_alloc : memref<!tpu.dma_semaphore, #tpu.memory_space<semaphore_mem>>
      %dma_start3A = arith.constant 0 : i32
      %dma_start3A_47 = tpu.memref_slice %arg12[%add3A_32, %dma_start3A] : memref<10240x128xf32, #tpu.memory_space<vmem_shared>> -> memref<80x128xf32, #tpu.memory_space<vmem_shared>>
      %dma_start3A_48 = arith.constant 0 : i32
      %dma_start3A_49 = tpu.memref_slice %arg12[%add3A_32, %dma_start3A_48] : memref<10240x128xf32, #tpu.memory_space<vmem_shared>> -> memref<80x128xf32, #tpu.memory_space<vmem_shared>>
      tpu.enqueue_dma source(%dma_start3A_49 : memref<80x128xf32, #tpu.memory_space<vmem_shared>>) target(%arg8 : memref<80x128xf32, #tpu.memory_space<vmem>>) target_semaphore(%run_scoped3A : memref<!tpu.dma_semaphore, #tpu.memory_space<semaphore_mem>>)
      %dma_wait3A = arith.constant 0 : i32
      %dma_wait3A_50 = tpu.memref_slice %arg12[%add3A_32, %dma_wait3A] : memref<10240x128xf32, #tpu.memory_space<vmem_shared>> -> memref<80x128xf32, #tpu.memory_space<vmem_shared>>
      %dma_wait3A_51 = arith.constant 0 : i32
      %dma_wait3A_52 = tpu.memref_slice %arg12[%add3A_32, %dma_wait3A_51] : memref<10240x128xf32, #tpu.memory_space<vmem_shared>> -> memref<80x128xf32, #tpu.memory_space<vmem_shared>>
      tpu.wait_dma2 semaphore(%run_scoped3A : memref<!tpu.dma_semaphore, #tpu.memory_space<semaphore_mem>>) src(%dma_wait3A_52 : memref<80x128xf32, #tpu.memory_space<vmem_shared>>) dst(%arg8 : memref<80x128xf32, #tpu.memory_space<vmem>>)
      tpu.yield
    }) : () -> ()
    "tpu.region"() ({
      %run_scoped3A = tpu.sem_alloc : memref<!tpu.dma_semaphore, #tpu.memory_space<semaphore_mem>>
      %dma_start3A = arith.constant 0 : i32
      %dma_start3A_47 = tpu.memref_slice %arg5[%arg0, %add3A_32, %dma_start3A] : memref<2x10240x128xf32, #tpu.memory_space<hbm>> -> memref<1x80x128xf32, #tpu.memory_space<hbm>>
      %dma_start3A_48 = tpu.memref_squeeze %dma_start3A_47 : memref<1x80x128xf32, #tpu.memory_space<hbm>> -> memref<80x128xf32, #tpu.memory_space<hbm>>
      %dma_start3A_49 = arith.constant 0 : i32
      %dma_start3A_50 = tpu.memref_slice %arg5[%arg0, %add3A_32, %dma_start3A_49] : memref<2x10240x128xf32, #tpu.memory_space<hbm>> -> memref<1x80x128xf32, #tpu.memory_space<hbm>>
      %dma_start3A_51 = tpu.memref_squeeze %dma_start3A_50 : memref<1x80x128xf32, #tpu.memory_space<hbm>> -> memref<80x128xf32, #tpu.memory_space<hbm>>
      tpu.enqueue_dma source(%arg8 : memref<80x128xf32, #tpu.memory_space<vmem>>) target(%dma_start3A_51 : memref<80x128xf32, #tpu.memory_space<hbm>>) target_semaphore(%run_scoped3A : memref<!tpu.dma_semaphore, #tpu.memory_space<semaphore_mem>>)
      %dma_wait3A = arith.constant 0 : i32
      %dma_wait3A_52 = tpu.memref_slice %arg5[%arg0, %add3A_32, %dma_wait3A] : memref<2x10240x128xf32, #tpu.memory_space<hbm>> -> memref<1x80x128xf32, #tpu.memory_space<hbm>>
      %dma_wait3A_53 = tpu.memref_squeeze %dma_wait3A_52 : memref<1x80x128xf32, #tpu.memory_space<hbm>> -> memref<80x128xf32, #tpu.memory_space<hbm>>
      %dma_wait3A_54 = arith.constant 0 : i32
      %dma_wait3A_55 = tpu.memref_slice %arg5[%arg0, %add3A_32, %dma_wait3A_54] : memref<2x10240x128xf32, #tpu.memory_space<hbm>> -> memref<1x80x128xf32, #tpu.memory_space<hbm>>
      %dma_wait3A_56 = tpu.memref_squeeze %dma_wait3A_55 : memref<1x80x128xf32, #tpu.memory_space<hbm>> -> memref<80x128xf32, #tpu.memory_space<hbm>>
      tpu.wait_dma2 semaphore(%run_scoped3A : memref<!tpu.dma_semaphore, #tpu.memory_space<semaphore_mem>>) src(%arg8 : memref<80x128xf32, #tpu.memory_space<vmem>>) dst(%dma_wait3A_56 : memref<80x128xf32, #tpu.memory_space<hbm>>)
      tpu.yield
    }) : () -> ()
    %add3A_33 = arith.constant 80 : i32
    %add3A_34 = arith.addi %mul3A_2, %add3A_33 : i32
    "tpu.region"() ({
      %run_scoped3A = tpu.sem_alloc : memref<!tpu.dma_semaphore, #tpu.memory_space<semaphore_mem>>
      %dma_start3A = arith.constant 0 : i32
      %dma_start3A_47 = tpu.memref_slice %arg12[%add3A_34, %dma_start3A] : memref<10240x128xf32, #tpu.memory_space<vmem_shared>> -> memref<80x128xf32, #tpu.memory_space<vmem_shared>>
      %dma_start3A_48 = arith.constant 0 : i32
      %dma_start3A_49 = tpu.memref_slice %arg12[%add3A_34, %dma_start3A_48] : memref<10240x128xf32, #tpu.memory_space<vmem_shared>> -> memref<80x128xf32, #tpu.memory_space<vmem_shared>>
      tpu.enqueue_dma source(%dma_start3A_49 : memref<80x128xf32, #tpu.memory_space<vmem_shared>>) target(%arg8 : memref<80x128xf32, #tpu.memory_space<vmem>>) target_semaphore(%run_scoped3A : memref<!tpu.dma_semaphore, #tpu.memory_space<semaphore_mem>>)
      %dma_wait3A = arith.constant 0 : i32
      %dma_wait3A_50 = tpu.memref_slice %arg12[%add3A_34, %dma_wait3A] : memref<10240x128xf32, #tpu.memory_space<vmem_shared>> -> memref<80x128xf32, #tpu.memory_space<vmem_shared>>
      %dma_wait3A_51 = arith.constant 0 : i32
      %dma_wait3A_52 = tpu.memref_slice %arg12[%add3A_34, %dma_wait3A_51] : memref<10240x128xf32, #tpu.memory_space<vmem_shared>> -> memref<80x128xf32, #tpu.memory_space<vmem_shared>>
      tpu.wait_dma2 semaphore(%run_scoped3A : memref<!tpu.dma_semaphore, #tpu.memory_space<semaphore_mem>>) src(%dma_wait3A_52 : memref<80x128xf32, #tpu.memory_space<vmem_shared>>) dst(%arg8 : memref<80x128xf32, #tpu.memory_space<vmem>>)
      tpu.yield
    }) : () -> ()
    "tpu.region"() ({
      %run_scoped3A = tpu.sem_alloc : memref<!tpu.dma_semaphore, #tpu.memory_space<semaphore_mem>>
      %dma_start3A = arith.constant 0 : i32
      %dma_start3A_47 = tpu.memref_slice %arg5[%arg0, %add3A_34, %dma_start3A] : memref<2x10240x128xf32, #tpu.memory_space<hbm>> -> memref<1x80x128xf32, #tpu.memory_space<hbm>>
      %dma_start3A_48 = tpu.memref_squeeze %dma_start3A_47 : memref<1x80x128xf32, #tpu.memory_space<hbm>> -> memref<80x128xf32, #tpu.memory_space<hbm>>
      %dma_start3A_49 = arith.constant 0 : i32
      %dma_start3A_50 = tpu.memref_slice %arg5[%arg0, %add3A_34, %dma_start3A_49] : memref<2x10240x128xf32, #tpu.memory_space<hbm>> -> memref<1x80x128xf32, #tpu.memory_space<hbm>>
      %dma_start3A_51 = tpu.memref_squeeze %dma_start3A_50 : memref<1x80x128xf32, #tpu.memory_space<hbm>> -> memref<80x128xf32, #tpu.memory_space<hbm>>
      tpu.enqueue_dma source(%arg8 : memref<80x128xf32, #tpu.memory_space<vmem>>) target(%dma_start3A_51 : memref<80x128xf32, #tpu.memory_space<hbm>>) target_semaphore(%run_scoped3A : memref<!tpu.dma_semaphore, #tpu.memory_space<semaphore_mem>>)
      %dma_wait3A = arith.constant 0 : i32
      %dma_wait3A_52 = tpu.memref_slice %arg5[%arg0, %add3A_34, %dma_wait3A] : memref<2x10240x128xf32, #tpu.memory_space<hbm>> -> memref<1x80x128xf32, #tpu.memory_space<hbm>>
      %dma_wait3A_53 = tpu.memref_squeeze %dma_wait3A_52 : memref<1x80x128xf32, #tpu.memory_space<hbm>> -> memref<80x128xf32, #tpu.memory_space<hbm>>
      %dma_wait3A_54 = arith.constant 0 : i32
      %dma_wait3A_55 = tpu.memref_slice %arg5[%arg0, %add3A_34, %dma_wait3A_54] : memref<2x10240x128xf32, #tpu.memory_space<hbm>> -> memref<1x80x128xf32, #tpu.memory_space<hbm>>
      %dma_wait3A_56 = tpu.memref_squeeze %dma_wait3A_55 : memref<1x80x128xf32, #tpu.memory_space<hbm>> -> memref<80x128xf32, #tpu.memory_space<hbm>>
      tpu.wait_dma2 semaphore(%run_scoped3A : memref<!tpu.dma_semaphore, #tpu.memory_space<semaphore_mem>>) src(%arg8 : memref<80x128xf32, #tpu.memory_space<vmem>>) dst(%dma_wait3A_56 : memref<80x128xf32, #tpu.memory_space<hbm>>)
      tpu.yield
    }) : () -> ()
    %add3A_35 = arith.constant 160 : i32
    %add3A_36 = arith.addi %mul3A_2, %add3A_35 : i32
    "tpu.region"() ({
      %run_scoped3A = tpu.sem_alloc : memref<!tpu.dma_semaphore, #tpu.memory_space<semaphore_mem>>
      %dma_start3A = arith.constant 0 : i32
      %dma_start3A_47 = tpu.memref_slice %arg12[%add3A_36, %dma_start3A] : memref<10240x128xf32, #tpu.memory_space<vmem_shared>> -> memref<80x128xf32, #tpu.memory_space<vmem_shared>>
      %dma_start3A_48 = arith.constant 0 : i32
      %dma_start3A_49 = tpu.memref_slice %arg12[%add3A_36, %dma_start3A_48] : memref<10240x128xf32, #tpu.memory_space<vmem_shared>> -> memref<80x128xf32, #tpu.memory_space<vmem_shared>>
      tpu.enqueue_dma source(%dma_start3A_49 : memref<80x128xf32, #tpu.memory_space<vmem_shared>>) target(%arg8 : memref<80x128xf32, #tpu.memory_space<vmem>>) target_semaphore(%run_scoped3A : memref<!tpu.dma_semaphore, #tpu.memory_space<semaphore_mem>>)
      %dma_wait3A = arith.constant 0 : i32
      %dma_wait3A_50 = tpu.memref_slice %arg12[%add3A_36, %dma_wait3A] : memref<10240x128xf32, #tpu.memory_space<vmem_shared>> -> memref<80x128xf32, #tpu.memory_space<vmem_shared>>
      %dma_wait3A_51 = arith.constant 0 : i32
      %dma_wait3A_52 = tpu.memref_slice %arg12[%add3A_36, %dma_wait3A_51] : memref<10240x128xf32, #tpu.memory_space<vmem_shared>> -> memref<80x128xf32, #tpu.memory_space<vmem_shared>>
      tpu.wait_dma2 semaphore(%run_scoped3A : memref<!tpu.dma_semaphore, #tpu.memory_space<semaphore_mem>>) src(%dma_wait3A_52 : memref<80x128xf32, #tpu.memory_space<vmem_shared>>) dst(%arg8 : memref<80x128xf32, #tpu.memory_space<vmem>>)
      tpu.yield
    }) : () -> ()
    "tpu.region"() ({
      %run_scoped3A = tpu.sem_alloc : memref<!tpu.dma_semaphore, #tpu.memory_space<semaphore_mem>>
      %dma_start3A = arith.constant 0 : i32
      %dma_start3A_47 = tpu.memref_slice %arg5[%arg0, %add3A_36, %dma_start3A] : memref<2x10240x128xf32, #tpu.memory_space<hbm>> -> memref<1x80x128xf32, #tpu.memory_space<hbm>>
      %dma_start3A_48 = tpu.memref_squeeze %dma_start3A_47 : memref<1x80x128xf32, #tpu.memory_space<hbm>> -> memref<80x128xf32, #tpu.memory_space<hbm>>
      %dma_start3A_49 = arith.constant 0 : i32
      %dma_start3A_50 = tpu.memref_slice %arg5[%arg0, %add3A_36, %dma_start3A_49] : memref<2x10240x128xf32, #tpu.memory_space<hbm>> -> memref<1x80x128xf32, #tpu.memory_space<hbm>>
      %dma_start3A_51 = tpu.memref_squeeze %dma_start3A_50 : memref<1x80x128xf32, #tpu.memory_space<hbm>> -> memref<80x128xf32, #tpu.memory_space<hbm>>
      tpu.enqueue_dma source(%arg8 : memref<80x128xf32, #tpu.memory_space<vmem>>) target(%dma_start3A_51 : memref<80x128xf32, #tpu.memory_space<hbm>>) target_semaphore(%run_scoped3A : memref<!tpu.dma_semaphore, #tpu.memory_space<semaphore_mem>>)
      %dma_wait3A = arith.constant 0 : i32
      %dma_wait3A_52 = tpu.memref_slice %arg5[%arg0, %add3A_36, %dma_wait3A] : memref<2x10240x128xf32, #tpu.memory_space<hbm>> -> memref<1x80x128xf32, #tpu.memory_space<hbm>>
      %dma_wait3A_53 = tpu.memref_squeeze %dma_wait3A_52 : memref<1x80x128xf32, #tpu.memory_space<hbm>> -> memref<80x128xf32, #tpu.memory_space<hbm>>
      %dma_wait3A_54 = arith.constant 0 : i32
      %dma_wait3A_55 = tpu.memref_slice %arg5[%arg0, %add3A_36, %dma_wait3A_54] : memref<2x10240x128xf32, #tpu.memory_space<hbm>> -> memref<1x80x128xf32, #tpu.memory_space<hbm>>
      %dma_wait3A_56 = tpu.memref_squeeze %dma_wait3A_55 : memref<1x80x128xf32, #tpu.memory_space<hbm>> -> memref<80x128xf32, #tpu.memory_space<hbm>>
      tpu.wait_dma2 semaphore(%run_scoped3A : memref<!tpu.dma_semaphore, #tpu.memory_space<semaphore_mem>>) src(%arg8 : memref<80x128xf32, #tpu.memory_space<vmem>>) dst(%dma_wait3A_56 : memref<80x128xf32, #tpu.memory_space<hbm>>)
      tpu.yield
    }) : () -> ()
    %add3A_37 = arith.constant 240 : i32
    %add3A_38 = arith.addi %mul3A_2, %add3A_37 : i32
    "tpu.region"() ({
      %run_scoped3A = tpu.sem_alloc : memref<!tpu.dma_semaphore, #tpu.memory_space<semaphore_mem>>
      %dma_start3A = arith.constant 0 : i32
      %dma_start3A_47 = tpu.memref_slice %arg12[%add3A_38, %dma_start3A] : memref<10240x128xf32, #tpu.memory_space<vmem_shared>> -> memref<80x128xf32, #tpu.memory_space<vmem_shared>>
      %dma_start3A_48 = arith.constant 0 : i32
      %dma_start3A_49 = tpu.memref_slice %arg12[%add3A_38, %dma_start3A_48] : memref<10240x128xf32, #tpu.memory_space<vmem_shared>> -> memref<80x128xf32, #tpu.memory_space<vmem_shared>>
      tpu.enqueue_dma source(%dma_start3A_49 : memref<80x128xf32, #tpu.memory_space<vmem_shared>>) target(%arg8 : memref<80x128xf32, #tpu.memory_space<vmem>>) target_semaphore(%run_scoped3A : memref<!tpu.dma_semaphore, #tpu.memory_space<semaphore_mem>>)
      %dma_wait3A = arith.constant 0 : i32
      %dma_wait3A_50 = tpu.memref_slice %arg12[%add3A_38, %dma_wait3A] : memref<10240x128xf32, #tpu.memory_space<vmem_shared>> -> memref<80x128xf32, #tpu.memory_space<vmem_shared>>
      %dma_wait3A_51 = arith.constant 0 : i32
      %dma_wait3A_52 = tpu.memref_slice %arg12[%add3A_38, %dma_wait3A_51] : memref<10240x128xf32, #tpu.memory_space<vmem_shared>> -> memref<80x128xf32, #tpu.memory_space<vmem_shared>>
      tpu.wait_dma2 semaphore(%run_scoped3A : memref<!tpu.dma_semaphore, #tpu.memory_space<semaphore_mem>>) src(%dma_wait3A_52 : memref<80x128xf32, #tpu.memory_space<vmem_shared>>) dst(%arg8 : memref<80x128xf32, #tpu.memory_space<vmem>>)
      tpu.yield
    }) : () -> ()
    "tpu.region"() ({
      %run_scoped3A = tpu.sem_alloc : memref<!tpu.dma_semaphore, #tpu.memory_space<semaphore_mem>>
      %dma_start3A = arith.constant 0 : i32
      %dma_start3A_47 = tpu.memref_slice %arg5[%arg0, %add3A_38, %dma_start3A] : memref<2x10240x128xf32, #tpu.memory_space<hbm>> -> memref<1x80x128xf32, #tpu.memory_space<hbm>>
      %dma_start3A_48 = tpu.memref_squeeze %dma_start3A_47 : memref<1x80x128xf32, #tpu.memory_space<hbm>> -> memref<80x128xf32, #tpu.memory_space<hbm>>
      %dma_start3A_49 = arith.constant 0 : i32
      %dma_start3A_50 = tpu.memref_slice %arg5[%arg0, %add3A_38, %dma_start3A_49] : memref<2x10240x128xf32, #tpu.memory_space<hbm>> -> memref<1x80x128xf32, #tpu.memory_space<hbm>>
      %dma_start3A_51 = tpu.memref_squeeze %dma_start3A_50 : memref<1x80x128xf32, #tpu.memory_space<hbm>> -> memref<80x128xf32, #tpu.memory_space<hbm>>
      tpu.enqueue_dma source(%arg8 : memref<80x128xf32, #tpu.memory_space<vmem>>) target(%dma_start3A_51 : memref<80x128xf32, #tpu.memory_space<hbm>>) target_semaphore(%run_scoped3A : memref<!tpu.dma_semaphore, #tpu.memory_space<semaphore_mem>>)
      %dma_wait3A = arith.constant 0 : i32
      %dma_wait3A_52 = tpu.memref_slice %arg5[%arg0, %add3A_38, %dma_wait3A] : memref<2x10240x128xf32, #tpu.memory_space<hbm>> -> memref<1x80x128xf32, #tpu.memory_space<hbm>>
      %dma_wait3A_53 = tpu.memref_squeeze %dma_wait3A_52 : memref<1x80x128xf32, #tpu.memory_space<hbm>> -> memref<80x128xf32, #tpu.memory_space<hbm>>
      %dma_wait3A_54 = arith.constant 0 : i32
      %dma_wait3A_55 = tpu.memref_slice %arg5[%arg0, %add3A_38, %dma_wait3A_54] : memref<2x10240x128xf32, #tpu.memory_space<hbm>> -> memref<1x80x128xf32, #tpu.memory_space<hbm>>
      %dma_wait3A_56 = tpu.memref_squeeze %dma_wait3A_55 : memref<1x80x128xf32, #tpu.memory_space<hbm>> -> memref<80x128xf32, #tpu.memory_space<hbm>>
      tpu.wait_dma2 semaphore(%run_scoped3A : memref<!tpu.dma_semaphore, #tpu.memory_space<semaphore_mem>>) src(%arg8 : memref<80x128xf32, #tpu.memory_space<vmem>>) dst(%dma_wait3A_56 : memref<80x128xf32, #tpu.memory_space<hbm>>)
      tpu.yield
    }) : () -> ()
    %add3A_39 = arith.constant 320 : i32
    %add3A_40 = arith.addi %mul3A_2, %add3A_39 : i32
    "tpu.region"() ({
      %run_scoped3A = tpu.sem_alloc : memref<!tpu.dma_semaphore, #tpu.memory_space<semaphore_mem>>
      %dma_start3A = arith.constant 0 : i32
      %dma_start3A_47 = tpu.memref_slice %arg12[%add3A_40, %dma_start3A] : memref<10240x128xf32, #tpu.memory_space<vmem_shared>> -> memref<80x128xf32, #tpu.memory_space<vmem_shared>>
      %dma_start3A_48 = arith.constant 0 : i32
      %dma_start3A_49 = tpu.memref_slice %arg12[%add3A_40, %dma_start3A_48] : memref<10240x128xf32, #tpu.memory_space<vmem_shared>> -> memref<80x128xf32, #tpu.memory_space<vmem_shared>>
      tpu.enqueue_dma source(%dma_start3A_49 : memref<80x128xf32, #tpu.memory_space<vmem_shared>>) target(%arg8 : memref<80x128xf32, #tpu.memory_space<vmem>>) target_semaphore(%run_scoped3A : memref<!tpu.dma_semaphore, #tpu.memory_space<semaphore_mem>>)
      %dma_wait3A = arith.constant 0 : i32
      %dma_wait3A_50 = tpu.memref_slice %arg12[%add3A_40, %dma_wait3A] : memref<10240x128xf32, #tpu.memory_space<vmem_shared>> -> memref<80x128xf32, #tpu.memory_space<vmem_shared>>
      %dma_wait3A_51 = arith.constant 0 : i32
      %dma_wait3A_52 = tpu.memref_slice %arg12[%add3A_40, %dma_wait3A_51] : memref<10240x128xf32, #tpu.memory_space<vmem_shared>> -> memref<80x128xf32, #tpu.memory_space<vmem_shared>>
      tpu.wait_dma2 semaphore(%run_scoped3A : memref<!tpu.dma_semaphore, #tpu.memory_space<semaphore_mem>>) src(%dma_wait3A_52 : memref<80x128xf32, #tpu.memory_space<vmem_shared>>) dst(%arg8 : memref<80x128xf32, #tpu.memory_space<vmem>>)
      tpu.yield
    }) : () -> ()
    "tpu.region"() ({
      %run_scoped3A = tpu.sem_alloc : memref<!tpu.dma_semaphore, #tpu.memory_space<semaphore_mem>>
      %dma_start3A = arith.constant 0 : i32
      %dma_start3A_47 = tpu.memref_slice %arg5[%arg0, %add3A_40, %dma_start3A] : memref<2x10240x128xf32, #tpu.memory_space<hbm>> -> memref<1x80x128xf32, #tpu.memory_space<hbm>>
      %dma_start3A_48 = tpu.memref_squeeze %dma_start3A_47 : memref<1x80x128xf32, #tpu.memory_space<hbm>> -> memref<80x128xf32, #tpu.memory_space<hbm>>
      %dma_start3A_49 = arith.constant 0 : i32
      %dma_start3A_50 = tpu.memref_slice %arg5[%arg0, %add3A_40, %dma_start3A_49] : memref<2x10240x128xf32, #tpu.memory_space<hbm>> -> memref<1x80x128xf32, #tpu.memory_space<hbm>>
      %dma_start3A_51 = tpu.memref_squeeze %dma_start3A_50 : memref<1x80x128xf32, #tpu.memory_space<hbm>> -> memref<80x128xf32, #tpu.memory_space<hbm>>
      tpu.enqueue_dma source(%arg8 : memref<80x128xf32, #tpu.memory_space<vmem>>) target(%dma_start3A_51 : memref<80x128xf32, #tpu.memory_space<hbm>>) target_semaphore(%run_scoped3A : memref<!tpu.dma_semaphore, #tpu.memory_space<semaphore_mem>>)
      %dma_wait3A = arith.constant 0 : i32
      %dma_wait3A_52 = tpu.memref_slice %arg5[%arg0, %add3A_40, %dma_wait3A] : memref<2x10240x128xf32, #tpu.memory_space<hbm>> -> memref<1x80x128xf32, #tpu.memory_space<hbm>>
      %dma_wait3A_53 = tpu.memref_squeeze %dma_wait3A_52 : memref<1x80x128xf32, #tpu.memory_space<hbm>> -> memref<80x128xf32, #tpu.memory_space<hbm>>
      %dma_wait3A_54 = arith.constant 0 : i32
      %dma_wait3A_55 = tpu.memref_slice %arg5[%arg0, %add3A_40, %dma_wait3A_54] : memref<2x10240x128xf32, #tpu.memory_space<hbm>> -> memref<1x80x128xf32, #tpu.memory_space<hbm>>
      %dma_wait3A_56 = tpu.memref_squeeze %dma_wait3A_55 : memref<1x80x128xf32, #tpu.memory_space<hbm>> -> memref<80x128xf32, #tpu.memory_space<hbm>>
      tpu.wait_dma2 semaphore(%run_scoped3A : memref<!tpu.dma_semaphore, #tpu.memory_space<semaphore_mem>>) src(%arg8 : memref<80x128xf32, #tpu.memory_space<vmem>>) dst(%dma_wait3A_56 : memref<80x128xf32, #tpu.memory_space<hbm>>)
      tpu.yield
    }) : () -> ()
    %add3A_41 = arith.constant 400 : i32
    %add3A_42 = arith.addi %mul3A_2, %add3A_41 : i32
    "tpu.region"() ({
      %run_scoped3A = tpu.sem_alloc : memref<!tpu.dma_semaphore, #tpu.memory_space<semaphore_mem>>
      %dma_start3A = arith.constant 0 : i32
      %dma_start3A_47 = tpu.memref_slice %arg12[%add3A_42, %dma_start3A] : memref<10240x128xf32, #tpu.memory_space<vmem_shared>> -> memref<80x128xf32, #tpu.memory_space<vmem_shared>>
      %dma_start3A_48 = arith.constant 0 : i32
      %dma_start3A_49 = tpu.memref_slice %arg12[%add3A_42, %dma_start3A_48] : memref<10240x128xf32, #tpu.memory_space<vmem_shared>> -> memref<80x128xf32, #tpu.memory_space<vmem_shared>>
      tpu.enqueue_dma source(%dma_start3A_49 : memref<80x128xf32, #tpu.memory_space<vmem_shared>>) target(%arg8 : memref<80x128xf32, #tpu.memory_space<vmem>>) target_semaphore(%run_scoped3A : memref<!tpu.dma_semaphore, #tpu.memory_space<semaphore_mem>>)
      %dma_wait3A = arith.constant 0 : i32
      %dma_wait3A_50 = tpu.memref_slice %arg12[%add3A_42, %dma_wait3A] : memref<10240x128xf32, #tpu.memory_space<vmem_shared>> -> memref<80x128xf32, #tpu.memory_space<vmem_shared>>
      %dma_wait3A_51 = arith.constant 0 : i32
      %dma_wait3A_52 = tpu.memref_slice %arg12[%add3A_42, %dma_wait3A_51] : memref<10240x128xf32, #tpu.memory_space<vmem_shared>> -> memref<80x128xf32, #tpu.memory_space<vmem_shared>>
      tpu.wait_dma2 semaphore(%run_scoped3A : memref<!tpu.dma_semaphore, #tpu.memory_space<semaphore_mem>>) src(%dma_wait3A_52 : memref<80x128xf32, #tpu.memory_space<vmem_shared>>) dst(%arg8 : memref<80x128xf32, #tpu.memory_space<vmem>>)
      tpu.yield
    }) : () -> ()
    "tpu.region"() ({
      %run_scoped3A = tpu.sem_alloc : memref<!tpu.dma_semaphore, #tpu.memory_space<semaphore_mem>>
      %dma_start3A = arith.constant 0 : i32
      %dma_start3A_47 = tpu.memref_slice %arg5[%arg0, %add3A_42, %dma_start3A] : memref<2x10240x128xf32, #tpu.memory_space<hbm>> -> memref<1x80x128xf32, #tpu.memory_space<hbm>>
      %dma_start3A_48 = tpu.memref_squeeze %dma_start3A_47 : memref<1x80x128xf32, #tpu.memory_space<hbm>> -> memref<80x128xf32, #tpu.memory_space<hbm>>
      %dma_start3A_49 = arith.constant 0 : i32
      %dma_start3A_50 = tpu.memref_slice %arg5[%arg0, %add3A_42, %dma_start3A_49] : memref<2x10240x128xf32, #tpu.memory_space<hbm>> -> memref<1x80x128xf32, #tpu.memory_space<hbm>>
      %dma_start3A_51 = tpu.memref_squeeze %dma_start3A_50 : memref<1x80x128xf32, #tpu.memory_space<hbm>> -> memref<80x128xf32, #tpu.memory_space<hbm>>
      tpu.enqueue_dma source(%arg8 : memref<80x128xf32, #tpu.memory_space<vmem>>) target(%dma_start3A_51 : memref<80x128xf32, #tpu.memory_space<hbm>>) target_semaphore(%run_scoped3A : memref<!tpu.dma_semaphore, #tpu.memory_space<semaphore_mem>>)
      %dma_wait3A = arith.constant 0 : i32
      %dma_wait3A_52 = tpu.memref_slice %arg5[%arg0, %add3A_42, %dma_wait3A] : memref<2x10240x128xf32, #tpu.memory_space<hbm>> -> memref<1x80x128xf32, #tpu.memory_space<hbm>>
      %dma_wait3A_53 = tpu.memref_squeeze %dma_wait3A_52 : memref<1x80x128xf32, #tpu.memory_space<hbm>> -> memref<80x128xf32, #tpu.memory_space<hbm>>
      %dma_wait3A_54 = arith.constant 0 : i32
      %dma_wait3A_55 = tpu.memref_slice %arg5[%arg0, %add3A_42, %dma_wait3A_54] : memref<2x10240x128xf32, #tpu.memory_space<hbm>> -> memref<1x80x128xf32, #tpu.memory_space<hbm>>
      %dma_wait3A_56 = tpu.memref_squeeze %dma_wait3A_55 : memref<1x80x128xf32, #tpu.memory_space<hbm>> -> memref<80x128xf32, #tpu.memory_space<hbm>>
      tpu.wait_dma2 semaphore(%run_scoped3A : memref<!tpu.dma_semaphore, #tpu.memory_space<semaphore_mem>>) src(%arg8 : memref<80x128xf32, #tpu.memory_space<vmem>>) dst(%dma_wait3A_56 : memref<80x128xf32, #tpu.memory_space<hbm>>)
      tpu.yield
    }) : () -> ()
    %add3A_43 = arith.constant 480 : i32
    %add3A_44 = arith.addi %mul3A_2, %add3A_43 : i32
    "tpu.region"() ({
      %run_scoped3A = tpu.sem_alloc : memref<!tpu.dma_semaphore, #tpu.memory_space<semaphore_mem>>
      %dma_start3A = arith.constant 0 : i32
      %dma_start3A_47 = tpu.memref_slice %arg12[%add3A_44, %dma_start3A] : memref<10240x128xf32, #tpu.memory_space<vmem_shared>> -> memref<80x128xf32, #tpu.memory_space<vmem_shared>>
      %dma_start3A_48 = arith.constant 0 : i32
      %dma_start3A_49 = tpu.memref_slice %arg12[%add3A_44, %dma_start3A_48] : memref<10240x128xf32, #tpu.memory_space<vmem_shared>> -> memref<80x128xf32, #tpu.memory_space<vmem_shared>>
      tpu.enqueue_dma source(%dma_start3A_49 : memref<80x128xf32, #tpu.memory_space<vmem_shared>>) target(%arg8 : memref<80x128xf32, #tpu.memory_space<vmem>>) target_semaphore(%run_scoped3A : memref<!tpu.dma_semaphore, #tpu.memory_space<semaphore_mem>>)
      %dma_wait3A = arith.constant 0 : i32
      %dma_wait3A_50 = tpu.memref_slice %arg12[%add3A_44, %dma_wait3A] : memref<10240x128xf32, #tpu.memory_space<vmem_shared>> -> memref<80x128xf32, #tpu.memory_space<vmem_shared>>
      %dma_wait3A_51 = arith.constant 0 : i32
      %dma_wait3A_52 = tpu.memref_slice %arg12[%add3A_44, %dma_wait3A_51] : memref<10240x128xf32, #tpu.memory_space<vmem_shared>> -> memref<80x128xf32, #tpu.memory_space<vmem_shared>>
      tpu.wait_dma2 semaphore(%run_scoped3A : memref<!tpu.dma_semaphore, #tpu.memory_space<semaphore_mem>>) src(%dma_wait3A_52 : memref<80x128xf32, #tpu.memory_space<vmem_shared>>) dst(%arg8 : memref<80x128xf32, #tpu.memory_space<vmem>>)
      tpu.yield
    }) : () -> ()
    "tpu.region"() ({
      %run_scoped3A = tpu.sem_alloc : memref<!tpu.dma_semaphore, #tpu.memory_space<semaphore_mem>>
      %dma_start3A = arith.constant 0 : i32
      %dma_start3A_47 = tpu.memref_slice %arg5[%arg0, %add3A_44, %dma_start3A] : memref<2x10240x128xf32, #tpu.memory_space<hbm>> -> memref<1x80x128xf32, #tpu.memory_space<hbm>>
      %dma_start3A_48 = tpu.memref_squeeze %dma_start3A_47 : memref<1x80x128xf32, #tpu.memory_space<hbm>> -> memref<80x128xf32, #tpu.memory_space<hbm>>
      %dma_start3A_49 = arith.constant 0 : i32
      %dma_start3A_50 = tpu.memref_slice %arg5[%arg0, %add3A_44, %dma_start3A_49] : memref<2x10240x128xf32, #tpu.memory_space<hbm>> -> memref<1x80x128xf32, #tpu.memory_space<hbm>>
      %dma_start3A_51 = tpu.memref_squeeze %dma_start3A_50 : memref<1x80x128xf32, #tpu.memory_space<hbm>> -> memref<80x128xf32, #tpu.memory_space<hbm>>
      tpu.enqueue_dma source(%arg8 : memref<80x128xf32, #tpu.memory_space<vmem>>) target(%dma_start3A_51 : memref<80x128xf32, #tpu.memory_space<hbm>>) target_semaphore(%run_scoped3A : memref<!tpu.dma_semaphore, #tpu.memory_space<semaphore_mem>>)
      %dma_wait3A = arith.constant 0 : i32
      %dma_wait3A_52 = tpu.memref_slice %arg5[%arg0, %add3A_44, %dma_wait3A] : memref<2x10240x128xf32, #tpu.memory_space<hbm>> -> memref<1x80x128xf32, #tpu.memory_space<hbm>>
      %dma_wait3A_53 = tpu.memref_squeeze %dma_wait3A_52 : memref<1x80x128xf32, #tpu.memory_space<hbm>> -> memref<80x128xf32, #tpu.memory_space<hbm>>
      %dma_wait3A_54 = arith.constant 0 : i32
      %dma_wait3A_55 = tpu.memref_slice %arg5[%arg0, %add3A_44, %dma_wait3A_54] : memref<2x10240x128xf32, #tpu.memory_space<hbm>> -> memref<1x80x128xf32, #tpu.memory_space<hbm>>
      %dma_wait3A_56 = tpu.memref_squeeze %dma_wait3A_55 : memref<1x80x128xf32, #tpu.memory_space<hbm>> -> memref<80x128xf32, #tpu.memory_space<hbm>>
      tpu.wait_dma2 semaphore(%run_scoped3A : memref<!tpu.dma_semaphore, #tpu.memory_space<semaphore_mem>>) src(%arg8 : memref<80x128xf32, #tpu.memory_space<vmem>>) dst(%dma_wait3A_56 : memref<80x128xf32, #tpu.memory_space<hbm>>)
      tpu.yield
    }) : () -> ()
    %add3A_45 = arith.constant 560 : i32
    %add3A_46 = arith.addi %mul3A_2, %add3A_45 : i32
    "tpu.region"() ({
      %run_scoped3A = tpu.sem_alloc : memref<!tpu.dma_semaphore, #tpu.memory_space<semaphore_mem>>
      %dma_start3A = arith.constant 0 : i32
      %dma_start3A_47 = tpu.memref_slice %arg12[%add3A_46, %dma_start3A] : memref<10240x128xf32, #tpu.memory_space<vmem_shared>> -> memref<80x128xf32, #tpu.memory_space<vmem_shared>>
      %dma_start3A_48 = arith.constant 0 : i32
      %dma_start3A_49 = tpu.memref_slice %arg12[%add3A_46, %dma_start3A_48] : memref<10240x128xf32, #tpu.memory_space<vmem_shared>> -> memref<80x128xf32, #tpu.memory_space<vmem_shared>>
      tpu.enqueue_dma source(%dma_start3A_49 : memref<80x128xf32, #tpu.memory_space<vmem_shared>>) target(%arg8 : memref<80x128xf32, #tpu.memory_space<vmem>>) target_semaphore(%run_scoped3A : memref<!tpu.dma_semaphore, #tpu.memory_space<semaphore_mem>>)
      %dma_wait3A = arith.constant 0 : i32
      %dma_wait3A_50 = tpu.memref_slice %arg12[%add3A_46, %dma_wait3A] : memref<10240x128xf32, #tpu.memory_space<vmem_shared>> -> memref<80x128xf32, #tpu.memory_space<vmem_shared>>
      %dma_wait3A_51 = arith.constant 0 : i32
      %dma_wait3A_52 = tpu.memref_slice %arg12[%add3A_46, %dma_wait3A_51] : memref<10240x128xf32, #tpu.memory_space<vmem_shared>> -> memref<80x128xf32, #tpu.memory_space<vmem_shared>>
      tpu.wait_dma2 semaphore(%run_scoped3A : memref<!tpu.dma_semaphore, #tpu.memory_space<semaphore_mem>>) src(%dma_wait3A_52 : memref<80x128xf32, #tpu.memory_space<vmem_shared>>) dst(%arg8 : memref<80x128xf32, #tpu.memory_space<vmem>>)
      tpu.yield
    }) : () -> ()
    "tpu.region"() ({
      %run_scoped3A = tpu.sem_alloc : memref<!tpu.dma_semaphore, #tpu.memory_space<semaphore_mem>>
      %dma_start3A = arith.constant 0 : i32
      %dma_start3A_47 = tpu.memref_slice %arg5[%arg0, %add3A_46, %dma_start3A] : memref<2x10240x128xf32, #tpu.memory_space<hbm>> -> memref<1x80x128xf32, #tpu.memory_space<hbm>>
      %dma_start3A_48 = tpu.memref_squeeze %dma_start3A_47 : memref<1x80x128xf32, #tpu.memory_space<hbm>> -> memref<80x128xf32, #tpu.memory_space<hbm>>
      %dma_start3A_49 = arith.constant 0 : i32
      %dma_start3A_50 = tpu.memref_slice %arg5[%arg0, %add3A_46, %dma_start3A_49] : memref<2x10240x128xf32, #tpu.memory_space<hbm>> -> memref<1x80x128xf32, #tpu.memory_space<hbm>>
      %dma_start3A_51 = tpu.memref_squeeze %dma_start3A_50 : memref<1x80x128xf32, #tpu.memory_space<hbm>> -> memref<80x128xf32, #tpu.memory_space<hbm>>
      tpu.enqueue_dma source(%arg8 : memref<80x128xf32, #tpu.memory_space<vmem>>) target(%dma_start3A_51 : memref<80x128xf32, #tpu.memory_space<hbm>>) target_semaphore(%run_scoped3A : memref<!tpu.dma_semaphore, #tpu.memory_space<semaphore_mem>>)
      %dma_wait3A = arith.constant 0 : i32
      %dma_wait3A_52 = tpu.memref_slice %arg5[%arg0, %add3A_46, %dma_wait3A] : memref<2x10240x128xf32, #tpu.memory_space<hbm>> -> memref<1x80x128xf32, #tpu.memory_space<hbm>>
      %dma_wait3A_53 = tpu.memref_squeeze %dma_wait3A_52 : memref<1x80x128xf32, #tpu.memory_space<hbm>> -> memref<80x128xf32, #tpu.memory_space<hbm>>
      %dma_wait3A_54 = arith.constant 0 : i32
      %dma_wait3A_55 = tpu.memref_slice %arg5[%arg0, %add3A_46, %dma_wait3A_54] : memref<2x10240x128xf32, #tpu.memory_space<hbm>> -> memref<1x80x128xf32, #tpu.memory_space<hbm>>
      %dma_wait3A_56 = tpu.memref_squeeze %dma_wait3A_55 : memref<1x80x128xf32, #tpu.memory_space<hbm>> -> memref<80x128xf32, #tpu.memory_space<hbm>>
      tpu.wait_dma2 semaphore(%run_scoped3A : memref<!tpu.dma_semaphore, #tpu.memory_space<semaphore_mem>>) src(%arg8 : memref<80x128xf32, #tpu.memory_space<vmem>>) dst(%dma_wait3A_56 : memref<80x128xf32, #tpu.memory_space<hbm>>)
      tpu.yield
    }) : () -> ()
    return
  }
}

#map = affine_map<(d0, d1) -> (0, 0)>
module attributes {stable_mosaic.version = 14 : i64} {
  func.func @_gather_body(%arg0: i32, %arg1: i32, %arg2: memref<10240x128xf32, #tpu.memory_space<hbm>>, %arg3: memref<32x128xi32, #tpu.memory_space<hbm>>, %arg4: memref<4096x128xf32, #tpu.memory_space<hbm>>, %arg5: memref<128xi32, #tpu.memory_space<vmem>>, %arg6: memref<128x128xf32, #tpu.memory_space<vmem>>, %arg7: memref<!tpu.dma_semaphore, #tpu.memory_space<semaphore_mem>>) attributes {dimension_semantics = [#tpu.dimension_semantics<core_parallel>, #tpu.dimension_semantics<subcore_parallel>], iteration_bounds = array<i64: 2, 16>, scalar_prefetch = 0 : i64, scratch_operands = 3 : i64, tpu.core_type = #tpu.core_type<sc_vector_subcore>, window_params = [{transform_indices = #map}, {transform_indices = #map}, {transform_indices = #map}]} {
    %mul3A = arith.constant 16 : i32
    %mul3A_0 = arith.muli %arg0, %mul3A : i32
    %add3A = arith.addi %mul3A_0, %arg1 : i32
    "tpu.region"() ({
      %run_scoped3A = tpu.sem_alloc : memref<!tpu.dma_semaphore, #tpu.memory_space<semaphore_mem>>
      %dma_start3A_7 = arith.constant 0 : i32
      %dma_start3A_8 = tpu.memref_slice %arg3[%add3A, %dma_start3A_7] : memref<32x128xi32, #tpu.memory_space<hbm>> -> memref<1x128xi32, #tpu.memory_space<hbm>>
      %dma_start3A_9 = tpu.memref_squeeze %dma_start3A_8 : memref<1x128xi32, #tpu.memory_space<hbm>> -> memref<128xi32, #tpu.memory_space<hbm>>
      %dma_start3A_10 = arith.constant 0 : i32
      %dma_start3A_11 = tpu.memref_slice %arg3[%add3A, %dma_start3A_10] : memref<32x128xi32, #tpu.memory_space<hbm>> -> memref<1x128xi32, #tpu.memory_space<hbm>>
      %dma_start3A_12 = tpu.memref_squeeze %dma_start3A_11 : memref<1x128xi32, #tpu.memory_space<hbm>> -> memref<128xi32, #tpu.memory_space<hbm>>
      tpu.enqueue_dma source(%dma_start3A_12 : memref<128xi32, #tpu.memory_space<hbm>>) target(%arg5 : memref<128xi32, #tpu.memory_space<vmem>>) target_semaphore(%run_scoped3A : memref<!tpu.dma_semaphore, #tpu.memory_space<semaphore_mem>>)
      %dma_wait3A_13 = arith.constant 0 : i32
      %dma_wait3A_14 = tpu.memref_slice %arg3[%add3A, %dma_wait3A_13] : memref<32x128xi32, #tpu.memory_space<hbm>> -> memref<1x128xi32, #tpu.memory_space<hbm>>
      %dma_wait3A_15 = tpu.memref_squeeze %dma_wait3A_14 : memref<1x128xi32, #tpu.memory_space<hbm>> -> memref<128xi32, #tpu.memory_space<hbm>>
      %dma_wait3A_16 = arith.constant 0 : i32
      %dma_wait3A_17 = tpu.memref_slice %arg3[%add3A, %dma_wait3A_16] : memref<32x128xi32, #tpu.memory_space<hbm>> -> memref<1x128xi32, #tpu.memory_space<hbm>>
      %dma_wait3A_18 = tpu.memref_squeeze %dma_wait3A_17 : memref<1x128xi32, #tpu.memory_space<hbm>> -> memref<128xi32, #tpu.memory_space<hbm>>
      tpu.wait_dma2 semaphore(%run_scoped3A : memref<!tpu.dma_semaphore, #tpu.memory_space<semaphore_mem>>) src(%dma_wait3A_18 : memref<128xi32, #tpu.memory_space<hbm>>) dst(%arg5 : memref<128xi32, #tpu.memory_space<vmem>>)
      tpu.yield
    }) : () -> ()
    %dma_start3A = arith.constant 0 : i32
    %dma_start3A_1 = arith.constant 0 : i32
    %dma_start3A_2 = tpu.memref_slice %arg2[%dma_start3A, %dma_start3A_1] : memref<10240x128xf32, #tpu.memory_space<hbm>> -> memref<10240x128xf32, #tpu.memory_space<hbm>>
    tpu.enqueue_indirect_dma source(%dma_start3A_2 : memref<10240x128xf32, #tpu.memory_space<hbm>>) target(%arg6 : memref<128x128xf32, #tpu.memory_space<vmem>>) offsets(%arg5 : memref<128xi32, #tpu.memory_space<vmem>>) semaphore(%arg7 : memref<!tpu.dma_semaphore, #tpu.memory_space<semaphore_mem>>)
    %dma_wait3A = arith.constant 0 : i32
    %dma_wait3A_3 = arith.constant 0 : i32
    %dma_wait3A_4 = tpu.memref_slice %arg2[%dma_wait3A, %dma_wait3A_3] : memref<10240x128xf32, #tpu.memory_space<hbm>> -> memref<10240x128xf32, #tpu.memory_space<hbm>>
    tpu.wait_indirect_dma semaphore(%arg7 : memref<!tpu.dma_semaphore, #tpu.memory_space<semaphore_mem>>) src(%dma_wait3A_4 : memref<10240x128xf32, #tpu.memory_space<hbm>>) dst(%arg6 : memref<128x128xf32, #tpu.memory_space<vmem>>)
    %mul3A_5 = arith.constant 128 : i32
    %mul3A_6 = arith.muli %add3A, %mul3A_5 : i32
    "tpu.region"() ({
      %run_scoped3A = tpu.sem_alloc : memref<!tpu.dma_semaphore, #tpu.memory_space<semaphore_mem>>
      %dma_start3A_7 = arith.constant 0 : i32
      %dma_start3A_8 = tpu.memref_slice %arg4[%mul3A_6, %dma_start3A_7] : memref<4096x128xf32, #tpu.memory_space<hbm>> -> memref<128x128xf32, #tpu.memory_space<hbm>>
      %dma_start3A_9 = arith.constant 0 : i32
      %dma_start3A_10 = tpu.memref_slice %arg4[%mul3A_6, %dma_start3A_9] : memref<4096x128xf32, #tpu.memory_space<hbm>> -> memref<128x128xf32, #tpu.memory_space<hbm>>
      tpu.enqueue_dma source(%arg6 : memref<128x128xf32, #tpu.memory_space<vmem>>) target(%dma_start3A_10 : memref<128x128xf32, #tpu.memory_space<hbm>>) target_semaphore(%run_scoped3A : memref<!tpu.dma_semaphore, #tpu.memory_space<semaphore_mem>>)
      %dma_wait3A_11 = arith.constant 0 : i32
      %dma_wait3A_12 = tpu.memref_slice %arg4[%mul3A_6, %dma_wait3A_11] : memref<4096x128xf32, #tpu.memory_space<hbm>> -> memref<128x128xf32, #tpu.memory_space<hbm>>
      %dma_wait3A_13 = arith.constant 0 : i32
      %dma_wait3A_14 = tpu.memref_slice %arg4[%mul3A_6, %dma_wait3A_13] : memref<4096x128xf32, #tpu.memory_space<hbm>> -> memref<128x128xf32, #tpu.memory_space<hbm>>
      tpu.wait_dma2 semaphore(%run_scoped3A : memref<!tpu.dma_semaphore, #tpu.memory_space<semaphore_mem>>) src(%arg6 : memref<128x128xf32, #tpu.memory_space<vmem>>) dst(%dma_wait3A_14 : memref<128x128xf32, #tpu.memory_space<hbm>>)
      tpu.yield
    }) : () -> ()
    return
  }
}

module attributes {stable_mosaic.version = 14 : i64} {
  func.func @_head_body(%arg0: i32, %arg1: memref<1024x128xf32, #tpu.memory_space<vmem>>, %arg2: memref<128x256xf32, #tpu.memory_space<vmem>>, %arg3: memref<1x256xf32, #tpu.memory_space<vmem>>, %arg4: memref<256x128xf32, #tpu.memory_space<vmem>>, %arg5: memref<1x128xf32, #tpu.memory_space<vmem>>, %arg6: memref<1024x128xf32, #tpu.memory_space<vmem>>) attributes {dimension_semantics = [#tpu.dimension_semantics<arbitrary>], iteration_bounds = array<i64: 4>, scalar_prefetch = 0 : i64, scratch_operands = 0 : i64, tpu.core_type = #tpu.core_type<tc>, window_params = [{transform_indices = @transform_0, window_bounds = array<i64: 1024, 128>}, {pipeline_mode = #tpu.pipeline_mode<synchronous>, transform_indices = @transform_1, window_bounds = array<i64: 128, 256>}, {pipeline_mode = #tpu.pipeline_mode<synchronous>, transform_indices = @transform_2, window_bounds = array<i64: 1, 256>}, {pipeline_mode = #tpu.pipeline_mode<synchronous>, transform_indices = @transform_3, window_bounds = array<i64: 256, 128>}, {pipeline_mode = #tpu.pipeline_mode<synchronous>, transform_indices = @transform_4, window_bounds = array<i64: 1, 128>}, {transform_indices = @transform_5, window_bounds = array<i64: 1024, 128>}]} {
    %get3A = arith.constant 0 : index
    %get3A_0 = arith.constant 0 : index
    %get3A_1 = vector.load %arg1[%get3A, %get3A_0] : memref<1024x128xf32, #tpu.memory_space<vmem>>, vector<1024x128xf32>
    %get3A_2 = arith.constant 0 : index
    %get3A_3 = arith.constant 0 : index
    %get3A_4 = vector.load %arg2[%get3A_2, %get3A_3] : memref<128x256xf32, #tpu.memory_space<vmem>>, vector<128x256xf32>
    %dot_general3A = arith.constant dense<0.000000e+00> : vector<1024x256xf32>
    %dot_general3A_5 = tpu.matmul %get3A_1, %get3A_4, %dot_general3A {dimension_numbers = #tpu.dot_dimension_numbers<[1], [0], [0], [1], [0, 0, 1, 1], [], []>, transpose_lhs_hint = false} : vector<1024x128xf32>, vector<128x256xf32>, vector<1024x256xf32> -> vector<1024x256xf32>
    %get3A_6 = arith.constant 0 : index
    %get3A_7 = arith.constant 0 : index
    %get3A_8 = vector.load %arg3[%get3A_6, %get3A_7] : memref<1x256xf32, #tpu.memory_space<vmem>>, vector<1x256xf32>
    %add3A = vector.broadcast %get3A_8 : vector<1x256xf32> to vector<1024x256xf32>
    %add3A_9 = arith.addf %dot_general3A_5, %add3A : vector<1024x256xf32>
    %gt3A = arith.constant 0.000000e+00 : f32
    %gt3A_10 = vector.broadcast %gt3A : f32 to vector<1024x256xf32>
    %gt3A_11 = arith.cmpf ogt, %add3A_9, %gt3A_10 : vector<1024x256xf32>
    %exp3A = math.exp %add3A_9 : vector<1024x256xf32>
    %sub3A = arith.constant 1.000000e+00 : f32
    %sub3A_12 = vector.broadcast %sub3A : f32 to vector<1024x256xf32>
    %sub3A_13 = arith.subf %exp3A, %sub3A_12 : vector<1024x256xf32>
    %select_n3A = arith.select %gt3A_11, %add3A_9, %sub3A_13 : vector<1024x256xi1>, vector<1024x256xf32>
    %get3A_14 = arith.constant 0 : index
    %get3A_15 = arith.constant 0 : index
    %get3A_16 = vector.load %arg4[%get3A_14, %get3A_15] : memref<256x128xf32, #tpu.memory_space<vmem>>, vector<256x128xf32>
    %dot_general3A_17 = arith.constant dense<0.000000e+00> : vector<1024x128xf32>
    %dot_general3A_18 = tpu.matmul %select_n3A, %get3A_16, %dot_general3A_17 {dimension_numbers = #tpu.dot_dimension_numbers<[1], [0], [0], [1], [0, 0, 1, 1], [], []>, transpose_lhs_hint = false} : vector<1024x256xf32>, vector<256x128xf32>, vector<1024x128xf32> -> vector<1024x128xf32>
    %get3A_19 = arith.constant 0 : index
    %get3A_20 = arith.constant 0 : index
    %get3A_21 = vector.load %arg5[%get3A_19, %get3A_20] : memref<1x128xf32, #tpu.memory_space<vmem>>, vector<1x128xf32>
    %add3A_22 = vector.broadcast %get3A_21 : vector<1x128xf32> to vector<1024x128xf32>
    %add3A_23 = arith.addf %dot_general3A_18, %add3A_22 : vector<1024x128xf32>
    %swap3A = arith.constant 0 : index
    %swap3A_24 = arith.constant 0 : index
    %swap3A_25 = vector.load %arg6[%swap3A, %swap3A_24] : memref<1024x128xf32, #tpu.memory_space<vmem>>, vector<1024x128xf32>
    tpu.vector_store %arg6[%swap3A, %swap3A_24], %add3A_23 {strides = array<i32>} : memref<1024x128xf32, #tpu.memory_space<vmem>>, vector<1024x128xf32>,
    return
  }
  func.func @transform_0(%arg0: i32) -> (i32, i32) {
    %c0_i32 = arith.constant 0 : i32
    %c0_i32_0 = arith.constant 0 : i32
    return %arg0, %c0_i32 : i32, i32
  }
  func.func @transform_1(%arg0: i32) -> (i32, i32) {
    %c0_i32 = arith.constant 0 : i32
    %c0_i32_0 = arith.constant 0 : i32
    %c0_i32_1 = arith.constant 0 : i32
    return %c0_i32, %c0_i32_0 : i32, i32
  }
  func.func @transform_2(%arg0: i32) -> (i32, i32) {
    %c0_i32 = arith.constant 0 : i32
    %c0_i32_0 = arith.constant 0 : i32
    %c0_i32_1 = arith.constant 0 : i32
    return %c0_i32, %c0_i32_0 : i32, i32
  }
  func.func @transform_3(%arg0: i32) -> (i32, i32) {
    %c0_i32 = arith.constant 0 : i32
    %c0_i32_0 = arith.constant 0 : i32
    %c0_i32_1 = arith.constant 0 : i32
    return %c0_i32, %c0_i32_0 : i32, i32
  }
  func.func @transform_4(%arg0: i32) -> (i32, i32) {
    %c0_i32 = arith.constant 0 : i32
    %c0_i32_0 = arith.constant 0 : i32
    %c0_i32_1 = arith.constant 0 : i32
    return %c0_i32, %c0_i32_0 : i32, i32
  }
  func.func @transform_5(%arg0: i32) -> (i32, i32) {
    %c0_i32 = arith.constant 0 : i32
    %c0_i32_0 = arith.constant 0 : i32
    return %arg0, %c0_i32 : i32, i32
  }
}

module attributes {stable_mosaic.version = 14 : i64} {
  func.func @_block_body(%arg0: i32, %arg1: memref<2x1024x128xf32, #tpu.memory_space<vmem>>, %arg2: memref<2x1024x128xf32, #tpu.memory_space<vmem>>, %arg3: memref<1024x128xf32, #tpu.memory_space<vmem>>, %arg4: memref<128x128xf32, #tpu.memory_space<vmem>>, %arg5: memref<1x128xf32, #tpu.memory_space<vmem>>, %arg6: memref<128x128xf32, #tpu.memory_space<vmem>>, %arg7: memref<1x128xf32, #tpu.memory_space<vmem>>, %arg8: memref<1024x128xf32, #tpu.memory_space<vmem>>) attributes {dimension_semantics = [#tpu.dimension_semantics<arbitrary>], iteration_bounds = array<i64: 10>, scalar_prefetch = 0 : i64, scratch_operands = 0 : i64, tpu.core_type = #tpu.core_type<tc>, window_params = [{transform_indices = @transform_0, window_bounds = array<i64: 2, 1024, 128>}, {transform_indices = @transform_1, window_bounds = array<i64: 2, 1024, 128>}, {transform_indices = @transform_2, window_bounds = array<i64: 1024, 128>}, {pipeline_mode = #tpu.pipeline_mode<synchronous>, transform_indices = @transform_3, window_bounds = array<i64: 128, 128>}, {pipeline_mode = #tpu.pipeline_mode<synchronous>, transform_indices = @transform_4, window_bounds = array<i64: 1, 128>}, {pipeline_mode = #tpu.pipeline_mode<synchronous>, transform_indices = @transform_5, window_bounds = array<i64: 128, 128>}, {pipeline_mode = #tpu.pipeline_mode<synchronous>, transform_indices = @transform_6, window_bounds = array<i64: 1, 128>}, {transform_indices = @transform_7, window_bounds = array<i64: 1024, 128>}]} {
    %get3A = arith.constant 0 : index
    %get3A_0 = arith.constant 0 : index
    %get3A_1 = vector.load %arg3[%get3A, %get3A_0] : memref<1024x128xf32, #tpu.memory_space<vmem>>, vector<1024x128xf32>
    %get3A_2 = arith.constant 0 : index
    %get3A_3 = arith.constant 0 : index
    %get3A_4 = arith.constant 0 : index
    %get3A_5 = vector.load %arg1[%get3A_2, %get3A_3, %get3A_4] : memref<2x1024x128xf32, #tpu.memory_space<vmem>>, vector<1x1024x128xf32>
    %get3A_6 = vector.shape_cast %get3A_5 : vector<1x1024x128xf32> to vector<1024x128xf32>
    %get3A_7 = arith.constant 1 : index
    %get3A_8 = arith.constant 0 : index
    %get3A_9 = arith.constant 0 : index
    %get3A_10 = vector.load %arg1[%get3A_7, %get3A_8, %get3A_9] : memref<2x1024x128xf32, #tpu.memory_space<vmem>>, vector<1x1024x128xf32>
    %get3A_11 = vector.shape_cast %get3A_10 : vector<1x1024x128xf32> to vector<1024x128xf32>
    %add3A = arith.addf %get3A_6, %get3A_11 : vector<1024x128xf32>
    %get3A_12 = arith.constant 0 : index
    %get3A_13 = arith.constant 0 : index
    %get3A_14 = arith.constant 0 : index
    %get3A_15 = vector.load %arg2[%get3A_12, %get3A_13, %get3A_14] : memref<2x1024x128xf32, #tpu.memory_space<vmem>>, vector<1x1024x1xf32>
    %get3A_16 = vector.shape_cast %get3A_15 : vector<1x1024x1xf32> to vector<1024x1xf32>
    %add3A_17 = arith.constant 1.000000e+00 : f32
    %add3A_18 = vector.broadcast %add3A_17 : f32 to vector<1024x1xf32>
    %add3A_19 = arith.addf %add3A_18, %get3A_16 : vector<1024x1xf32>
    %get3A_20 = arith.constant 1 : index
    %get3A_21 = arith.constant 0 : index
    %get3A_22 = arith.constant 0 : index
    %get3A_23 = vector.load %arg2[%get3A_20, %get3A_21, %get3A_22] : memref<2x1024x128xf32, #tpu.memory_space<vmem>>, vector<1x1024x1xf32>
    %get3A_24 = vector.shape_cast %get3A_23 : vector<1x1024x1xf32> to vector<1024x1xf32>
    %add3A_25 = arith.addf %add3A_19, %get3A_24 : vector<1024x1xf32>
    %add3A_26 = arith.addf %add3A, %get3A_1 : vector<1024x128xf32>
    %div3A = vector.broadcast %add3A_25 : vector<1024x1xf32> to vector<1024x128xf32>
    %div3A_27 = arith.divf %add3A_26, %div3A : vector<1024x128xf32>
    %get3A_28 = arith.constant 0 : index
    %get3A_29 = arith.constant 0 : index
    %get3A_30 = vector.load %arg4[%get3A_28, %get3A_29] : memref<128x128xf32, #tpu.memory_space<vmem>>, vector<128x128xf32>
    %dot_general3A = arith.constant dense<0.000000e+00> : vector<1024x128xf32>
    %dot_general3A_31 = tpu.matmul %div3A_27, %get3A_30, %dot_general3A {dimension_numbers = #tpu.dot_dimension_numbers<[1], [0], [0], [1], [0, 0, 1, 1], [], []>, transpose_lhs_hint = false} : vector<1024x128xf32>, vector<128x128xf32>, vector<1024x128xf32> -> vector<1024x128xf32>
    %get3A_32 = arith.constant 0 : index
    %get3A_33 = arith.constant 0 : index
    %get3A_34 = vector.load %arg5[%get3A_32, %get3A_33] : memref<1x128xf32, #tpu.memory_space<vmem>>, vector<1x128xf32>
    %add3A_35 = vector.broadcast %get3A_34 : vector<1x128xf32> to vector<1024x128xf32>
    %add3A_36 = arith.addf %dot_general3A_31, %add3A_35 : vector<1024x128xf32>
    %gt3A = arith.constant 0.000000e+00 : f32
    %gt3A_37 = vector.broadcast %gt3A : f32 to vector<1024x128xf32>
    %gt3A_38 = arith.cmpf ogt, %add3A_36, %gt3A_37 : vector<1024x128xf32>
    %exp3A = math.exp %add3A_36 : vector<1024x128xf32>
    %sub3A = arith.constant 1.000000e+00 : f32
    %sub3A_39 = vector.broadcast %sub3A : f32 to vector<1024x128xf32>
    %sub3A_40 = arith.subf %exp3A, %sub3A_39 : vector<1024x128xf32>
    %select_n3A = arith.select %gt3A_38, %add3A_36, %sub3A_40 : vector<1024x128xi1>, vector<1024x128xf32>
    %get3A_41 = arith.constant 0 : index
    %get3A_42 = arith.constant 0 : index
    %get3A_43 = vector.load %arg6[%get3A_41, %get3A_42] : memref<128x128xf32, #tpu.memory_space<vmem>>, vector<128x128xf32>
    %dot_general3A_44 = arith.constant dense<0.000000e+00> : vector<1024x128xf32>
    %dot_general3A_45 = tpu.matmul %select_n3A, %get3A_43, %dot_general3A_44 {dimension_numbers = #tpu.dot_dimension_numbers<[1], [0], [0], [1], [0, 0, 1, 1], [], []>, transpose_lhs_hint = false} : vector<1024x128xf32>, vector<128x128xf32>, vector<1024x128xf32> -> vector<1024x128xf32>
    %get3A_46 = arith.constant 0 : index
    %get3A_47 = arith.constant 0 : index
    %get3A_48 = vector.load %arg7[%get3A_46, %get3A_47] : memref<1x128xf32, #tpu.memory_space<vmem>>, vector<1x128xf32>
    %add3A_49 = vector.broadcast %get3A_48 : vector<1x128xf32> to vector<1024x128xf32>
    %add3A_50 = arith.addf %dot_general3A_45, %add3A_49 : vector<1024x128xf32>
    %add3A_51 = arith.addf %add3A_50, %get3A_1 : vector<1024x128xf32>
    %mul3A = arith.mulf %add3A_51, %add3A_51 : vector<1024x128xf32>
    %reduce_sum3A = arith.constant dense<0.000000e+00> : vector<1024xf32>
    %reduce_sum3A_52 = vector.multi_reduction <add>, %mul3A, %reduce_sum3A [1] : vector<1024x128xf32> to vector<1024xf32>
    %broadcast_in_dim3A = vector.shape_cast %reduce_sum3A_52 : vector<1024xf32> to vector<1024x1xf32>
    %sqrt3A = math.sqrt %broadcast_in_dim3A : vector<1024x1xf32>
    %add3A_53 = arith.constant 9.99999996E-13 : f32
    %add3A_54 = vector.broadcast %add3A_53 : f32 to vector<1024x1xf32>
    %add3A_55 = arith.addf %sqrt3A, %add3A_54 : vector<1024x1xf32>
    %div3A_56 = vector.broadcast %add3A_55 : vector<1024x1xf32> to vector<1024x128xf32>
    %div3A_57 = arith.divf %add3A_51, %div3A_56 : vector<1024x128xf32>
    %swap3A = arith.constant 0 : index
    %swap3A_58 = arith.constant 0 : index
    %swap3A_59 = vector.load %arg8[%swap3A, %swap3A_58] : memref<1024x128xf32, #tpu.memory_space<vmem>>, vector<1024x128xf32>
    tpu.vector_store %arg8[%swap3A, %swap3A_58], %div3A_57 {strides = array<i32>} : memref<1024x128xf32, #tpu.memory_space<vmem>>, vector<1024x128xf32>,
    return
  }
  func.func @transform_0(%arg0: i32) -> (i32, i32, i32) {
    %c0_i32 = arith.constant 0 : i32
    %c0_i32_0 = arith.constant 0 : i32
    %c0_i32_1 = arith.constant 0 : i32
    return %c0_i32, %arg0, %c0_i32_0 : i32, i32, i32
  }
  func.func @transform_1(%arg0: i32) -> (i32, i32, i32) {
    %c0_i32 = arith.constant 0 : i32
    %c0_i32_0 = arith.constant 0 : i32
    %c0_i32_1 = arith.constant 0 : i32
    return %c0_i32, %arg0, %c0_i32_0 : i32, i32, i32
  }
  func.func @transform_2(%arg0: i32) -> (i32, i32) {
    %c0_i32 = arith.constant 0 : i32
    %c0_i32_0 = arith.constant 0 : i32
    return %arg0, %c0_i32 : i32, i32
  }
  func.func @transform_3(%arg0: i32) -> (i32, i32) {
    %c0_i32 = arith.constant 0 : i32
    %c0_i32_0 = arith.constant 0 : i32
    %c0_i32_1 = arith.constant 0 : i32
    return %c0_i32, %c0_i32_0 : i32, i32
  }
  func.func @transform_4(%arg0: i32) -> (i32, i32) {
    %c0_i32 = arith.constant 0 : i32
    %c0_i32_0 = arith.constant 0 : i32
    %c0_i32_1 = arith.constant 0 : i32
    return %c0_i32, %c0_i32_0 : i32, i32
  }
  func.func @transform_5(%arg0: i32) -> (i32, i32) {
    %c0_i32 = arith.constant 0 : i32
    %c0_i32_0 = arith.constant 0 : i32
    %c0_i32_1 = arith.constant 0 : i32
    return %c0_i32, %c0_i32_0 : i32, i32
  }
  func.func @transform_6(%arg0: i32) -> (i32, i32) {
    %c0_i32 = arith.constant 0 : i32
    %c0_i32_0 = arith.constant 0 : i32
    %c0_i32_1 = arith.constant 0 : i32
    return %c0_i32, %c0_i32_0 : i32, i32
  }
  func.func @transform_7(%arg0: i32) -> (i32, i32) {
    %c0_i32 = arith.constant 0 : i32
    %c0_i32_0 = arith.constant 0 : i32
    return %arg0, %c0_i32 : i32, i32
  }
}

</mosaic_0001>

<sc_bundles>
// kernel: kernel.11.cloned.1.call-start
scs
__scs_entry_jumppad:
0x0: {  	(pc) =	sbr.rel $0x88, $3  }
0x1: {  	(tag) =	ssettag $0x0;
	lr =	simm.s32 $0x1  }
0x2: {  	[smem:$0x3F96] =	sst lr;
	_ =	strace $0xD0000000  }
0x3: {  	_ = 	snop  }
0x4: {  	_ = 	snop  }
0x5: {  	_ = 	snop  }
0x6: {  	_ = 	snop  }
0x7: {  	_ = 	snop  }
__scs_overlays_trampoline_lowered:
0x8: {  	[smem:$0x3FA5] =	sst s0  }
0x9: {  	[smem:$0x3FA6] =	sst s1  }
0xa: {  	[smem:$0x3FA7] =	sst s2  }
0xb: {  	[smem:$0x3FA8] =	sst s3  }
0xc: {  	[smem:$0x3FA9] =	sst s4  }
0xd: {  	[smem:$0x3FAA] =	sst s5  }
0xe: {  	[smem:$0x3FAB] =	sst s6  }
0xf: {  	[smem:$0x3FAC] =	sst s7  }
0x10: {  	[smem:$0x3FAD] =	sst s8  }
0x11: {  	[smem:$0x3FAE] =	sst s9;
	s0 =	simm.s32 @!p0 $0x0  }
0x12: {  	s1 =	sld [smem:$0x3F94];
	s0 =	simm.s32 @p0 $0x1  }
0x13: {  	[smem:$0x3FAF] =	sst s0;
	s0 =	simm.s32 @!p1 $0x0  }
0x14: {  	s2 =	sld [smem:$0x3F93];
	s0 =	simm.s32 @p1 $0x1  }
0x15: {  	[smem:$0x3FB0] =	sst s0;
	s0 =	simm.s32 @!p2 $0x0  }
0x16: {  	s3 =	sld [smem:$0x3FDB];
	s0 =	simm.s32 @p2 $0x1  }
0x17: {  	s4 =	simm.s32 $0x1BF5;
	[smem:$0x3FB2] =	sst s0  }
0x18: {  	s0 =	sld [smem:$0x3F95];
	_ =	swait.ge [sflag:s4], $0x0  }
0x19: {  	s7 =	sld [smem:$0x3F96]  }
0x1a: {  	s8 =	sadd.s32 $0xFFFFE003, lr  }
0x1b: {  	s9 =	sadd.s32 $0xFFFFFEF7, lr;
	s5 =	simm.s32 $0xFFFFFFFF;
	p2 =	slt.u32 s8, $0xFFFFF086  }
0x1c: {  	p1 =	slt.u32 s9, $0xF7A;
	s5 =	simm.s32 @!p2 $0x0  }
0x1d: {  	s5 =	simm.s32 @p1 $0x1;
	p0 =	seq.s32 s7, s2  }
0x1e: {  	s7 =	smul.u32 @!p0 $0xF7A, s2;
	p2 =	seq.s32 @!p0 s5, $0x0  }
0x1f: {  	s9 =	smul.u32 $0xF7A, s1;
	s8 =	simm.s32 @!p0 $0x1BF5;
	p2 =	por !p2, p0  }
0x20: {  	[sflag:s8] =	ssyncset.s32 @!p0 $0xFFFFF086;
	s6 =	sadd.s32 @!p0 s3, s7;
	s7 =	simm.s32 @!p0 $0x108  }
0x21: {  	s3 =	sadd.s32 s3, s9;
	s6 =	sadd.s32 @!p0 $0x88, s6;
	s7 =	simm.s32 @p2 $0x1082  }
0x22: {  	[simem:s7], [sflag:s8] =	dma.local @!p0 [hbm:s6], $0xF7A  }
0x23: {  	s9 =	sor.u32 $0xD0000000, s2;
	s6 =	simm.s32 $0x108;
	_ =	swait.ge @!p0 [sflag:s8], $0x0  }
0x24: {  	s3 =	sadd.s32 $0x88, s3;
	s6 =	simm.s32 @!p1 $0x1082;
	[sflag:s4] =	ssyncset.s32 $0xFFFFF086  }
0x25: {  	[simem:s6], [sflag:s4] =	dma.local [hbm:s3], $0xF7A  }
0x26: {  	[smem:$0x3F96] =	sst s1;
	(tag) =	ssettag s2;
	_ =	strace s9  }
0x27: {  	s1 =	sld [smem:$0x3FA6]  }
0x28: {  	s2 =	sld [smem:$0x3FA7]  }
0x29: {  	s4 =	sld [smem:$0x3FA9]  }
0x2a: {  	p0 =	seq.s32 s5, $0x0;
	s5 =	sld [smem:$0x3FAA]  }
0x2b: {  	s6 =	sld [smem:$0x3FAB]  }
0x2c: {  	s7 =	sld [smem:$0x3FAC]  }
0x2d: {  	s3 =	simm.s32 $0x108;
	s8 =	sld [smem:$0x3FAD]  }
0x2e: {  	s3 =	simm.s32 @!p0 $0x1082;
	s9 =	sld [smem:$0x3FAE]  }
0x2f: {  	lr =	sadd.s32 s0, s3;
	s0 =	sld [smem:$0x3FA5]  }
0x30: {  	s3 =	sld [smem:$0x3FA8]  }
0x31: {  	[smem:$0x3FB1] =	sst s10  }
0x32: {  	s10 =	sld [smem:$0x3FAF];
	_ =	sdelay $0x3  }
0x33: {  	p0 =	seq.s32 s10, $0x1;
	s10 =	sld [smem:$0x3FB1];
	_ =	sdelay $0x3  }
0x34: {  	[smem:$0x3FB1] =	sst s10  }
0x35: {  	s10 =	sld [smem:$0x3FB0];
	_ =	sdelay $0x3  }
0x36: {  	p1 =	seq.s32 s10, $0x1;
	s10 =	sld [smem:$0x3FB1];
	_ =	sdelay $0x3  }
0x37: {  	[smem:$0x3FB1] =	sst s10  }
0x38: {  	s10 =	sld [smem:$0x3FB2]  }
0x39: {  	_ = 	snop;
	(pc) =	sbr.ind lr, $3  }
0x3a: {  	_ = 	snop  }
0x3b: {  	_ = 	snop  }
0x3c: {  	p2 =	seq.s32 s10, $0x1;
	s10 =	sld [smem:$0x3FB1]  }
0x3d: {  	_ =	shalt  }
0x3e: {  	_ =	shalt  }
0x3f: {  	_ =	shalt  }
0x40: {  	_ =	shalt  }
0x41: {  	_ =	shalt  }
0x42: {  	_ =	shalt  }
0x43: {  	_ =	shalt  }
0x44: {  	_ =	shalt  }
0x45: {  	_ =	shalt  }
0x46: {  	_ =	shalt  }
0x47: {  	_ =	shalt  }
0x48: {  	_ =	shalt  }
0x49: {  	_ =	shalt  }
0x4a: {  	_ =	shalt  }
0x4b: {  	_ =	shalt  }
0x4c: {  	_ =	shalt  }
0x4d: {  	_ =	shalt  }
0x4e: {  	_ =	shalt  }
0x4f: {  	_ =	shalt  }
0x50: {  	_ =	shalt  }
0x51: {  	_ =	shalt  }
0x52: {  	_ =	shalt  }
0x53: {  	_ =	shalt  }
0x54: {  	_ =	shalt  }
0x55: {  	_ =	shalt  }
0x56: {  	_ =	shalt  }
0x57: {  	_ =	shalt  }
0x58: {  	_ =	shalt  }
0x59: {  	_ =	shalt  }
0x5a: {  	_ =	shalt  }
0x5b: {  	_ =	shalt  }
0x5c: {  	_ =	shalt  }
0x5d: {  	_ =	shalt  }
0x5e: {  	_ =	shalt  }
0x5f: {  	_ =	shalt  }
0x60: {  	_ =	shalt  }
0x61: {  	_ =	shalt  }
0x62: {  	_ =	shalt  }
0x63: {  	_ =	shalt  }
0x64: {  	_ =	shalt  }
0x65: {  	_ =	shalt  }
0x66: {  	_ =	shalt  }
0x67: {  	_ =	shalt  }
0x68: {  	_ =	shalt  }
0x69: {  	_ =	shalt  }
0x6a: {  	_ =	shalt  }
0x6b: {  	_ =	shalt  }
0x6c: {  	_ =	shalt  }
0x6d: {  	_ =	shalt  }
0x6e: {  	_ =	shalt  }
0x6f: {  	_ =	shalt  }
0x70: {  	_ =	shalt  }
0x71: {  	_ =	shalt  }
0x72: {  	_ =	shalt  }
0x73: {  	_ =	shalt  }
0x74: {  	_ =	shalt  }
0x75: {  	_ =	shalt  }
0x76: {  	_ =	shalt  }
0x77: {  	_ =	shalt  }
0x78: {  	_ =	shalt  }
0x79: {  	_ =	shalt  }
0x7a: {  	_ =	shalt  }
0x7b: {  	_ =	shalt  }
0x7c: {  	_ =	shalt  }
0x7d: {  	_ =	shalt  }
0x7e: {  	_ =	shalt  }
0x7f: {  	_ =	shalt  }
0x80: {  	_ =	shalt  }
0x81: {  	_ =	shalt  }
0x82: {  	_ =	shalt  }
0x83: {  	_ =	shalt  }
0x84: {  	_ =	shalt  }
0x85: {  	_ =	shalt  }
0x86: {  	_ =	shalt  }
0x87: {  	_ =	shalt  }
.Lfunc_end0:
.L_simem_size_0:
called_computation_lowered:
.L_overlay_start_0:
0x88: {  	s2 =	sld [smem:$0x3FD9]  }
0x89: {  	s3 =	sld [smem:$0x3FFE];
	_ =	sdelay $0x1  }
0x8a: {  	s1 =	srdreg.scid  }
0x8b: {  	s0 =	sand.u32 $0x1, s1  }
0x8c: {  	s17 =	sshll.u32 s0, $0xA;
	s2 =	sadd.s32 s3, s2  }
0x8d: {  	s2 =	sadd.s32 s2, s17  }
0x8e: {  	[smem:$0x3FBD] =	sst s2  }
0x8f: {  	_ = 	snop  }
0x90: {  	(tm) =	ssettm $0x1  }
0x91: {  	s18 =	sld [smem:$0x3FFB];
	_ =	sdelay $0x3  }
0x92: {  	_ =	strace s18  }
0x93: {  	s2 =	sld [smem:$0x3FFC];
	_ =	sdelay $0x3  }
0x94: {  	_ =	strace s2  }
0x95: {  	s2 =	sld [smem:$0x3FFD];
	_ =	sdelay $0x3  }
0x96: {  	_ =	strace s2  }
0x97: {  	_ =	strace $0x8FFFFFFF  }
0x98: {  	s19 =	sld [smem:$0x3FDB];
	_ =	sdelay $0x1  }
0x99: {  	s20 =	simm.s32 $_scs_section_size  }
0x9a: {  	s4 =	simm.s32 $_size__tile_overlayer_lowered;
	s5 =	simm.s32 $_tile_overlayer_lowered  }
0x9b: {  	s6 =	simm.s32 $0x1BFF;
	s21 =	sshll.u32 s5, $0x1;
	s3 =	sadd.s32 s20, s19  }
0x9c: {  	s22 =	simm.s32 $0x0;
	s4 =	sshll.u32 s4, $0x1;
	s5 =	sadd.s32 s21, s3  }
0x9d: {  	[timem:s22], [sflag:s6] =	dma.local [hbm:s5], s4  }
0x9e: {  	_ =	swait.ge [sflag:s6], s4  }
0x9f: {  	s4 =	ssub.s32 $0x0, s4;
	[sflag:s6] =	ssyncset.done $0x0  }
0xa0: {  	[sflag:s6] =	ssyncadd.s32 s4;
	_ =	sdelay $0x1  }
0xa1: {  	s23 =	simm.s32 $0x1B8B  }
0xa2: {  	_ =	swait.ge [sflag:s23], $0x1  }
0xa3: {  	[sflag:s23] =	ssyncset.done $0x0  }
0xa4: {  	[sflag:s23] =	ssyncadd.s32 $0xFFFFFFFF  }
0xa5: {  	s4 =	sld [smem:$0x0]  }
0xa6: {  	s5 =	sand.u32 $0xFFFFFFFE, s1  }
0xa7: {  	p0 =	sne.s32 s1, s5  }
0xa8: {  	s5 =	sshll.u32 @p0 s5, $0xE  }
0xa9: {  	s5 =	sadd.s32 @p0 $0x11B8D, s5;
	s6 =	sshll.u32 @p0 s4, $0x11  }
0xaa: {  	s5 =	sor.u32 @p0 s6, s5  }
0xab: {  	[sflag:s5] =	ssyncadd.remote.s32 @p0 $0x1;
	_ =	sdelay $0x1  }
0xac: {  	s5 =	simm.s32 @p0 $0x1B8D  }
0xad: {  	_ =	swait.eq @p0 [sflag:s5], $0x1  }
0xae: {  	[sflag:s5] =	ssyncadd.s32 @p0 $0xFFFFFFFF  }
0xaf: {  	s6 =	sshll.u32 @!p0 s1, $0xE  }
0xb0: {  	s6 =	sor.u32 @!p0 $0x4000, s6;
	s5 =	simm.s32 @!p0 $0x1B8D  }
0xb1: {  	s4 =	sshll.u32 @!p0 s4, $0x11;
	s6 =	sadd.s32 @!p0 $0x11B8D, s6;
	_ =	swait.eq @!p0 [sflag:s5], $0x1  }
0xb2: {  	s4 =	sor.u32 @!p0 s4, s6;
	[sflag:s5] =	ssyncadd.s32 @!p0 $0xFFFFFFFF  }
0xb3: {  	s25 =	simm.s32 $0x1B8E;
	s24 =	sld [smem:$0x3FFE];
	[sflag:s4] =	ssyncadd.remote.s32 @!p0 $0x1  }
0xb4: {  	s26 =	simm.s32 $execute0_lowered;
	[smem:$0x3FD2] =	sst s25  }
0xb5: {  	s5 =	sshll.u32 s26, $0x1;
	_ =	strace $0x80000049;
	[dreg:$0x1] =	wrdreg $0xFFFFFFFF  }
0xb6: {  	s28 =	simm.s32 $_size_execute0_lowered;
	s3 =	sadd.s32 s3, s5;
	[dreg:$0x0] =	wrdreg $0x0  }
0xb7: {  	s5 =	sshll.u32 s28, $0x1;
	[dreg:$0x2] =	wrdreg s3  }
0xb8: {  	[dreg:$0x3] =	wrdreg s5  }
0xb9: {  	[dreg:$0x4] =	wrdreg $0xC0  }
0xba: {  	_ =	task [dreg:s22], $0x5FFFF  }
0xbb: {  	[dreg:$0x1] =	wrdreg $0xFFFFFFFF  }
0xbc: {  	[dreg:$0x0] =	wrdreg $0x60  }
0xbd: {  	[dreg:$0x2] =	wrdreg s24  }
0xbe: {  	[dreg:$0x3] =	wrdreg $0x44000  }
0xbf: {  	[dreg:$0x4] =	wrdreg $0x9  }
0xc0: {  	_ =	task.clear_ibuf [dreg:s22], $0x5FFFF;
	_ =	strace $0x90000049  }
0xc1: {  	s29 =	simm.s32 $0x9;
	_ =	strace $0x8000004B  }
0xc2: {  	_ =	swait.ge [sflag:s29], $0x1  }
0xc3: {  	[sflag:s29] =	ssyncadd.s32 $0xFFFFFFFF  }
0xc4: {  	_ =	strace $0x9000004B  }
0xc5: {  	_ =	sfence  }
0xc6: {  	s30 =	sld [smem:$0x0];
	_ =	sdelay $0x2  }
0xc7: {  	s31 =	sshll.u32 s1, $0xD;
	s1 =	sshrl.u32 s1, $0x2  }
0xc8: {  	s4 =	sand.u32 $0x4000, s31;
	s1 =	sadd.s32 s1, s30  }
0xc9: {  	s0 =	sor.u32 s4, s0;
	s1 =	sshll.u32 s1, $0x11  }
0xca: {  	s0 =	sor.u32 s1, s0  }
0xcb: {  	s0 =	sadd.s32 $0x8F2B, s0  }
0xcc: {  	[sflag:s0] =	ssyncadd.remote.s32 $0x1  }
0xcd: {  	_ =	sfence.sel $0xFFFF  }
0xce: {  	[dreg:$0x0] =	wrdreg $0xFFFFFFFF;
	(pc) =	sbr.abs _section_cstart, $3  }
0xcf: {  	[dreg:$0x1] =	wrdreg $0xFFFFFFFF  }
0xd0: {  	_ =	task.clear_ibuf [dreg:s22], $0x2FFFF;
	_ =	strace $0x9FFFFFFF  }
0xd1: {  	(tm) =	ssettm $0x7FFFFFFF  }
tec
execute0_lowered:
.L_overlay_start_1:
0x0: {  	(tag) =	ssettag $0x1  }
0x1: {  	s6 =	rddreg [dreg:$0x0]  }
0x2: {  	s2 =	rddreg [dreg:$0x1]  }
0x3: {  	s0 =	srdreg.scid;
	s1 =	rddreg [dreg:$0x2]  }
0x4: {  	s3 =	simm.s32 $0x0;
	s18 =	simm.s32 $0x80;
	s19 =	simm.s32 $0x100  }
0x5: {  	s20 =	simm.s32 $0x180;
	s21 =	simm.s32 $0x200;
	s5 =	sand.u32 $0x1, s0  }
0x6: {  	s22 =	simm.s32 $0x280;
	s0 =	stileid.u32;
	s4 =	smul.u32 $0x28000, s5  }
0x7: {  	s23 =	simm.s32 $0x300;
	s24 =	simm.s32 $0x380;
	s7 =	smul.u32 $0x2800, s0  }
0x8: {  	s25 =	simm.s32 $0x0;
	[smem:$0x7FF] =	sst s3;
	s26 =	smul.u32 $0x50000, s0  }
0x9: {  	s13 =	sadd.s32 $0x96400, s6;
	s28 =	ssub.s32 $0x2, s5;
	s9 =	smul.u32 $0x14000, s0  }
0xa: {  	_ =	strace $0x8000004A;
	s12 =	smul.u32 $0x140000, s5;
	s8 =	sshrl.u32 s28, $0x1  }
0xb: {  	s4 =	sadd.s32 s7, s4;
	s7 =	sshrl.u32 s26, $0x2;
	s14 =	ssub.s32 s28, s8  }
0xc: {  	s29 =	sadd.s32 $0x4000, s9;
	s11 =	sadd.s32 $0x8000, s9;
	s16 =	sadd.s32 $0xC000, s9  }
0xd: {  	s10 =	sadd.s32 s9, s12;
	s17 =	sadd.s32 $0x10000, s9;
	s4 =	sshrl.u32 s4, $0x3  }
0xe: {  	s5 =	sadd.s32 s29, s2;
	s8 =	sadd.s32 s12, s29;
	s30 =	sshrl.u32 s10, $0x3  }
0xf: {  	s14 =	smax.u32 s14, $0x1;
	s15 =	sadd.s32 s4, s6;
	s4 =	sadd.s32 s7, s2  }
0x10: {  	s6 =	sadd.s32 s11, s2;
	s7 =	sadd.s32 s16, s2;
	s31 =	sshrl.u32 s8, $0x3  }
0x11: {  	s8 =	sadd.s32 s17, s2;
	s9 =	sadd.s32 s13, s30;
	s11 =	sadd.s32 s12, s11  }
0x12: {  	s16 =	sadd.s32 s12, s16;
	s12 =	sadd.s32 s12, s17;
	s10 =	sadd.s32 s13, s31  }
0x13: {  	s11 =	sshrl.u32 s11, $0x3;
	s16 =	sshrl.u32 s16, $0x3;
	s17 =	sshrl.u32 s12, $0x3  }
0x14: {  	s15 =	sadd.s32 $0x14400, s15;
	s11 =	sadd.s32 s13, s11;
	s12 =	sadd.s32 s13, s16  }
0x15: {  	v0 =	vimm.f32 $0.0e+00;
	v1 =	vimm.f32 $1.000000000e+00;
	s13 =	sadd.s32 s13, s17;
	s16 =	simm.s32 $0x400;
	s17 =	simm.s32 $0x1  }
.LBB2_1:
0x16: {  	s26 =	simm.s32 $0x0;
	s28 =	simm.s32 $0x200  }
.LBB2_2:
0x17: {  	p0 =	sne.s32 s28, $0xFE00;
	[tilespmem:s26+$0x470] =	vst v0  }
0x18: {  	[tilespmem:s26+$0x400] =	vst v0  }
0x19: {  	[tilespmem:s26+$0x410] =	vst v0  }
.Ltmp0:
0x1a: {  	[tilespmem:s26+$0x420] =	vst v0;
	(pc) =	sbr.rel @p0 .LBB2_2-.Ltmp0, $4  }
0x1b: {  	[tilespmem:s26+$0x430] =	vst v0  }
0x1c: {  	[tilespmem:s26+$0x440] =	vst v0  }
0x1d: {  	[tilespmem:s26+$0x450] =	vst v0  }
0x1e: {  	[tilespmem:s26+$0x460] =	vst v0;
	s26 =	sshra.s32 s28, $0x2;
	s28 =	sadd.s32 $0x200, s28  }
0x1f: {  	[tilespmem:s26+$0x470] =	vst v0  }
0x20: {  	[tilespmem:s26+$0x400] =	vst v0  }
0x21: {  	[tilespmem:s26+$0x410] =	vst v0  }
0x22: {  	[tilespmem:s26+$0x420] =	vst v0  }
0x23: {  	[tilespmem:s26+$0x430] =	vst v0  }
0x24: {  	[tilespmem:s26+$0x440] =	vst v0  }
0x25: {  	[tilespmem:s26+$0x450] =	vst v0  }
0x26: {  	[tilespmem:s26+$0x460] =	vst v0  }
0x27: {  	[spmem:s4] =	stream.linear.scatter [tilespmem:s16], [sflag:$0x1], $0x4000, $0x38;
	[tilespmem:$0x18400] =	vst v63  }
0x28: {  	_ =	swait.ge [sflag:s17], $0x4000  }
0x29: {  	[sflag:s17] =	ssyncset.done $0x0  }
0x2a: {  	[sflag:s17] =	ssyncadd.s32 $0xFFFFC000  }
0x2b: {  	[spmem:s5] =	stream.linear.scatter [tilespmem:s16], [sflag:$0x1], $0x4000, $0x38;
	[tilespmem:$0x18400] =	vst v63  }
0x2c: {  	_ =	swait.ge [sflag:s17], $0x4000  }
0x2d: {  	[sflag:s17] =	ssyncset.done $0x0  }
0x2e: {  	[sflag:s17] =	ssyncadd.s32 $0xFFFFC000  }
0x2f: {  	[spmem:s6] =	stream.linear.scatter [tilespmem:s16], [sflag:$0x1], $0x4000, $0x38;
	[tilespmem:$0x18400] =	vst v63  }
0x30: {  	_ =	swait.ge [sflag:s17], $0x4000  }
0x31: {  	[sflag:s17] =	ssyncset.done $0x0  }
0x32: {  	[sflag:s17] =	ssyncadd.s32 $0xFFFFC000  }
0x33: {  	[spmem:s7] =	stream.linear.scatter [tilespmem:s16], [sflag:$0x1], $0x4000, $0x38;
	[tilespmem:$0x18400] =	vst v63  }
0x34: {  	_ =	swait.ge [sflag:s17], $0x4000  }
0x35: {  	[sflag:s17] =	ssyncset.done $0x0  }
0x36: {  	[sflag:s17] =	ssyncadd.s32 $0xFFFFC000  }
0x37: {  	[spmem:s8] =	stream.linear.scatter [tilespmem:s16], [sflag:$0x1], $0x4000, $0x38;
	[tilespmem:$0x18400] =	vst v63  }
0x38: {  	_ =	swait.ge [sflag:s17], $0x4000  }
0x39: {  	[sflag:s17] =	ssyncset.done $0x0  }
0x3a: {  	[sflag:s17] =	ssyncadd.s32 $0xFFFFC000  }
0x3b: {  	s26 =	simm.s32 $0x0;
	s28 =	simm.s32 $0x200;
	[bflag:$0x0] =	sbarrier.arrive $0xFFFF  }
.LBB2_4:
0x3c: {  	p0 =	sne.s32 s28, $0xFE00;
	[tilespmem:s26+$0x470] =	vst v1  }
0x3d: {  	[tilespmem:s26+$0x400] =	vst v1  }
0x3e: {  	[tilespmem:s26+$0x410] =	vst v1  }
.Ltmp1:
0x3f: {  	[tilespmem:s26+$0x420] =	vst v1;
	(pc) =	sbr.rel @p0 .LBB2_4-.Ltmp1, $4  }
0x40: {  	[tilespmem:s26+$0x430] =	vst v1  }
0x41: {  	[tilespmem:s26+$0x440] =	vst v1  }
0x42: {  	[tilespmem:s26+$0x450] =	vst v1  }
0x43: {  	[tilespmem:s26+$0x460] =	vst v1;
	s26 =	sshra.s32 s28, $0x2;
	s28 =	sadd.s32 $0x200, s28  }
0x44: {  	[tilespmem:s26+$0x470] =	vst v1  }
0x45: {  	[tilespmem:s26+$0x400] =	vst v1  }
0x46: {  	[tilespmem:s26+$0x410] =	vst v1  }
0x47: {  	[tilespmem:s26+$0x420] =	vst v1  }
0x48: {  	[tilespmem:s26+$0x430] =	vst v1  }
0x49: {  	[tilespmem:s26+$0x440] =	vst v1  }
0x4a: {  	[tilespmem:s26+$0x450] =	vst v1  }
0x4b: {  	[tilespmem:s26+$0x460] =	vst v1;
	s31 =	sadd.s32 $0x0, s15  }
0x4c: {  	[tilespmem:s3], [sflag:$0x1] =	stream.linear.gather [hbm4b:s31+s3], $0x400, $0x38;
	[tilespmem:$0x18400] =	vst v63  }
0x4d: {  	_ =	swait.ge [sflag:s17], $0x400  }
0x4e: {  	[sflag:s17] =	ssyncset.done $0x0  }
0x4f: {  	[sflag:s17] =	ssyncadd.s32 $0xFFFFFC00  }
0x50: {  	[spmem:s2] =	stream.indirect.scatter.add.f32 [tilespmem:s16], [sflag:$0x1], $0x80, s3, s18, $0xb8;
	[tilespmem:$0x18400] =	vst v63  }
0x51: {  	_ =	swait.ge [sflag:s17], $0x4000  }
0x52: {  	[sflag:s17] =	ssyncset.done $0x0  }
0x53: {  	[sflag:s17] =	ssyncadd.s32 $0xFFFFC000  }
0x54: {  	[spmem:s2] =	stream.indirect.scatter.add.f32 [tilespmem:s16], [sflag:$0x1], $0x80, s18, s18, $0xb8;
	[tilespmem:$0x18400] =	vst v63  }
0x55: {  	_ =	swait.ge [sflag:s17], $0x4000  }
0x56: {  	[sflag:s17] =	ssyncset.done $0x0  }
0x57: {  	[sflag:s17] =	ssyncadd.s32 $0xFFFFC000  }
0x58: {  	[spmem:s2] =	stream.indirect.scatter.add.f32 [tilespmem:s16], [sflag:$0x1], $0x80, s19, s18, $0xb8;
	[tilespmem:$0x18400] =	vst v63  }
0x59: {  	_ =	swait.ge [sflag:s17], $0x4000  }
0x5a: {  	[sflag:s17] =	ssyncset.done $0x0  }
0x5b: {  	[sflag:s17] =	ssyncadd.s32 $0xFFFFC000  }
0x5c: {  	[spmem:s2] =	stream.indirect.scatter.add.f32 [tilespmem:s16], [sflag:$0x1], $0x80, s20, s18, $0xb8;
	[tilespmem:$0x18400] =	vst v63  }
0x5d: {  	_ =	swait.ge [sflag:s17], $0x4000  }
0x5e: {  	[sflag:s17] =	ssyncset.done $0x0  }
0x5f: {  	[sflag:s17] =	ssyncadd.s32 $0xFFFFC000  }
0x60: {  	[spmem:s2] =	stream.indirect.scatter.add.f32 [tilespmem:s16], [sflag:$0x1], $0x80, s21, s18, $0xb8;
	[tilespmem:$0x18400] =	vst v63  }
0x61: {  	_ =	swait.ge [sflag:s17], $0x4000  }
0x62: {  	[sflag:s17] =	ssyncset.done $0x0  }
0x63: {  	[sflag:s17] =	ssyncadd.s32 $0xFFFFC000  }
0x64: {  	[spmem:s2] =	stream.indirect.scatter.add.f32 [tilespmem:s16], [sflag:$0x1], $0x80, s22, s18, $0xb8;
	[tilespmem:$0x18400] =	vst v63  }
0x65: {  	_ =	swait.ge [sflag:s17], $0x4000  }
0x66: {  	[sflag:s17] =	ssyncset.done $0x0  }
0x67: {  	[sflag:s17] =	ssyncadd.s32 $0xFFFFC000  }
0x68: {  	[spmem:s2] =	stream.indirect.scatter.add.f32 [tilespmem:s16], [sflag:$0x1], $0x80, s23, s18, $0xb8;
	[tilespmem:$0x18400] =	vst v63  }
0x69: {  	_ =	swait.ge [sflag:s17], $0x4000  }
0x6a: {  	[sflag:s17] =	ssyncset.done $0x0  }
0x6b: {  	[sflag:s17] =	ssyncadd.s32 $0xFFFFC000  }
0x6c: {  	[spmem:s2] =	stream.indirect.scatter.add.f32 [tilespmem:s16], [sflag:$0x1], $0x80, s24, s18, $0xb8;
	[tilespmem:$0x18400] =	vst v63  }
0x6d: {  	_ =	swait.ge [sflag:s17], $0x4000  }
0x6e: {  	s26 =	simm.s32 $0x80;
	s29 =	simm.s32 $0x100;
	[sflag:s17] =	ssyncset.done $0x0  }
.LBB2_6:
0x6f: {  	s30 =	sadd.s32 s26, s15  }
0x70: {  	[sflag:s17] =	ssyncadd.s32 $0xFFFFC000;
	s26 =	smov.u32 s29;
	s28 =	sadd.s32 $0x80, s29  }
0x71: {  	[tilespmem:s3], [sflag:$0x1] =	stream.linear.gather [hbm4b:s30+s3], $0x400, $0x38;
	[tilespmem:$0x18400] =	vst v63  }
0x72: {  	p0 =	sne.s32 s29, $0x480;
	_ =	swait.ge [sflag:s17], $0x400  }
0x73: {  	[sflag:s17] =	ssyncset.done $0x0  }
0x74: {  	[sflag:s17] =	ssyncadd.s32 $0xFFFFFC00  }
0x75: {  	[spmem:s2] =	stream.indirect.scatter.add.f32 [tilespmem:s16], [sflag:$0x1], $0x80, s3, s18, $0xb8;
	[tilespmem:$0x18400] =	vst v63  }
0x76: {  	_ =	swait.ge [sflag:s17], $0x4000  }
0x77: {  	[sflag:s17] =	ssyncset.done $0x0  }
0x78: {  	[sflag:s17] =	ssyncadd.s32 $0xFFFFC000  }
0x79: {  	[spmem:s2] =	stream.indirect.scatter.add.f32 [tilespmem:s16], [sflag:$0x1], $0x80, s18, s18, $0xb8;
	[tilespmem:$0x18400] =	vst v63  }
0x7a: {  	_ =	swait.ge [sflag:s17], $0x4000  }
0x7b: {  	[sflag:s17] =	ssyncset.done $0x0  }
0x7c: {  	[sflag:s17] =	ssyncadd.s32 $0xFFFFC000  }
0x7d: {  	[spmem:s2] =	stream.indirect.scatter.add.f32 [tilespmem:s16], [sflag:$0x1], $0x80, s19, s18, $0xb8;
	[tilespmem:$0x18400] =	vst v63  }
0x7e: {  	_ =	swait.ge [sflag:s17], $0x4000  }
0x7f: {  	[sflag:s17] =	ssyncset.done $0x0  }
0x80: {  	[sflag:s17] =	ssyncadd.s32 $0xFFFFC000  }
0x81: {  	[spmem:s2] =	stream.indirect.scatter.add.f32 [tilespmem:s16], [sflag:$0x1], $0x80, s20, s18, $0xb8;
	[tilespmem:$0x18400] =	vst v63  }
0x82: {  	_ =	swait.ge [sflag:s17], $0x4000  }
0x83: {  	[sflag:s17] =	ssyncset.done $0x0  }
0x84: {  	[sflag:s17] =	ssyncadd.s32 $0xFFFFC000  }
0x85: {  	[spmem:s2] =	stream.indirect.scatter.add.f32 [tilespmem:s16], [sflag:$0x1], $0x80, s21, s18, $0xb8;
	[tilespmem:$0x18400] =	vst v63  }
0x86: {  	_ =	swait.ge [sflag:s17], $0x4000  }
0x87: {  	[sflag:s17] =	ssyncset.done $0x0  }
0x88: {  	[sflag:s17] =	ssyncadd.s32 $0xFFFFC000  }
0x89: {  	[spmem:s2] =	stream.indirect.scatter.add.f32 [tilespmem:s16], [sflag:$0x1], $0x80, s22, s18, $0xb8;
	[tilespmem:$0x18400] =	vst v63  }
0x8a: {  	_ =	swait.ge [sflag:s17], $0x4000  }
0x8b: {  	[sflag:s17] =	ssyncset.done $0x0  }
0x8c: {  	[sflag:s17] =	ssyncadd.s32 $0xFFFFC000  }
0x8d: {  	[spmem:s2] =	stream.indirect.scatter.add.f32 [tilespmem:s16], [sflag:$0x1], $0x80, s23, s18, $0xb8;
	[tilespmem:$0x18400] =	vst v63  }
0x8e: {  	_ =	swait.ge [sflag:s17], $0x4000  }
.Ltmp2:
0x8f: {  	[sflag:s17] =	ssyncset.done $0x0;
	(pc) =	sbr.rel @p0 .LBB2_6-.Ltmp2, $4  }
0x90: {  	[sflag:s17] =	ssyncadd.s32 $0xFFFFC000  }
0x91: {  	[spmem:s2] =	stream.indirect.scatter.add.f32 [tilespmem:s16], [sflag:$0x1], $0x80, s24, s18, $0xb8;
	[tilespmem:$0x18400] =	vst v63  }
0x92: {  	_ =	swait.ge [sflag:s17], $0x4000  }
0x93: {  	s29 =	smov.u32 s28;
	[sflag:s17] =	ssyncset.done $0x0  }
0x94: {  	s26 =	sadd.s32 s26, s15;
	[sflag:s17] =	ssyncadd.s32 $0xFFFFC000  }
0x95: {  	[tilespmem:s3], [sflag:$0x1] =	stream.linear.gather [hbm4b:s26+s3], $0x400, $0x38;
	[tilespmem:$0x18400] =	vst v63  }
0x96: {  	_ =	swait.ge [sflag:s17], $0x400  }
0x97: {  	[sflag:s17] =	ssyncset.done $0x0  }
0x98: {  	[sflag:s17] =	ssyncadd.s32 $0xFFFFFC00  }
0x99: {  	[spmem:s2] =	stream.indirect.scatter.add.f32 [tilespmem:s16], [sflag:$0x1], $0x80, s3, s18, $0xb8;
	[tilespmem:$0x18400] =	vst v63  }
0x9a: {  	_ =	swait.ge [sflag:s17], $0x4000  }
0x9b: {  	[sflag:s17] =	ssyncset.done $0x0  }
0x9c: {  	[sflag:s17] =	ssyncadd.s32 $0xFFFFC000  }
0x9d: {  	[spmem:s2] =	stream.indirect.scatter.add.f32 [tilespmem:s16], [sflag:$0x1], $0x80, s18, s18, $0xb8;
	[tilespmem:$0x18400] =	vst v63  }
0x9e: {  	_ =	swait.ge [sflag:s17], $0x4000  }
0x9f: {  	[sflag:s17] =	ssyncset.done $0x0  }
0xa0: {  	[sflag:s17] =	ssyncadd.s32 $0xFFFFC000  }
0xa1: {  	[spmem:s2] =	stream.indirect.scatter.add.f32 [tilespmem:s16], [sflag:$0x1], $0x80, s19, s18, $0xb8;
	[tilespmem:$0x18400] =	vst v63  }
0xa2: {  	_ =	swait.ge [sflag:s17], $0x4000  }
0xa3: {  	[sflag:s17] =	ssyncset.done $0x0  }
0xa4: {  	[sflag:s17] =	ssyncadd.s32 $0xFFFFC000  }
0xa5: {  	[spmem:s2] =	stream.indirect.scatter.add.f32 [tilespmem:s16], [sflag:$0x1], $0x80, s20, s18, $0xb8;
	[tilespmem:$0x18400] =	vst v63  }
0xa6: {  	_ =	swait.ge [sflag:s17], $0x4000  }
0xa7: {  	[sflag:s17] =	ssyncset.done $0x0  }
0xa8: {  	[sflag:s17] =	ssyncadd.s32 $0xFFFFC000  }
0xa9: {  	[spmem:s2] =	stream.indirect.scatter.add.f32 [tilespmem:s16], [sflag:$0x1], $0x80, s21, s18, $0xb8;
	[tilespmem:$0x18400] =	vst v63  }
0xaa: {  	_ =	swait.ge [sflag:s17], $0x4000  }
0xab: {  	[sflag:s17] =	ssyncset.done $0x0  }
0xac: {  	[sflag:s17] =	ssyncadd.s32 $0xFFFFC000  }
0xad: {  	[spmem:s2] =	stream.indirect.scatter.add.f32 [tilespmem:s16], [sflag:$0x1], $0x80, s22, s18, $0xb8;
	[tilespmem:$0x18400] =	vst v63  }
0xae: {  	_ =	swait.ge [sflag:s17], $0x4000  }
0xaf: {  	[sflag:s17] =	ssyncset.done $0x0  }
0xb0: {  	[sflag:s17] =	ssyncadd.s32 $0xFFFFC000  }
0xb1: {  	[spmem:s2] =	stream.indirect.scatter.add.f32 [tilespmem:s16], [sflag:$0x1], $0x80, s23, s18, $0xb8;
	[tilespmem:$0x18400] =	vst v63  }
0xb2: {  	_ =	swait.ge [sflag:s17], $0x4000  }
0xb3: {  	[sflag:s17] =	ssyncset.done $0x0  }
0xb4: {  	[sflag:s17] =	ssyncadd.s32 $0xFFFFC000  }
0xb5: {  	[spmem:s2] =	stream.indirect.scatter.add.f32 [tilespmem:s16], [sflag:$0x1], $0x80, s24, s18, $0xb8;
	[tilespmem:$0x18400] =	vst v63  }
0xb6: {  	_ =	swait.ge [sflag:s17], $0x4000  }
0xb7: {  	[sflag:s17] =	ssyncset.done $0x0  }
0xb8: {  	[sflag:s17] =	ssyncadd.s32 $0xFFFFC000  }
0xb9: {  	[bflag:$0x0] =	sbarrier.arrive $0xFFFF  }
0xba: {  	[tilespmem:s16], [sflag:$0x1] =	stream.linear.gather [spmem:s4], $0x4000, $0x38;
	[tilespmem:$0x18400] =	vst v63  }
0xbb: {  	_ =	swait.ge [sflag:s17], $0x4000  }
0xbc: {  	[sflag:s17] =	ssyncset.done $0x0  }
0xbd: {  	[sflag:s17] =	ssyncadd.s32 $0xFFFFC000  }
0xbe: {  	[hbm4b:s9+s3] =	stream.linear.scatter [tilespmem:s16], [sflag:$0x1], $0x4000, $0x38;
	[tilespmem:$0x18400] =	vst v63  }
0xbf: {  	_ =	swait.ge [sflag:s17], $0x4000  }
0xc0: {  	[sflag:s17] =	ssyncset.done $0x0  }
0xc1: {  	[sflag:s17] =	ssyncadd.s32 $0xFFFFC000  }
0xc2: {  	[tilespmem:s16], [sflag:$0x1] =	stream.linear.gather [spmem:s5], $0x4000, $0x38;
	[tilespmem:$0x18400] =	vst v63  }
0xc3: {  	_ =	swait.ge [sflag:s17], $0x4000  }
0xc4: {  	[sflag:s17] =	ssyncset.done $0x0  }
0xc5: {  	[sflag:s17] =	ssyncadd.s32 $0xFFFFC000  }
0xc6: {  	[hbm4b:s10+s3] =	stream.linear.scatter [tilespmem:s16], [sflag:$0x1], $0x4000, $0x38;
	[tilespmem:$0x18400] =	vst v63  }
0xc7: {  	_ =	swait.ge [sflag:s17], $0x4000  }
0xc8: {  	[sflag:s17] =	ssyncset.done $0x0  }
0xc9: {  	[sflag:s17] =	ssyncadd.s32 $0xFFFFC000  }
0xca: {  	[tilespmem:s16], [sflag:$0x1] =	stream.linear.gather [spmem:s6], $0x4000, $0x38;
	[tilespmem:$0x18400] =	vst v63  }
0xcb: {  	_ =	swait.ge [sflag:s17], $0x4000  }
0xcc: {  	[sflag:s17] =	ssyncset.done $0x0  }
0xcd: {  	[sflag:s17] =	ssyncadd.s32 $0xFFFFC000  }
0xce: {  	[hbm4b:s11+s3] =	stream.linear.scatter [tilespmem:s16], [sflag:$0x1], $0x4000, $0x38;
	[tilespmem:$0x18400] =	vst v63  }
0xcf: {  	_ =	swait.ge [sflag:s17], $0x4000  }
0xd0: {  	[sflag:s17] =	ssyncset.done $0x0  }
0xd1: {  	[sflag:s17] =	ssyncadd.s32 $0xFFFFC000  }
0xd2: {  	[tilespmem:s16], [sflag:$0x1] =	stream.linear.gather [spmem:s7], $0x4000, $0x38;
	[tilespmem:$0x18400] =	vst v63  }
0xd3: {  	_ =	swait.ge [sflag:s17], $0x4000  }
0xd4: {  	[sflag:s17] =	ssyncset.done $0x0  }
0xd5: {  	[sflag:s17] =	ssyncadd.s32 $0xFFFFC000  }
0xd6: {  	[hbm4b:s12+s3] =	stream.linear.scatter [tilespmem:s16], [sflag:$0x1], $0x4000, $0x38;
	[tilespmem:$0x18400] =	vst v63  }
0xd7: {  	_ =	swait.ge [sflag:s17], $0x4000  }
0xd8: {  	[sflag:s17] =	ssyncset.done $0x0  }
0xd9: {  	[sflag:s17] =	ssyncadd.s32 $0xFFFFC000  }
0xda: {  	[tilespmem:s16], [sflag:$0x1] =	stream.linear.gather [spmem:s8], $0x4000, $0x38;
	[tilespmem:$0x18400] =	vst v63  }
0xdb: {  	s25 =	sadd.s32 $0x1, s25;
	_ =	swait.ge [sflag:s17], $0x4000  }
0xdc: {  	p0 =	sne.s32 s25, s14;
	[sflag:s17] =	ssyncset.done $0x0  }
.Ltmp3:
0xdd: {  	[sflag:s17] =	ssyncadd.s32 $0xFFFFC000;
	(pc) =	sbr.rel @p0 .LBB2_1-.Ltmp3, $4  }
0xde: {  	[hbm4b:s13+s3] =	stream.linear.scatter [tilespmem:s16], [sflag:$0x1], $0x4000, $0x38;
	[tilespmem:$0x18400] =	vst v63  }
0xdf: {  	_ =	swait.ge [sflag:s17], $0x4000  }
0xe0: {  	[sflag:s17] =	ssyncset.done $0x0  }
0xe1: {  	[sflag:s17] =	ssyncadd.s32 $0xFFFFC000  }
0xe2: {  	_ =	sfence.sel $0x180000  }
0xe3: {  	[bflag:$0x0] =	sbarrier.arrive $0xFFFF  }
0xe4: {  	p0 =	sne.s32 s0, $0x0;
	_ =	strace $0x9000004A  }
0xe5: {  	s0 =	sadd.s32 @!p0 $0x100000, s1;
	[bflag:$0x2] =	sbarrier.arrive $0xFFFF  }
0xe6: {  	[sflag:s0] =	ssyncadd.tile.s32 @!p0 $0x1;
	_ =	shalt  }
.Lfunc_end2:
_tile_overlayer_lowered:
.L_overlay_start_2:
0xe7: {  	(tag) =	ssettag $0x2  }
0xe8: {  	s0 =	rddreg [dreg:$0x0];
	s2 =	stileid.u32  }
0xe9: {  	s1 =	rddreg [dreg:$0x1];
	p0 =	sne.s32 s2, $0x0  }
0xea: {  	s3 =	rddreg [dreg:$0x2];
	[bflag:$0x3] =	sbarrier.arrive $0xFFFF;
	s2 =	simm.s32 @!p0 $0x1C01  }
0xeb: {  	[timem:s3], [sflag:s2] =	dma.local @!p0 [hbm:s0], s1  }
0xec: {  	s0 =	simm.s32 @!p0 $0x1  }
0xed: {  	_ =	swait.ge @!p0 [sflag:s0], s1  }
0xee: {  	s1 =	ssub.s32 @!p0 $0x0, s1;
	[sflag:s0] =	ssyncset.done @!p0 $0x0  }
0xef: {  	[sflag:s0] =	ssyncadd.s32 @!p0 s1  }
0xf0: {  	[bflag:$0x3] =	sbarrier.arrive $0xFFFF  }
0xf1: {  	_ =	shalt  }

// kernel: kernel.14.cloned.1.call-start
scs
__scs_entry_jumppad:
0x0: {  	(pc) =	sbr.rel $0x88, $3  }
0x1: {  	(tag) =	ssettag $0x0;
	lr =	simm.s32 $0x1  }
0x2: {  	[smem:$0x3F96] =	sst lr;
	_ =	strace $0xD0000000  }
0x3: {  	_ = 	snop  }
0x4: {  	_ = 	snop  }
0x5: {  	_ = 	snop  }
0x6: {  	_ = 	snop  }
0x7: {  	_ = 	snop  }
__scs_overlays_trampoline_lowered:
0x8: {  	[smem:$0x3FA5] =	sst s0  }
0x9: {  	[smem:$0x3FA6] =	sst s1  }
0xa: {  	[smem:$0x3FA7] =	sst s2  }
0xb: {  	[smem:$0x3FA8] =	sst s3  }
0xc: {  	[smem:$0x3FA9] =	sst s4  }
0xd: {  	[smem:$0x3FAA] =	sst s5  }
0xe: {  	[smem:$0x3FAB] =	sst s6  }
0xf: {  	[smem:$0x3FAC] =	sst s7  }
0x10: {  	[smem:$0x3FAD] =	sst s8  }
0x11: {  	[smem:$0x3FAE] =	sst s9;
	s0 =	simm.s32 @!p0 $0x0  }
0x12: {  	s1 =	sld [smem:$0x3F94];
	s0 =	simm.s32 @p0 $0x1  }
0x13: {  	[smem:$0x3FAF] =	sst s0;
	s0 =	simm.s32 @!p1 $0x0  }
0x14: {  	s2 =	sld [smem:$0x3F93];
	s0 =	simm.s32 @p1 $0x1  }
0x15: {  	[smem:$0x3FB0] =	sst s0;
	s0 =	simm.s32 @!p2 $0x0  }
0x16: {  	s3 =	sld [smem:$0x3FDB];
	s0 =	simm.s32 @p2 $0x1  }
0x17: {  	s4 =	simm.s32 $0x1BF5;
	[smem:$0x3FB2] =	sst s0  }
0x18: {  	s0 =	sld [smem:$0x3F95];
	_ =	swait.ge [sflag:s4], $0x0  }
0x19: {  	s7 =	sld [smem:$0x3F96]  }
0x1a: {  	s8 =	sadd.s32 $0xFFFFE003, lr  }
0x1b: {  	s9 =	sadd.s32 $0xFFFFFEF7, lr;
	s5 =	simm.s32 $0xFFFFFFFF;
	p2 =	slt.u32 s8, $0xFFFFF086  }
0x1c: {  	p1 =	slt.u32 s9, $0xF7A;
	s5 =	simm.s32 @!p2 $0x0  }
0x1d: {  	s5 =	simm.s32 @p1 $0x1;
	p0 =	seq.s32 s7, s2  }
0x1e: {  	s7 =	smul.u32 @!p0 $0xF7A, s2;
	p2 =	seq.s32 @!p0 s5, $0x0  }
0x1f: {  	s9 =	smul.u32 $0xF7A, s1;
	s8 =	simm.s32 @!p0 $0x1BF5;
	p2 =	por !p2, p0  }
0x20: {  	[sflag:s8] =	ssyncset.s32 @!p0 $0xFFFFF086;
	s6 =	sadd.s32 @!p0 s3, s7;
	s7 =	simm.s32 @!p0 $0x108  }
0x21: {  	s3 =	sadd.s32 s3, s9;
	s6 =	sadd.s32 @!p0 $0x88, s6;
	s7 =	simm.s32 @p2 $0x1082  }
0x22: {  	[simem:s7], [sflag:s8] =	dma.local @!p0 [hbm:s6], $0xF7A  }
0x23: {  	s9 =	sor.u32 $0xD0000000, s2;
	s6 =	simm.s32 $0x108;
	_ =	swait.ge @!p0 [sflag:s8], $0x0  }
0x24: {  	s3 =	sadd.s32 $0x88, s3;
	s6 =	simm.s32 @!p1 $0x1082;
	[sflag:s4] =	ssyncset.s32 $0xFFFFF086  }
0x25: {  	[simem:s6], [sflag:s4] =	dma.local [hbm:s3], $0xF7A  }
0x26: {  	[smem:$0x3F96] =	sst s1;
	(tag) =	ssettag s2;
	_ =	strace s9  }
0x27: {  	s1 =	sld [smem:$0x3FA6]  }
0x28: {  	s2 =	sld [smem:$0x3FA7]  }
0x29: {  	s4 =	sld [smem:$0x3FA9]  }
0x2a: {  	p0 =	seq.s32 s5, $0x0;
	s5 =	sld [smem:$0x3FAA]  }
0x2b: {  	s6 =	sld [smem:$0x3FAB]  }
0x2c: {  	s7 =	sld [smem:$0x3FAC]  }
0x2d: {  	s3 =	simm.s32 $0x108;
	s8 =	sld [smem:$0x3FAD]  }
0x2e: {  	s3 =	simm.s32 @!p0 $0x1082;
	s9 =	sld [smem:$0x3FAE]  }
0x2f: {  	lr =	sadd.s32 s0, s3;
	s0 =	sld [smem:$0x3FA5]  }
0x30: {  	s3 =	sld [smem:$0x3FA8]  }
0x31: {  	[smem:$0x3FB1] =	sst s10  }
0x32: {  	s10 =	sld [smem:$0x3FAF];
	_ =	sdelay $0x3  }
0x33: {  	p0 =	seq.s32 s10, $0x1;
	s10 =	sld [smem:$0x3FB1];
	_ =	sdelay $0x3  }
0x34: {  	[smem:$0x3FB1] =	sst s10  }
0x35: {  	s10 =	sld [smem:$0x3FB0];
	_ =	sdelay $0x3  }
0x36: {  	p1 =	seq.s32 s10, $0x1;
	s10 =	sld [smem:$0x3FB1];
	_ =	sdelay $0x3  }
0x37: {  	[smem:$0x3FB1] =	sst s10  }
0x38: {  	s10 =	sld [smem:$0x3FB2]  }
0x39: {  	_ = 	snop;
	(pc) =	sbr.ind lr, $3  }
0x3a: {  	_ = 	snop  }
0x3b: {  	_ = 	snop  }
0x3c: {  	p2 =	seq.s32 s10, $0x1;
	s10 =	sld [smem:$0x3FB1]  }
0x3d: {  	_ =	shalt  }
0x3e: {  	_ =	shalt  }
0x3f: {  	_ =	shalt  }
0x40: {  	_ =	shalt  }
0x41: {  	_ =	shalt  }
0x42: {  	_ =	shalt  }
0x43: {  	_ =	shalt  }
0x44: {  	_ =	shalt  }
0x45: {  	_ =	shalt  }
0x46: {  	_ =	shalt  }
0x47: {  	_ =	shalt  }
0x48: {  	_ =	shalt  }
0x49: {  	_ =	shalt  }
0x4a: {  	_ =	shalt  }
0x4b: {  	_ =	shalt  }
0x4c: {  	_ =	shalt  }
0x4d: {  	_ =	shalt  }
0x4e: {  	_ =	shalt  }
0x4f: {  	_ =	shalt  }
0x50: {  	_ =	shalt  }
0x51: {  	_ =	shalt  }
0x52: {  	_ =	shalt  }
0x53: {  	_ =	shalt  }
0x54: {  	_ =	shalt  }
0x55: {  	_ =	shalt  }
0x56: {  	_ =	shalt  }
0x57: {  	_ =	shalt  }
0x58: {  	_ =	shalt  }
0x59: {  	_ =	shalt  }
0x5a: {  	_ =	shalt  }
0x5b: {  	_ =	shalt  }
0x5c: {  	_ =	shalt  }
0x5d: {  	_ =	shalt  }
0x5e: {  	_ =	shalt  }
0x5f: {  	_ =	shalt  }
0x60: {  	_ =	shalt  }
0x61: {  	_ =	shalt  }
0x62: {  	_ =	shalt  }
0x63: {  	_ =	shalt  }
0x64: {  	_ =	shalt  }
0x65: {  	_ =	shalt  }
0x66: {  	_ =	shalt  }
0x67: {  	_ =	shalt  }
0x68: {  	_ =	shalt  }
0x69: {  	_ =	shalt  }
0x6a: {  	_ =	shalt  }
0x6b: {  	_ =	shalt  }
0x6c: {  	_ =	shalt  }
0x6d: {  	_ =	shalt  }
0x6e: {  	_ =	shalt  }
0x6f: {  	_ =	shalt  }
0x70: {  	_ =	shalt  }
0x71: {  	_ =	shalt  }
0x72: {  	_ =	shalt  }
0x73: {  	_ =	shalt  }
0x74: {  	_ =	shalt  }
0x75: {  	_ =	shalt  }
0x76: {  	_ =	shalt  }
0x77: {  	_ =	shalt  }
0x78: {  	_ =	shalt  }
0x79: {  	_ =	shalt  }
0x7a: {  	_ =	shalt  }
0x7b: {  	_ =	shalt  }
0x7c: {  	_ =	shalt  }
0x7d: {  	_ =	shalt  }
0x7e: {  	_ =	shalt  }
0x7f: {  	_ =	shalt  }
0x80: {  	_ =	shalt  }
0x81: {  	_ =	shalt  }
0x82: {  	_ =	shalt  }
0x83: {  	_ =	shalt  }
0x84: {  	_ =	shalt  }
0x85: {  	_ =	shalt  }
0x86: {  	_ =	shalt  }
0x87: {  	_ =	shalt  }
.Lfunc_end0:
.L_simem_size_0:
called_computation.1_lowered:
.L_overlay_start_0:
0x88: {  	s2 =	sld [smem:$0x3FD9]  }
0x89: {  	s3 =	sld [smem:$0x3FFE];
	_ =	sdelay $0x1  }
0x8a: {  	s1 =	srdreg.scid  }
0x8b: {  	s0 =	sand.u32 $0x1, s1  }
0x8c: {  	s17 =	sshll.u32 s0, $0xA;
	s2 =	sadd.s32 s3, s2  }
0x8d: {  	s2 =	sadd.s32 s2, s17  }
0x8e: {  	[smem:$0x3FBD] =	sst s2  }
0x8f: {  	_ = 	snop  }
0x90: {  	s2 =	sld [smem:$0x3FD0];
	(tm) =	ssettm $0x1  }
0x91: {  	s18 =	sld [smem:$0x3FFB];
	_ =	sdelay $0x3  }
0x92: {  	_ =	strace s18  }
0x93: {  	s3 =	sld [smem:$0x3FFC];
	_ =	sdelay $0x3  }
0x94: {  	_ =	strace s3  }
0x95: {  	s3 =	sld [smem:$0x3FFD];
	_ =	sdelay $0x3  }
0x96: {  	_ =	strace s3  }
0x97: {  	_ =	strace $0x8FFFFFFF  }
0x98: {  	s19 =	sld [smem:$0x3FDB];
	_ =	sdelay $0x1  }
0x99: {  	s4 =	simm.s32 $_scs_section_size  }
0x9a: {  	s5 =	simm.s32 $_size__tile_overlayer_lowered;
	s6 =	simm.s32 $_tile_overlayer_lowered  }
0x9b: {  	s22 =	simm.s32 $0x1BFF;
	s21 =	sshll.u32 s6, $0x1;
	s3 =	sadd.s32 s4, s19  }
0x9c: {  	s7 =	simm.s32 $0x0;
	s20 =	sshll.u32 s5, $0x1;
	s5 =	sadd.s32 s21, s3  }
0x9d: {  	[timem:s7], [sflag:s22] =	dma.local [hbm:s5], s20  }
0x9e: {  	_ =	swait.ge [sflag:s22], s20  }
0x9f: {  	s4 =	ssub.s32 $0x0, s20;
	[sflag:s22] =	ssyncset.done $0x0  }
0xa0: {  	[sflag:s22] =	ssyncadd.s32 s4;
	_ =	sdelay $0x1  }
0xa1: {  	s23 =	simm.s32 $0x1B8B  }
0xa2: {  	_ =	swait.ge [sflag:s23], $0x1  }
0xa3: {  	[sflag:s23] =	ssyncset.done $0x0  }
0xa4: {  	s25 =	simm.s32 $0x1B8E;
	s24 =	sld [smem:$0x3FFE];
	[sflag:s23] =	ssyncadd.s32 $0xFFFFFFFF  }
0xa5: {  	s26 =	simm.s32 $execute0_lowered;
	[smem:$0x3FD2] =	sst s25  }
0xa6: {  	s5 =	sshll.u32 s26, $0x1;
	_ =	strace $0x80000046;
	[dreg:$0x1] =	wrdreg $0xFFFFFFFF  }
0xa7: {  	s28 =	simm.s32 $_size_execute0_lowered;
	s3 =	sadd.s32 s3, s5;
	[dreg:$0x0] =	wrdreg $0x0  }
0xa8: {  	s5 =	sshll.u32 s28, $0x1;
	[dreg:$0x2] =	wrdreg s3  }
0xa9: {  	[dreg:$0x3] =	wrdreg s5  }
0xaa: {  	[dreg:$0x4] =	wrdreg $0xC0  }
0xab: {  	_ =	task [dreg:s7], $0x5FFFF  }
0xac: {  	[dreg:$0x1] =	wrdreg $0xFFFFFFFF  }
0xad: {  	[dreg:$0x0] =	wrdreg $0x60  }
0xae: {  	[dreg:$0x2] =	wrdreg s24  }
0xaf: {  	[dreg:$0x3] =	wrdreg s2  }
0xb0: {  	[dreg:$0x4] =	wrdreg $0xA8000  }
0xb1: {  	[dreg:$0x5] =	wrdreg $0xA  }
0xb2: {  	_ =	task.clear_ibuf [dreg:s7], $0x6FFFF;
	_ =	strace $0x90000046  }
0xb3: {  	s29 =	simm.s32 $0xA;
	_ =	strace $0x80000048  }
0xb4: {  	_ =	swait.ge [sflag:s29], $0x1  }
0xb5: {  	[sflag:s29] =	ssyncadd.s32 $0xFFFFFFFF  }
0xb6: {  	_ =	strace $0x90000048  }
0xb7: {  	_ =	sfence  }
0xb8: {  	s30 =	sld [smem:$0x0];
	_ =	sdelay $0x2  }
0xb9: {  	s31 =	sshll.u32 s1, $0xD;
	s1 =	sshrl.u32 s1, $0x2  }
0xba: {  	s3 =	sand.u32 $0x4000, s31;
	s1 =	sadd.s32 s1, s30  }
0xbb: {  	s0 =	sor.u32 s3, s0;
	s1 =	sshll.u32 s1, $0x11  }
0xbc: {  	s0 =	sor.u32 s1, s0  }
0xbd: {  	s0 =	sadd.s32 $0x8F2B, s0  }
0xbe: {  	[sflag:s0] =	ssyncadd.remote.s32 $0x1  }
0xbf: {  	_ =	sfence.sel $0xFFFF  }
0xc0: {  	[dreg:$0x0] =	wrdreg $0xFFFFFFFF;
	(pc) =	sbr.abs _section_cstart, $3  }
0xc1: {  	[dreg:$0x1] =	wrdreg $0xFFFFFFFF  }
0xc2: {  	_ =	task.clear_ibuf [dreg:s7], $0x2FFFF;
	_ =	strace $0x9FFFFFFF  }
0xc3: {  	(tm) =	ssettm $0x7FFFFFFF  }
tec
execute0_lowered:
.L_overlay_start_1:
0x0: {  	(tag) =	ssettag $0x1  }
0x1: {  	s0 =	rddreg [dreg:$0x0]  }
0x2: {  	s2 =	rddreg [dreg:$0x1]  }
0x3: {  	s1 =	rddreg [dreg:$0x2]  }
0x4: {  	s3 =	simm.s32 $0x0;
	s4 =	srdreg.scid;
	s17 =	stileid.u32  }
0x5: {  	s28 =	simm.s32 $0x500;
	s29 =	simm.s32 $0x5800;
	s30 =	simm.s32 $0x1  }
0x6: {  	s31 =	simm.s32 $0x580;
	[smem:$0x7FF] =	sst s3;
	s6 =	smul.u32 $0x50000, s17  }
0x7: {  	s5 =	sand.u32 $0x1, s4;
	s4 =	sadd.s32 $0x1E400, s0;
	s8 =	smul.u32 $0x14000, s17  }
0x8: {  	s26 =	sshll.u32 s17, $0xB;
	_ =	strace $0x80000047;
	s7 =	sshll.u32 s5, $0xF  }
0x9: {  	s10 =	ssub.s32 $0x2, s5;
	s5 =	smul.u32 $0x140000, s5;
	s9 =	sadd.s32 s7, s0  }
0xa: {  	s0 =	sadd.s32 $0x46400, s0;
	s11 =	sshrl.u32 s10, $0x1;
	s6 =	sshrl.u32 s6, $0x2  }
0xb: {  	s12 =	sor.u32 $0x2800, s8;
	s19 =	sadd.s32 $0x5000, s8;
	s20 =	sadd.s32 $0x7800, s8  }
0xc: {  	s13 =	sadd.s32 $0xA000, s8;
	s23 =	sadd.s32 $0xC800, s8;
	s15 =	sadd.s32 $0xF000, s8  }
0xd: {  	s25 =	sadd.s32 $0x11800, s8;
	s2 =	sadd.s32 s7, s2;
	s7 =	simm.s32 $0x300  }
0xe: {  	s10 =	ssub.s32 s10, s11;
	s6 =	sadd.s32 s6, s1;
	s18 =	sadd.s32 s12, s1  }
0xf: {  	s14 =	sadd.s32 s19, s1;
	s21 =	sadd.s32 s20, s1;
	[dreg:$0x7] =	wrdreg s6  }
0x10: {  	s22 =	sadd.s32 s13, s1;
	s16 =	sadd.s32 s23, s1;
	[dreg:$0x8] =	wrdreg s18  }
0x11: {  	s24 =	sadd.s32 s15, s1;
	s8 =	sadd.s32 s8, s5;
	[dreg:$0x9] =	wrdreg s14  }
0x12: {  	s12 =	sadd.s32 s5, s12;
	s11 =	sadd.s32 s5, s20;
	[dreg:$0xa] =	wrdreg s21  }
0x13: {  	s13 =	sadd.s32 s5, s13;
	s15 =	sadd.s32 s5, s15;
	[dreg:$0xb] =	wrdreg s22  }
0x14: {  	s9 =	sadd.s32 s26, s9;
	s2 =	sadd.s32 s26, s2;
	[dreg:$0xc] =	wrdreg s16  }
0x15: {  	s26 =	simm.s32 $0x480;
	[dreg:$0xd] =	wrdreg s24;
	s6 =	sadd.s32 s5, s19  }
0x16: {  	s14 =	sadd.s32 s5, s23;
	s5 =	sadd.s32 s5, s25;
	s16 =	sadd.s32 s25, s1  }
0x17: {  	s8 =	sshrl.u32 s8, $0x3;
	s12 =	sshrl.u32 s12, $0x3;
	s17 =	sshrl.u32 s11, $0x3  }
0x18: {  	s18 =	sshrl.u32 s13, $0x3;
	s22 =	sshrl.u32 s15, $0x3;
	[dreg:$0x5] =	wrdreg s2  }
0x19: {  	s24 =	sadd.s32 $0x4400, s9;
	s25 =	smax.u32 s10, $0x1;
	[dreg:$0x6] =	wrdreg s26  }
0x1a: {  	s26 =	simm.s32 $0x3000;
	s2 =	simm.s32 $0x2;
	s13 =	simm.s32 $0x600  }
0x1b: {  	s15 =	simm.s32 $0x3;
	s10 =	simm.s32 $0x0;
	[dreg:$0xe] =	wrdreg s16  }
0x1c: {  	s8 =	sadd.s32 s0, s8;
	s16 =	sadd.s32 s0, s12;
	s6 =	sshrl.u32 s6, $0x3  }
0x1d: {  	s19 =	sadd.s32 s0, s17;
	s20 =	sadd.s32 s0, s18;
	[dreg:$0x4] =	wrdreg s24  }
0x1e: {  	s21 =	sshrl.u32 s14, $0x3;
	s23 =	sadd.s32 s0, s22;
	[dreg:$0x17] =	wrdreg s25  }
0x1f: {  	s5 =	sshrl.u32 s5, $0x3;
	s22 =	simm.s32 $0x800;
	[dreg:$0xf] =	wrdreg s8  }
0x20: {  	s24 =	simm.s32 $0x400;
	s25 =	simm.s32 $0x50;
	[dreg:$0x10] =	wrdreg s16  }
0x21: {  	s14 =	simm.s32 $0x80;
	s17 =	simm.s32 $0x100;
	[dreg:$0x12] =	wrdreg s19  }
0x22: {  	s18 =	simm.s32 $0x4;
	s6 =	sadd.s32 s0, s6;
	[dreg:$0x13] =	wrdreg s20  }
0x23: {  	[dreg:$0x15] =	wrdreg s23;
	s23 =	simm.s32 $0x5;
	s16 =	simm.s32 $0x680  }
0x24: {  	s19 =	simm.s32 $0x700;
	s20 =	simm.s32 $0x180;
	s8 =	simm.s32 $0x380  }
0x25: {  	[dreg:$0x11] =	wrdreg s6;
	s6 =	sadd.s32 s0, s21;
	s0 =	sadd.s32 s0, s5  }
0x26: {  	s21 =	simm.s32 $0x780;
	s5 =	simm.s32 $0x200;
	[dreg:$0x14] =	wrdreg s6  }
0x27: {  	v0 =	vimm.f32 $0.0e+00;
	[dreg:$0x16] =	wrdreg s0;
	s0 =	simm.s32 $0x8000;
	s6 =	simm.s32 $0x280  }
.LBB2_1:
0x28: {  	[dreg:$0x18] =	wrdreg s10;
	s10 =	simm.s32 $0x0;
	s11 =	simm.s32 $0x200  }
.LBB2_2:
0x29: {  	p0 =	sne.s32 s11, $0x9E00;
	[tilespmem:s10+$0x870] =	vst v0  }
0x2a: {  	[tilespmem:s10+$0x800] =	vst v0  }
0x2b: {  	[tilespmem:s10+$0x810] =	vst v0  }
.Ltmp0:
0x2c: {  	[tilespmem:s10+$0x820] =	vst v0;
	(pc) =	sbr.rel @p0 .LBB2_2-.Ltmp0, $4  }
0x2d: {  	[tilespmem:s10+$0x830] =	vst v0  }
0x2e: {  	[tilespmem:s10+$0x840] =	vst v0  }
0x2f: {  	[tilespmem:s10+$0x850] =	vst v0  }
0x30: {  	[tilespmem:s10+$0x860] =	vst v0;
	s10 =	sshra.s32 s11, $0x2;
	s11 =	sadd.s32 $0x200, s11  }
0x31: {  	[tilespmem:s10+$0x870] =	vst v0  }
0x32: {  	[tilespmem:s10+$0x800] =	vst v0  }
0x33: {  	[tilespmem:s10+$0x810] =	vst v0  }
0x34: {  	[tilespmem:s10+$0x820] =	vst v0  }
0x35: {  	[tilespmem:s10+$0x830] =	vst v0  }
0x36: {  	[tilespmem:s10+$0x840] =	vst v0  }
0x37: {  	[tilespmem:s10+$0x850] =	vst v0  }
0x38: {  	[tilespmem:s10+$0x860] =	vst v0;
	s9 =	rddreg [dreg:$0x7]  }
0x39: {  	[spmem:s9] =	stream.linear.scatter [tilespmem:s22], [sflag:$0x5], $0x2800, $0x38;
	[tilespmem:$0x1E800] =	vst v63  }
0x3a: {  	_ =	swait.ge [sflag:s23], $0x2800  }
0x3b: {  	[sflag:s23] =	ssyncset.done $0x0  }
0x3c: {  	s12 =	rddreg [dreg:$0x8];
	[sflag:s23] =	ssyncadd.s32 $0xFFFFD800  }
0x3d: {  	[spmem:s12] =	stream.linear.scatter [tilespmem:s22], [sflag:$0x5], $0x2800, $0x38;
	[tilespmem:$0x1E800] =	vst v63  }
0x3e: {  	_ =	swait.ge [sflag:s23], $0x2800  }
0x3f: {  	[sflag:s23] =	ssyncset.done $0x0  }
0x40: {  	s10 =	rddreg [dreg:$0x9];
	[sflag:s23] =	ssyncadd.s32 $0xFFFFD800  }
0x41: {  	[spmem:s10] =	stream.linear.scatter [tilespmem:s22], [sflag:$0x5], $0x2800, $0x38;
	[tilespmem:$0x1E800] =	vst v63  }
0x42: {  	_ =	swait.ge [sflag:s23], $0x2800  }
0x43: {  	[sflag:s23] =	ssyncset.done $0x0  }
0x44: {  	s11 =	rddreg [dreg:$0xa];
	[sflag:s23] =	ssyncadd.s32 $0xFFFFD800  }
0x45: {  	[spmem:s11] =	stream.linear.scatter [tilespmem:s22], [sflag:$0x5], $0x2800, $0x38;
	[tilespmem:$0x1E800] =	vst v63  }
0x46: {  	_ =	swait.ge [sflag:s23], $0x2800  }
0x47: {  	[sflag:s23] =	ssyncset.done $0x0  }
0x48: {  	s12 =	rddreg [dreg:$0xb];
	[sflag:s23] =	ssyncadd.s32 $0xFFFFD800  }
0x49: {  	[spmem:s12] =	stream.linear.scatter [tilespmem:s22], [sflag:$0x5], $0x2800, $0x38;
	[tilespmem:$0x1E800] =	vst v63  }
0x4a: {  	_ =	swait.ge [sflag:s23], $0x2800  }
0x4b: {  	[sflag:s23] =	ssyncset.done $0x0  }
0x4c: {  	s10 =	rddreg [dreg:$0xc];
	[sflag:s23] =	ssyncadd.s32 $0xFFFFD800  }
0x4d: {  	[spmem:s10] =	stream.linear.scatter [tilespmem:s22], [sflag:$0x5], $0x2800, $0x38;
	[tilespmem:$0x1E800] =	vst v63  }
0x4e: {  	_ =	swait.ge [sflag:s23], $0x2800  }
0x4f: {  	[sflag:s23] =	ssyncset.done $0x0  }
0x50: {  	s11 =	rddreg [dreg:$0xd];
	[sflag:s23] =	ssyncadd.s32 $0xFFFFD800  }
0x51: {  	[spmem:s11] =	stream.linear.scatter [tilespmem:s22], [sflag:$0x5], $0x2800, $0x38;
	[tilespmem:$0x1E800] =	vst v63  }
0x52: {  	_ =	swait.ge [sflag:s23], $0x2800  }
0x53: {  	[sflag:s23] =	ssyncset.done $0x0  }
0x54: {  	s12 =	rddreg [dreg:$0xe];
	[sflag:s23] =	ssyncadd.s32 $0xFFFFD800  }
0x55: {  	[spmem:s12] =	stream.linear.scatter [tilespmem:s22], [sflag:$0x5], $0x2800, $0x38;
	[tilespmem:$0x1E800] =	vst v63  }
0x56: {  	_ =	swait.ge [sflag:s23], $0x2800  }
0x57: {  	[sflag:s23] =	ssyncset.done $0x0  }
0x58: {  	[sflag:s23] =	ssyncadd.s32 $0xFFFFD800  }
0x59: {  	[bflag:$0x0] =	sbarrier.arrive $0xFFFF  }
0x5a: {  	s9 =	rddreg [dreg:$0x5]  }
0x5b: {  	s10 =	sadd.s32 $0x0, s9  }
0x5c: {  	[tilespmem:s3], [sflag:$0x5] =	stream.linear.gather [hbm4b:s10+s3], $0x400, $0x38;
	[tilespmem:$0x1E800] =	vst v63  }
0x5d: {  	_ =	swait.ge [sflag:s23], $0x400  }
0x5e: {  	s11 =	rddreg [dreg:$0x4];
	[sflag:s23] =	ssyncset.done $0x0  }
0x5f: {  	[sflag:s23] =	ssyncadd.s32 $0xFFFFFC00;
	s10 =	sadd.s32 $0x0, s11  }
0x60: {  	[tilespmem:s24], [sflag:$0x5] =	stream.linear.gather [hbm4b:s10+s3], $0x400, $0x38;
	[tilespmem:$0x1E800] =	vst v63  }
0x61: {  	_ =	swait.ge [sflag:s23], $0x400  }
0x62: {  	[sflag:s23] =	ssyncset.done $0x0  }
0x63: {  	[sflag:s23] =	ssyncadd.s32 $0xFFFFFC00  }
0x64: {  	[tilespmem:s22], [sflag:$0x1] =	stream.indirect.gather [hbm4b:s4+s25], $0x80, s24, s25, $0xb8;
	[tilespmem:$0x1E800] =	vst v63  }
0x65: {  	s12 =	rddreg [dreg:$0x6]  }
0x66: {  	[tilespmem:s26], [sflag:$0x2] =	stream.indirect.gather [hbm4b:s4+s25], $0x80, s12, s25, $0xb8;
	[tilespmem:$0x1E800] =	vst v63  }
0x67: {  	_ = 	snop  }
0x68: {  	[tilespmem:s29], [sflag:$0x3] =	stream.indirect.gather [hbm4b:s4+s25], $0x80, s28, s25, $0xb8;
	[tilespmem:$0x1E800] =	vst v63  }
0x69: {  	_ =	swait.ge [sflag:s30], $0x2800  }
0x6a: {  	[sflag:s30] =	ssyncset.done $0x0  }
0x6b: {  	[sflag:s30] =	ssyncadd.s32 $0xFFFFD800  }
0x6c: {  	[tilespmem:s0], [sflag:$0x4] =	stream.indirect.gather [hbm4b:s4+s25], $0x80, s31, s25, $0xb8;
	[tilespmem:$0x1E800] =	vst v63  }
0x6d: {  	_ = 	snop  }
0x6e: {  	[spmem:s1] =	stream.indirect.scatter.add.f32 [tilespmem:s22], [sflag:$0x5], $0x80, s3, s25, $0xb8;
	[tilespmem:$0x1E800] =	vst v63  }
0x6f: {  	_ =	swait.ge [sflag:s23], $0x2800  }
0x70: {  	[sflag:s23] =	ssyncset.done $0x0  }
0x71: {  	[sflag:s23] =	ssyncadd.s32 $0xFFFFD800  }
0x72: {  	_ =	swait.ge [sflag:s2], $0x2800  }
0x73: {  	[sflag:s2] =	ssyncset.done $0x0  }
0x74: {  	[sflag:s2] =	ssyncadd.s32 $0xFFFFD800  }
0x75: {  	[tilespmem:s22], [sflag:$0x1] =	stream.indirect.gather [hbm4b:s4+s25], $0x80, s13, s25, $0xb8;
	[tilespmem:$0x1E800] =	vst v63  }
0x76: {  	_ = 	snop  }
0x77: {  	[spmem:s1] =	stream.indirect.scatter.add.f32 [tilespmem:s26], [sflag:$0x5], $0x80, s14, s25, $0xb8;
	[tilespmem:$0x1E800] =	vst v63  }
0x78: {  	_ =	swait.ge [sflag:s23], $0x2800  }
0x79: {  	[sflag:s23] =	ssyncset.done $0x0  }
0x7a: {  	[sflag:s23] =	ssyncadd.s32 $0xFFFFD800  }
0x7b: {  	_ =	swait.ge [sflag:s15], $0x2800  }
0x7c: {  	[sflag:s15] =	ssyncset.done $0x0  }
0x7d: {  	[sflag:s15] =	ssyncadd.s32 $0xFFFFD800  }
0x7e: {  	[tilespmem:s26], [sflag:$0x2] =	stream.indirect.gather [hbm4b:s4+s25], $0x80, s16, s25, $0xb8;
	[tilespmem:$0x1E800] =	vst v63  }
0x7f: {  	_ = 	snop  }
0x80: {  	[spmem:s1] =	stream.indirect.scatter.add.f32 [tilespmem:s29], [sflag:$0x5], $0x80, s17, s25, $0xb8;
	[tilespmem:$0x1E800] =	vst v63  }
0x81: {  	_ =	swait.ge [sflag:s23], $0x2800  }
0x82: {  	[sflag:s23] =	ssyncset.done $0x0  }
0x83: {  	[sflag:s23] =	ssyncadd.s32 $0xFFFFD800  }
0x84: {  	_ =	swait.ge [sflag:s18], $0x2800  }
0x85: {  	[sflag:s18] =	ssyncset.done $0x0  }
0x86: {  	[sflag:s18] =	ssyncadd.s32 $0xFFFFD800  }
0x87: {  	[tilespmem:s29], [sflag:$0x3] =	stream.indirect.gather [hbm4b:s4+s25], $0x80, s19, s25, $0xb8;
	[tilespmem:$0x1E800] =	vst v63  }
0x88: {  	_ = 	snop  }
0x89: {  	[spmem:s1] =	stream.indirect.scatter.add.f32 [tilespmem:s0], [sflag:$0x5], $0x80, s20, s25, $0xb8;
	[tilespmem:$0x1E800] =	vst v63  }
0x8a: {  	_ =	swait.ge [sflag:s23], $0x2800  }
0x8b: {  	[sflag:s23] =	ssyncset.done $0x0  }
0x8c: {  	[sflag:s23] =	ssyncadd.s32 $0xFFFFD800  }
0x8d: {  	_ =	swait.ge [sflag:s30], $0x2800  }
0x8e: {  	[sflag:s30] =	ssyncset.done $0x0  }
0x8f: {  	[sflag:s30] =	ssyncadd.s32 $0xFFFFD800  }
0x90: {  	[tilespmem:s0], [sflag:$0x4] =	stream.indirect.gather [hbm4b:s4+s25], $0x80, s21, s25, $0xb8;
	[tilespmem:$0x1E800] =	vst v63  }
0x91: {  	_ = 	snop  }
0x92: {  	[spmem:s1] =	stream.indirect.scatter.add.f32 [tilespmem:s22], [sflag:$0x5], $0x80, s5, s25, $0xb8;
	[tilespmem:$0x1E800] =	vst v63  }
0x93: {  	_ =	swait.ge [sflag:s23], $0x2800  }
0x94: {  	[sflag:s23] =	ssyncset.done $0x0  }
0x95: {  	[sflag:s23] =	ssyncadd.s32 $0xFFFFD800  }
0x96: {  	_ =	swait.ge [sflag:s2], $0x2800  }
0x97: {  	[sflag:s2] =	ssyncset.done $0x0  }
0x98: {  	[sflag:s2] =	ssyncadd.s32 $0xFFFFD800  }
0x99: {  	[spmem:s1] =	stream.indirect.scatter.add.f32 [tilespmem:s26], [sflag:$0x5], $0x80, s6, s25, $0xb8;
	[tilespmem:$0x1E800] =	vst v63  }
0x9a: {  	_ =	swait.ge [sflag:s23], $0x2800  }
0x9b: {  	[sflag:s23] =	ssyncset.done $0x0  }
0x9c: {  	[sflag:s23] =	ssyncadd.s32 $0xFFFFD800  }
0x9d: {  	_ =	swait.ge [sflag:s15], $0x2800  }
0x9e: {  	[sflag:s15] =	ssyncset.done $0x0  }
0x9f: {  	[sflag:s15] =	ssyncadd.s32 $0xFFFFD800  }
0xa0: {  	[spmem:s1] =	stream.indirect.scatter.add.f32 [tilespmem:s29], [sflag:$0x5], $0x80, s7, s25, $0xb8;
	[tilespmem:$0x1E800] =	vst v63  }
0xa1: {  	_ =	swait.ge [sflag:s23], $0x2800  }
0xa2: {  	[sflag:s23] =	ssyncset.done $0x0  }
0xa3: {  	[sflag:s23] =	ssyncadd.s32 $0xFFFFD800  }
0xa4: {  	_ =	swait.ge [sflag:s18], $0x2800  }
0xa5: {  	[sflag:s18] =	ssyncset.done $0x0  }
0xa6: {  	[sflag:s18] =	ssyncadd.s32 $0xFFFFD800  }
0xa7: {  	[spmem:s1] =	stream.indirect.scatter.add.f32 [tilespmem:s0], [sflag:$0x5], $0x80, s8, s25, $0xb8;
	[tilespmem:$0x1E800] =	vst v63  }
0xa8: {  	s11 =	simm.s32 $0x100;
	_ =	swait.ge [sflag:s23], $0x2800  }
0xa9: {  	s10 =	simm.s32 $0x80;
	s12 =	rddreg [dreg:$0x5];
	[sflag:s23] =	ssyncset.done $0x0  }
.LBB2_4:
0xaa: {  	[sflag:s23] =	ssyncadd.s32 $0xFFFFD800;
	s12 =	sadd.s32 s10, s12  }
0xab: {  	[tilespmem:s3], [sflag:$0x5] =	stream.linear.gather [hbm4b:s12+s3], $0x400, $0x38;
	[tilespmem:$0x1E800] =	vst v63  }
0xac: {  	_ =	swait.ge [sflag:s23], $0x400  }
0xad: {  	s12 =	rddreg [dreg:$0x4];
	[sflag:s23] =	ssyncset.done $0x0  }
0xae: {  	[sflag:s23] =	ssyncadd.s32 $0xFFFFFC00;
	s12 =	sadd.s32 s10, s12  }
0xaf: {  	[tilespmem:s24], [sflag:$0x5] =	stream.linear.gather [hbm4b:s12+s3], $0x400, $0x38;
	[tilespmem:$0x1E800] =	vst v63  }
0xb0: {  	_ =	swait.ge [sflag:s23], $0x400  }
0xb1: {  	[sflag:s23] =	ssyncset.done $0x0  }
0xb2: {  	[sflag:s23] =	ssyncadd.s32 $0xFFFFFC00  }
0xb3: {  	[tilespmem:s22], [sflag:$0x1] =	stream.indirect.gather [hbm4b:s4+s25], $0x80, s24, s25, $0xb8;
	[tilespmem:$0x1E800] =	vst v63  }
0xb4: {  	s12 =	rddreg [dreg:$0x6]  }
0xb5: {  	[tilespmem:s26], [sflag:$0x2] =	stream.indirect.gather [hbm4b:s4+s25], $0x80, s12, s25, $0xb8;
	[tilespmem:$0x1E800] =	vst v63  }
0xb6: {  	_ = 	snop  }
0xb7: {  	[tilespmem:s29], [sflag:$0x3] =	stream.indirect.gather [hbm4b:s4+s25], $0x80, s28, s25, $0xb8;
	[tilespmem:$0x1E800] =	vst v63  }
0xb8: {  	_ =	swait.ge [sflag:s30], $0x2800  }
0xb9: {  	[sflag:s30] =	ssyncset.done $0x0  }
0xba: {  	[sflag:s30] =	ssyncadd.s32 $0xFFFFD800  }
0xbb: {  	[tilespmem:s0], [sflag:$0x4] =	stream.indirect.gather [hbm4b:s4+s25], $0x80, s31, s25, $0xb8;
	[tilespmem:$0x1E800] =	vst v63  }
0xbc: {  	_ = 	snop  }
0xbd: {  	[spmem:s1] =	stream.indirect.scatter.add.f32 [tilespmem:s22], [sflag:$0x5], $0x80, s3, s25, $0xb8;
	[tilespmem:$0x1E800] =	vst v63  }
0xbe: {  	_ =	swait.ge [sflag:s23], $0x2800  }
0xbf: {  	[sflag:s23] =	ssyncset.done $0x0  }
0xc0: {  	[sflag:s23] =	ssyncadd.s32 $0xFFFFD800  }
0xc1: {  	_ =	swait.ge [sflag:s2], $0x2800  }
0xc2: {  	[sflag:s2] =	ssyncset.done $0x0  }
0xc3: {  	[sflag:s2] =	ssyncadd.s32 $0xFFFFD800  }
0xc4: {  	[tilespmem:s22], [sflag:$0x1] =	stream.indirect.gather [hbm4b:s4+s25], $0x80, s13, s25, $0xb8;
	[tilespmem:$0x1E800] =	vst v63  }
0xc5: {  	_ = 	snop  }
0xc6: {  	[spmem:s1] =	stream.indirect.scatter.add.f32 [tilespmem:s26], [sflag:$0x5], $0x80, s14, s25, $0xb8;
	[tilespmem:$0x1E800] =	vst v63  }
0xc7: {  	_ =	swait.ge [sflag:s23], $0x2800  }
0xc8: {  	[sflag:s23] =	ssyncset.done $0x0  }
0xc9: {  	[sflag:s23] =	ssyncadd.s32 $0xFFFFD800  }
0xca: {  	_ =	swait.ge [sflag:s15], $0x2800  }
0xcb: {  	[sflag:s15] =	ssyncset.done $0x0  }
0xcc: {  	[sflag:s15] =	ssyncadd.s32 $0xFFFFD800  }
0xcd: {  	[tilespmem:s26], [sflag:$0x2] =	stream.indirect.gather [hbm4b:s4+s25], $0x80, s16, s25, $0xb8;
	[tilespmem:$0x1E800] =	vst v63  }
0xce: {  	_ = 	snop  }
0xcf: {  	[spmem:s1] =	stream.indirect.scatter.add.f32 [tilespmem:s29], [sflag:$0x5], $0x80, s17, s25, $0xb8;
	[tilespmem:$0x1E800] =	vst v63  }
0xd0: {  	_ =	swait.ge [sflag:s23], $0x2800  }
0xd1: {  	[sflag:s23] =	ssyncset.done $0x0  }
0xd2: {  	[sflag:s23] =	ssyncadd.s32 $0xFFFFD800  }
0xd3: {  	_ =	swait.ge [sflag:s18], $0x2800  }
0xd4: {  	[sflag:s18] =	ssyncset.done $0x0  }
0xd5: {  	[sflag:s18] =	ssyncadd.s32 $0xFFFFD800  }
0xd6: {  	[tilespmem:s29], [sflag:$0x3] =	stream.indirect.gather [hbm4b:s4+s25], $0x80, s19, s25, $0xb8;
	[tilespmem:$0x1E800] =	vst v63  }
0xd7: {  	_ = 	snop  }
0xd8: {  	[spmem:s1] =	stream.indirect.scatter.add.f32 [tilespmem:s0], [sflag:$0x5], $0x80, s20, s25, $0xb8;
	[tilespmem:$0x1E800] =	vst v63  }
0xd9: {  	_ =	swait.ge [sflag:s23], $0x2800  }
0xda: {  	[sflag:s23] =	ssyncset.done $0x0  }
0xdb: {  	[sflag:s23] =	ssyncadd.s32 $0xFFFFD800  }
0xdc: {  	_ =	swait.ge [sflag:s30], $0x2800  }
0xdd: {  	[sflag:s30] =	ssyncset.done $0x0  }
0xde: {  	[sflag:s30] =	ssyncadd.s32 $0xFFFFD800  }
0xdf: {  	[tilespmem:s0], [sflag:$0x4] =	stream.indirect.gather [hbm4b:s4+s25], $0x80, s21, s25, $0xb8;
	[tilespmem:$0x1E800] =	vst v63  }
0xe0: {  	_ = 	snop  }
0xe1: {  	[spmem:s1] =	stream.indirect.scatter.add.f32 [tilespmem:s22], [sflag:$0x5], $0x80, s5, s25, $0xb8;
	[tilespmem:$0x1E800] =	vst v63  }
0xe2: {  	_ =	swait.ge [sflag:s23], $0x2800  }
0xe3: {  	[sflag:s23] =	ssyncset.done $0x0  }
0xe4: {  	[sflag:s23] =	ssyncadd.s32 $0xFFFFD800  }
0xe5: {  	_ =	swait.ge [sflag:s2], $0x2800  }
0xe6: {  	[sflag:s2] =	ssyncset.done $0x0  }
0xe7: {  	[sflag:s2] =	ssyncadd.s32 $0xFFFFD800  }
0xe8: {  	[spmem:s1] =	stream.indirect.scatter.add.f32 [tilespmem:s26], [sflag:$0x5], $0x80, s6, s25, $0xb8;
	[tilespmem:$0x1E800] =	vst v63  }
0xe9: {  	_ =	swait.ge [sflag:s23], $0x2800  }
0xea: {  	[sflag:s23] =	ssyncset.done $0x0  }
0xeb: {  	[sflag:s23] =	ssyncadd.s32 $0xFFFFD800  }
0xec: {  	_ =	swait.ge [sflag:s15], $0x2800  }
0xed: {  	[sflag:s15] =	ssyncset.done $0x0  }
0xee: {  	[sflag:s15] =	ssyncadd.s32 $0xFFFFD800  }
0xef: {  	[spmem:s1] =	stream.indirect.scatter.add.f32 [tilespmem:s29], [sflag:$0x5], $0x80, s7, s25, $0xb8;
	[tilespmem:$0x1E800] =	vst v63  }
0xf0: {  	_ =	swait.ge [sflag:s23], $0x2800  }
0xf1: {  	[sflag:s23] =	ssyncset.done $0x0  }
0xf2: {  	[sflag:s23] =	ssyncadd.s32 $0xFFFFD800  }
0xf3: {  	p0 =	sne.s32 s11, $0x780;
	_ =	swait.ge [sflag:s18], $0x2800  }
.Ltmp1:
0xf4: {  	[sflag:s18] =	ssyncset.done $0x0;
	(pc) =	sbr.rel @p0 .LBB2_4-.Ltmp1, $4  }
0xf5: {  	[sflag:s18] =	ssyncadd.s32 $0xFFFFD800  }
0xf6: {  	[spmem:s1] =	stream.indirect.scatter.add.f32 [tilespmem:s0], [sflag:$0x5], $0x80, s8, s25, $0xb8;
	[tilespmem:$0x1E800] =	vst v63  }
0xf7: {  	s9 =	smov.u32 s11;
	s11 =	sadd.s32 $0x80, s11;
	_ =	swait.ge [sflag:s23], $0x2800  }
0xf8: {  	s10 =	smov.u32 s9;
	s12 =	rddreg [dreg:$0x5];
	[sflag:s23] =	ssyncset.done $0x0  }
0xf9: {  	[sflag:s23] =	ssyncadd.s32 $0xFFFFD800;
	s9 =	sadd.s32 s10, s12  }
0xfa: {  	[tilespmem:s3], [sflag:$0x5] =	stream.linear.gather [hbm4b:s9+s3], $0x400, $0x38;
	[tilespmem:$0x1E800] =	vst v63  }
0xfb: {  	_ =	swait.ge [sflag:s23], $0x400  }
0xfc: {  	s11 =	rddreg [dreg:$0x4];
	[sflag:s23] =	ssyncset.done $0x0  }
0xfd: {  	s9 =	sadd.s32 s10, s11;
	[sflag:s23] =	ssyncadd.s32 $0xFFFFFC00  }
0xfe: {  	[tilespmem:s24], [sflag:$0x5] =	stream.linear.gather [hbm4b:s9+s3], $0x400, $0x38;
	[tilespmem:$0x1E800] =	vst v63  }
0xff: {  	_ =	swait.ge [sflag:s23], $0x400  }
0x100: {  	[sflag:s23] =	ssyncset.done $0x0  }
0x101: {  	[sflag:s23] =	ssyncadd.s32 $0xFFFFFC00  }
0x102: {  	[tilespmem:s22], [sflag:$0x1] =	stream.indirect.gather [hbm4b:s4+s25], $0x80, s24, s25, $0xb8;
	[tilespmem:$0x1E800] =	vst v63  }
0x103: {  	s12 =	rddreg [dreg:$0x6]  }
0x104: {  	[tilespmem:s26], [sflag:$0x2] =	stream.indirect.gather [hbm4b:s4+s25], $0x80, s12, s25, $0xb8;
	[tilespmem:$0x1E800] =	vst v63  }
0x105: {  	_ = 	snop  }
0x106: {  	[tilespmem:s29], [sflag:$0x3] =	stream.indirect.gather [hbm4b:s4+s25], $0x80, s28, s25, $0xb8;
	[tilespmem:$0x1E800] =	vst v63  }
0x107: {  	_ =	swait.ge [sflag:s30], $0x2800  }
0x108: {  	[sflag:s30] =	ssyncset.done $0x0  }
0x109: {  	[sflag:s30] =	ssyncadd.s32 $0xFFFFD800  }
0x10a: {  	[tilespmem:s0], [sflag:$0x4] =	stream.indirect.gather [hbm4b:s4+s25], $0x80, s31, s25, $0xb8;
	[tilespmem:$0x1E800] =	vst v63  }
0x10b: {  	_ = 	snop  }
0x10c: {  	[spmem:s1] =	stream.indirect.scatter.add.f32 [tilespmem:s22], [sflag:$0x5], $0x80, s3, s25, $0xb8;
	[tilespmem:$0x1E800] =	vst v63  }
0x10d: {  	_ =	swait.ge [sflag:s23], $0x2800  }
0x10e: {  	[sflag:s23] =	ssyncset.done $0x0  }
0x10f: {  	[sflag:s23] =	ssyncadd.s32 $0xFFFFD800  }
0x110: {  	_ =	swait.ge [sflag:s2], $0x2800  }
0x111: {  	[sflag:s2] =	ssyncset.done $0x0  }
0x112: {  	[sflag:s2] =	ssyncadd.s32 $0xFFFFD800  }
0x113: {  	[tilespmem:s22], [sflag:$0x1] =	stream.indirect.gather [hbm4b:s4+s25], $0x80, s13, s25, $0xb8;
	[tilespmem:$0x1E800] =	vst v63  }
0x114: {  	_ = 	snop  }
0x115: {  	[spmem:s1] =	stream.indirect.scatter.add.f32 [tilespmem:s26], [sflag:$0x5], $0x80, s14, s25, $0xb8;
	[tilespmem:$0x1E800] =	vst v63  }
0x116: {  	_ =	swait.ge [sflag:s23], $0x2800  }
0x117: {  	[sflag:s23] =	ssyncset.done $0x0  }
0x118: {  	[sflag:s23] =	ssyncadd.s32 $0xFFFFD800  }
0x119: {  	_ =	swait.ge [sflag:s15], $0x2800  }
0x11a: {  	[sflag:s15] =	ssyncset.done $0x0  }
0x11b: {  	[sflag:s15] =	ssyncadd.s32 $0xFFFFD800  }
0x11c: {  	[tilespmem:s26], [sflag:$0x2] =	stream.indirect.gather [hbm4b:s4+s25], $0x80, s16, s25, $0xb8;
	[tilespmem:$0x1E800] =	vst v63  }
0x11d: {  	_ = 	snop  }
0x11e: {  	[spmem:s1] =	stream.indirect.scatter.add.f32 [tilespmem:s29], [sflag:$0x5], $0x80, s17, s25, $0xb8;
	[tilespmem:$0x1E800] =	vst v63  }
0x11f: {  	_ =	swait.ge [sflag:s23], $0x2800  }
0x120: {  	[sflag:s23] =	ssyncset.done $0x0  }
0x121: {  	[sflag:s23] =	ssyncadd.s32 $0xFFFFD800  }
0x122: {  	_ =	swait.ge [sflag:s18], $0x2800  }
0x123: {  	[sflag:s18] =	ssyncset.done $0x0  }
0x124: {  	[sflag:s18] =	ssyncadd.s32 $0xFFFFD800  }
0x125: {  	[tilespmem:s29], [sflag:$0x3] =	stream.indirect.gather [hbm4b:s4+s25], $0x80, s19, s25, $0xb8;
	[tilespmem:$0x1E800] =	vst v63  }
0x126: {  	_ = 	snop  }
0x127: {  	[spmem:s1] =	stream.indirect.scatter.add.f32 [tilespmem:s0], [sflag:$0x5], $0x80, s20, s25, $0xb8;
	[tilespmem:$0x1E800] =	vst v63  }
0x128: {  	_ =	swait.ge [sflag:s23], $0x2800  }
0x129: {  	[sflag:s23] =	ssyncset.done $0x0  }
0x12a: {  	[sflag:s23] =	ssyncadd.s32 $0xFFFFD800  }
0x12b: {  	_ =	swait.ge [sflag:s30], $0x2800  }
0x12c: {  	[sflag:s30] =	ssyncset.done $0x0  }
0x12d: {  	[sflag:s30] =	ssyncadd.s32 $0xFFFFD800  }
0x12e: {  	[tilespmem:s0], [sflag:$0x4] =	stream.indirect.gather [hbm4b:s4+s25], $0x80, s21, s25, $0xb8;
	[tilespmem:$0x1E800] =	vst v63  }
0x12f: {  	_ = 	snop  }
0x130: {  	[spmem:s1] =	stream.indirect.scatter.add.f32 [tilespmem:s22], [sflag:$0x5], $0x80, s5, s25, $0xb8;
	[tilespmem:$0x1E800] =	vst v63  }
0x131: {  	_ =	swait.ge [sflag:s23], $0x2800  }
0x132: {  	[sflag:s23] =	ssyncset.done $0x0  }
0x133: {  	[sflag:s23] =	ssyncadd.s32 $0xFFFFD800  }
0x134: {  	_ =	swait.ge [sflag:s2], $0x2800  }
0x135: {  	[sflag:s2] =	ssyncset.done $0x0  }
0x136: {  	[sflag:s2] =	ssyncadd.s32 $0xFFFFD800  }
0x137: {  	[spmem:s1] =	stream.indirect.scatter.add.f32 [tilespmem:s26], [sflag:$0x5], $0x80, s6, s25, $0xb8;
	[tilespmem:$0x1E800] =	vst v63  }
0x138: {  	_ =	swait.ge [sflag:s23], $0x2800  }
0x139: {  	[sflag:s23] =	ssyncset.done $0x0  }
0x13a: {  	[sflag:s23] =	ssyncadd.s32 $0xFFFFD800  }
0x13b: {  	_ =	swait.ge [sflag:s15], $0x2800  }
0x13c: {  	[sflag:s15] =	ssyncset.done $0x0  }
0x13d: {  	[sflag:s15] =	ssyncadd.s32 $0xFFFFD800  }
0x13e: {  	[spmem:s1] =	stream.indirect.scatter.add.f32 [tilespmem:s29], [sflag:$0x5], $0x80, s7, s25, $0xb8;
	[tilespmem:$0x1E800] =	vst v63  }
0x13f: {  	_ =	swait.ge [sflag:s23], $0x2800  }
0x140: {  	[sflag:s23] =	ssyncset.done $0x0  }
0x141: {  	[sflag:s23] =	ssyncadd.s32 $0xFFFFD800  }
0x142: {  	_ =	swait.ge [sflag:s18], $0x2800  }
0x143: {  	[sflag:s18] =	ssyncset.done $0x0  }
0x144: {  	[sflag:s18] =	ssyncadd.s32 $0xFFFFD800  }
0x145: {  	[spmem:s1] =	stream.indirect.scatter.add.f32 [tilespmem:s0], [sflag:$0x5], $0x80, s8, s25, $0xb8;
	[tilespmem:$0x1E800] =	vst v63  }
0x146: {  	_ =	swait.ge [sflag:s23], $0x2800  }
0x147: {  	[sflag:s23] =	ssyncset.done $0x0  }
0x148: {  	[sflag:s23] =	ssyncadd.s32 $0xFFFFD800  }
0x149: {  	[bflag:$0x0] =	sbarrier.arrive $0xFFFF  }
0x14a: {  	s10 =	rddreg [dreg:$0x7]  }
0x14b: {  	[tilespmem:s22], [sflag:$0x5] =	stream.linear.gather [spmem:s10], $0x2800, $0x38;
	[tilespmem:$0x1E800] =	vst v63  }
0x14c: {  	_ =	swait.ge [sflag:s23], $0x2800  }
0x14d: {  	[sflag:s23] =	ssyncset.done $0x0  }
0x14e: {  	s11 =	rddreg [dreg:$0xf];
	[sflag:s23] =	ssyncadd.s32 $0xFFFFD800  }
0x14f: {  	[hbm4b:s11+s3] =	stream.linear.scatter [tilespmem:s22], [sflag:$0x5], $0x2800, $0x38;
	[tilespmem:$0x1E800] =	vst v63  }
0x150: {  	_ =	swait.ge [sflag:s23], $0x2800  }
0x151: {  	[sflag:s23] =	ssyncset.done $0x0  }
0x152: {  	s12 =	rddreg [dreg:$0x8];
	[sflag:s23] =	ssyncadd.s32 $0xFFFFD800  }
0x153: {  	[tilespmem:s22], [sflag:$0x5] =	stream.linear.gather [spmem:s12], $0x2800, $0x38;
	[tilespmem:$0x1E800] =	vst v63  }
0x154: {  	_ =	swait.ge [sflag:s23], $0x2800  }
0x155: {  	[sflag:s23] =	ssyncset.done $0x0  }
0x156: {  	s10 =	rddreg [dreg:$0x10];
	[sflag:s23] =	ssyncadd.s32 $0xFFFFD800  }
0x157: {  	[hbm4b:s10+s3] =	stream.linear.scatter [tilespmem:s22], [sflag:$0x5], $0x2800, $0x38;
	[tilespmem:$0x1E800] =	vst v63  }
0x158: {  	_ =	swait.ge [sflag:s23], $0x2800  }
0x159: {  	[sflag:s23] =	ssyncset.done $0x0  }
0x15a: {  	s11 =	rddreg [dreg:$0x9];
	[sflag:s23] =	ssyncadd.s32 $0xFFFFD800  }
0x15b: {  	[tilespmem:s22], [sflag:$0x5] =	stream.linear.gather [spmem:s11], $0x2800, $0x38;
	[tilespmem:$0x1E800] =	vst v63  }
0x15c: {  	_ =	swait.ge [sflag:s23], $0x2800  }
0x15d: {  	[sflag:s23] =	ssyncset.done $0x0  }
0x15e: {  	s12 =	rddreg [dreg:$0x11];
	[sflag:s23] =	ssyncadd.s32 $0xFFFFD800  }
0x15f: {  	[hbm4b:s12+s3] =	stream.linear.scatter [tilespmem:s22], [sflag:$0x5], $0x2800, $0x38;
	[tilespmem:$0x1E800] =	vst v63  }
0x160: {  	_ =	swait.ge [sflag:s23], $0x2800  }
0x161: {  	[sflag:s23] =	ssyncset.done $0x0  }
0x162: {  	s10 =	rddreg [dreg:$0xa];
	[sflag:s23] =	ssyncadd.s32 $0xFFFFD800  }
0x163: {  	[tilespmem:s22], [sflag:$0x5] =	stream.linear.gather [spmem:s10], $0x2800, $0x38;
	[tilespmem:$0x1E800] =	vst v63  }
0x164: {  	_ =	swait.ge [sflag:s23], $0x2800  }
0x165: {  	[sflag:s23] =	ssyncset.done $0x0  }
0x166: {  	s11 =	rddreg [dreg:$0x12];
	[sflag:s23] =	ssyncadd.s32 $0xFFFFD800  }
0x167: {  	[hbm4b:s11+s3] =	stream.linear.scatter [tilespmem:s22], [sflag:$0x5], $0x2800, $0x38;
	[tilespmem:$0x1E800] =	vst v63  }
0x168: {  	_ =	swait.ge [sflag:s23], $0x2800  }
0x169: {  	[sflag:s23] =	ssyncset.done $0x0  }
0x16a: {  	s12 =	rddreg [dreg:$0xb];
	[sflag:s23] =	ssyncadd.s32 $0xFFFFD800  }
0x16b: {  	[tilespmem:s22], [sflag:$0x5] =	stream.linear.gather [spmem:s12], $0x2800, $0x38;
	[tilespmem:$0x1E800] =	vst v63  }
0x16c: {  	_ =	swait.ge [sflag:s23], $0x2800  }
0x16d: {  	[sflag:s23] =	ssyncset.done $0x0  }
0x16e: {  	s10 =	rddreg [dreg:$0x13];
	[sflag:s23] =	ssyncadd.s32 $0xFFFFD800  }
0x16f: {  	[hbm4b:s10+s3] =	stream.linear.scatter [tilespmem:s22], [sflag:$0x5], $0x2800, $0x38;
	[tilespmem:$0x1E800] =	vst v63  }
0x170: {  	_ =	swait.ge [sflag:s23], $0x2800  }
0x171: {  	[sflag:s23] =	ssyncset.done $0x0  }
0x172: {  	s11 =	rddreg [dreg:$0xc];
	[sflag:s23] =	ssyncadd.s32 $0xFFFFD800  }
0x173: {  	[tilespmem:s22], [sflag:$0x5] =	stream.linear.gather [spmem:s11], $0x2800, $0x38;
	[tilespmem:$0x1E800] =	vst v63  }
0x174: {  	_ =	swait.ge [sflag:s23], $0x2800  }
0x175: {  	[sflag:s23] =	ssyncset.done $0x0  }
0x176: {  	s12 =	rddreg [dreg:$0x14];
	[sflag:s23] =	ssyncadd.s32 $0xFFFFD800  }
0x177: {  	[hbm4b:s12+s3] =	stream.linear.scatter [tilespmem:s22], [sflag:$0x5], $0x2800, $0x38;
	[tilespmem:$0x1E800] =	vst v63  }
0x178: {  	_ =	swait.ge [sflag:s23], $0x2800  }
0x179: {  	[sflag:s23] =	ssyncset.done $0x0  }
0x17a: {  	s10 =	rddreg [dreg:$0xd];
	[sflag:s23] =	ssyncadd.s32 $0xFFFFD800  }
0x17b: {  	[tilespmem:s22], [sflag:$0x5] =	stream.linear.gather [spmem:s10], $0x2800, $0x38;
	[tilespmem:$0x1E800] =	vst v63  }
0x17c: {  	_ =	swait.ge [sflag:s23], $0x2800  }
0x17d: {  	[sflag:s23] =	ssyncset.done $0x0  }
0x17e: {  	s11 =	rddreg [dreg:$0x15];
	[sflag:s23] =	ssyncadd.s32 $0xFFFFD800  }
0x17f: {  	[hbm4b:s11+s3] =	stream.linear.scatter [tilespmem:s22], [sflag:$0x5], $0x2800, $0x38;
	[tilespmem:$0x1E800] =	vst v63  }
0x180: {  	_ =	swait.ge [sflag:s23], $0x2800  }
0x181: {  	[sflag:s23] =	ssyncset.done $0x0  }
0x182: {  	s12 =	rddreg [dreg:$0xe];
	[sflag:s23] =	ssyncadd.s32 $0xFFFFD800  }
0x183: {  	[tilespmem:s22], [sflag:$0x5] =	stream.linear.gather [spmem:s12], $0x2800, $0x38;
	[tilespmem:$0x1E800] =	vst v63  }
0x184: {  	_ =	swait.ge [sflag:s23], $0x2800  }
0x185: {  	[sflag:s23] =	ssyncset.done $0x0  }
0x186: {  	s10 =	rddreg [dreg:$0x16];
	[sflag:s23] =	ssyncadd.s32 $0xFFFFD800  }
0x187: {  	[hbm4b:s10+s3] =	stream.linear.scatter [tilespmem:s22], [sflag:$0x5], $0x2800, $0x38;
	[tilespmem:$0x1E800] =	vst v63  }
0x188: {  	_ =	swait.ge [sflag:s23], $0x2800  }
0x189: {  	s11 =	rddreg [dreg:$0x18]  }
0x18a: {  	s12 =	rddreg [dreg:$0x17];
	s10 =	sadd.s32 $0x1, s11  }
0x18b: {  	p0 =	sne.s32 s10, s12  }
.Ltmp2:
0x18c: {  	_ = 	snop;
	(pc) =	sbr.rel @p0 .LBB2_1-.Ltmp2, $3  }
0x18d: {  	_ =	sdelay $0x1  }
0x18e: {  	[sflag:s23] =	ssyncset.done $0x0  }
0x18f: {  	[sflag:s23] =	ssyncadd.s32 $0xFFFFD800  }
0x190: {  	_ =	sfence.sel $0x180000  }
0x191: {  	[bflag:$0x0] =	sbarrier.arrive $0xFFFF  }
0x192: {  	_ =	strace $0x90000047  }
0x193: {  	s0 =	stileid.u32;
	[bflag:$0x2] =	sbarrier.arrive $0xFFFF  }
0x194: {  	p0 =	sne.s32 s0, $0x0;
	s0 =	rddreg [dreg:$0x3]  }
0x195: {  	s0 =	sadd.s32 @!p0 $0x100000, s0  }
0x196: {  	[sflag:s0] =	ssyncadd.tile.s32 @!p0 $0x1;
	_ =	shalt  }
.Lfunc_end2:
_tile_overlayer_lowered:
.L_overlay_start_2:
0x197: {  	(tag) =	ssettag $0x2  }
0x198: {  	s0 =	rddreg [dreg:$0x0];
	s2 =	stileid.u32  }
0x199: {  	s1 =	rddreg [dreg:$0x1];
	p0 =	sne.s32 s2, $0x0  }
0x19a: {  	s3 =	rddreg [dreg:$0x2];
	[bflag:$0x3] =	sbarrier.arrive $0xFFFF;
	s2 =	simm.s32 @!p0 $0x1C05  }
0x19b: {  	[timem:s3], [sflag:s2] =	dma.local @!p0 [hbm:s0], s1  }
0x19c: {  	s0 =	simm.s32 @!p0 $0x5  }
0x19d: {  	_ =	swait.ge @!p0 [sflag:s0], s1  }
0x19e: {  	s1 =	ssub.s32 @!p0 $0x0, s1;
	[sflag:s0] =	ssyncset.done @!p0 $0x0  }
0x19f: {  	[sflag:s0] =	ssyncadd.s32 @!p0 s1  }
0x1a0: {  	[bflag:$0x3] =	sbarrier.arrive $0xFFFF  }
0x1a1: {  	_ =	shalt  }

// kernel: kernel.17.cloned.1.call-start
scs
__scs_entry_jumppad:
0x0: {  	(pc) =	sbr.rel $0x88, $3  }
0x1: {  	(tag) =	ssettag $0x0;
	lr =	simm.s32 $0x1  }
0x2: {  	[smem:$0x3F96] =	sst lr;
	_ =	strace $0xD0000000  }
0x3: {  	_ = 	snop  }
0x4: {  	_ = 	snop  }
0x5: {  	_ = 	snop  }
0x6: {  	_ = 	snop  }
0x7: {  	_ = 	snop  }
__scs_overlays_trampoline_lowered:
0x8: {  	[smem:$0x3FA5] =	sst s0  }
0x9: {  	[smem:$0x3FA6] =	sst s1  }
0xa: {  	[smem:$0x3FA7] =	sst s2  }
0xb: {  	[smem:$0x3FA8] =	sst s3  }
0xc: {  	[smem:$0x3FA9] =	sst s4  }
0xd: {  	[smem:$0x3FAA] =	sst s5  }
0xe: {  	[smem:$0x3FAB] =	sst s6  }
0xf: {  	[smem:$0x3FAC] =	sst s7  }
0x10: {  	[smem:$0x3FAD] =	sst s8  }
0x11: {  	[smem:$0x3FAE] =	sst s9;
	s0 =	simm.s32 @!p0 $0x0  }
0x12: {  	s1 =	sld [smem:$0x3F94];
	s0 =	simm.s32 @p0 $0x1  }
0x13: {  	[smem:$0x3FAF] =	sst s0;
	s0 =	simm.s32 @!p1 $0x0  }
0x14: {  	s2 =	sld [smem:$0x3F93];
	s0 =	simm.s32 @p1 $0x1  }
0x15: {  	[smem:$0x3FB0] =	sst s0;
	s0 =	simm.s32 @!p2 $0x0  }
0x16: {  	s3 =	sld [smem:$0x3FDB];
	s0 =	simm.s32 @p2 $0x1  }
0x17: {  	s4 =	simm.s32 $0x1BF5;
	[smem:$0x3FB2] =	sst s0  }
0x18: {  	s0 =	sld [smem:$0x3F95];
	_ =	swait.ge [sflag:s4], $0x0  }
0x19: {  	s7 =	sld [smem:$0x3F96]  }
0x1a: {  	s8 =	sadd.s32 $0xFFFFE003, lr  }
0x1b: {  	s9 =	sadd.s32 $0xFFFFFEF7, lr;
	s5 =	simm.s32 $0xFFFFFFFF;
	p2 =	slt.u32 s8, $0xFFFFF086  }
0x1c: {  	p1 =	slt.u32 s9, $0xF7A;
	s5 =	simm.s32 @!p2 $0x0  }
0x1d: {  	s5 =	simm.s32 @p1 $0x1;
	p0 =	seq.s32 s7, s2  }
0x1e: {  	s7 =	smul.u32 @!p0 $0xF7A, s2;
	p2 =	seq.s32 @!p0 s5, $0x0  }
0x1f: {  	s9 =	smul.u32 $0xF7A, s1;
	s8 =	simm.s32 @!p0 $0x1BF5;
	p2 =	por !p2, p0  }
0x20: {  	[sflag:s8] =	ssyncset.s32 @!p0 $0xFFFFF086;
	s6 =	sadd.s32 @!p0 s3, s7;
	s7 =	simm.s32 @!p0 $0x108  }
0x21: {  	s3 =	sadd.s32 s3, s9;
	s6 =	sadd.s32 @!p0 $0x88, s6;
	s7 =	simm.s32 @p2 $0x1082  }
0x22: {  	[simem:s7], [sflag:s8] =	dma.local @!p0 [hbm:s6], $0xF7A  }
0x23: {  	s9 =	sor.u32 $0xD0000000, s2;
	s6 =	simm.s32 $0x108;
	_ =	swait.ge @!p0 [sflag:s8], $0x0  }
0x24: {  	s3 =	sadd.s32 $0x88, s3;
	s6 =	simm.s32 @!p1 $0x1082;
	[sflag:s4] =	ssyncset.s32 $0xFFFFF086  }
0x25: {  	[simem:s6], [sflag:s4] =	dma.local [hbm:s3], $0xF7A  }
0x26: {  	[smem:$0x3F96] =	sst s1;
	(tag) =	ssettag s2;
	_ =	strace s9  }
0x27: {  	s1 =	sld [smem:$0x3FA6]  }
0x28: {  	s2 =	sld [smem:$0x3FA7]  }
0x29: {  	s4 =	sld [smem:$0x3FA9]  }
0x2a: {  	p0 =	seq.s32 s5, $0x0;
	s5 =	sld [smem:$0x3FAA]  }
0x2b: {  	s6 =	sld [smem:$0x3FAB]  }
0x2c: {  	s7 =	sld [smem:$0x3FAC]  }
0x2d: {  	s3 =	simm.s32 $0x108;
	s8 =	sld [smem:$0x3FAD]  }
0x2e: {  	s3 =	simm.s32 @!p0 $0x1082;
	s9 =	sld [smem:$0x3FAE]  }
0x2f: {  	lr =	sadd.s32 s0, s3;
	s0 =	sld [smem:$0x3FA5]  }
0x30: {  	s3 =	sld [smem:$0x3FA8]  }
0x31: {  	[smem:$0x3FB1] =	sst s10  }
0x32: {  	s10 =	sld [smem:$0x3FAF];
	_ =	sdelay $0x3  }
0x33: {  	p0 =	seq.s32 s10, $0x1;
	s10 =	sld [smem:$0x3FB1];
	_ =	sdelay $0x3  }
0x34: {  	[smem:$0x3FB1] =	sst s10  }
0x35: {  	s10 =	sld [smem:$0x3FB0];
	_ =	sdelay $0x3  }
0x36: {  	p1 =	seq.s32 s10, $0x1;
	s10 =	sld [smem:$0x3FB1];
	_ =	sdelay $0x3  }
0x37: {  	[smem:$0x3FB1] =	sst s10  }
0x38: {  	s10 =	sld [smem:$0x3FB2]  }
0x39: {  	_ = 	snop;
	(pc) =	sbr.ind lr, $3  }
0x3a: {  	_ = 	snop  }
0x3b: {  	_ = 	snop  }
0x3c: {  	p2 =	seq.s32 s10, $0x1;
	s10 =	sld [smem:$0x3FB1]  }
0x3d: {  	_ =	shalt  }
0x3e: {  	_ =	shalt  }
0x3f: {  	_ =	shalt  }
0x40: {  	_ =	shalt  }
0x41: {  	_ =	shalt  }
0x42: {  	_ =	shalt  }
0x43: {  	_ =	shalt  }
0x44: {  	_ =	shalt  }
0x45: {  	_ =	shalt  }
0x46: {  	_ =	shalt  }
0x47: {  	_ =	shalt  }
0x48: {  	_ =	shalt  }
0x49: {  	_ =	shalt  }
0x4a: {  	_ =	shalt  }
0x4b: {  	_ =	shalt  }
0x4c: {  	_ =	shalt  }
0x4d: {  	_ =	shalt  }
0x4e: {  	_ =	shalt  }
0x4f: {  	_ =	shalt  }
0x50: {  	_ =	shalt  }
0x51: {  	_ =	shalt  }
0x52: {  	_ =	shalt  }
0x53: {  	_ =	shalt  }
0x54: {  	_ =	shalt  }
0x55: {  	_ =	shalt  }
0x56: {  	_ =	shalt  }
0x57: {  	_ =	shalt  }
0x58: {  	_ =	shalt  }
0x59: {  	_ =	shalt  }
0x5a: {  	_ =	shalt  }
0x5b: {  	_ =	shalt  }
0x5c: {  	_ =	shalt  }
0x5d: {  	_ =	shalt  }
0x5e: {  	_ =	shalt  }
0x5f: {  	_ =	shalt  }
0x60: {  	_ =	shalt  }
0x61: {  	_ =	shalt  }
0x62: {  	_ =	shalt  }
0x63: {  	_ =	shalt  }
0x64: {  	_ =	shalt  }
0x65: {  	_ =	shalt  }
0x66: {  	_ =	shalt  }
0x67: {  	_ =	shalt  }
0x68: {  	_ =	shalt  }
0x69: {  	_ =	shalt  }
0x6a: {  	_ =	shalt  }
0x6b: {  	_ =	shalt  }
0x6c: {  	_ =	shalt  }
0x6d: {  	_ =	shalt  }
0x6e: {  	_ =	shalt  }
0x6f: {  	_ =	shalt  }
0x70: {  	_ =	shalt  }
0x71: {  	_ =	shalt  }
0x72: {  	_ =	shalt  }
0x73: {  	_ =	shalt  }
0x74: {  	_ =	shalt  }
0x75: {  	_ =	shalt  }
0x76: {  	_ =	shalt  }
0x77: {  	_ =	shalt  }
0x78: {  	_ =	shalt  }
0x79: {  	_ =	shalt  }
0x7a: {  	_ =	shalt  }
0x7b: {  	_ =	shalt  }
0x7c: {  	_ =	shalt  }
0x7d: {  	_ =	shalt  }
0x7e: {  	_ =	shalt  }
0x7f: {  	_ =	shalt  }
0x80: {  	_ =	shalt  }
0x81: {  	_ =	shalt  }
0x82: {  	_ =	shalt  }
0x83: {  	_ =	shalt  }
0x84: {  	_ =	shalt  }
0x85: {  	_ =	shalt  }
0x86: {  	_ =	shalt  }
0x87: {  	_ =	shalt  }
.Lfunc_end0:
.L_simem_size_0:
called_computation.2_lowered:
.L_overlay_start_0:
0x88: {  	s2 =	sld [smem:$0x3FD9]  }
0x89: {  	s3 =	sld [smem:$0x3FFE];
	_ =	sdelay $0x1  }
0x8a: {  	s1 =	srdreg.scid  }
0x8b: {  	s0 =	sand.u32 $0x1, s1  }
0x8c: {  	s17 =	sshll.u32 s0, $0xA;
	s2 =	sadd.s32 s3, s2  }
0x8d: {  	s2 =	sadd.s32 s2, s17  }
0x8e: {  	[smem:$0x3FBD] =	sst s2  }
0x8f: {  	_ = 	snop  }
0x90: {  	s2 =	sld [smem:$0x3FD0];
	(tm) =	ssettm $0x1  }
0x91: {  	s18 =	sld [smem:$0x3FFB];
	_ =	sdelay $0x3  }
0x92: {  	_ =	strace s18  }
0x93: {  	s3 =	sld [smem:$0x3FFC];
	_ =	sdelay $0x3  }
0x94: {  	_ =	strace s3  }
0x95: {  	s3 =	sld [smem:$0x3FFD];
	_ =	sdelay $0x3  }
0x96: {  	_ =	strace s3  }
0x97: {  	_ =	strace $0x8FFFFFFF  }
0x98: {  	s19 =	sld [smem:$0x3FDB];
	_ =	sdelay $0x1  }
0x99: {  	s4 =	simm.s32 $_scs_section_size  }
0x9a: {  	s5 =	simm.s32 $_size__tile_overlayer_lowered;
	s6 =	simm.s32 $_tile_overlayer_lowered  }
0x9b: {  	s22 =	simm.s32 $0x1BFF;
	s21 =	sshll.u32 s6, $0x1;
	s3 =	sadd.s32 s4, s19  }
0x9c: {  	s7 =	simm.s32 $0x0;
	s20 =	sshll.u32 s5, $0x1;
	s5 =	sadd.s32 s21, s3  }
0x9d: {  	[timem:s7], [sflag:s22] =	dma.local [hbm:s5], s20  }
0x9e: {  	_ =	swait.ge [sflag:s22], s20  }
0x9f: {  	s4 =	ssub.s32 $0x0, s20;
	[sflag:s22] =	ssyncset.done $0x0  }
0xa0: {  	[sflag:s22] =	ssyncadd.s32 s4;
	_ =	sdelay $0x1  }
0xa1: {  	s23 =	simm.s32 $0x1B8B  }
0xa2: {  	_ =	swait.ge [sflag:s23], $0x1  }
0xa3: {  	[sflag:s23] =	ssyncset.done $0x0  }
0xa4: {  	s25 =	simm.s32 $0x1B8E;
	s24 =	sld [smem:$0x3FFE];
	[sflag:s23] =	ssyncadd.s32 $0xFFFFFFFF  }
0xa5: {  	s26 =	simm.s32 $execute0_lowered;
	[smem:$0x3FD2] =	sst s25  }
0xa6: {  	s5 =	sshll.u32 s26, $0x1;
	_ =	strace $0x8000004C;
	[dreg:$0x1] =	wrdreg $0xFFFFFFFF  }
0xa7: {  	s28 =	simm.s32 $_size_execute0_lowered;
	s3 =	sadd.s32 s3, s5;
	[dreg:$0x0] =	wrdreg $0x0  }
0xa8: {  	s5 =	sshll.u32 s28, $0x1;
	[dreg:$0x2] =	wrdreg s3  }
0xa9: {  	[dreg:$0x3] =	wrdreg s5  }
0xaa: {  	[dreg:$0x4] =	wrdreg $0xC0  }
0xab: {  	_ =	task [dreg:s7], $0x5FFFF  }
0xac: {  	[dreg:$0x1] =	wrdreg $0xFFFFFFFF  }
0xad: {  	[dreg:$0x0] =	wrdreg $0x60  }
0xae: {  	[dreg:$0x2] =	wrdreg s24  }
0xaf: {  	[dreg:$0x3] =	wrdreg s2  }
0xb0: {  	[dreg:$0x4] =	wrdreg $0xA8000  }
0xb1: {  	[dreg:$0x5] =	wrdreg $0x9  }
0xb2: {  	_ =	task.clear_ibuf [dreg:s7], $0x6FFFF;
	_ =	strace $0x9000004C  }
0xb3: {  	s29 =	simm.s32 $0x9;
	_ =	strace $0x8000004E  }
0xb4: {  	_ =	swait.ge [sflag:s29], $0x1  }
0xb5: {  	[sflag:s29] =	ssyncadd.s32 $0xFFFFFFFF  }
0xb6: {  	_ =	strace $0x9000004E  }
0xb7: {  	_ =	sfence  }
0xb8: {  	s30 =	sld [smem:$0x0];
	_ =	sdelay $0x2  }
0xb9: {  	s31 =	sshll.u32 s1, $0xD;
	s1 =	sshrl.u32 s1, $0x2  }
0xba: {  	s3 =	sand.u32 $0x4000, s31;
	s1 =	sadd.s32 s1, s30  }
0xbb: {  	s0 =	sor.u32 s3, s0;
	s1 =	sshll.u32 s1, $0x11  }
0xbc: {  	s0 =	sor.u32 s1, s0  }
0xbd: {  	s0 =	sadd.s32 $0x8F2B, s0  }
0xbe: {  	[sflag:s0] =	ssyncadd.remote.s32 $0x1  }
0xbf: {  	_ =	sfence.sel $0xFFFF  }
0xc0: {  	[dreg:$0x0] =	wrdreg $0xFFFFFFFF;
	(pc) =	sbr.abs _section_cstart, $3  }
0xc1: {  	[dreg:$0x1] =	wrdreg $0xFFFFFFFF  }
0xc2: {  	_ =	task.clear_ibuf [dreg:s7], $0x2FFFF;
	_ =	strace $0x9FFFFFFF  }
0xc3: {  	(tm) =	ssettm $0x7FFFFFFF  }
tec
execute0_lowered:
.L_overlay_start_1:
0x0: {  	(tag) =	ssettag $0x1  }
0x1: {  	s0 =	rddreg [dreg:$0x0]  }
0x2: {  	s2 =	rddreg [dreg:$0x1]  }
0x3: {  	s1 =	rddreg [dreg:$0x2]  }
0x4: {  	s3 =	simm.s32 $0x0;
	s4 =	srdreg.scid;
	s17 =	stileid.u32  }
0x5: {  	s28 =	simm.s32 $0x500;
	s29 =	simm.s32 $0x5800;
	s30 =	simm.s32 $0x1  }
0x6: {  	s31 =	simm.s32 $0x580;
	[smem:$0x7FF] =	sst s3;
	s6 =	smul.u32 $0x50000, s17  }
0x7: {  	s5 =	sand.u32 $0x1, s4;
	s4 =	sadd.s32 $0x14400, s0;
	s8 =	smul.u32 $0x14000, s17  }
0x8: {  	s26 =	sshll.u32 s17, $0xB;
	_ =	strace $0x8000004D;
	s7 =	sshll.u32 s5, $0xF  }
0x9: {  	s10 =	ssub.s32 $0x2, s5;
	s5 =	smul.u32 $0x140000, s5;
	s9 =	sadd.s32 s7, s0  }
0xa: {  	s0 =	sadd.s32 $0x3C400, s0;
	s11 =	sshrl.u32 s10, $0x1;
	s6 =	sshrl.u32 s6, $0x2  }
0xb: {  	s12 =	sor.u32 $0x2800, s8;
	s19 =	sadd.s32 $0x5000, s8;
	s20 =	sadd.s32 $0x7800, s8  }
0xc: {  	s13 =	sadd.s32 $0xA000, s8;
	s23 =	sadd.s32 $0xC800, s8;
	s15 =	sadd.s32 $0xF000, s8  }
0xd: {  	s25 =	sadd.s32 $0x11800, s8;
	s2 =	sadd.s32 s7, s2;
	s7 =	simm.s32 $0x300  }
0xe: {  	s10 =	ssub.s32 s10, s11;
	s6 =	sadd.s32 s6, s1;
	s18 =	sadd.s32 s12, s1  }
0xf: {  	s14 =	sadd.s32 s19, s1;
	s21 =	sadd.s32 s20, s1;
	[dreg:$0x7] =	wrdreg s6  }
0x10: {  	s22 =	sadd.s32 s13, s1;
	s16 =	sadd.s32 s23, s1;
	[dreg:$0x8] =	wrdreg s18  }
0x11: {  	s24 =	sadd.s32 s15, s1;
	s8 =	sadd.s32 s8, s5;
	[dreg:$0x9] =	wrdreg s14  }
0x12: {  	s12 =	sadd.s32 s5, s12;
	s11 =	sadd.s32 s5, s20;
	[dreg:$0xa] =	wrdreg s21  }
0x13: {  	s13 =	sadd.s32 s5, s13;
	s15 =	sadd.s32 s5, s15;
	[dreg:$0xb] =	wrdreg s22  }
0x14: {  	s9 =	sadd.s32 s26, s9;
	s2 =	sadd.s32 s26, s2;
	[dreg:$0xc] =	wrdreg s16  }
0x15: {  	s26 =	simm.s32 $0x480;
	[dreg:$0xd] =	wrdreg s24;
	s6 =	sadd.s32 s5, s19  }
0x16: {  	s14 =	sadd.s32 s5, s23;
	s5 =	sadd.s32 s5, s25;
	s16 =	sadd.s32 s25, s1  }
0x17: {  	s8 =	sshrl.u32 s8, $0x3;
	s12 =	sshrl.u32 s12, $0x3;
	s17 =	sshrl.u32 s11, $0x3  }
0x18: {  	s18 =	sshrl.u32 s13, $0x3;
	s22 =	sshrl.u32 s15, $0x3;
	[dreg:$0x5] =	wrdreg s2  }
0x19: {  	s24 =	sadd.s32 $0x4400, s9;
	s25 =	smax.u32 s10, $0x1;
	[dreg:$0x6] =	wrdreg s26  }
0x1a: {  	s26 =	simm.s32 $0x3000;
	s2 =	simm.s32 $0x2;
	s13 =	simm.s32 $0x600  }
0x1b: {  	s15 =	simm.s32 $0x3;
	s10 =	simm.s32 $0x0;
	[dreg:$0xe] =	wrdreg s16  }
0x1c: {  	s8 =	sadd.s32 s0, s8;
	s16 =	sadd.s32 s0, s12;
	s6 =	sshrl.u32 s6, $0x3  }
0x1d: {  	s19 =	sadd.s32 s0, s17;
	s20 =	sadd.s32 s0, s18;
	[dreg:$0x4] =	wrdreg s24  }
0x1e: {  	s21 =	sshrl.u32 s14, $0x3;
	s23 =	sadd.s32 s0, s22;
	[dreg:$0x17] =	wrdreg s25  }
0x1f: {  	s5 =	sshrl.u32 s5, $0x3;
	s22 =	simm.s32 $0x800;
	[dreg:$0xf] =	wrdreg s8  }
0x20: {  	s24 =	simm.s32 $0x400;
	s25 =	simm.s32 $0x50;
	[dreg:$0x10] =	wrdreg s16  }
0x21: {  	s14 =	simm.s32 $0x80;
	s17 =	simm.s32 $0x100;
	[dreg:$0x12] =	wrdreg s19  }
0x22: {  	s18 =	simm.s32 $0x4;
	s6 =	sadd.s32 s0, s6;
	[dreg:$0x13] =	wrdreg s20  }
0x23: {  	[dreg:$0x15] =	wrdreg s23;
	s23 =	simm.s32 $0x5;
	s16 =	simm.s32 $0x680  }
0x24: {  	s19 =	simm.s32 $0x700;
	s20 =	simm.s32 $0x180;
	s8 =	simm.s32 $0x380  }
0x25: {  	[dreg:$0x11] =	wrdreg s6;
	s6 =	sadd.s32 s0, s21;
	s0 =	sadd.s32 s0, s5  }
0x26: {  	s21 =	simm.s32 $0x780;
	s5 =	simm.s32 $0x200;
	[dreg:$0x14] =	wrdreg s6  }
0x27: {  	v0 =	vimm.f32 $0.0e+00;
	[dreg:$0x16] =	wrdreg s0;
	s0 =	simm.s32 $0x8000;
	s6 =	simm.s32 $0x280  }
.LBB2_1:
0x28: {  	[dreg:$0x18] =	wrdreg s10;
	s10 =	simm.s32 $0x0;
	s11 =	simm.s32 $0x200  }
.LBB2_2:
0x29: {  	p0 =	sne.s32 s11, $0x9E00;
	[tilespmem:s10+$0x870] =	vst v0  }
0x2a: {  	[tilespmem:s10+$0x800] =	vst v0  }
0x2b: {  	[tilespmem:s10+$0x810] =	vst v0  }
.Ltmp0:
0x2c: {  	[tilespmem:s10+$0x820] =	vst v0;
	(pc) =	sbr.rel @p0 .LBB2_2-.Ltmp0, $4  }
0x2d: {  	[tilespmem:s10+$0x830] =	vst v0  }
0x2e: {  	[tilespmem:s10+$0x840] =	vst v0  }
0x2f: {  	[tilespmem:s10+$0x850] =	vst v0  }
0x30: {  	[tilespmem:s10+$0x860] =	vst v0;
	s10 =	sshra.s32 s11, $0x2;
	s11 =	sadd.s32 $0x200, s11  }
0x31: {  	[tilespmem:s10+$0x870] =	vst v0  }
0x32: {  	[tilespmem:s10+$0x800] =	vst v0  }
0x33: {  	[tilespmem:s10+$0x810] =	vst v0  }
0x34: {  	[tilespmem:s10+$0x820] =	vst v0  }
0x35: {  	[tilespmem:s10+$0x830] =	vst v0  }
0x36: {  	[tilespmem:s10+$0x840] =	vst v0  }
0x37: {  	[tilespmem:s10+$0x850] =	vst v0  }
0x38: {  	[tilespmem:s10+$0x860] =	vst v0;
	s9 =	rddreg [dreg:$0x7]  }
0x39: {  	[spmem:s9] =	stream.linear.scatter [tilespmem:s22], [sflag:$0x5], $0x2800, $0x38;
	[tilespmem:$0x1E800] =	vst v63  }
0x3a: {  	_ =	swait.ge [sflag:s23], $0x2800  }
0x3b: {  	[sflag:s23] =	ssyncset.done $0x0  }
0x3c: {  	s12 =	rddreg [dreg:$0x8];
	[sflag:s23] =	ssyncadd.s32 $0xFFFFD800  }
0x3d: {  	[spmem:s12] =	stream.linear.scatter [tilespmem:s22], [sflag:$0x5], $0x2800, $0x38;
	[tilespmem:$0x1E800] =	vst v63  }
0x3e: {  	_ =	swait.ge [sflag:s23], $0x2800  }
0x3f: {  	[sflag:s23] =	ssyncset.done $0x0  }
0x40: {  	s10 =	rddreg [dreg:$0x9];
	[sflag:s23] =	ssyncadd.s32 $0xFFFFD800  }
0x41: {  	[spmem:s10] =	stream.linear.scatter [tilespmem:s22], [sflag:$0x5], $0x2800, $0x38;
	[tilespmem:$0x1E800] =	vst v63  }
0x42: {  	_ =	swait.ge [sflag:s23], $0x2800  }
0x43: {  	[sflag:s23] =	ssyncset.done $0x0  }
0x44: {  	s11 =	rddreg [dreg:$0xa];
	[sflag:s23] =	ssyncadd.s32 $0xFFFFD800  }
0x45: {  	[spmem:s11] =	stream.linear.scatter [tilespmem:s22], [sflag:$0x5], $0x2800, $0x38;
	[tilespmem:$0x1E800] =	vst v63  }
0x46: {  	_ =	swait.ge [sflag:s23], $0x2800  }
0x47: {  	[sflag:s23] =	ssyncset.done $0x0  }
0x48: {  	s12 =	rddreg [dreg:$0xb];
	[sflag:s23] =	ssyncadd.s32 $0xFFFFD800  }
0x49: {  	[spmem:s12] =	stream.linear.scatter [tilespmem:s22], [sflag:$0x5], $0x2800, $0x38;
	[tilespmem:$0x1E800] =	vst v63  }
0x4a: {  	_ =	swait.ge [sflag:s23], $0x2800  }
0x4b: {  	[sflag:s23] =	ssyncset.done $0x0  }
0x4c: {  	s10 =	rddreg [dreg:$0xc];
	[sflag:s23] =	ssyncadd.s32 $0xFFFFD800  }
0x4d: {  	[spmem:s10] =	stream.linear.scatter [tilespmem:s22], [sflag:$0x5], $0x2800, $0x38;
	[tilespmem:$0x1E800] =	vst v63  }
0x4e: {  	_ =	swait.ge [sflag:s23], $0x2800  }
0x4f: {  	[sflag:s23] =	ssyncset.done $0x0  }
0x50: {  	s11 =	rddreg [dreg:$0xd];
	[sflag:s23] =	ssyncadd.s32 $0xFFFFD800  }
0x51: {  	[spmem:s11] =	stream.linear.scatter [tilespmem:s22], [sflag:$0x5], $0x2800, $0x38;
	[tilespmem:$0x1E800] =	vst v63  }
0x52: {  	_ =	swait.ge [sflag:s23], $0x2800  }
0x53: {  	[sflag:s23] =	ssyncset.done $0x0  }
0x54: {  	s12 =	rddreg [dreg:$0xe];
	[sflag:s23] =	ssyncadd.s32 $0xFFFFD800  }
0x55: {  	[spmem:s12] =	stream.linear.scatter [tilespmem:s22], [sflag:$0x5], $0x2800, $0x38;
	[tilespmem:$0x1E800] =	vst v63  }
0x56: {  	_ =	swait.ge [sflag:s23], $0x2800  }
0x57: {  	[sflag:s23] =	ssyncset.done $0x0  }
0x58: {  	[sflag:s23] =	ssyncadd.s32 $0xFFFFD800  }
0x59: {  	[bflag:$0x0] =	sbarrier.arrive $0xFFFF  }
0x5a: {  	s9 =	rddreg [dreg:$0x5]  }
0x5b: {  	s10 =	sadd.s32 $0x0, s9  }
0x5c: {  	[tilespmem:s3], [sflag:$0x5] =	stream.linear.gather [hbm4b:s10+s3], $0x400, $0x38;
	[tilespmem:$0x1E800] =	vst v63  }
0x5d: {  	_ =	swait.ge [sflag:s23], $0x400  }
0x5e: {  	s11 =	rddreg [dreg:$0x4];
	[sflag:s23] =	ssyncset.done $0x0  }
0x5f: {  	[sflag:s23] =	ssyncadd.s32 $0xFFFFFC00;
	s10 =	sadd.s32 $0x0, s11  }
0x60: {  	[tilespmem:s24], [sflag:$0x5] =	stream.linear.gather [hbm4b:s10+s3], $0x400, $0x38;
	[tilespmem:$0x1E800] =	vst v63  }
0x61: {  	_ =	swait.ge [sflag:s23], $0x400  }
0x62: {  	[sflag:s23] =	ssyncset.done $0x0  }
0x63: {  	[sflag:s23] =	ssyncadd.s32 $0xFFFFFC00  }
0x64: {  	[tilespmem:s22], [sflag:$0x1] =	stream.indirect.gather [hbm4b:s4+s25], $0x80, s24, s25, $0xb8;
	[tilespmem:$0x1E800] =	vst v63  }
0x65: {  	s12 =	rddreg [dreg:$0x6]  }
0x66: {  	[tilespmem:s26], [sflag:$0x2] =	stream.indirect.gather [hbm4b:s4+s25], $0x80, s12, s25, $0xb8;
	[tilespmem:$0x1E800] =	vst v63  }
0x67: {  	_ = 	snop  }
0x68: {  	[tilespmem:s29], [sflag:$0x3] =	stream.indirect.gather [hbm4b:s4+s25], $0x80, s28, s25, $0xb8;
	[tilespmem:$0x1E800] =	vst v63  }
0x69: {  	_ =	swait.ge [sflag:s30], $0x2800  }
0x6a: {  	[sflag:s30] =	ssyncset.done $0x0  }
0x6b: {  	[sflag:s30] =	ssyncadd.s32 $0xFFFFD800  }
0x6c: {  	[tilespmem:s0], [sflag:$0x4] =	stream.indirect.gather [hbm4b:s4+s25], $0x80, s31, s25, $0xb8;
	[tilespmem:$0x1E800] =	vst v63  }
0x6d: {  	_ = 	snop  }
0x6e: {  	[spmem:s1] =	stream.indirect.scatter.add.f32 [tilespmem:s22], [sflag:$0x5], $0x80, s3, s25, $0xb8;
	[tilespmem:$0x1E800] =	vst v63  }
0x6f: {  	_ =	swait.ge [sflag:s23], $0x2800  }
0x70: {  	[sflag:s23] =	ssyncset.done $0x0  }
0x71: {  	[sflag:s23] =	ssyncadd.s32 $0xFFFFD800  }
0x72: {  	_ =	swait.ge [sflag:s2], $0x2800  }
0x73: {  	[sflag:s2] =	ssyncset.done $0x0  }
0x74: {  	[sflag:s2] =	ssyncadd.s32 $0xFFFFD800  }
0x75: {  	[tilespmem:s22], [sflag:$0x1] =	stream.indirect.gather [hbm4b:s4+s25], $0x80, s13, s25, $0xb8;
	[tilespmem:$0x1E800] =	vst v63  }
0x76: {  	_ = 	snop  }
0x77: {  	[spmem:s1] =	stream.indirect.scatter.add.f32 [tilespmem:s26], [sflag:$0x5], $0x80, s14, s25, $0xb8;
	[tilespmem:$0x1E800] =	vst v63  }
0x78: {  	_ =	swait.ge [sflag:s23], $0x2800  }
0x79: {  	[sflag:s23] =	ssyncset.done $0x0  }
0x7a: {  	[sflag:s23] =	ssyncadd.s32 $0xFFFFD800  }
0x7b: {  	_ =	swait.ge [sflag:s15], $0x2800  }
0x7c: {  	[sflag:s15] =	ssyncset.done $0x0  }
0x7d: {  	[sflag:s15] =	ssyncadd.s32 $0xFFFFD800  }
0x7e: {  	[tilespmem:s26], [sflag:$0x2] =	stream.indirect.gather [hbm4b:s4+s25], $0x80, s16, s25, $0xb8;
	[tilespmem:$0x1E800] =	vst v63  }
0x7f: {  	_ = 	snop  }
0x80: {  	[spmem:s1] =	stream.indirect.scatter.add.f32 [tilespmem:s29], [sflag:$0x5], $0x80, s17, s25, $0xb8;
	[tilespmem:$0x1E800] =	vst v63  }
0x81: {  	_ =	swait.ge [sflag:s23], $0x2800  }
0x82: {  	[sflag:s23] =	ssyncset.done $0x0  }
0x83: {  	[sflag:s23] =	ssyncadd.s32 $0xFFFFD800  }
0x84: {  	_ =	swait.ge [sflag:s18], $0x2800  }
0x85: {  	[sflag:s18] =	ssyncset.done $0x0  }
0x86: {  	[sflag:s18] =	ssyncadd.s32 $0xFFFFD800  }
0x87: {  	[tilespmem:s29], [sflag:$0x3] =	stream.indirect.gather [hbm4b:s4+s25], $0x80, s19, s25, $0xb8;
	[tilespmem:$0x1E800] =	vst v63  }
0x88: {  	_ = 	snop  }
0x89: {  	[spmem:s1] =	stream.indirect.scatter.add.f32 [tilespmem:s0], [sflag:$0x5], $0x80, s20, s25, $0xb8;
	[tilespmem:$0x1E800] =	vst v63  }
0x8a: {  	_ =	swait.ge [sflag:s23], $0x2800  }
0x8b: {  	[sflag:s23] =	ssyncset.done $0x0  }
0x8c: {  	[sflag:s23] =	ssyncadd.s32 $0xFFFFD800  }
0x8d: {  	_ =	swait.ge [sflag:s30], $0x2800  }
0x8e: {  	[sflag:s30] =	ssyncset.done $0x0  }
0x8f: {  	[sflag:s30] =	ssyncadd.s32 $0xFFFFD800  }
0x90: {  	[tilespmem:s0], [sflag:$0x4] =	stream.indirect.gather [hbm4b:s4+s25], $0x80, s21, s25, $0xb8;
	[tilespmem:$0x1E800] =	vst v63  }
0x91: {  	_ = 	snop  }
0x92: {  	[spmem:s1] =	stream.indirect.scatter.add.f32 [tilespmem:s22], [sflag:$0x5], $0x80, s5, s25, $0xb8;
	[tilespmem:$0x1E800] =	vst v63  }
0x93: {  	_ =	swait.ge [sflag:s23], $0x2800  }
0x94: {  	[sflag:s23] =	ssyncset.done $0x0  }
0x95: {  	[sflag:s23] =	ssyncadd.s32 $0xFFFFD800  }
0x96: {  	_ =	swait.ge [sflag:s2], $0x2800  }
0x97: {  	[sflag:s2] =	ssyncset.done $0x0  }
0x98: {  	[sflag:s2] =	ssyncadd.s32 $0xFFFFD800  }
0x99: {  	[spmem:s1] =	stream.indirect.scatter.add.f32 [tilespmem:s26], [sflag:$0x5], $0x80, s6, s25, $0xb8;
	[tilespmem:$0x1E800] =	vst v63  }
0x9a: {  	_ =	swait.ge [sflag:s23], $0x2800  }
0x9b: {  	[sflag:s23] =	ssyncset.done $0x0  }
0x9c: {  	[sflag:s23] =	ssyncadd.s32 $0xFFFFD800  }
0x9d: {  	_ =	swait.ge [sflag:s15], $0x2800  }
0x9e: {  	[sflag:s15] =	ssyncset.done $0x0  }
0x9f: {  	[sflag:s15] =	ssyncadd.s32 $0xFFFFD800  }
0xa0: {  	[spmem:s1] =	stream.indirect.scatter.add.f32 [tilespmem:s29], [sflag:$0x5], $0x80, s7, s25, $0xb8;
	[tilespmem:$0x1E800] =	vst v63  }
0xa1: {  	_ =	swait.ge [sflag:s23], $0x2800  }
0xa2: {  	[sflag:s23] =	ssyncset.done $0x0  }
0xa3: {  	[sflag:s23] =	ssyncadd.s32 $0xFFFFD800  }
0xa4: {  	_ =	swait.ge [sflag:s18], $0x2800  }
0xa5: {  	[sflag:s18] =	ssyncset.done $0x0  }
0xa6: {  	[sflag:s18] =	ssyncadd.s32 $0xFFFFD800  }
0xa7: {  	[spmem:s1] =	stream.indirect.scatter.add.f32 [tilespmem:s0], [sflag:$0x5], $0x80, s8, s25, $0xb8;
	[tilespmem:$0x1E800] =	vst v63  }
0xa8: {  	s11 =	simm.s32 $0x100;
	_ =	swait.ge [sflag:s23], $0x2800  }
0xa9: {  	s10 =	simm.s32 $0x80;
	s12 =	rddreg [dreg:$0x5];
	[sflag:s23] =	ssyncset.done $0x0  }
.LBB2_4:
0xaa: {  	[sflag:s23] =	ssyncadd.s32 $0xFFFFD800;
	s12 =	sadd.s32 s10, s12  }
0xab: {  	[tilespmem:s3], [sflag:$0x5] =	stream.linear.gather [hbm4b:s12+s3], $0x400, $0x38;
	[tilespmem:$0x1E800] =	vst v63  }
0xac: {  	_ =	swait.ge [sflag:s23], $0x400  }
0xad: {  	s12 =	rddreg [dreg:$0x4];
	[sflag:s23] =	ssyncset.done $0x0  }
0xae: {  	[sflag:s23] =	ssyncadd.s32 $0xFFFFFC00;
	s12 =	sadd.s32 s10, s12  }
0xaf: {  	[tilespmem:s24], [sflag:$0x5] =	stream.linear.gather [hbm4b:s12+s3], $0x400, $0x38;
	[tilespmem:$0x1E800] =	vst v63  }
0xb0: {  	_ =	swait.ge [sflag:s23], $0x400  }
0xb1: {  	[sflag:s23] =	ssyncset.done $0x0  }
0xb2: {  	[sflag:s23] =	ssyncadd.s32 $0xFFFFFC00  }
0xb3: {  	[tilespmem:s22], [sflag:$0x1] =	stream.indirect.gather [hbm4b:s4+s25], $0x80, s24, s25, $0xb8;
	[tilespmem:$0x1E800] =	vst v63  }
0xb4: {  	s12 =	rddreg [dreg:$0x6]  }
0xb5: {  	[tilespmem:s26], [sflag:$0x2] =	stream.indirect.gather [hbm4b:s4+s25], $0x80, s12, s25, $0xb8;
	[tilespmem:$0x1E800] =	vst v63  }
0xb6: {  	_ = 	snop  }
0xb7: {  	[tilespmem:s29], [sflag:$0x3] =	stream.indirect.gather [hbm4b:s4+s25], $0x80, s28, s25, $0xb8;
	[tilespmem:$0x1E800] =	vst v63  }
0xb8: {  	_ =	swait.ge [sflag:s30], $0x2800  }
0xb9: {  	[sflag:s30] =	ssyncset.done $0x0  }
0xba: {  	[sflag:s30] =	ssyncadd.s32 $0xFFFFD800  }
0xbb: {  	[tilespmem:s0], [sflag:$0x4] =	stream.indirect.gather [hbm4b:s4+s25], $0x80, s31, s25, $0xb8;
	[tilespmem:$0x1E800] =	vst v63  }
0xbc: {  	_ = 	snop  }
0xbd: {  	[spmem:s1] =	stream.indirect.scatter.add.f32 [tilespmem:s22], [sflag:$0x5], $0x80, s3, s25, $0xb8;
	[tilespmem:$0x1E800] =	vst v63  }
0xbe: {  	_ =	swait.ge [sflag:s23], $0x2800  }
0xbf: {  	[sflag:s23] =	ssyncset.done $0x0  }
0xc0: {  	[sflag:s23] =	ssyncadd.s32 $0xFFFFD800  }
0xc1: {  	_ =	swait.ge [sflag:s2], $0x2800  }
0xc2: {  	[sflag:s2] =	ssyncset.done $0x0  }
0xc3: {  	[sflag:s2] =	ssyncadd.s32 $0xFFFFD800  }
0xc4: {  	[tilespmem:s22], [sflag:$0x1] =	stream.indirect.gather [hbm4b:s4+s25], $0x80, s13, s25, $0xb8;
	[tilespmem:$0x1E800] =	vst v63  }
0xc5: {  	_ = 	snop  }
0xc6: {  	[spmem:s1] =	stream.indirect.scatter.add.f32 [tilespmem:s26], [sflag:$0x5], $0x80, s14, s25, $0xb8;
	[tilespmem:$0x1E800] =	vst v63  }
0xc7: {  	_ =	swait.ge [sflag:s23], $0x2800  }
0xc8: {  	[sflag:s23] =	ssyncset.done $0x0  }
0xc9: {  	[sflag:s23] =	ssyncadd.s32 $0xFFFFD800  }
0xca: {  	_ =	swait.ge [sflag:s15], $0x2800  }
0xcb: {  	[sflag:s15] =	ssyncset.done $0x0  }
0xcc: {  	[sflag:s15] =	ssyncadd.s32 $0xFFFFD800  }
0xcd: {  	[tilespmem:s26], [sflag:$0x2] =	stream.indirect.gather [hbm4b:s4+s25], $0x80, s16, s25, $0xb8;
	[tilespmem:$0x1E800] =	vst v63  }
0xce: {  	_ = 	snop  }
0xcf: {  	[spmem:s1] =	stream.indirect.scatter.add.f32 [tilespmem:s29], [sflag:$0x5], $0x80, s17, s25, $0xb8;
	[tilespmem:$0x1E800] =	vst v63  }
0xd0: {  	_ =	swait.ge [sflag:s23], $0x2800  }
0xd1: {  	[sflag:s23] =	ssyncset.done $0x0  }
0xd2: {  	[sflag:s23] =	ssyncadd.s32 $0xFFFFD800  }
0xd3: {  	_ =	swait.ge [sflag:s18], $0x2800  }
0xd4: {  	[sflag:s18] =	ssyncset.done $0x0  }
0xd5: {  	[sflag:s18] =	ssyncadd.s32 $0xFFFFD800  }
0xd6: {  	[tilespmem:s29], [sflag:$0x3] =	stream.indirect.gather [hbm4b:s4+s25], $0x80, s19, s25, $0xb8;
	[tilespmem:$0x1E800] =	vst v63  }
0xd7: {  	_ = 	snop  }
0xd8: {  	[spmem:s1] =	stream.indirect.scatter.add.f32 [tilespmem:s0], [sflag:$0x5], $0x80, s20, s25, $0xb8;
	[tilespmem:$0x1E800] =	vst v63  }
0xd9: {  	_ =	swait.ge [sflag:s23], $0x2800  }
0xda: {  	[sflag:s23] =	ssyncset.done $0x0  }
0xdb: {  	[sflag:s23] =	ssyncadd.s32 $0xFFFFD800  }
0xdc: {  	_ =	swait.ge [sflag:s30], $0x2800  }
0xdd: {  	[sflag:s30] =	ssyncset.done $0x0  }
0xde: {  	[sflag:s30] =	ssyncadd.s32 $0xFFFFD800  }
0xdf: {  	[tilespmem:s0], [sflag:$0x4] =	stream.indirect.gather [hbm4b:s4+s25], $0x80, s21, s25, $0xb8;
	[tilespmem:$0x1E800] =	vst v63  }
0xe0: {  	_ = 	snop  }
0xe1: {  	[spmem:s1] =	stream.indirect.scatter.add.f32 [tilespmem:s22], [sflag:$0x5], $0x80, s5, s25, $0xb8;
	[tilespmem:$0x1E800] =	vst v63  }
0xe2: {  	_ =	swait.ge [sflag:s23], $0x2800  }
0xe3: {  	[sflag:s23] =	ssyncset.done $0x0  }
0xe4: {  	[sflag:s23] =	ssyncadd.s32 $0xFFFFD800  }
0xe5: {  	_ =	swait.ge [sflag:s2], $0x2800  }
0xe6: {  	[sflag:s2] =	ssyncset.done $0x0  }
0xe7: {  	[sflag:s2] =	ssyncadd.s32 $0xFFFFD800  }
0xe8: {  	[spmem:s1] =	stream.indirect.scatter.add.f32 [tilespmem:s26], [sflag:$0x5], $0x80, s6, s25, $0xb8;
	[tilespmem:$0x1E800] =	vst v63  }
0xe9: {  	_ =	swait.ge [sflag:s23], $0x2800  }
0xea: {  	[sflag:s23] =	ssyncset.done $0x0  }
0xeb: {  	[sflag:s23] =	ssyncadd.s32 $0xFFFFD800  }
0xec: {  	_ =	swait.ge [sflag:s15], $0x2800  }
0xed: {  	[sflag:s15] =	ssyncset.done $0x0  }
0xee: {  	[sflag:s15] =	ssyncadd.s32 $0xFFFFD800  }
0xef: {  	[spmem:s1] =	stream.indirect.scatter.add.f32 [tilespmem:s29], [sflag:$0x5], $0x80, s7, s25, $0xb8;
	[tilespmem:$0x1E800] =	vst v63  }
0xf0: {  	_ =	swait.ge [sflag:s23], $0x2800  }
0xf1: {  	[sflag:s23] =	ssyncset.done $0x0  }
0xf2: {  	[sflag:s23] =	ssyncadd.s32 $0xFFFFD800  }
0xf3: {  	p0 =	sne.s32 s11, $0x780;
	_ =	swait.ge [sflag:s18], $0x2800  }
.Ltmp1:
0xf4: {  	[sflag:s18] =	ssyncset.done $0x0;
	(pc) =	sbr.rel @p0 .LBB2_4-.Ltmp1, $4  }
0xf5: {  	[sflag:s18] =	ssyncadd.s32 $0xFFFFD800  }
0xf6: {  	[spmem:s1] =	stream.indirect.scatter.add.f32 [tilespmem:s0], [sflag:$0x5], $0x80, s8, s25, $0xb8;
	[tilespmem:$0x1E800] =	vst v63  }
0xf7: {  	s9 =	smov.u32 s11;
	s11 =	sadd.s32 $0x80, s11;
	_ =	swait.ge [sflag:s23], $0x2800  }
0xf8: {  	s10 =	smov.u32 s9;
	s12 =	rddreg [dreg:$0x5];
	[sflag:s23] =	ssyncset.done $0x0  }
0xf9: {  	[sflag:s23] =	ssyncadd.s32 $0xFFFFD800;
	s9 =	sadd.s32 s10, s12  }
0xfa: {  	[tilespmem:s3], [sflag:$0x5] =	stream.linear.gather [hbm4b:s9+s3], $0x400, $0x38;
	[tilespmem:$0x1E800] =	vst v63  }
0xfb: {  	_ =	swait.ge [sflag:s23], $0x400  }
0xfc: {  	s11 =	rddreg [dreg:$0x4];
	[sflag:s23] =	ssyncset.done $0x0  }
0xfd: {  	s9 =	sadd.s32 s10, s11;
	[sflag:s23] =	ssyncadd.s32 $0xFFFFFC00  }
0xfe: {  	[tilespmem:s24], [sflag:$0x5] =	stream.linear.gather [hbm4b:s9+s3], $0x400, $0x38;
	[tilespmem:$0x1E800] =	vst v63  }
0xff: {  	_ =	swait.ge [sflag:s23], $0x400  }
0x100: {  	[sflag:s23] =	ssyncset.done $0x0  }
0x101: {  	[sflag:s23] =	ssyncadd.s32 $0xFFFFFC00  }
0x102: {  	[tilespmem:s22], [sflag:$0x1] =	stream.indirect.gather [hbm4b:s4+s25], $0x80, s24, s25, $0xb8;
	[tilespmem:$0x1E800] =	vst v63  }
0x103: {  	s12 =	rddreg [dreg:$0x6]  }
0x104: {  	[tilespmem:s26], [sflag:$0x2] =	stream.indirect.gather [hbm4b:s4+s25], $0x80, s12, s25, $0xb8;
	[tilespmem:$0x1E800] =	vst v63  }
0x105: {  	_ = 	snop  }
0x106: {  	[tilespmem:s29], [sflag:$0x3] =	stream.indirect.gather [hbm4b:s4+s25], $0x80, s28, s25, $0xb8;
	[tilespmem:$0x1E800] =	vst v63  }
0x107: {  	_ =	swait.ge [sflag:s30], $0x2800  }
0x108: {  	[sflag:s30] =	ssyncset.done $0x0  }
0x109: {  	[sflag:s30] =	ssyncadd.s32 $0xFFFFD800  }
0x10a: {  	[tilespmem:s0], [sflag:$0x4] =	stream.indirect.gather [hbm4b:s4+s25], $0x80, s31, s25, $0xb8;
	[tilespmem:$0x1E800] =	vst v63  }
0x10b: {  	_ = 	snop  }
0x10c: {  	[spmem:s1] =	stream.indirect.scatter.add.f32 [tilespmem:s22], [sflag:$0x5], $0x80, s3, s25, $0xb8;
	[tilespmem:$0x1E800] =	vst v63  }
0x10d: {  	_ =	swait.ge [sflag:s23], $0x2800  }
0x10e: {  	[sflag:s23] =	ssyncset.done $0x0  }
0x10f: {  	[sflag:s23] =	ssyncadd.s32 $0xFFFFD800  }
0x110: {  	_ =	swait.ge [sflag:s2], $0x2800  }
0x111: {  	[sflag:s2] =	ssyncset.done $0x0  }
0x112: {  	[sflag:s2] =	ssyncadd.s32 $0xFFFFD800  }
0x113: {  	[tilespmem:s22], [sflag:$0x1] =	stream.indirect.gather [hbm4b:s4+s25], $0x80, s13, s25, $0xb8;
	[tilespmem:$0x1E800] =	vst v63  }
0x114: {  	_ = 	snop  }
0x115: {  	[spmem:s1] =	stream.indirect.scatter.add.f32 [tilespmem:s26], [sflag:$0x5], $0x80, s14, s25, $0xb8;
	[tilespmem:$0x1E800] =	vst v63  }
0x116: {  	_ =	swait.ge [sflag:s23], $0x2800  }
0x117: {  	[sflag:s23] =	ssyncset.done $0x0  }
0x118: {  	[sflag:s23] =	ssyncadd.s32 $0xFFFFD800  }
0x119: {  	_ =	swait.ge [sflag:s15], $0x2800  }
0x11a: {  	[sflag:s15] =	ssyncset.done $0x0  }
0x11b: {  	[sflag:s15] =	ssyncadd.s32 $0xFFFFD800  }
0x11c: {  	[tilespmem:s26], [sflag:$0x2] =	stream.indirect.gather [hbm4b:s4+s25], $0x80, s16, s25, $0xb8;
	[tilespmem:$0x1E800] =	vst v63  }
0x11d: {  	_ = 	snop  }
0x11e: {  	[spmem:s1] =	stream.indirect.scatter.add.f32 [tilespmem:s29], [sflag:$0x5], $0x80, s17, s25, $0xb8;
	[tilespmem:$0x1E800] =	vst v63  }
0x11f: {  	_ =	swait.ge [sflag:s23], $0x2800  }
0x120: {  	[sflag:s23] =	ssyncset.done $0x0  }
0x121: {  	[sflag:s23] =	ssyncadd.s32 $0xFFFFD800  }
0x122: {  	_ =	swait.ge [sflag:s18], $0x2800  }
0x123: {  	[sflag:s18] =	ssyncset.done $0x0  }
0x124: {  	[sflag:s18] =	ssyncadd.s32 $0xFFFFD800  }
0x125: {  	[tilespmem:s29], [sflag:$0x3] =	stream.indirect.gather [hbm4b:s4+s25], $0x80, s19, s25, $0xb8;
	[tilespmem:$0x1E800] =	vst v63  }
0x126: {  	_ = 	snop  }
0x127: {  	[spmem:s1] =	stream.indirect.scatter.add.f32 [tilespmem:s0], [sflag:$0x5], $0x80, s20, s25, $0xb8;
	[tilespmem:$0x1E800] =	vst v63  }
0x128: {  	_ =	swait.ge [sflag:s23], $0x2800  }
0x129: {  	[sflag:s23] =	ssyncset.done $0x0  }
0x12a: {  	[sflag:s23] =	ssyncadd.s32 $0xFFFFD800  }
0x12b: {  	_ =	swait.ge [sflag:s30], $0x2800  }
0x12c: {  	[sflag:s30] =	ssyncset.done $0x0  }
0x12d: {  	[sflag:s30] =	ssyncadd.s32 $0xFFFFD800  }
0x12e: {  	[tilespmem:s0], [sflag:$0x4] =	stream.indirect.gather [hbm4b:s4+s25], $0x80, s21, s25, $0xb8;
	[tilespmem:$0x1E800] =	vst v63  }
0x12f: {  	_ = 	snop  }
0x130: {  	[spmem:s1] =	stream.indirect.scatter.add.f32 [tilespmem:s22], [sflag:$0x5], $0x80, s5, s25, $0xb8;
	[tilespmem:$0x1E800] =	vst v63  }
0x131: {  	_ =	swait.ge [sflag:s23], $0x2800  }
0x132: {  	[sflag:s23] =	ssyncset.done $0x0  }
0x133: {  	[sflag:s23] =	ssyncadd.s32 $0xFFFFD800  }
0x134: {  	_ =	swait.ge [sflag:s2], $0x2800  }
0x135: {  	[sflag:s2] =	ssyncset.done $0x0  }
0x136: {  	[sflag:s2] =	ssyncadd.s32 $0xFFFFD800  }
0x137: {  	[spmem:s1] =	stream.indirect.scatter.add.f32 [tilespmem:s26], [sflag:$0x5], $0x80, s6, s25, $0xb8;
	[tilespmem:$0x1E800] =	vst v63  }
0x138: {  	_ =	swait.ge [sflag:s23], $0x2800  }
0x139: {  	[sflag:s23] =	ssyncset.done $0x0  }
0x13a: {  	[sflag:s23] =	ssyncadd.s32 $0xFFFFD800  }
0x13b: {  	_ =	swait.ge [sflag:s15], $0x2800  }
0x13c: {  	[sflag:s15] =	ssyncset.done $0x0  }
0x13d: {  	[sflag:s15] =	ssyncadd.s32 $0xFFFFD800  }
0x13e: {  	[spmem:s1] =	stream.indirect.scatter.add.f32 [tilespmem:s29], [sflag:$0x5], $0x80, s7, s25, $0xb8;
	[tilespmem:$0x1E800] =	vst v63  }
0x13f: {  	_ =	swait.ge [sflag:s23], $0x2800  }
0x140: {  	[sflag:s23] =	ssyncset.done $0x0  }
0x141: {  	[sflag:s23] =	ssyncadd.s32 $0xFFFFD800  }
0x142: {  	_ =	swait.ge [sflag:s18], $0x2800  }
0x143: {  	[sflag:s18] =	ssyncset.done $0x0  }
0x144: {  	[sflag:s18] =	ssyncadd.s32 $0xFFFFD800  }
0x145: {  	[spmem:s1] =	stream.indirect.scatter.add.f32 [tilespmem:s0], [sflag:$0x5], $0x80, s8, s25, $0xb8;
	[tilespmem:$0x1E800] =	vst v63  }
0x146: {  	_ =	swait.ge [sflag:s23], $0x2800  }
0x147: {  	[sflag:s23] =	ssyncset.done $0x0  }
0x148: {  	[sflag:s23] =	ssyncadd.s32 $0xFFFFD800  }
0x149: {  	[bflag:$0x0] =	sbarrier.arrive $0xFFFF  }
0x14a: {  	s10 =	rddreg [dreg:$0x7]  }
0x14b: {  	[tilespmem:s22], [sflag:$0x5] =	stream.linear.gather [spmem:s10], $0x2800, $0x38;
	[tilespmem:$0x1E800] =	vst v63  }
0x14c: {  	_ =	swait.ge [sflag:s23], $0x2800  }
0x14d: {  	[sflag:s23] =	ssyncset.done $0x0  }
0x14e: {  	s11 =	rddreg [dreg:$0xf];
	[sflag:s23] =	ssyncadd.s32 $0xFFFFD800  }
0x14f: {  	[hbm4b:s11+s3] =	stream.linear.scatter [tilespmem:s22], [sflag:$0x5], $0x2800, $0x38;
	[tilespmem:$0x1E800] =	vst v63  }
0x150: {  	_ =	swait.ge [sflag:s23], $0x2800  }
0x151: {  	[sflag:s23] =	ssyncset.done $0x0  }
0x152: {  	s12 =	rddreg [dreg:$0x8];
	[sflag:s23] =	ssyncadd.s32 $0xFFFFD800  }
0x153: {  	[tilespmem:s22], [sflag:$0x5] =	stream.linear.gather [spmem:s12], $0x2800, $0x38;
	[tilespmem:$0x1E800] =	vst v63  }
0x154: {  	_ =	swait.ge [sflag:s23], $0x2800  }
0x155: {  	[sflag:s23] =	ssyncset.done $0x0  }
0x156: {  	s10 =	rddreg [dreg:$0x10];
	[sflag:s23] =	ssyncadd.s32 $0xFFFFD800  }
0x157: {  	[hbm4b:s10+s3] =	stream.linear.scatter [tilespmem:s22], [sflag:$0x5], $0x2800, $0x38;
	[tilespmem:$0x1E800] =	vst v63  }
0x158: {  	_ =	swait.ge [sflag:s23], $0x2800  }
0x159: {  	[sflag:s23] =	ssyncset.done $0x0  }
0x15a: {  	s11 =	rddreg [dreg:$0x9];
	[sflag:s23] =	ssyncadd.s32 $0xFFFFD800  }
0x15b: {  	[tilespmem:s22], [sflag:$0x5] =	stream.linear.gather [spmem:s11], $0x2800, $0x38;
	[tilespmem:$0x1E800] =	vst v63  }
0x15c: {  	_ =	swait.ge [sflag:s23], $0x2800  }
0x15d: {  	[sflag:s23] =	ssyncset.done $0x0  }
0x15e: {  	s12 =	rddreg [dreg:$0x11];
	[sflag:s23] =	ssyncadd.s32 $0xFFFFD800  }
0x15f: {  	[hbm4b:s12+s3] =	stream.linear.scatter [tilespmem:s22], [sflag:$0x5], $0x2800, $0x38;
	[tilespmem:$0x1E800] =	vst v63  }
0x160: {  	_ =	swait.ge [sflag:s23], $0x2800  }
0x161: {  	[sflag:s23] =	ssyncset.done $0x0  }
0x162: {  	s10 =	rddreg [dreg:$0xa];
	[sflag:s23] =	ssyncadd.s32 $0xFFFFD800  }
0x163: {  	[tilespmem:s22], [sflag:$0x5] =	stream.linear.gather [spmem:s10], $0x2800, $0x38;
	[tilespmem:$0x1E800] =	vst v63  }
0x164: {  	_ =	swait.ge [sflag:s23], $0x2800  }
0x165: {  	[sflag:s23] =	ssyncset.done $0x0  }
0x166: {  	s11 =	rddreg [dreg:$0x12];
	[sflag:s23] =	ssyncadd.s32 $0xFFFFD800  }
0x167: {  	[hbm4b:s11+s3] =	stream.linear.scatter [tilespmem:s22], [sflag:$0x5], $0x2800, $0x38;
	[tilespmem:$0x1E800] =	vst v63  }
0x168: {  	_ =	swait.ge [sflag:s23], $0x2800  }
0x169: {  	[sflag:s23] =	ssyncset.done $0x0  }
0x16a: {  	s12 =	rddreg [dreg:$0xb];
	[sflag:s23] =	ssyncadd.s32 $0xFFFFD800  }
0x16b: {  	[tilespmem:s22], [sflag:$0x5] =	stream.linear.gather [spmem:s12], $0x2800, $0x38;
	[tilespmem:$0x1E800] =	vst v63  }
0x16c: {  	_ =	swait.ge [sflag:s23], $0x2800  }
0x16d: {  	[sflag:s23] =	ssyncset.done $0x0  }
0x16e: {  	s10 =	rddreg [dreg:$0x13];
	[sflag:s23] =	ssyncadd.s32 $0xFFFFD800  }
0x16f: {  	[hbm4b:s10+s3] =	stream.linear.scatter [tilespmem:s22], [sflag:$0x5], $0x2800, $0x38;
	[tilespmem:$0x1E800] =	vst v63  }
0x170: {  	_ =	swait.ge [sflag:s23], $0x2800  }
0x171: {  	[sflag:s23] =	ssyncset.done $0x0  }
0x172: {  	s11 =	rddreg [dreg:$0xc];
	[sflag:s23] =	ssyncadd.s32 $0xFFFFD800  }
0x173: {  	[tilespmem:s22], [sflag:$0x5] =	stream.linear.gather [spmem:s11], $0x2800, $0x38;
	[tilespmem:$0x1E800] =	vst v63  }
0x174: {  	_ =	swait.ge [sflag:s23], $0x2800  }
0x175: {  	[sflag:s23] =	ssyncset.done $0x0  }
0x176: {  	s12 =	rddreg [dreg:$0x14];
	[sflag:s23] =	ssyncadd.s32 $0xFFFFD800  }
0x177: {  	[hbm4b:s12+s3] =	stream.linear.scatter [tilespmem:s22], [sflag:$0x5], $0x2800, $0x38;
	[tilespmem:$0x1E800] =	vst v63  }
0x178: {  	_ =	swait.ge [sflag:s23], $0x2800  }
0x179: {  	[sflag:s23] =	ssyncset.done $0x0  }
0x17a: {  	s10 =	rddreg [dreg:$0xd];
	[sflag:s23] =	ssyncadd.s32 $0xFFFFD800  }
0x17b: {  	[tilespmem:s22], [sflag:$0x5] =	stream.linear.gather [spmem:s10], $0x2800, $0x38;
	[tilespmem:$0x1E800] =	vst v63  }
0x17c: {  	_ =	swait.ge [sflag:s23], $0x2800  }
0x17d: {  	[sflag:s23] =	ssyncset.done $0x0  }
0x17e: {  	s11 =	rddreg [dreg:$0x15];
	[sflag:s23] =	ssyncadd.s32 $0xFFFFD800  }
0x17f: {  	[hbm4b:s11+s3] =	stream.linear.scatter [tilespmem:s22], [sflag:$0x5], $0x2800, $0x38;
	[tilespmem:$0x1E800] =	vst v63  }
0x180: {  	_ =	swait.ge [sflag:s23], $0x2800  }
0x181: {  	[sflag:s23] =	ssyncset.done $0x0  }
0x182: {  	s12 =	rddreg [dreg:$0xe];
	[sflag:s23] =	ssyncadd.s32 $0xFFFFD800  }
0x183: {  	[tilespmem:s22], [sflag:$0x5] =	stream.linear.gather [spmem:s12], $0x2800, $0x38;
	[tilespmem:$0x1E800] =	vst v63  }
0x184: {  	_ =	swait.ge [sflag:s23], $0x2800  }
0x185: {  	[sflag:s23] =	ssyncset.done $0x0  }
0x186: {  	s10 =	rddreg [dreg:$0x16];
	[sflag:s23] =	ssyncadd.s32 $0xFFFFD800  }
0x187: {  	[hbm4b:s10+s3] =	stream.linear.scatter [tilespmem:s22], [sflag:$0x5], $0x2800, $0x38;
	[tilespmem:$0x1E800] =	vst v63  }
0x188: {  	_ =	swait.ge [sflag:s23], $0x2800  }
0x189: {  	s11 =	rddreg [dreg:$0x18]  }
0x18a: {  	s12 =	rddreg [dreg:$0x17];
	s10 =	sadd.s32 $0x1, s11  }
0x18b: {  	p0 =	sne.s32 s10, s12  }
.Ltmp2:
0x18c: {  	_ = 	snop;
	(pc) =	sbr.rel @p0 .LBB2_1-.Ltmp2, $3  }
0x18d: {  	_ =	sdelay $0x1  }
0x18e: {  	[sflag:s23] =	ssyncset.done $0x0  }
0x18f: {  	[sflag:s23] =	ssyncadd.s32 $0xFFFFD800  }
0x190: {  	_ =	sfence.sel $0x180000  }
0x191: {  	[bflag:$0x0] =	sbarrier.arrive $0xFFFF  }
0x192: {  	_ =	strace $0x9000004D  }
0x193: {  	s0 =	stileid.u32;
	[bflag:$0x2] =	sbarrier.arrive $0xFFFF  }
0x194: {  	p0 =	sne.s32 s0, $0x0;
	s0 =	rddreg [dreg:$0x3]  }
0x195: {  	s0 =	sadd.s32 @!p0 $0x100000, s0  }
0x196: {  	[sflag:s0] =	ssyncadd.tile.s32 @!p0 $0x1;
	_ =	shalt  }
.Lfunc_end2:
_tile_overlayer_lowered:
.L_overlay_start_2:
0x197: {  	(tag) =	ssettag $0x2  }
0x198: {  	s0 =	rddreg [dreg:$0x0];
	s2 =	stileid.u32  }
0x199: {  	s1 =	rddreg [dreg:$0x1];
	p0 =	sne.s32 s2, $0x0  }
0x19a: {  	s3 =	rddreg [dreg:$0x2];
	[bflag:$0x3] =	sbarrier.arrive $0xFFFF;
	s2 =	simm.s32 @!p0 $0x1C05  }
0x19b: {  	[timem:s3], [sflag:s2] =	dma.local @!p0 [hbm:s0], s1  }
0x19c: {  	s0 =	simm.s32 @!p0 $0x5  }
0x19d: {  	_ =	swait.ge @!p0 [sflag:s0], s1  }
0x19e: {  	s1 =	ssub.s32 @!p0 $0x0, s1;
	[sflag:s0] =	ssyncset.done @!p0 $0x0  }
0x19f: {  	[sflag:s0] =	ssyncadd.s32 @!p0 s1  }
0x1a0: {  	[bflag:$0x3] =	sbarrier.arrive $0xFFFF  }
0x1a1: {  	_ =	shalt  }

// kernel: kernel.20.cloned.1.call-start
scs
__scs_entry_jumppad:
0x0: {  	(pc) =	sbr.rel $0x88, $3  }
0x1: {  	(tag) =	ssettag $0x0;
	lr =	simm.s32 $0x1  }
0x2: {  	[smem:$0x3F96] =	sst lr;
	_ =	strace $0xD0000000  }
0x3: {  	_ = 	snop  }
0x4: {  	_ = 	snop  }
0x5: {  	_ = 	snop  }
0x6: {  	_ = 	snop  }
0x7: {  	_ = 	snop  }
__scs_overlays_trampoline_lowered:
0x8: {  	[smem:$0x3FA5] =	sst s0  }
0x9: {  	[smem:$0x3FA6] =	sst s1  }
0xa: {  	[smem:$0x3FA7] =	sst s2  }
0xb: {  	[smem:$0x3FA8] =	sst s3  }
0xc: {  	[smem:$0x3FA9] =	sst s4  }
0xd: {  	[smem:$0x3FAA] =	sst s5  }
0xe: {  	[smem:$0x3FAB] =	sst s6  }
0xf: {  	[smem:$0x3FAC] =	sst s7  }
0x10: {  	[smem:$0x3FAD] =	sst s8  }
0x11: {  	[smem:$0x3FAE] =	sst s9;
	s0 =	simm.s32 @!p0 $0x0  }
0x12: {  	s1 =	sld [smem:$0x3F94];
	s0 =	simm.s32 @p0 $0x1  }
0x13: {  	[smem:$0x3FAF] =	sst s0;
	s0 =	simm.s32 @!p1 $0x0  }
0x14: {  	s2 =	sld [smem:$0x3F93];
	s0 =	simm.s32 @p1 $0x1  }
0x15: {  	[smem:$0x3FB0] =	sst s0;
	s0 =	simm.s32 @!p2 $0x0  }
0x16: {  	s3 =	sld [smem:$0x3FDB];
	s0 =	simm.s32 @p2 $0x1  }
0x17: {  	s4 =	simm.s32 $0x1BF5;
	[smem:$0x3FB2] =	sst s0  }
0x18: {  	s0 =	sld [smem:$0x3F95];
	_ =	swait.ge [sflag:s4], $0x0  }
0x19: {  	s7 =	sld [smem:$0x3F96]  }
0x1a: {  	s8 =	sadd.s32 $0xFFFFE003, lr  }
0x1b: {  	s9 =	sadd.s32 $0xFFFFFEF7, lr;
	s5 =	simm.s32 $0xFFFFFFFF;
	p2 =	slt.u32 s8, $0xFFFFF086  }
0x1c: {  	p1 =	slt.u32 s9, $0xF7A;
	s5 =	simm.s32 @!p2 $0x0  }
0x1d: {  	s5 =	simm.s32 @p1 $0x1;
	p0 =	seq.s32 s7, s2  }
0x1e: {  	s7 =	smul.u32 @!p0 $0xF7A, s2;
	p2 =	seq.s32 @!p0 s5, $0x0  }
0x1f: {  	s9 =	smul.u32 $0xF7A, s1;
	s8 =	simm.s32 @!p0 $0x1BF5;
	p2 =	por !p2, p0  }
0x20: {  	[sflag:s8] =	ssyncset.s32 @!p0 $0xFFFFF086;
	s6 =	sadd.s32 @!p0 s3, s7;
	s7 =	simm.s32 @!p0 $0x108  }
0x21: {  	s3 =	sadd.s32 s3, s9;
	s6 =	sadd.s32 @!p0 $0x88, s6;
	s7 =	simm.s32 @p2 $0x1082  }
0x22: {  	[simem:s7], [sflag:s8] =	dma.local @!p0 [hbm:s6], $0xF7A  }
0x23: {  	s9 =	sor.u32 $0xD0000000, s2;
	s6 =	simm.s32 $0x108;
	_ =	swait.ge @!p0 [sflag:s8], $0x0  }
0x24: {  	s3 =	sadd.s32 $0x88, s3;
	s6 =	simm.s32 @!p1 $0x1082;
	[sflag:s4] =	ssyncset.s32 $0xFFFFF086  }
0x25: {  	[simem:s6], [sflag:s4] =	dma.local [hbm:s3], $0xF7A  }
0x26: {  	[smem:$0x3F96] =	sst s1;
	(tag) =	ssettag s2;
	_ =	strace s9  }
0x27: {  	s1 =	sld [smem:$0x3FA6]  }
0x28: {  	s2 =	sld [smem:$0x3FA7]  }
0x29: {  	s4 =	sld [smem:$0x3FA9]  }
0x2a: {  	p0 =	seq.s32 s5, $0x0;
	s5 =	sld [smem:$0x3FAA]  }
0x2b: {  	s6 =	sld [smem:$0x3FAB]  }
0x2c: {  	s7 =	sld [smem:$0x3FAC]  }
0x2d: {  	s3 =	simm.s32 $0x108;
	s8 =	sld [smem:$0x3FAD]  }
0x2e: {  	s3 =	simm.s32 @!p0 $0x1082;
	s9 =	sld [smem:$0x3FAE]  }
0x2f: {  	lr =	sadd.s32 s0, s3;
	s0 =	sld [smem:$0x3FA5]  }
0x30: {  	s3 =	sld [smem:$0x3FA8]  }
0x31: {  	[smem:$0x3FB1] =	sst s10  }
0x32: {  	s10 =	sld [smem:$0x3FAF];
	_ =	sdelay $0x3  }
0x33: {  	p0 =	seq.s32 s10, $0x1;
	s10 =	sld [smem:$0x3FB1];
	_ =	sdelay $0x3  }
0x34: {  	[smem:$0x3FB1] =	sst s10  }
0x35: {  	s10 =	sld [smem:$0x3FB0];
	_ =	sdelay $0x3  }
0x36: {  	p1 =	seq.s32 s10, $0x1;
	s10 =	sld [smem:$0x3FB1];
	_ =	sdelay $0x3  }
0x37: {  	[smem:$0x3FB1] =	sst s10  }
0x38: {  	s10 =	sld [smem:$0x3FB2]  }
0x39: {  	_ = 	snop;
	(pc) =	sbr.ind lr, $3  }
0x3a: {  	_ = 	snop  }
0x3b: {  	_ = 	snop  }
0x3c: {  	p2 =	seq.s32 s10, $0x1;
	s10 =	sld [smem:$0x3FB1]  }
0x3d: {  	_ =	shalt  }
0x3e: {  	_ =	shalt  }
0x3f: {  	_ =	shalt  }
0x40: {  	_ =	shalt  }
0x41: {  	_ =	shalt  }
0x42: {  	_ =	shalt  }
0x43: {  	_ =	shalt  }
0x44: {  	_ =	shalt  }
0x45: {  	_ =	shalt  }
0x46: {  	_ =	shalt  }
0x47: {  	_ =	shalt  }
0x48: {  	_ =	shalt  }
0x49: {  	_ =	shalt  }
0x4a: {  	_ =	shalt  }
0x4b: {  	_ =	shalt  }
0x4c: {  	_ =	shalt  }
0x4d: {  	_ =	shalt  }
0x4e: {  	_ =	shalt  }
0x4f: {  	_ =	shalt  }
0x50: {  	_ =	shalt  }
0x51: {  	_ =	shalt  }
0x52: {  	_ =	shalt  }
0x53: {  	_ =	shalt  }
0x54: {  	_ =	shalt  }
0x55: {  	_ =	shalt  }
0x56: {  	_ =	shalt  }
0x57: {  	_ =	shalt  }
0x58: {  	_ =	shalt  }
0x59: {  	_ =	shalt  }
0x5a: {  	_ =	shalt  }
0x5b: {  	_ =	shalt  }
0x5c: {  	_ =	shalt  }
0x5d: {  	_ =	shalt  }
0x5e: {  	_ =	shalt  }
0x5f: {  	_ =	shalt  }
0x60: {  	_ =	shalt  }
0x61: {  	_ =	shalt  }
0x62: {  	_ =	shalt  }
0x63: {  	_ =	shalt  }
0x64: {  	_ =	shalt  }
0x65: {  	_ =	shalt  }
0x66: {  	_ =	shalt  }
0x67: {  	_ =	shalt  }
0x68: {  	_ =	shalt  }
0x69: {  	_ =	shalt  }
0x6a: {  	_ =	shalt  }
0x6b: {  	_ =	shalt  }
0x6c: {  	_ =	shalt  }
0x6d: {  	_ =	shalt  }
0x6e: {  	_ =	shalt  }
0x6f: {  	_ =	shalt  }
0x70: {  	_ =	shalt  }
0x71: {  	_ =	shalt  }
0x72: {  	_ =	shalt  }
0x73: {  	_ =	shalt  }
0x74: {  	_ =	shalt  }
0x75: {  	_ =	shalt  }
0x76: {  	_ =	shalt  }
0x77: {  	_ =	shalt  }
0x78: {  	_ =	shalt  }
0x79: {  	_ =	shalt  }
0x7a: {  	_ =	shalt  }
0x7b: {  	_ =	shalt  }
0x7c: {  	_ =	shalt  }
0x7d: {  	_ =	shalt  }
0x7e: {  	_ =	shalt  }
0x7f: {  	_ =	shalt  }
0x80: {  	_ =	shalt  }
0x81: {  	_ =	shalt  }
0x82: {  	_ =	shalt  }
0x83: {  	_ =	shalt  }
0x84: {  	_ =	shalt  }
0x85: {  	_ =	shalt  }
0x86: {  	_ =	shalt  }
0x87: {  	_ =	shalt  }
.Lfunc_end0:
.L_simem_size_0:
called_computation.3_lowered:
.L_overlay_start_0:
0x88: {  	s2 =	sld [smem:$0x3FD9]  }
0x89: {  	s3 =	sld [smem:$0x3FFE];
	_ =	sdelay $0x1  }
0x8a: {  	s1 =	srdreg.scid  }
0x8b: {  	s0 =	sand.u32 $0x1, s1  }
0x8c: {  	s17 =	sshll.u32 s0, $0xA;
	s2 =	sadd.s32 s3, s2  }
0x8d: {  	s2 =	sadd.s32 s2, s17  }
0x8e: {  	[smem:$0x3FBD] =	sst s2  }
0x8f: {  	_ = 	snop  }
0x90: {  	s2 =	sld [smem:$0x3FD0];
	(tm) =	ssettm $0x1  }
0x91: {  	s18 =	sld [smem:$0x3FFB];
	_ =	sdelay $0x3  }
0x92: {  	_ =	strace s18  }
0x93: {  	s3 =	sld [smem:$0x3FFC];
	_ =	sdelay $0x3  }
0x94: {  	_ =	strace s3  }
0x95: {  	s3 =	sld [smem:$0x3FFD];
	_ =	sdelay $0x3  }
0x96: {  	_ =	strace s3  }
0x97: {  	_ =	strace $0x8FFFFFFF  }
0x98: {  	s19 =	sld [smem:$0x3FDB];
	_ =	sdelay $0x1  }
0x99: {  	s4 =	simm.s32 $_scs_section_size  }
0x9a: {  	s5 =	simm.s32 $_size__tile_overlayer_lowered;
	s6 =	simm.s32 $_tile_overlayer_lowered  }
0x9b: {  	s22 =	simm.s32 $0x1BFF;
	s21 =	sshll.u32 s6, $0x1;
	s3 =	sadd.s32 s4, s19  }
0x9c: {  	s7 =	simm.s32 $0x0;
	s20 =	sshll.u32 s5, $0x1;
	s5 =	sadd.s32 s21, s3  }
0x9d: {  	[timem:s7], [sflag:s22] =	dma.local [hbm:s5], s20  }
0x9e: {  	_ =	swait.ge [sflag:s22], s20  }
0x9f: {  	s4 =	ssub.s32 $0x0, s20;
	[sflag:s22] =	ssyncset.done $0x0  }
0xa0: {  	[sflag:s22] =	ssyncadd.s32 s4;
	_ =	sdelay $0x1  }
0xa1: {  	s23 =	simm.s32 $0x1B8B  }
0xa2: {  	_ =	swait.ge [sflag:s23], $0x1  }
0xa3: {  	[sflag:s23] =	ssyncset.done $0x0  }
0xa4: {  	s25 =	simm.s32 $0x1B8E;
	s24 =	sld [smem:$0x3FFE];
	[sflag:s23] =	ssyncadd.s32 $0xFFFFFFFF  }
0xa5: {  	s26 =	simm.s32 $execute0_lowered;
	[smem:$0x3FD2] =	sst s25  }
0xa6: {  	s5 =	sshll.u32 s26, $0x1;
	_ =	strace $0x8000004F;
	[dreg:$0x1] =	wrdreg $0xFFFFFFFF  }
0xa7: {  	s28 =	simm.s32 $_size_execute0_lowered;
	s3 =	sadd.s32 s3, s5;
	[dreg:$0x0] =	wrdreg $0x0  }
0xa8: {  	s5 =	sshll.u32 s28, $0x1;
	[dreg:$0x2] =	wrdreg s3  }
0xa9: {  	[dreg:$0x3] =	wrdreg s5  }
0xaa: {  	[dreg:$0x4] =	wrdreg $0xC0  }
0xab: {  	_ =	task [dreg:s7], $0x5FFFF  }
0xac: {  	[dreg:$0x1] =	wrdreg $0xFFFFFFFF  }
0xad: {  	[dreg:$0x0] =	wrdreg $0x60  }
0xae: {  	[dreg:$0x2] =	wrdreg s24  }
0xaf: {  	[dreg:$0x3] =	wrdreg s2  }
0xb0: {  	[dreg:$0x4] =	wrdreg $0xA8000  }
0xb1: {  	[dreg:$0x5] =	wrdreg $0x9  }
0xb2: {  	_ =	task.clear_ibuf [dreg:s7], $0x6FFFF;
	_ =	strace $0x9000004F  }
0xb3: {  	s29 =	simm.s32 $0x9;
	_ =	strace $0x80000051  }
0xb4: {  	_ =	swait.ge [sflag:s29], $0x1  }
0xb5: {  	[sflag:s29] =	ssyncadd.s32 $0xFFFFFFFF  }
0xb6: {  	_ =	strace $0x90000051  }
0xb7: {  	_ =	sfence  }
0xb8: {  	s30 =	sld [smem:$0x0];
	_ =	sdelay $0x2  }
0xb9: {  	s31 =	sshll.u32 s1, $0xD;
	s1 =	sshrl.u32 s1, $0x2  }
0xba: {  	s3 =	sand.u32 $0x4000, s31;
	s1 =	sadd.s32 s1, s30  }
0xbb: {  	s0 =	sor.u32 s3, s0;
	s1 =	sshll.u32 s1, $0x11  }
0xbc: {  	s0 =	sor.u32 s1, s0  }
0xbd: {  	s0 =	sadd.s32 $0x8F2B, s0  }
0xbe: {  	[sflag:s0] =	ssyncadd.remote.s32 $0x1  }
0xbf: {  	_ =	sfence.sel $0xFFFF  }
0xc0: {  	[dreg:$0x0] =	wrdreg $0xFFFFFFFF;
	(pc) =	sbr.abs _section_cstart, $3  }
0xc1: {  	[dreg:$0x1] =	wrdreg $0xFFFFFFFF  }
0xc2: {  	_ =	task.clear_ibuf [dreg:s7], $0x2FFFF;
	_ =	strace $0x9FFFFFFF  }
0xc3: {  	(tm) =	ssettm $0x7FFFFFFF  }
tec
execute0_lowered:
.L_overlay_start_1:
0x0: {  	(tag) =	ssettag $0x1  }
0x1: {  	s0 =	rddreg [dreg:$0x0]  }
0x2: {  	s2 =	rddreg [dreg:$0x1]  }
0x3: {  	s1 =	rddreg [dreg:$0x2]  }
0x4: {  	s3 =	simm.s32 $0x0;
	s4 =	srdreg.scid;
	s17 =	stileid.u32  }
0x5: {  	s28 =	simm.s32 $0x500;
	s29 =	simm.s32 $0x5800;
	s30 =	simm.s32 $0x1  }
0x6: {  	s31 =	simm.s32 $0x580;
	[smem:$0x7FF] =	sst s3;
	s6 =	smul.u32 $0x50000, s17  }
0x7: {  	s5 =	sand.u32 $0x1, s4;
	s4 =	sadd.s32 $0x14400, s0;
	s8 =	smul.u32 $0x14000, s17  }
0x8: {  	s26 =	sshll.u32 s17, $0xB;
	_ =	strace $0x80000050;
	s7 =	sshll.u32 s5, $0xF  }
0x9: {  	s10 =	ssub.s32 $0x2, s5;
	s5 =	smul.u32 $0x140000, s5;
	s9 =	sadd.s32 s7, s0  }
0xa: {  	s0 =	sadd.s32 $0x3C400, s0;
	s11 =	sshrl.u32 s10, $0x1;
	s6 =	sshrl.u32 s6, $0x2  }
0xb: {  	s12 =	sor.u32 $0x2800, s8;
	s19 =	sadd.s32 $0x5000, s8;
	s20 =	sadd.s32 $0x7800, s8  }
0xc: {  	s13 =	sadd.s32 $0xA000, s8;
	s23 =	sadd.s32 $0xC800, s8;
	s15 =	sadd.s32 $0xF000, s8  }
0xd: {  	s25 =	sadd.s32 $0x11800, s8;
	s2 =	sadd.s32 s7, s2;
	s7 =	simm.s32 $0x300  }
0xe: {  	s10 =	ssub.s32 s10, s11;
	s6 =	sadd.s32 s6, s1;
	s18 =	sadd.s32 s12, s1  }
0xf: {  	s14 =	sadd.s32 s19, s1;
	s21 =	sadd.s32 s20, s1;
	[dreg:$0x7] =	wrdreg s6  }
0x10: {  	s22 =	sadd.s32 s13, s1;
	s16 =	sadd.s32 s23, s1;
	[dreg:$0x8] =	wrdreg s18  }
0x11: {  	s24 =	sadd.s32 s15, s1;
	s8 =	sadd.s32 s8, s5;
	[dreg:$0x9] =	wrdreg s14  }
0x12: {  	s12 =	sadd.s32 s5, s12;
	s11 =	sadd.s32 s5, s20;
	[dreg:$0xa] =	wrdreg s21  }
0x13: {  	s13 =	sadd.s32 s5, s13;
	s15 =	sadd.s32 s5, s15;
	[dreg:$0xb] =	wrdreg s22  }
0x14: {  	s9 =	sadd.s32 s26, s9;
	s2 =	sadd.s32 s26, s2;
	[dreg:$0xc] =	wrdreg s16  }
0x15: {  	s26 =	simm.s32 $0x480;
	[dreg:$0xd] =	wrdreg s24;
	s6 =	sadd.s32 s5, s19  }
0x16: {  	s14 =	sadd.s32 s5, s23;
	s5 =	sadd.s32 s5, s25;
	s16 =	sadd.s32 s25, s1  }
0x17: {  	s8 =	sshrl.u32 s8, $0x3;
	s12 =	sshrl.u32 s12, $0x3;
	s17 =	sshrl.u32 s11, $0x3  }
0x18: {  	s18 =	sshrl.u32 s13, $0x3;
	s22 =	sshrl.u32 s15, $0x3;
	[dreg:$0x5] =	wrdreg s2  }
0x19: {  	s24 =	sadd.s32 $0x4400, s9;
	s25 =	smax.u32 s10, $0x1;
	[dreg:$0x6] =	wrdreg s26  }
0x1a: {  	s26 =	simm.s32 $0x3000;
	s2 =	simm.s32 $0x2;
	s13 =	simm.s32 $0x600  }
0x1b: {  	s15 =	simm.s32 $0x3;
	s10 =	simm.s32 $0x0;
	[dreg:$0xe] =	wrdreg s16  }
0x1c: {  	s8 =	sadd.s32 s0, s8;
	s16 =	sadd.s32 s0, s12;
	s6 =	sshrl.u32 s6, $0x3  }
0x1d: {  	s19 =	sadd.s32 s0, s17;
	s20 =	sadd.s32 s0, s18;
	[dreg:$0x4] =	wrdreg s24  }
0x1e: {  	s21 =	sshrl.u32 s14, $0x3;
	s23 =	sadd.s32 s0, s22;
	[dreg:$0x17] =	wrdreg s25  }
0x1f: {  	s5 =	sshrl.u32 s5, $0x3;
	s22 =	simm.s32 $0x800;
	[dreg:$0xf] =	wrdreg s8  }
0x20: {  	s24 =	simm.s32 $0x400;
	s25 =	simm.s32 $0x50;
	[dreg:$0x10] =	wrdreg s16  }
0x21: {  	s14 =	simm.s32 $0x80;
	s17 =	simm.s32 $0x100;
	[dreg:$0x12] =	wrdreg s19  }
0x22: {  	s18 =	simm.s32 $0x4;
	s6 =	sadd.s32 s0, s6;
	[dreg:$0x13] =	wrdreg s20  }
0x23: {  	[dreg:$0x15] =	wrdreg s23;
	s23 =	simm.s32 $0x5;
	s16 =	simm.s32 $0x680  }
0x24: {  	s19 =	simm.s32 $0x700;
	s20 =	simm.s32 $0x180;
	s8 =	simm.s32 $0x380  }
0x25: {  	[dreg:$0x11] =	wrdreg s6;
	s6 =	sadd.s32 s0, s21;
	s0 =	sadd.s32 s0, s5  }
0x26: {  	s21 =	simm.s32 $0x780;
	s5 =	simm.s32 $0x200;
	[dreg:$0x14] =	wrdreg s6  }
0x27: {  	v0 =	vimm.f32 $0.0e+00;
	[dreg:$0x16] =	wrdreg s0;
	s0 =	simm.s32 $0x8000;
	s6 =	simm.s32 $0x280  }
.LBB2_1:
0x28: {  	[dreg:$0x18] =	wrdreg s10;
	s10 =	simm.s32 $0x0;
	s11 =	simm.s32 $0x200  }
.LBB2_2:
0x29: {  	p0 =	sne.s32 s11, $0x9E00;
	[tilespmem:s10+$0x870] =	vst v0  }
0x2a: {  	[tilespmem:s10+$0x800] =	vst v0  }
0x2b: {  	[tilespmem:s10+$0x810] =	vst v0  }
.Ltmp0:
0x2c: {  	[tilespmem:s10+$0x820] =	vst v0;
	(pc) =	sbr.rel @p0 .LBB2_2-.Ltmp0, $4  }
0x2d: {  	[tilespmem:s10+$0x830] =	vst v0  }
0x2e: {  	[tilespmem:s10+$0x840] =	vst v0  }
0x2f: {  	[tilespmem:s10+$0x850] =	vst v0  }
0x30: {  	[tilespmem:s10+$0x860] =	vst v0;
	s10 =	sshra.s32 s11, $0x2;
	s11 =	sadd.s32 $0x200, s11  }
0x31: {  	[tilespmem:s10+$0x870] =	vst v0  }
0x32: {  	[tilespmem:s10+$0x800] =	vst v0  }
0x33: {  	[tilespmem:s10+$0x810] =	vst v0  }
0x34: {  	[tilespmem:s10+$0x820] =	vst v0  }
0x35: {  	[tilespmem:s10+$0x830] =	vst v0  }
0x36: {  	[tilespmem:s10+$0x840] =	vst v0  }
0x37: {  	[tilespmem:s10+$0x850] =	vst v0  }
0x38: {  	[tilespmem:s10+$0x860] =	vst v0;
	s9 =	rddreg [dreg:$0x7]  }
0x39: {  	[spmem:s9] =	stream.linear.scatter [tilespmem:s22], [sflag:$0x5], $0x2800, $0x38;
	[tilespmem:$0x1E800] =	vst v63  }
0x3a: {  	_ =	swait.ge [sflag:s23], $0x2800  }
0x3b: {  	[sflag:s23] =	ssyncset.done $0x0  }
0x3c: {  	s12 =	rddreg [dreg:$0x8];
	[sflag:s23] =	ssyncadd.s32 $0xFFFFD800  }
0x3d: {  	[spmem:s12] =	stream.linear.scatter [tilespmem:s22], [sflag:$0x5], $0x2800, $0x38;
	[tilespmem:$0x1E800] =	vst v63  }
0x3e: {  	_ =	swait.ge [sflag:s23], $0x2800  }
0x3f: {  	[sflag:s23] =	ssyncset.done $0x0  }
0x40: {  	s10 =	rddreg [dreg:$0x9];
	[sflag:s23] =	ssyncadd.s32 $0xFFFFD800  }
0x41: {  	[spmem:s10] =	stream.linear.scatter [tilespmem:s22], [sflag:$0x5], $0x2800, $0x38;
	[tilespmem:$0x1E800] =	vst v63  }
0x42: {  	_ =	swait.ge [sflag:s23], $0x2800  }
0x43: {  	[sflag:s23] =	ssyncset.done $0x0  }
0x44: {  	s11 =	rddreg [dreg:$0xa];
	[sflag:s23] =	ssyncadd.s32 $0xFFFFD800  }
0x45: {  	[spmem:s11] =	stream.linear.scatter [tilespmem:s22], [sflag:$0x5], $0x2800, $0x38;
	[tilespmem:$0x1E800] =	vst v63  }
0x46: {  	_ =	swait.ge [sflag:s23], $0x2800  }
0x47: {  	[sflag:s23] =	ssyncset.done $0x0  }
0x48: {  	s12 =	rddreg [dreg:$0xb];
	[sflag:s23] =	ssyncadd.s32 $0xFFFFD800  }
0x49: {  	[spmem:s12] =	stream.linear.scatter [tilespmem:s22], [sflag:$0x5], $0x2800, $0x38;
	[tilespmem:$0x1E800] =	vst v63  }
0x4a: {  	_ =	swait.ge [sflag:s23], $0x2800  }
0x4b: {  	[sflag:s23] =	ssyncset.done $0x0  }
0x4c: {  	s10 =	rddreg [dreg:$0xc];
	[sflag:s23] =	ssyncadd.s32 $0xFFFFD800  }
0x4d: {  	[spmem:s10] =	stream.linear.scatter [tilespmem:s22], [sflag:$0x5], $0x2800, $0x38;
	[tilespmem:$0x1E800] =	vst v63  }
0x4e: {  	_ =	swait.ge [sflag:s23], $0x2800  }
0x4f: {  	[sflag:s23] =	ssyncset.done $0x0  }
0x50: {  	s11 =	rddreg [dreg:$0xd];
	[sflag:s23] =	ssyncadd.s32 $0xFFFFD800  }
0x51: {  	[spmem:s11] =	stream.linear.scatter [tilespmem:s22], [sflag:$0x5], $0x2800, $0x38;
	[tilespmem:$0x1E800] =	vst v63  }
0x52: {  	_ =	swait.ge [sflag:s23], $0x2800  }
0x53: {  	[sflag:s23] =	ssyncset.done $0x0  }
0x54: {  	s12 =	rddreg [dreg:$0xe];
	[sflag:s23] =	ssyncadd.s32 $0xFFFFD800  }
0x55: {  	[spmem:s12] =	stream.linear.scatter [tilespmem:s22], [sflag:$0x5], $0x2800, $0x38;
	[tilespmem:$0x1E800] =	vst v63  }
0x56: {  	_ =	swait.ge [sflag:s23], $0x2800  }
0x57: {  	[sflag:s23] =	ssyncset.done $0x0  }
0x58: {  	[sflag:s23] =	ssyncadd.s32 $0xFFFFD800  }
0x59: {  	[bflag:$0x0] =	sbarrier.arrive $0xFFFF  }
0x5a: {  	s9 =	rddreg [dreg:$0x5]  }
0x5b: {  	s10 =	sadd.s32 $0x0, s9  }
0x5c: {  	[tilespmem:s3], [sflag:$0x5] =	stream.linear.gather [hbm4b:s10+s3], $0x400, $0x38;
	[tilespmem:$0x1E800] =	vst v63  }
0x5d: {  	_ =	swait.ge [sflag:s23], $0x400  }
0x5e: {  	s11 =	rddreg [dreg:$0x4];
	[sflag:s23] =	ssyncset.done $0x0  }
0x5f: {  	[sflag:s23] =	ssyncadd.s32 $0xFFFFFC00;
	s10 =	sadd.s32 $0x0, s11  }
0x60: {  	[tilespmem:s24], [sflag:$0x5] =	stream.linear.gather [hbm4b:s10+s3], $0x400, $0x38;
	[tilespmem:$0x1E800] =	vst v63  }
0x61: {  	_ =	swait.ge [sflag:s23], $0x400  }
0x62: {  	[sflag:s23] =	ssyncset.done $0x0  }
0x63: {  	[sflag:s23] =	ssyncadd.s32 $0xFFFFFC00  }
0x64: {  	[tilespmem:s22], [sflag:$0x1] =	stream.indirect.gather [hbm4b:s4+s25], $0x80, s24, s25, $0xb8;
	[tilespmem:$0x1E800] =	vst v63  }
0x65: {  	s12 =	rddreg [dreg:$0x6]  }
0x66: {  	[tilespmem:s26], [sflag:$0x2] =	stream.indirect.gather [hbm4b:s4+s25], $0x80, s12, s25, $0xb8;
	[tilespmem:$0x1E800] =	vst v63  }
0x67: {  	_ = 	snop  }
0x68: {  	[tilespmem:s29], [sflag:$0x3] =	stream.indirect.gather [hbm4b:s4+s25], $0x80, s28, s25, $0xb8;
	[tilespmem:$0x1E800] =	vst v63  }
0x69: {  	_ =	swait.ge [sflag:s30], $0x2800  }
0x6a: {  	[sflag:s30] =	ssyncset.done $0x0  }
0x6b: {  	[sflag:s30] =	ssyncadd.s32 $0xFFFFD800  }
0x6c: {  	[tilespmem:s0], [sflag:$0x4] =	stream.indirect.gather [hbm4b:s4+s25], $0x80, s31, s25, $0xb8;
	[tilespmem:$0x1E800] =	vst v63  }
0x6d: {  	_ = 	snop  }
0x6e: {  	[spmem:s1] =	stream.indirect.scatter.add.f32 [tilespmem:s22], [sflag:$0x5], $0x80, s3, s25, $0xb8;
	[tilespmem:$0x1E800] =	vst v63  }
0x6f: {  	_ =	swait.ge [sflag:s23], $0x2800  }
0x70: {  	[sflag:s23] =	ssyncset.done $0x0  }
0x71: {  	[sflag:s23] =	ssyncadd.s32 $0xFFFFD800  }
0x72: {  	_ =	swait.ge [sflag:s2], $0x2800  }
0x73: {  	[sflag:s2] =	ssyncset.done $0x0  }
0x74: {  	[sflag:s2] =	ssyncadd.s32 $0xFFFFD800  }
0x75: {  	[tilespmem:s22], [sflag:$0x1] =	stream.indirect.gather [hbm4b:s4+s25], $0x80, s13, s25, $0xb8;
	[tilespmem:$0x1E800] =	vst v63  }
0x76: {  	_ = 	snop  }
0x77: {  	[spmem:s1] =	stream.indirect.scatter.add.f32 [tilespmem:s26], [sflag:$0x5], $0x80, s14, s25, $0xb8;
	[tilespmem:$0x1E800] =	vst v63  }
0x78: {  	_ =	swait.ge [sflag:s23], $0x2800  }
0x79: {  	[sflag:s23] =	ssyncset.done $0x0  }
0x7a: {  	[sflag:s23] =	ssyncadd.s32 $0xFFFFD800  }
0x7b: {  	_ =	swait.ge [sflag:s15], $0x2800  }
0x7c: {  	[sflag:s15] =	ssyncset.done $0x0  }
0x7d: {  	[sflag:s15] =	ssyncadd.s32 $0xFFFFD800  }
0x7e: {  	[tilespmem:s26], [sflag:$0x2] =	stream.indirect.gather [hbm4b:s4+s25], $0x80, s16, s25, $0xb8;
	[tilespmem:$0x1E800] =	vst v63  }
0x7f: {  	_ = 	snop  }
0x80: {  	[spmem:s1] =	stream.indirect.scatter.add.f32 [tilespmem:s29], [sflag:$0x5], $0x80, s17, s25, $0xb8;
	[tilespmem:$0x1E800] =	vst v63  }
0x81: {  	_ =	swait.ge [sflag:s23], $0x2800  }
0x82: {  	[sflag:s23] =	ssyncset.done $0x0  }
0x83: {  	[sflag:s23] =	ssyncadd.s32 $0xFFFFD800  }
0x84: {  	_ =	swait.ge [sflag:s18], $0x2800  }
0x85: {  	[sflag:s18] =	ssyncset.done $0x0  }
0x86: {  	[sflag:s18] =	ssyncadd.s32 $0xFFFFD800  }
0x87: {  	[tilespmem:s29], [sflag:$0x3] =	stream.indirect.gather [hbm4b:s4+s25], $0x80, s19, s25, $0xb8;
	[tilespmem:$0x1E800] =	vst v63  }
0x88: {  	_ = 	snop  }
0x89: {  	[spmem:s1] =	stream.indirect.scatter.add.f32 [tilespmem:s0], [sflag:$0x5], $0x80, s20, s25, $0xb8;
	[tilespmem:$0x1E800] =	vst v63  }
0x8a: {  	_ =	swait.ge [sflag:s23], $0x2800  }
0x8b: {  	[sflag:s23] =	ssyncset.done $0x0  }
0x8c: {  	[sflag:s23] =	ssyncadd.s32 $0xFFFFD800  }
0x8d: {  	_ =	swait.ge [sflag:s30], $0x2800  }
0x8e: {  	[sflag:s30] =	ssyncset.done $0x0  }
0x8f: {  	[sflag:s30] =	ssyncadd.s32 $0xFFFFD800  }
0x90: {  	[tilespmem:s0], [sflag:$0x4] =	stream.indirect.gather [hbm4b:s4+s25], $0x80, s21, s25, $0xb8;
	[tilespmem:$0x1E800] =	vst v63  }
0x91: {  	_ = 	snop  }
0x92: {  	[spmem:s1] =	stream.indirect.scatter.add.f32 [tilespmem:s22], [sflag:$0x5], $0x80, s5, s25, $0xb8;
	[tilespmem:$0x1E800] =	vst v63  }
0x93: {  	_ =	swait.ge [sflag:s23], $0x2800  }
0x94: {  	[sflag:s23] =	ssyncset.done $0x0  }
0x95: {  	[sflag:s23] =	ssyncadd.s32 $0xFFFFD800  }
0x96: {  	_ =	swait.ge [sflag:s2], $0x2800  }
0x97: {  	[sflag:s2] =	ssyncset.done $0x0  }
0x98: {  	[sflag:s2] =	ssyncadd.s32 $0xFFFFD800  }
0x99: {  	[spmem:s1] =	stream.indirect.scatter.add.f32 [tilespmem:s26], [sflag:$0x5], $0x80, s6, s25, $0xb8;
	[tilespmem:$0x1E800] =	vst v63  }
0x9a: {  	_ =	swait.ge [sflag:s23], $0x2800  }
0x9b: {  	[sflag:s23] =	ssyncset.done $0x0  }
0x9c: {  	[sflag:s23] =	ssyncadd.s32 $0xFFFFD800  }
0x9d: {  	_ =	swait.ge [sflag:s15], $0x2800  }
0x9e: {  	[sflag:s15] =	ssyncset.done $0x0  }
0x9f: {  	[sflag:s15] =	ssyncadd.s32 $0xFFFFD800  }
0xa0: {  	[spmem:s1] =	stream.indirect.scatter.add.f32 [tilespmem:s29], [sflag:$0x5], $0x80, s7, s25, $0xb8;
	[tilespmem:$0x1E800] =	vst v63  }
0xa1: {  	_ =	swait.ge [sflag:s23], $0x2800  }
0xa2: {  	[sflag:s23] =	ssyncset.done $0x0  }
0xa3: {  	[sflag:s23] =	ssyncadd.s32 $0xFFFFD800  }
0xa4: {  	_ =	swait.ge [sflag:s18], $0x2800  }
0xa5: {  	[sflag:s18] =	ssyncset.done $0x0  }
0xa6: {  	[sflag:s18] =	ssyncadd.s32 $0xFFFFD800  }
0xa7: {  	[spmem:s1] =	stream.indirect.scatter.add.f32 [tilespmem:s0], [sflag:$0x5], $0x80, s8, s25, $0xb8;
	[tilespmem:$0x1E800] =	vst v63  }
0xa8: {  	s11 =	simm.s32 $0x100;
	_ =	swait.ge [sflag:s23], $0x2800  }
0xa9: {  	s10 =	simm.s32 $0x80;
	s12 =	rddreg [dreg:$0x5];
	[sflag:s23] =	ssyncset.done $0x0  }
.LBB2_4:
0xaa: {  	[sflag:s23] =	ssyncadd.s32 $0xFFFFD800;
	s12 =	sadd.s32 s10, s12  }
0xab: {  	[tilespmem:s3], [sflag:$0x5] =	stream.linear.gather [hbm4b:s12+s3], $0x400, $0x38;
	[tilespmem:$0x1E800] =	vst v63  }
0xac: {  	_ =	swait.ge [sflag:s23], $0x400  }
0xad: {  	s12 =	rddreg [dreg:$0x4];
	[sflag:s23] =	ssyncset.done $0x0  }
0xae: {  	[sflag:s23] =	ssyncadd.s32 $0xFFFFFC00;
	s12 =	sadd.s32 s10, s12  }
0xaf: {  	[tilespmem:s24], [sflag:$0x5] =	stream.linear.gather [hbm4b:s12+s3], $0x400, $0x38;
	[tilespmem:$0x1E800] =	vst v63  }
0xb0: {  	_ =	swait.ge [sflag:s23], $0x400  }
0xb1: {  	[sflag:s23] =	ssyncset.done $0x0  }
0xb2: {  	[sflag:s23] =	ssyncadd.s32 $0xFFFFFC00  }
0xb3: {  	[tilespmem:s22], [sflag:$0x1] =	stream.indirect.gather [hbm4b:s4+s25], $0x80, s24, s25, $0xb8;
	[tilespmem:$0x1E800] =	vst v63  }
0xb4: {  	s12 =	rddreg [dreg:$0x6]  }
0xb5: {  	[tilespmem:s26], [sflag:$0x2] =	stream.indirect.gather [hbm4b:s4+s25], $0x80, s12, s25, $0xb8;
	[tilespmem:$0x1E800] =	vst v63  }
0xb6: {  	_ = 	snop  }
0xb7: {  	[tilespmem:s29], [sflag:$0x3] =	stream.indirect.gather [hbm4b:s4+s25], $0x80, s28, s25, $0xb8;
	[tilespmem:$0x1E800] =	vst v63  }
0xb8: {  	_ =	swait.ge [sflag:s30], $0x2800  }
0xb9: {  	[sflag:s30] =	ssyncset.done $0x0  }
0xba: {  	[sflag:s30] =	ssyncadd.s32 $0xFFFFD800  }
0xbb: {  	[tilespmem:s0], [sflag:$0x4] =	stream.indirect.gather [hbm4b:s4+s25], $0x80, s31, s25, $0xb8;
	[tilespmem:$0x1E800] =	vst v63  }
0xbc: {  	_ = 	snop  }
0xbd: {  	[spmem:s1] =	stream.indirect.scatter.add.f32 [tilespmem:s22], [sflag:$0x5], $0x80, s3, s25, $0xb8;
	[tilespmem:$0x1E800] =	vst v63  }
0xbe: {  	_ =	swait.ge [sflag:s23], $0x2800  }
0xbf: {  	[sflag:s23] =	ssyncset.done $0x0  }
0xc0: {  	[sflag:s23] =	ssyncadd.s32 $0xFFFFD800  }
0xc1: {  	_ =	swait.ge [sflag:s2], $0x2800  }
0xc2: {  	[sflag:s2] =	ssyncset.done $0x0  }
0xc3: {  	[sflag:s2] =	ssyncadd.s32 $0xFFFFD800  }
0xc4: {  	[tilespmem:s22], [sflag:$0x1] =	stream.indirect.gather [hbm4b:s4+s25], $0x80, s13, s25, $0xb8;
	[tilespmem:$0x1E800] =	vst v63  }
0xc5: {  	_ = 	snop  }
0xc6: {  	[spmem:s1] =	stream.indirect.scatter.add.f32 [tilespmem:s26], [sflag:$0x5], $0x80, s14, s25, $0xb8;
	[tilespmem:$0x1E800] =	vst v63  }
0xc7: {  	_ =	swait.ge [sflag:s23], $0x2800  }
0xc8: {  	[sflag:s23] =	ssyncset.done $0x0  }
0xc9: {  	[sflag:s23] =	ssyncadd.s32 $0xFFFFD800  }
0xca: {  	_ =	swait.ge [sflag:s15], $0x2800  }
0xcb: {  	[sflag:s15] =	ssyncset.done $0x0  }
0xcc: {  	[sflag:s15] =	ssyncadd.s32 $0xFFFFD800  }
0xcd: {  	[tilespmem:s26], [sflag:$0x2] =	stream.indirect.gather [hbm4b:s4+s25], $0x80, s16, s25, $0xb8;
	[tilespmem:$0x1E800] =	vst v63  }
0xce: {  	_ = 	snop  }
0xcf: {  	[spmem:s1] =	stream.indirect.scatter.add.f32 [tilespmem:s29], [sflag:$0x5], $0x80, s17, s25, $0xb8;
	[tilespmem:$0x1E800] =	vst v63  }
0xd0: {  	_ =	swait.ge [sflag:s23], $0x2800  }
0xd1: {  	[sflag:s23] =	ssyncset.done $0x0  }
0xd2: {  	[sflag:s23] =	ssyncadd.s32 $0xFFFFD800  }
0xd3: {  	_ =	swait.ge [sflag:s18], $0x2800  }
0xd4: {  	[sflag:s18] =	ssyncset.done $0x0  }
0xd5: {  	[sflag:s18] =	ssyncadd.s32 $0xFFFFD800  }
0xd6: {  	[tilespmem:s29], [sflag:$0x3] =	stream.indirect.gather [hbm4b:s4+s25], $0x80, s19, s25, $0xb8;
	[tilespmem:$0x1E800] =	vst v63  }
0xd7: {  	_ = 	snop  }
0xd8: {  	[spmem:s1] =	stream.indirect.scatter.add.f32 [tilespmem:s0], [sflag:$0x5], $0x80, s20, s25, $0xb8;
	[tilespmem:$0x1E800] =	vst v63  }
0xd9: {  	_ =	swait.ge [sflag:s23], $0x2800  }
0xda: {  	[sflag:s23] =	ssyncset.done $0x0  }
0xdb: {  	[sflag:s23] =	ssyncadd.s32 $0xFFFFD800  }
0xdc: {  	_ =	swait.ge [sflag:s30], $0x2800  }
0xdd: {  	[sflag:s30] =	ssyncset.done $0x0  }
0xde: {  	[sflag:s30] =	ssyncadd.s32 $0xFFFFD800  }
0xdf: {  	[tilespmem:s0], [sflag:$0x4] =	stream.indirect.gather [hbm4b:s4+s25], $0x80, s21, s25, $0xb8;
	[tilespmem:$0x1E800] =	vst v63  }
0xe0: {  	_ = 	snop  }
0xe1: {  	[spmem:s1] =	stream.indirect.scatter.add.f32 [tilespmem:s22], [sflag:$0x5], $0x80, s5, s25, $0xb8;
	[tilespmem:$0x1E800] =	vst v63  }
0xe2: {  	_ =	swait.ge [sflag:s23], $0x2800  }
0xe3: {  	[sflag:s23] =	ssyncset.done $0x0  }
0xe4: {  	[sflag:s23] =	ssyncadd.s32 $0xFFFFD800  }
0xe5: {  	_ =	swait.ge [sflag:s2], $0x2800  }
0xe6: {  	[sflag:s2] =	ssyncset.done $0x0  }
0xe7: {  	[sflag:s2] =	ssyncadd.s32 $0xFFFFD800  }
0xe8: {  	[spmem:s1] =	stream.indirect.scatter.add.f32 [tilespmem:s26], [sflag:$0x5], $0x80, s6, s25, $0xb8;
	[tilespmem:$0x1E800] =	vst v63  }
0xe9: {  	_ =	swait.ge [sflag:s23], $0x2800  }
0xea: {  	[sflag:s23] =	ssyncset.done $0x0  }
0xeb: {  	[sflag:s23] =	ssyncadd.s32 $0xFFFFD800  }
0xec: {  	_ =	swait.ge [sflag:s15], $0x2800  }
0xed: {  	[sflag:s15] =	ssyncset.done $0x0  }
0xee: {  	[sflag:s15] =	ssyncadd.s32 $0xFFFFD800  }
0xef: {  	[spmem:s1] =	stream.indirect.scatter.add.f32 [tilespmem:s29], [sflag:$0x5], $0x80, s7, s25, $0xb8;
	[tilespmem:$0x1E800] =	vst v63  }
0xf0: {  	_ =	swait.ge [sflag:s23], $0x2800  }
0xf1: {  	[sflag:s23] =	ssyncset.done $0x0  }
0xf2: {  	[sflag:s23] =	ssyncadd.s32 $0xFFFFD800  }
0xf3: {  	p0 =	sne.s32 s11, $0x780;
	_ =	swait.ge [sflag:s18], $0x2800  }
.Ltmp1:
0xf4: {  	[sflag:s18] =	ssyncset.done $0x0;
	(pc) =	sbr.rel @p0 .LBB2_4-.Ltmp1, $4  }
0xf5: {  	[sflag:s18] =	ssyncadd.s32 $0xFFFFD800  }
0xf6: {  	[spmem:s1] =	stream.indirect.scatter.add.f32 [tilespmem:s0], [sflag:$0x5], $0x80, s8, s25, $0xb8;
	[tilespmem:$0x1E800] =	vst v63  }
0xf7: {  	s9 =	smov.u32 s11;
	s11 =	sadd.s32 $0x80, s11;
	_ =	swait.ge [sflag:s23], $0x2800  }
0xf8: {  	s10 =	smov.u32 s9;
	s12 =	rddreg [dreg:$0x5];
	[sflag:s23] =	ssyncset.done $0x0  }
0xf9: {  	[sflag:s23] =	ssyncadd.s32 $0xFFFFD800;
	s9 =	sadd.s32 s10, s12  }
0xfa: {  	[tilespmem:s3], [sflag:$0x5] =	stream.linear.gather [hbm4b:s9+s3], $0x400, $0x38;
	[tilespmem:$0x1E800] =	vst v63  }
0xfb: {  	_ =	swait.ge [sflag:s23], $0x400  }
0xfc: {  	s11 =	rddreg [dreg:$0x4];
	[sflag:s23] =	ssyncset.done $0x0  }
0xfd: {  	s9 =	sadd.s32 s10, s11;
	[sflag:s23] =	ssyncadd.s32 $0xFFFFFC00  }
0xfe: {  	[tilespmem:s24], [sflag:$0x5] =	stream.linear.gather [hbm4b:s9+s3], $0x400, $0x38;
	[tilespmem:$0x1E800] =	vst v63  }
0xff: {  	_ =	swait.ge [sflag:s23], $0x400  }
0x100: {  	[sflag:s23] =	ssyncset.done $0x0  }
0x101: {  	[sflag:s23] =	ssyncadd.s32 $0xFFFFFC00  }
0x102: {  	[tilespmem:s22], [sflag:$0x1] =	stream.indirect.gather [hbm4b:s4+s25], $0x80, s24, s25, $0xb8;
	[tilespmem:$0x1E800] =	vst v63  }
0x103: {  	s12 =	rddreg [dreg:$0x6]  }
0x104: {  	[tilespmem:s26], [sflag:$0x2] =	stream.indirect.gather [hbm4b:s4+s25], $0x80, s12, s25, $0xb8;
	[tilespmem:$0x1E800] =	vst v63  }
0x105: {  	_ = 	snop  }
0x106: {  	[tilespmem:s29], [sflag:$0x3] =	stream.indirect.gather [hbm4b:s4+s25], $0x80, s28, s25, $0xb8;
	[tilespmem:$0x1E800] =	vst v63  }
0x107: {  	_ =	swait.ge [sflag:s30], $0x2800  }
0x108: {  	[sflag:s30] =	ssyncset.done $0x0  }
0x109: {  	[sflag:s30] =	ssyncadd.s32 $0xFFFFD800  }
0x10a: {  	[tilespmem:s0], [sflag:$0x4] =	stream.indirect.gather [hbm4b:s4+s25], $0x80, s31, s25, $0xb8;
	[tilespmem:$0x1E800] =	vst v63  }
0x10b: {  	_ = 	snop  }
0x10c: {  	[spmem:s1] =	stream.indirect.scatter.add.f32 [tilespmem:s22], [sflag:$0x5], $0x80, s3, s25, $0xb8;
	[tilespmem:$0x1E800] =	vst v63  }
0x10d: {  	_ =	swait.ge [sflag:s23], $0x2800  }
0x10e: {  	[sflag:s23] =	ssyncset.done $0x0  }
0x10f: {  	[sflag:s23] =	ssyncadd.s32 $0xFFFFD800  }
0x110: {  	_ =	swait.ge [sflag:s2], $0x2800  }
0x111: {  	[sflag:s2] =	ssyncset.done $0x0  }
0x112: {  	[sflag:s2] =	ssyncadd.s32 $0xFFFFD800  }
0x113: {  	[tilespmem:s22], [sflag:$0x1] =	stream.indirect.gather [hbm4b:s4+s25], $0x80, s13, s25, $0xb8;
	[tilespmem:$0x1E800] =	vst v63  }
0x114: {  	_ = 	snop  }
0x115: {  	[spmem:s1] =	stream.indirect.scatter.add.f32 [tilespmem:s26], [sflag:$0x5], $0x80, s14, s25, $0xb8;
	[tilespmem:$0x1E800] =	vst v63  }
0x116: {  	_ =	swait.ge [sflag:s23], $0x2800  }
0x117: {  	[sflag:s23] =	ssyncset.done $0x0  }
0x118: {  	[sflag:s23] =	ssyncadd.s32 $0xFFFFD800  }
0x119: {  	_ =	swait.ge [sflag:s15], $0x2800  }
0x11a: {  	[sflag:s15] =	ssyncset.done $0x0  }
0x11b: {  	[sflag:s15] =	ssyncadd.s32 $0xFFFFD800  }
0x11c: {  	[tilespmem:s26], [sflag:$0x2] =	stream.indirect.gather [hbm4b:s4+s25], $0x80, s16, s25, $0xb8;
	[tilespmem:$0x1E800] =	vst v63  }
0x11d: {  	_ = 	snop  }
0x11e: {  	[spmem:s1] =	stream.indirect.scatter.add.f32 [tilespmem:s29], [sflag:$0x5], $0x80, s17, s25, $0xb8;
	[tilespmem:$0x1E800] =	vst v63  }
0x11f: {  	_ =	swait.ge [sflag:s23], $0x2800  }
0x120: {  	[sflag:s23] =	ssyncset.done $0x0  }
0x121: {  	[sflag:s23] =	ssyncadd.s32 $0xFFFFD800  }
0x122: {  	_ =	swait.ge [sflag:s18], $0x2800  }
0x123: {  	[sflag:s18] =	ssyncset.done $0x0  }
0x124: {  	[sflag:s18] =	ssyncadd.s32 $0xFFFFD800  }
0x125: {  	[tilespmem:s29], [sflag:$0x3] =	stream.indirect.gather [hbm4b:s4+s25], $0x80, s19, s25, $0xb8;
	[tilespmem:$0x1E800] =	vst v63  }
0x126: {  	_ = 	snop  }
0x127: {  	[spmem:s1] =	stream.indirect.scatter.add.f32 [tilespmem:s0], [sflag:$0x5], $0x80, s20, s25, $0xb8;
	[tilespmem:$0x1E800] =	vst v63  }
0x128: {  	_ =	swait.ge [sflag:s23], $0x2800  }
0x129: {  	[sflag:s23] =	ssyncset.done $0x0  }
0x12a: {  	[sflag:s23] =	ssyncadd.s32 $0xFFFFD800  }
0x12b: {  	_ =	swait.ge [sflag:s30], $0x2800  }
0x12c: {  	[sflag:s30] =	ssyncset.done $0x0  }
0x12d: {  	[sflag:s30] =	ssyncadd.s32 $0xFFFFD800  }
0x12e: {  	[tilespmem:s0], [sflag:$0x4] =	stream.indirect.gather [hbm4b:s4+s25], $0x80, s21, s25, $0xb8;
	[tilespmem:$0x1E800] =	vst v63  }
0x12f: {  	_ = 	snop  }
0x130: {  	[spmem:s1] =	stream.indirect.scatter.add.f32 [tilespmem:s22], [sflag:$0x5], $0x80, s5, s25, $0xb8;
	[tilespmem:$0x1E800] =	vst v63  }
0x131: {  	_ =	swait.ge [sflag:s23], $0x2800  }
0x132: {  	[sflag:s23] =	ssyncset.done $0x0  }
0x133: {  	[sflag:s23] =	ssyncadd.s32 $0xFFFFD800  }
0x134: {  	_ =	swait.ge [sflag:s2], $0x2800  }
0x135: {  	[sflag:s2] =	ssyncset.done $0x0  }
0x136: {  	[sflag:s2] =	ssyncadd.s32 $0xFFFFD800  }
0x137: {  	[spmem:s1] =	stream.indirect.scatter.add.f32 [tilespmem:s26], [sflag:$0x5], $0x80, s6, s25, $0xb8;
	[tilespmem:$0x1E800] =	vst v63  }
0x138: {  	_ =	swait.ge [sflag:s23], $0x2800  }
0x139: {  	[sflag:s23] =	ssyncset.done $0x0  }
0x13a: {  	[sflag:s23] =	ssyncadd.s32 $0xFFFFD800  }
0x13b: {  	_ =	swait.ge [sflag:s15], $0x2800  }
0x13c: {  	[sflag:s15] =	ssyncset.done $0x0  }
0x13d: {  	[sflag:s15] =	ssyncadd.s32 $0xFFFFD800  }
0x13e: {  	[spmem:s1] =	stream.indirect.scatter.add.f32 [tilespmem:s29], [sflag:$0x5], $0x80, s7, s25, $0xb8;
	[tilespmem:$0x1E800] =	vst v63  }
0x13f: {  	_ =	swait.ge [sflag:s23], $0x2800  }
0x140: {  	[sflag:s23] =	ssyncset.done $0x0  }
0x141: {  	[sflag:s23] =	ssyncadd.s32 $0xFFFFD800  }
0x142: {  	_ =	swait.ge [sflag:s18], $0x2800  }
0x143: {  	[sflag:s18] =	ssyncset.done $0x0  }
0x144: {  	[sflag:s18] =	ssyncadd.s32 $0xFFFFD800  }
0x145: {  	[spmem:s1] =	stream.indirect.scatter.add.f32 [tilespmem:s0], [sflag:$0x5], $0x80, s8, s25, $0xb8;
	[tilespmem:$0x1E800] =	vst v63  }
0x146: {  	_ =	swait.ge [sflag:s23], $0x2800  }
0x147: {  	[sflag:s23] =	ssyncset.done $0x0  }
0x148: {  	[sflag:s23] =	ssyncadd.s32 $0xFFFFD800  }
0x149: {  	[bflag:$0x0] =	sbarrier.arrive $0xFFFF  }
0x14a: {  	s10 =	rddreg [dreg:$0x7]  }
0x14b: {  	[tilespmem:s22], [sflag:$0x5] =	stream.linear.gather [spmem:s10], $0x2800, $0x38;
	[tilespmem:$0x1E800] =	vst v63  }
0x14c: {  	_ =	swait.ge [sflag:s23], $0x2800  }
0x14d: {  	[sflag:s23] =	ssyncset.done $0x0  }
0x14e: {  	s11 =	rddreg [dreg:$0xf];
	[sflag:s23] =	ssyncadd.s32 $0xFFFFD800  }
0x14f: {  	[hbm4b:s11+s3] =	stream.linear.scatter [tilespmem:s22], [sflag:$0x5], $0x2800, $0x38;
	[tilespmem:$0x1E800] =	vst v63  }
0x150: {  	_ =	swait.ge [sflag:s23], $0x2800  }
0x151: {  	[sflag:s23] =	ssyncset.done $0x0  }
0x152: {  	s12 =	rddreg [dreg:$0x8];
	[sflag:s23] =	ssyncadd.s32 $0xFFFFD800  }
0x153: {  	[tilespmem:s22], [sflag:$0x5] =	stream.linear.gather [spmem:s12], $0x2800, $0x38;
	[tilespmem:$0x1E800] =	vst v63  }
0x154: {  	_ =	swait.ge [sflag:s23], $0x2800  }
0x155: {  	[sflag:s23] =	ssyncset.done $0x0  }
0x156: {  	s10 =	rddreg [dreg:$0x10];
	[sflag:s23] =	ssyncadd.s32 $0xFFFFD800  }
0x157: {  	[hbm4b:s10+s3] =	stream.linear.scatter [tilespmem:s22], [sflag:$0x5], $0x2800, $0x38;
	[tilespmem:$0x1E800] =	vst v63  }
0x158: {  	_ =	swait.ge [sflag:s23], $0x2800  }
0x159: {  	[sflag:s23] =	ssyncset.done $0x0  }
0x15a: {  	s11 =	rddreg [dreg:$0x9];
	[sflag:s23] =	ssyncadd.s32 $0xFFFFD800  }
0x15b: {  	[tilespmem:s22], [sflag:$0x5] =	stream.linear.gather [spmem:s11], $0x2800, $0x38;
	[tilespmem:$0x1E800] =	vst v63  }
0x15c: {  	_ =	swait.ge [sflag:s23], $0x2800  }
0x15d: {  	[sflag:s23] =	ssyncset.done $0x0  }
0x15e: {  	s12 =	rddreg [dreg:$0x11];
	[sflag:s23] =	ssyncadd.s32 $0xFFFFD800  }
0x15f: {  	[hbm4b:s12+s3] =	stream.linear.scatter [tilespmem:s22], [sflag:$0x5], $0x2800, $0x38;
	[tilespmem:$0x1E800] =	vst v63  }
0x160: {  	_ =	swait.ge [sflag:s23], $0x2800  }
0x161: {  	[sflag:s23] =	ssyncset.done $0x0  }
0x162: {  	s10 =	rddreg [dreg:$0xa];
	[sflag:s23] =	ssyncadd.s32 $0xFFFFD800  }
0x163: {  	[tilespmem:s22], [sflag:$0x5] =	stream.linear.gather [spmem:s10], $0x2800, $0x38;
	[tilespmem:$0x1E800] =	vst v63  }
0x164: {  	_ =	swait.ge [sflag:s23], $0x2800  }
0x165: {  	[sflag:s23] =	ssyncset.done $0x0  }
0x166: {  	s11 =	rddreg [dreg:$0x12];
	[sflag:s23] =	ssyncadd.s32 $0xFFFFD800  }
0x167: {  	[hbm4b:s11+s3] =	stream.linear.scatter [tilespmem:s22], [sflag:$0x5], $0x2800, $0x38;
	[tilespmem:$0x1E800] =	vst v63  }
0x168: {  	_ =	swait.ge [sflag:s23], $0x2800  }
0x169: {  	[sflag:s23] =	ssyncset.done $0x0  }
0x16a: {  	s12 =	rddreg [dreg:$0xb];
	[sflag:s23] =	ssyncadd.s32 $0xFFFFD800  }
0x16b: {  	[tilespmem:s22], [sflag:$0x5] =	stream.linear.gather [spmem:s12], $0x2800, $0x38;
	[tilespmem:$0x1E800] =	vst v63  }
0x16c: {  	_ =	swait.ge [sflag:s23], $0x2800  }
0x16d: {  	[sflag:s23] =	ssyncset.done $0x0  }
0x16e: {  	s10 =	rddreg [dreg:$0x13];
	[sflag:s23] =	ssyncadd.s32 $0xFFFFD800  }
0x16f: {  	[hbm4b:s10+s3] =	stream.linear.scatter [tilespmem:s22], [sflag:$0x5], $0x2800, $0x38;
	[tilespmem:$0x1E800] =	vst v63  }
0x170: {  	_ =	swait.ge [sflag:s23], $0x2800  }
0x171: {  	[sflag:s23] =	ssyncset.done $0x0  }
0x172: {  	s11 =	rddreg [dreg:$0xc];
	[sflag:s23] =	ssyncadd.s32 $0xFFFFD800  }
0x173: {  	[tilespmem:s22], [sflag:$0x5] =	stream.linear.gather [spmem:s11], $0x2800, $0x38;
	[tilespmem:$0x1E800] =	vst v63  }
0x174: {  	_ =	swait.ge [sflag:s23], $0x2800  }
0x175: {  	[sflag:s23] =	ssyncset.done $0x0  }
0x176: {  	s12 =	rddreg [dreg:$0x14];
	[sflag:s23] =	ssyncadd.s32 $0xFFFFD800  }
0x177: {  	[hbm4b:s12+s3] =	stream.linear.scatter [tilespmem:s22], [sflag:$0x5], $0x2800, $0x38;
	[tilespmem:$0x1E800] =	vst v63  }
0x178: {  	_ =	swait.ge [sflag:s23], $0x2800  }
0x179: {  	[sflag:s23] =	ssyncset.done $0x0  }
0x17a: {  	s10 =	rddreg [dreg:$0xd];
	[sflag:s23] =	ssyncadd.s32 $0xFFFFD800  }
0x17b: {  	[tilespmem:s22], [sflag:$0x5] =	stream.linear.gather [spmem:s10], $0x2800, $0x38;
	[tilespmem:$0x1E800] =	vst v63  }
0x17c: {  	_ =	swait.ge [sflag:s23], $0x2800  }
0x17d: {  	[sflag:s23] =	ssyncset.done $0x0  }
0x17e: {  	s11 =	rddreg [dreg:$0x15];
	[sflag:s23] =	ssyncadd.s32 $0xFFFFD800  }
0x17f: {  	[hbm4b:s11+s3] =	stream.linear.scatter [tilespmem:s22], [sflag:$0x5], $0x2800, $0x38;
	[tilespmem:$0x1E800] =	vst v63  }
0x180: {  	_ =	swait.ge [sflag:s23], $0x2800  }
0x181: {  	[sflag:s23] =	ssyncset.done $0x0  }
0x182: {  	s12 =	rddreg [dreg:$0xe];
	[sflag:s23] =	ssyncadd.s32 $0xFFFFD800  }
0x183: {  	[tilespmem:s22], [sflag:$0x5] =	stream.linear.gather [spmem:s12], $0x2800, $0x38;
	[tilespmem:$0x1E800] =	vst v63  }
0x184: {  	_ =	swait.ge [sflag:s23], $0x2800  }
0x185: {  	[sflag:s23] =	ssyncset.done $0x0  }
0x186: {  	s10 =	rddreg [dreg:$0x16];
	[sflag:s23] =	ssyncadd.s32 $0xFFFFD800  }
0x187: {  	[hbm4b:s10+s3] =	stream.linear.scatter [tilespmem:s22], [sflag:$0x5], $0x2800, $0x38;
	[tilespmem:$0x1E800] =	vst v63  }
0x188: {  	_ =	swait.ge [sflag:s23], $0x2800  }
0x189: {  	s11 =	rddreg [dreg:$0x18]  }
0x18a: {  	s12 =	rddreg [dreg:$0x17];
	s10 =	sadd.s32 $0x1, s11  }
0x18b: {  	p0 =	sne.s32 s10, s12  }
.Ltmp2:
0x18c: {  	_ = 	snop;
	(pc) =	sbr.rel @p0 .LBB2_1-.Ltmp2, $3  }
0x18d: {  	_ =	sdelay $0x1  }
0x18e: {  	[sflag:s23] =	ssyncset.done $0x0  }
0x18f: {  	[sflag:s23] =	ssyncadd.s32 $0xFFFFD800  }
0x190: {  	_ =	sfence.sel $0x180000  }
0x191: {  	[bflag:$0x0] =	sbarrier.arrive $0xFFFF  }
0x192: {  	_ =	strace $0x90000050  }
0x193: {  	s0 =	stileid.u32;
	[bflag:$0x2] =	sbarrier.arrive $0xFFFF  }
0x194: {  	p0 =	sne.s32 s0, $0x0;
	s0 =	rddreg [dreg:$0x3]  }
0x195: {  	s0 =	sadd.s32 @!p0 $0x100000, s0  }
0x196: {  	[sflag:s0] =	ssyncadd.tile.s32 @!p0 $0x1;
	_ =	shalt  }
.Lfunc_end2:
_tile_overlayer_lowered:
.L_overlay_start_2:
0x197: {  	(tag) =	ssettag $0x2  }
0x198: {  	s0 =	rddreg [dreg:$0x0];
	s2 =	stileid.u32  }
0x199: {  	s1 =	rddreg [dreg:$0x1];
	p0 =	sne.s32 s2, $0x0  }
0x19a: {  	s3 =	rddreg [dreg:$0x2];
	[bflag:$0x3] =	sbarrier.arrive $0xFFFF;
	s2 =	simm.s32 @!p0 $0x1C05  }
0x19b: {  	[timem:s3], [sflag:s2] =	dma.local @!p0 [hbm:s0], s1  }
0x19c: {  	s0 =	simm.s32 @!p0 $0x5  }
0x19d: {  	_ =	swait.ge @!p0 [sflag:s0], s1  }
0x19e: {  	s1 =	ssub.s32 @!p0 $0x0, s1;
	[sflag:s0] =	ssyncset.done @!p0 $0x0  }
0x19f: {  	[sflag:s0] =	ssyncadd.s32 @!p0 s1  }
0x1a0: {  	[bflag:$0x3] =	sbarrier.arrive $0xFFFF  }
0x1a1: {  	_ =	shalt  }

// kernel: kernel.23.cloned.1.call-start
scs
__scs_entry_jumppad:
0x0: {  	(pc) =	sbr.rel $0x88, $3  }
0x1: {  	(tag) =	ssettag $0x0;
	lr =	simm.s32 $0x1  }
0x2: {  	[smem:$0x3F96] =	sst lr;
	_ =	strace $0xD0000000  }
0x3: {  	_ = 	snop  }
0x4: {  	_ = 	snop  }
0x5: {  	_ = 	snop  }
0x6: {  	_ = 	snop  }
0x7: {  	_ = 	snop  }
__scs_overlays_trampoline_lowered:
0x8: {  	[smem:$0x3FA5] =	sst s0  }
0x9: {  	[smem:$0x3FA6] =	sst s1  }
0xa: {  	[smem:$0x3FA7] =	sst s2  }
0xb: {  	[smem:$0x3FA8] =	sst s3  }
0xc: {  	[smem:$0x3FA9] =	sst s4  }
0xd: {  	[smem:$0x3FAA] =	sst s5  }
0xe: {  	[smem:$0x3FAB] =	sst s6  }
0xf: {  	[smem:$0x3FAC] =	sst s7  }
0x10: {  	[smem:$0x3FAD] =	sst s8  }
0x11: {  	[smem:$0x3FAE] =	sst s9;
	s0 =	simm.s32 @!p0 $0x0  }
0x12: {  	s1 =	sld [smem:$0x3F94];
	s0 =	simm.s32 @p0 $0x1  }
0x13: {  	[smem:$0x3FAF] =	sst s0;
	s0 =	simm.s32 @!p1 $0x0  }
0x14: {  	s2 =	sld [smem:$0x3F93];
	s0 =	simm.s32 @p1 $0x1  }
0x15: {  	[smem:$0x3FB0] =	sst s0;
	s0 =	simm.s32 @!p2 $0x0  }
0x16: {  	s3 =	sld [smem:$0x3FDB];
	s0 =	simm.s32 @p2 $0x1  }
0x17: {  	s4 =	simm.s32 $0x1BF5;
	[smem:$0x3FB2] =	sst s0  }
0x18: {  	s0 =	sld [smem:$0x3F95];
	_ =	swait.ge [sflag:s4], $0x0  }
0x19: {  	s7 =	sld [smem:$0x3F96]  }
0x1a: {  	s8 =	sadd.s32 $0xFFFFE003, lr  }
0x1b: {  	s9 =	sadd.s32 $0xFFFFFEF7, lr;
	s5 =	simm.s32 $0xFFFFFFFF;
	p2 =	slt.u32 s8, $0xFFFFF086  }
0x1c: {  	p1 =	slt.u32 s9, $0xF7A;
	s5 =	simm.s32 @!p2 $0x0  }
0x1d: {  	s5 =	simm.s32 @p1 $0x1;
	p0 =	seq.s32 s7, s2  }
0x1e: {  	s7 =	smul.u32 @!p0 $0xF7A, s2;
	p2 =	seq.s32 @!p0 s5, $0x0  }
0x1f: {  	s9 =	smul.u32 $0xF7A, s1;
	s8 =	simm.s32 @!p0 $0x1BF5;
	p2 =	por !p2, p0  }
0x20: {  	[sflag:s8] =	ssyncset.s32 @!p0 $0xFFFFF086;
	s6 =	sadd.s32 @!p0 s3, s7;
	s7 =	simm.s32 @!p0 $0x108  }
0x21: {  	s3 =	sadd.s32 s3, s9;
	s6 =	sadd.s32 @!p0 $0x88, s6;
	s7 =	simm.s32 @p2 $0x1082  }
0x22: {  	[simem:s7], [sflag:s8] =	dma.local @!p0 [hbm:s6], $0xF7A  }
0x23: {  	s9 =	sor.u32 $0xD0000000, s2;
	s6 =	simm.s32 $0x108;
	_ =	swait.ge @!p0 [sflag:s8], $0x0  }
0x24: {  	s3 =	sadd.s32 $0x88, s3;
	s6 =	simm.s32 @!p1 $0x1082;
	[sflag:s4] =	ssyncset.s32 $0xFFFFF086  }
0x25: {  	[simem:s6], [sflag:s4] =	dma.local [hbm:s3], $0xF7A  }
0x26: {  	[smem:$0x3F96] =	sst s1;
	(tag) =	ssettag s2;
	_ =	strace s9  }
0x27: {  	s1 =	sld [smem:$0x3FA6]  }
0x28: {  	s2 =	sld [smem:$0x3FA7]  }
0x29: {  	s4 =	sld [smem:$0x3FA9]  }
0x2a: {  	p0 =	seq.s32 s5, $0x0;
	s5 =	sld [smem:$0x3FAA]  }
0x2b: {  	s6 =	sld [smem:$0x3FAB]  }
0x2c: {  	s7 =	sld [smem:$0x3FAC]  }
0x2d: {  	s3 =	simm.s32 $0x108;
	s8 =	sld [smem:$0x3FAD]  }
0x2e: {  	s3 =	simm.s32 @!p0 $0x1082;
	s9 =	sld [smem:$0x3FAE]  }
0x2f: {  	lr =	sadd.s32 s0, s3;
	s0 =	sld [smem:$0x3FA5]  }
0x30: {  	s3 =	sld [smem:$0x3FA8]  }
0x31: {  	[smem:$0x3FB1] =	sst s10  }
0x32: {  	s10 =	sld [smem:$0x3FAF];
	_ =	sdelay $0x3  }
0x33: {  	p0 =	seq.s32 s10, $0x1;
	s10 =	sld [smem:$0x3FB1];
	_ =	sdelay $0x3  }
0x34: {  	[smem:$0x3FB1] =	sst s10  }
0x35: {  	s10 =	sld [smem:$0x3FB0];
	_ =	sdelay $0x3  }
0x36: {  	p1 =	seq.s32 s10, $0x1;
	s10 =	sld [smem:$0x3FB1];
	_ =	sdelay $0x3  }
0x37: {  	[smem:$0x3FB1] =	sst s10  }
0x38: {  	s10 =	sld [smem:$0x3FB2]  }
0x39: {  	_ = 	snop;
	(pc) =	sbr.ind lr, $3  }
0x3a: {  	_ = 	snop  }
0x3b: {  	_ = 	snop  }
0x3c: {  	p2 =	seq.s32 s10, $0x1;
	s10 =	sld [smem:$0x3FB1]  }
0x3d: {  	_ =	shalt  }
0x3e: {  	_ =	shalt  }
0x3f: {  	_ =	shalt  }
0x40: {  	_ =	shalt  }
0x41: {  	_ =	shalt  }
0x42: {  	_ =	shalt  }
0x43: {  	_ =	shalt  }
0x44: {  	_ =	shalt  }
0x45: {  	_ =	shalt  }
0x46: {  	_ =	shalt  }
0x47: {  	_ =	shalt  }
0x48: {  	_ =	shalt  }
0x49: {  	_ =	shalt  }
0x4a: {  	_ =	shalt  }
0x4b: {  	_ =	shalt  }
0x4c: {  	_ =	shalt  }
0x4d: {  	_ =	shalt  }
0x4e: {  	_ =	shalt  }
0x4f: {  	_ =	shalt  }
0x50: {  	_ =	shalt  }
0x51: {  	_ =	shalt  }
0x52: {  	_ =	shalt  }
0x53: {  	_ =	shalt  }
0x54: {  	_ =	shalt  }
0x55: {  	_ =	shalt  }
0x56: {  	_ =	shalt  }
0x57: {  	_ =	shalt  }
0x58: {  	_ =	shalt  }
0x59: {  	_ =	shalt  }
0x5a: {  	_ =	shalt  }
0x5b: {  	_ =	shalt  }
0x5c: {  	_ =	shalt  }
0x5d: {  	_ =	shalt  }
0x5e: {  	_ =	shalt  }
0x5f: {  	_ =	shalt  }
0x60: {  	_ =	shalt  }
0x61: {  	_ =	shalt  }
0x62: {  	_ =	shalt  }
0x63: {  	_ =	shalt  }
0x64: {  	_ =	shalt  }
0x65: {  	_ =	shalt  }
0x66: {  	_ =	shalt  }
0x67: {  	_ =	shalt  }
0x68: {  	_ =	shalt  }
0x69: {  	_ =	shalt  }
0x6a: {  	_ =	shalt  }
0x6b: {  	_ =	shalt  }
0x6c: {  	_ =	shalt  }
0x6d: {  	_ =	shalt  }
0x6e: {  	_ =	shalt  }
0x6f: {  	_ =	shalt  }
0x70: {  	_ =	shalt  }
0x71: {  	_ =	shalt  }
0x72: {  	_ =	shalt  }
0x73: {  	_ =	shalt  }
0x74: {  	_ =	shalt  }
0x75: {  	_ =	shalt  }
0x76: {  	_ =	shalt  }
0x77: {  	_ =	shalt  }
0x78: {  	_ =	shalt  }
0x79: {  	_ =	shalt  }
0x7a: {  	_ =	shalt  }
0x7b: {  	_ =	shalt  }
0x7c: {  	_ =	shalt  }
0x7d: {  	_ =	shalt  }
0x7e: {  	_ =	shalt  }
0x7f: {  	_ =	shalt  }
0x80: {  	_ =	shalt  }
0x81: {  	_ =	shalt  }
0x82: {  	_ =	shalt  }
0x83: {  	_ =	shalt  }
0x84: {  	_ =	shalt  }
0x85: {  	_ =	shalt  }
0x86: {  	_ =	shalt  }
0x87: {  	_ =	shalt  }
.Lfunc_end0:
.L_simem_size_0:
called_computation.4_lowered:
.L_overlay_start_0:
0x88: {  	s2 =	sld [smem:$0x3FD9]  }
0x89: {  	s3 =	sld [smem:$0x3FFE];
	_ =	sdelay $0x1  }
0x8a: {  	s1 =	srdreg.scid  }
0x8b: {  	s0 =	sand.u32 $0x1, s1  }
0x8c: {  	s17 =	sshll.u32 s0, $0xA;
	s2 =	sadd.s32 s3, s2  }
0x8d: {  	s2 =	sadd.s32 s2, s17  }
0x8e: {  	[smem:$0x3FBD] =	sst s2  }
0x8f: {  	_ = 	snop  }
0x90: {  	s2 =	sld [smem:$0x3FC7]  }
0x91: {  	s18 =	sld [smem:$0x3FD0];
	(tm) =	ssettm $0x1  }
0x92: {  	s4 =	sld [smem:$0x3FFB];
	_ =	sdelay $0x3  }
0x93: {  	_ =	strace s4  }
0x94: {  	s4 =	sld [smem:$0x3FFC];
	_ =	sdelay $0x3  }
0x95: {  	_ =	strace s4  }
0x96: {  	s4 =	sld [smem:$0x3FFD];
	_ =	sdelay $0x3  }
0x97: {  	_ =	strace s4  }
0x98: {  	_ =	strace $0x8FFFFFFF  }
0x99: {  	s19 =	sld [smem:$0x3FDB];
	_ =	sdelay $0x1  }
0x9a: {  	s5 =	simm.s32 $_scs_section_size  }
0x9b: {  	s6 =	simm.s32 $_size__tile_overlayer_lowered;
	s7 =	simm.s32 $_tile_overlayer_lowered  }
0x9c: {  	s22 =	simm.s32 $0x1BFF;
	s21 =	sshll.u32 s7, $0x1;
	s4 =	sadd.s32 s5, s19  }
0x9d: {  	s8 =	simm.s32 $0x0;
	s20 =	sshll.u32 s6, $0x1;
	s6 =	sadd.s32 s21, s4  }
0x9e: {  	[timem:s8], [sflag:s22] =	dma.local [hbm:s6], s20  }
0x9f: {  	_ =	swait.ge [sflag:s22], s20  }
0xa0: {  	s5 =	ssub.s32 $0x0, s20;
	[sflag:s22] =	ssyncset.done $0x0  }
0xa1: {  	[sflag:s22] =	ssyncadd.s32 s5;
	_ =	sdelay $0x1  }
0xa2: {  	s23 =	simm.s32 $0x1B8B  }
0xa3: {  	_ =	swait.ge [sflag:s23], $0x1  }
0xa4: {  	[sflag:s23] =	ssyncset.done $0x0  }
0xa5: {  	s25 =	simm.s32 $0x1B8E;
	s24 =	sld [smem:$0x3FFE];
	[sflag:s23] =	ssyncadd.s32 $0xFFFFFFFF  }
0xa6: {  	s26 =	simm.s32 $execute0_lowered;
	[smem:$0x3FD2] =	sst s25  }
0xa7: {  	s6 =	sshll.u32 s26, $0x1;
	_ =	strace $0x80000052;
	[dreg:$0x1] =	wrdreg $0xFFFFFFFF  }
0xa8: {  	s28 =	simm.s32 $_size_execute0_lowered;
	s4 =	sadd.s32 s4, s6;
	[dreg:$0x0] =	wrdreg $0x0  }
0xa9: {  	s6 =	sshll.u32 s28, $0x1;
	[dreg:$0x2] =	wrdreg s4  }
0xaa: {  	[dreg:$0x3] =	wrdreg s6  }
0xab: {  	[dreg:$0x4] =	wrdreg $0xC0  }
0xac: {  	_ =	task [dreg:s8], $0x5FFFF  }
0xad: {  	[dreg:$0x1] =	wrdreg $0xFFFFFFFF  }
0xae: {  	[dreg:$0x0] =	wrdreg $0x60  }
0xaf: {  	[dreg:$0x2] =	wrdreg s24  }
0xb0: {  	[dreg:$0x3] =	wrdreg s2  }
0xb1: {  	[dreg:$0x4] =	wrdreg s18  }
0xb2: {  	[dreg:$0x5] =	wrdreg $0x9  }
0xb3: {  	_ =	task.clear_ibuf [dreg:s8], $0x6FFFF;
	_ =	strace $0x90000052  }
0xb4: {  	s29 =	simm.s32 $0x9;
	_ =	strace $0x80000054  }
0xb5: {  	_ =	swait.ge [sflag:s29], $0x1  }
0xb6: {  	[sflag:s29] =	ssyncadd.s32 $0xFFFFFFFF  }
0xb7: {  	_ =	strace $0x90000054  }
0xb8: {  	_ =	sfence  }
0xb9: {  	s30 =	sld [smem:$0x0];
	_ =	sdelay $0x2  }
0xba: {  	s31 =	sshll.u32 s1, $0xD;
	s1 =	sshrl.u32 s1, $0x2  }
0xbb: {  	s3 =	sand.u32 $0x4000, s31;
	s1 =	sadd.s32 s1, s30  }
0xbc: {  	s0 =	sor.u32 s3, s0;
	s1 =	sshll.u32 s1, $0x11  }
0xbd: {  	s0 =	sor.u32 s1, s0  }
0xbe: {  	s0 =	sadd.s32 $0x8F2B, s0  }
0xbf: {  	[sflag:s0] =	ssyncadd.remote.s32 $0x1  }
0xc0: {  	_ =	sfence.sel $0xFFFF  }
0xc1: {  	[dreg:$0x0] =	wrdreg $0xFFFFFFFF;
	(pc) =	sbr.abs _section_cstart, $3  }
0xc2: {  	[dreg:$0x1] =	wrdreg $0xFFFFFFFF  }
0xc3: {  	_ =	task.clear_ibuf [dreg:s8], $0x2FFFF;
	_ =	strace $0x9FFFFFFF  }
0xc4: {  	(tm) =	ssettm $0x7FFFFFFF  }
0xc5: {  	_ =	shalt  }
tec
execute0_lowered:
.L_overlay_start_1:
0x0: {  	(tag) =	ssettag $0x1  }
0x1: {  	s5 =	rddreg [dreg:$0x0];
	s0 =	srdreg.scid  }
0x2: {  	s3 =	rddreg [dreg:$0x1];
	s1 =	stileid.u32;
	s6 =	sand.u32 $0x1, s0  }
0x3: {  	s8 =	rddreg [dreg:$0x2];
	s4 =	sshll.u32 s1, $0x4;
	s2 =	sshll.u32 s6, $0x4  }
0x4: {  	s0 =	rddreg [dreg:$0x3];
	s4 =	sand.u32 $0x70, s4;
	s9 =	sor.u32 s1, s2  }
0x5: {  	s10 =	ssub.s32 $0x2, s6;
	s2 =	simm.s32 $0x0;
	s7 =	sshll.u32 s9, $0x4  }
0x6: {  	s3 =	sadd.s32 s3, s4;
	[smem:$0x7FF] =	sst s2;
	s7 =	sand.u32 $0x180, s7  }
0x7: {  	_ =	strace $0x80000053;
	s4 =	sadd.s32 s7, s3;
	s3 =	simm.s32 $0x2  }
0x8: {  	[tilespmem:s2], [sflag:$0x2] =	stream.linear.gather [hbm4b:s4+s2], $0x80, $0x38;
	[tilespmem:$0x4080] =	vst v63  }
0x9: {  	s5 =	sadd.s32 $0x4400, s5;
	s11 =	sshrl.u32 s10, $0x1;
	_ =	swait.ge [sflag:s3], $0x80  }
0xa: {  	s6 =	simm.s32 $0x80;
	s10 =	ssub.s32 s10, s11;
	[sflag:s3] =	ssyncset.done $0x0  }
0xb: {  	s31 =	smax.u32 s10, $0x1;
	s7 =	simm.s32 $0x1;
	[sflag:s3] =	ssyncadd.s32 $0xFFFFFF80  }
0xc: {  	[tilespmem:s6], [sflag:$0x1] =	stream.indirect.gather [hbm4b:s5+s6], $0x80, s2, s6, $0xb8;
	[tilespmem:$0x4080] =	vst v63  }
0xd: {  	p0 =	sne.s32 s31, $0x1;
	_ =	swait.ge [sflag:s7], $0x4000  }
.Ltmp0:
0xe: {  	s9 =	sshll.u32 s9, $0xB;
	[sflag:s7] =	ssyncset.done $0x0;
	(pc) =	sbr.rel @!p0 .LBB2_2-.Ltmp0, $4  }
0xf: {  	s8 =	sadd.s32 s8, s9;
	[sflag:s7] =	ssyncadd.s32 $0xFFFFC000  }
0x10: {  	[hbm4b:s8+s2] =	stream.linear.scatter [tilespmem:s6], [sflag:$0x2], $0x4000, $0x38;
	[tilespmem:$0x4080] =	vst v63  }
0x11: {  	_ =	swait.ge [sflag:s3], $0x4000  }
0x12: {  	s9 =	sadd.s32 $0xFFFFFFFF, s31;
	[sflag:s3] =	ssyncset.done $0x0  }
.LBB2_1:
0x13: {  	p0 =	sne.s32 s9, $0x1;
	s9 =	sadd.s32 $0xFFFFFFFF, s9;
	[sflag:s3] =	ssyncadd.s32 $0xFFFFC000  }
0x14: {  	[tilespmem:s2], [sflag:$0x2] =	stream.linear.gather [hbm4b:s4+s2], $0x80, $0x38;
	[tilespmem:$0x4080] =	vst v63  }
0x15: {  	_ =	swait.ge [sflag:s3], $0x80  }
0x16: {  	[sflag:s3] =	ssyncset.done $0x0  }
0x17: {  	[sflag:s3] =	ssyncadd.s32 $0xFFFFFF80  }
0x18: {  	[tilespmem:s6], [sflag:$0x1] =	stream.indirect.gather [hbm4b:s5+s6], $0x80, s2, s6, $0xb8;
	[tilespmem:$0x4080] =	vst v63  }
0x19: {  	_ =	swait.ge [sflag:s7], $0x4000  }
.Ltmp1:
0x1a: {  	[sflag:s7] =	ssyncset.done $0x0;
	(pc) =	sbr.rel @p0 .LBB2_1-.Ltmp1, $4  }
0x1b: {  	[sflag:s7] =	ssyncadd.s32 $0xFFFFC000  }
0x1c: {  	[hbm4b:s8+s2] =	stream.linear.scatter [tilespmem:s6], [sflag:$0x2], $0x4000, $0x38;
	[tilespmem:$0x4080] =	vst v63  }
0x1d: {  	_ =	swait.ge [sflag:s3], $0x4000  }
0x1e: {  	[sflag:s3] =	ssyncset.done $0x0  }
.LBB2_2:
0x1f: {  	[sflag:s3] =	ssyncadd.s32 $0xFFFFC000  }
0x20: {  	_ =	sfence.sel $0x180000  }
0x21: {  	[bflag:$0x0] =	sbarrier.arrive $0xFFFF  }
0x22: {  	p0 =	sne.s32 s1, $0x0;
	_ =	strace $0x90000053  }
0x23: {  	s0 =	sadd.s32 @!p0 $0x100000, s0;
	[bflag:$0x2] =	sbarrier.arrive $0xFFFF  }
0x24: {  	[sflag:s0] =	ssyncadd.tile.s32 @!p0 $0x1;
	_ =	shalt  }
.Lfunc_end2:
_tile_overlayer_lowered:
.L_overlay_start_2:
0x25: {  	(tag) =	ssettag $0x2  }
0x26: {  	s0 =	rddreg [dreg:$0x0];
	s2 =	stileid.u32  }
0x27: {  	s1 =	rddreg [dreg:$0x1];
	p0 =	sne.s32 s2, $0x0  }
0x28: {  	s3 =	rddreg [dreg:$0x2];
	[bflag:$0x3] =	sbarrier.arrive $0xFFFF;
	s2 =	simm.s32 @!p0 $0x1C02  }
0x29: {  	[timem:s3], [sflag:s2] =	dma.local @!p0 [hbm:s0], s1  }
0x2a: {  	s0 =	simm.s32 @!p0 $0x2  }
0x2b: {  	_ =	swait.ge @!p0 [sflag:s0], s1  }
0x2c: {  	s1 =	ssub.s32 @!p0 $0x0, s1;
	[sflag:s0] =	ssyncset.done @!p0 $0x0  }
0x2d: {  	[sflag:s0] =	ssyncadd.s32 @!p0 s1  }
0x2e: {  	[bflag:$0x3] =	sbarrier.arrive $0xFFFF  }
0x2f: {  	_ =	shalt  }

</sc_bundles>
